<compile_context>
chip_gen: v7x
topology: tpu7x:2x2x1
jax: 0.10.2.dev20260603
libtpu: 0.0.44.dev20260713+nightly
codegen_flags: <defaults>
</compile_context>

<pallas_src>
import functools

import jax
import jax.numpy as jnp
from jax import lax
from jax.experimental import pallas as pl
from jax.experimental.pallas import tpu as pltpu
from jax.experimental.pallas import tpu_sc as plsc

N = 10000
E = 320000
D = 128
C = 64
AW = 144
HW = 80
BN = 1000
NC, NS = 2, 16
NW = NC * NS
EW = E // NW
KB = 40
NCHUNK_B = EW // KB
NBUF = 5
NBUF_B = 5
NBLK_B = NCHUNK_B // NBUF_B
KD = 80
NCHUNK_D = EW // KD
RT = 624
REM = N - RT * NS


def _stage_a(x_ref, w1_ref, w2_ref, wr_ref, x1aug_ref, xr_ref):
    x = x_ref[...]
    t = jnp.maximum(jnp.dot(x, w1_ref[...].T, preferred_element_type=jnp.float32), 0.0)
    m = jnp.dot(t, w2_ref[...].T, preferred_element_type=jnp.float32)
    x1 = x * jax.nn.sigmoid(2.0 * m)
    xr_ref[...] = jnp.dot(x1, wr_ref[...].T, preferred_element_type=jnp.float32)
    bn = x1.shape[0]
    x1aug_ref[...] = jnp.concatenate(
        [x1, jnp.ones((bn, 1), jnp.float32), jnp.zeros((bn, AW - D - 1), jnp.float32)],
        axis=1)


def _call_stage_a(x, fb_w1, fb_w2, sage_wr):
    return pl.pallas_call(
        _stage_a,
        grid=(N // BN,),
        in_specs=[
            pl.BlockSpec((BN, D), lambda i: (i, 0)),
            pl.BlockSpec((C, D), lambda i: (0, 0)),
            pl.BlockSpec((D, C), lambda i: (0, 0)),
            pl.BlockSpec((D, D), lambda i: (0, 0)),
        ],
        out_specs=[
            pl.BlockSpec((BN, AW), lambda i: (i, 0)),
            pl.BlockSpec((BN, D), lambda i: (i, 0)),
        ],
        out_shape=[
            jax.ShapeDtypeStruct((N, AW), jnp.float32),
            jax.ShapeDtypeStruct((N, D), jnp.float32),
        ],
    )(x, fb_w1, fb_w2, sage_wr)


def _sage_body(x1aug, src_hbm, dst_hbm, zrows, out,
               src_d, dst_d, rows, acc_sh, semg, sems, semi):
    c = lax.axis_index("c")
    s = lax.axis_index("s")
    wid = s * NC + c
    pltpu.sync_copy(zrows.at[pl.ds(0, RT)], acc_sh.at[pl.ds(s * RT, RT)])

    @pl.when(s == 0)
    def _():
        pltpu.sync_copy(zrows.at[pl.ds(0, REM)], acc_sh.at[pl.ds(RT * NS, REM)])

    pltpu.async_copy(src_hbm.at[wid, pl.ds(0, NBUF_B)], src_d.at[0], semi)
    pltpu.async_copy(dst_hbm.at[wid, pl.ds(0, NBUF_B)], dst_d.at[0], semi)
    plsc.subcore_barrier()

    def block(ii, _):
        p = lax.rem(ii, 2)
        q = 1 - p
        nxt = lax.rem(ii + 1, NBLK_B)
        pltpu.make_async_copy(src_hbm.at[wid, pl.ds(0, NBUF_B)], src_d.at[p], semi).wait()
        pltpu.make_async_copy(dst_hbm.at[wid, pl.ds(0, NBUF_B)], dst_d.at[p], semi).wait()
        pltpu.async_copy(src_hbm.at[wid, pl.ds(nxt * NBUF_B, NBUF_B)], src_d.at[q], semi)
        pltpu.async_copy(dst_hbm.at[wid, pl.ds(nxt * NBUF_B, NBUF_B)], dst_d.at[q], semi)
        gd = [pltpu.async_copy(x1aug.at[src_d.at[p, b]], rows.at[b], semg)
              for b in range(NBUF_B)]
        sd = []
        for b in range(NBUF_B):
            gd[b].wait()
            sd.append(pltpu.async_copy(rows.at[b], acc_sh.at[dst_d.at[p, b]],
                                       sems, add=True))
        for b in range(NBUF_B):
            sd[b].wait()
        return 0

    lax.fori_loop(0, NBLK_B, block, 0)
    pltpu.make_async_copy(src_hbm.at[wid, pl.ds(0, NBUF_B)], src_d.at[lax.rem(NBLK_B, 2)], semi).wait()
    pltpu.make_async_copy(dst_hbm.at[wid, pl.ds(0, NBUF_B)], dst_d.at[lax.rem(NBLK_B, 2)], semi).wait()
    plsc.subcore_barrier()
    pltpu.sync_copy(acc_sh.at[pl.ds(s * RT, RT)], out.at[c, pl.ds(s * RT, RT)])

    @pl.when(s == 0)
    def _():
        pltpu.sync_copy(acc_sh.at[pl.ds(RT * NS, REM)], out.at[c, pl.ds(RT * NS, REM)])


def _call_sage(x1aug, src, dst, zrows):
    return pl.kernel(
        _sage_body,
        out_type=jax.ShapeDtypeStruct((NC, N, AW), jnp.float32),
        mesh=plsc.VectorSubcoreMesh(core_axis_name="c", subcore_axis_name="s"),
        scratch_types=[
            pltpu.VMEM((2, NBUF_B, KB), jnp.int32),
            pltpu.VMEM((2, NBUF_B, KB), jnp.int32),
            pltpu.VMEM((NBUF_B, KB, AW), jnp.float32),
            pltpu.VMEM_SHARED((N, AW), jnp.float32),
            pltpu.SemaphoreType.DMA,
            pltpu.SemaphoreType.DMA,
            pltpu.SemaphoreType.DMA,
        ],
        compiler_params=pltpu.CompilerParams(use_tc_tiling_on_sc=False, needs_layout_passes=False),
    )(x1aug, src, dst, zrows)


def _stage_c(aggdeg_ref, xr_ref, wl_ref, bl_ref, gw_ref, atts_ref, attd_ref,
             haug_ref, as_ref, ad_ref, pmax_ref, shift_ref):
    a = aggdeg_ref[0]
    b = aggdeg_ref[1]
    agg = a[:, :D] + b[:, :D]
    deg = a[:, D] + b[:, D]
    mean = agg / jnp.maximum(deg, 1.0)[:, None]
    x2 = jnp.maximum(
        jnp.dot(mean, wl_ref[...].T, preferred_element_type=jnp.float32)
        + bl_ref[...] + xr_ref[...], 0.0)
    h = jnp.dot(x2, gw_ref[...].T, preferred_element_type=jnp.float32)
    a_s = jnp.sum(h * atts_ref[...], axis=1)
    a_d = jnp.sum(h * attd_ref[...], axis=1)
    bn = h.shape[0]
    haug_ref[...] = jnp.concatenate(
        [h, jnp.ones((bn, 1), jnp.float32),
         jnp.zeros((bn, HW - C - 1), jnp.float32)], axis=1)
    as_ref[...] = a_s[:, None]
    ad_ref[...] = a_d[:, None]
    cur = jnp.concatenate(
        [jnp.max(a_s).reshape(1, 1), jnp.max(a_d).reshape(1, 1),
         jnp.full((1, 6), -jnp.inf, jnp.float32)], axis=1)
    prev = jnp.where(pl.program_id(0) == 0,
                     jnp.full((1, 8), -jnp.inf, jnp.float32), pmax_ref[...])
    pm = jnp.maximum(prev, cur)
    pmax_ref[...] = pm
    u = pm[0, 0] + pm[0, 1]
    shift_ref[...] = jnp.full((1, 16), jnp.where(u > 0.0, u, 0.2 * u), jnp.float32)


def _call_stage_c(aggdeg, xr, sage_wl, sage_bl, gat_w, att_src, att_dst):
    return pl.pallas_call(
        _stage_c,
        grid=(N // BN,),
        in_specs=[
            pl.BlockSpec((NC, BN, AW), lambda i: (0, i, 0)),
            pl.BlockSpec((BN, D), lambda i: (i, 0)),
            pl.BlockSpec((D, D), lambda i: (0, 0)),
            pl.BlockSpec((1, D), lambda i: (0, 0)),
            pl.BlockSpec((C, D), lambda i: (0, 0)),
            pl.BlockSpec((1, C), lambda i: (0, 0)),
            pl.BlockSpec((1, C), lambda i: (0, 0)),
        ],
        out_specs=[
            pl.BlockSpec((BN, HW), lambda i: (i, 0)),
            pl.BlockSpec((BN, 1), lambda i: (i, 0)),
            pl.BlockSpec((BN, 1), lambda i: (i, 0)),
            pl.BlockSpec((1, 8), lambda i: (0, 0)),
            pl.BlockSpec((1, 16), lambda i: (0, 0)),
        ],
        out_shape=[
            jax.ShapeDtypeStruct((N, HW), jnp.float32),
            jax.ShapeDtypeStruct((N, 1), jnp.float32),
            jax.ShapeDtypeStruct((N, 1), jnp.float32),
            jax.ShapeDtypeStruct((1, 8), jnp.float32),
            jax.ShapeDtypeStruct((1, 16), jnp.float32),
        ],
    )(aggdeg, xr, sage_wl, sage_bl, gat_w, att_src, att_dst)


def _gat_body(haug, as_hbm, ad_hbm, src_hbm, dst_hbm, shift_hbm, zrows, out,
              srcs, dsts, hbuf, wbuf, as_v, ad_v, shift_v, acc_sh, semg, sems):
    c = lax.axis_index("c")
    s = lax.axis_index("s")
    wid = s * NC + c
    pltpu.sync_copy(src_hbm.at[wid], srcs)
    pltpu.sync_copy(dst_hbm.at[wid], dsts)
    pltpu.sync_copy(zrows.at[pl.ds(0, RT)], acc_sh.at[pl.ds(s * RT, RT)])

    @pl.when(s == 0)
    def _():
        pltpu.sync_copy(zrows.at[pl.ds(0, REM)], acc_sh.at[pl.ds(RT * NS, REM)])

    pltpu.sync_copy(as_hbm, as_v)
    pltpu.sync_copy(ad_hbm, ad_v)
    pltpu.sync_copy(shift_hbm, shift_v)
    plsc.subcore_barrier()

    shift = shift_v[...]

    def block(ii, _):
        i0 = ii * NBUF
        gd = [pltpu.async_copy(haug.at[srcs.at[i0 + b]], hbuf.at[b], semg)
              for b in range(NBUF)]
        sd = []
        for b in range(NBUF):
            gd[b].wait()
            for g in range(KD // 16):
                sidx = srcs[i0 + b, pl.ds(g * 16, 16)]
                as16 = plsc.load_gather(as_v, [sidx])
                didx = dsts[i0 + b, pl.ds(g * 16, 16)]
                ad16 = plsc.load_gather(ad_v, [didx])
                u = as16 + ad16
                e = jnp.where(u > 0.0, u, 0.2 * u)
                wbuf[pl.ds(g * 16, 16)] = jnp.exp(e - shift)

            @plsc.parallel_loop(0, KD, unroll=8)
            def jbody(j):
                wj = plsc.load_gather(wbuf, [jnp.full((16,), 0, jnp.int32) + j])
                for cg in range(HW // 16):
                    hbuf[b, j, pl.ds(cg * 16, 16)] = (
                        hbuf[b, j, pl.ds(cg * 16, 16)] * wj)
            sd.append(pltpu.async_copy(hbuf.at[b], acc_sh.at[dsts.at[i0 + b]],
                                       sems, add=True))
        for b in range(NBUF):
            sd[b].wait()
        return 0

    lax.fori_loop(0, NCHUNK_D // NBUF, block, 0)
    plsc.subcore_barrier()
    pltpu.sync_copy(acc_sh.at[pl.ds(s * RT, RT)], out.at[c, pl.ds(s * RT, RT)])

    @pl.when(s == 0)
    def _():
        pltpu.sync_copy(acc_sh.at[pl.ds(RT * NS, REM)], out.at[c, pl.ds(RT * NS, REM)])


def _call_gat(haug, a_s, a_d, src, dst, shift16, zrows):
    return pl.kernel(
        _gat_body,
        out_type=jax.ShapeDtypeStruct((NC, N, HW), jnp.float32),
        mesh=plsc.VectorSubcoreMesh(core_axis_name="c", subcore_axis_name="s"),
        scratch_types=[
            pltpu.VMEM((NCHUNK_D, KD), jnp.int32),
            pltpu.VMEM((NCHUNK_D, KD), jnp.int32),
            pltpu.VMEM((NBUF, KD, HW), jnp.float32),
            pltpu.VMEM((KD,), jnp.float32),
            pltpu.VMEM((N,), jnp.float32),
            pltpu.VMEM((N,), jnp.float32),
            pltpu.VMEM((16,), jnp.float32),
            pltpu.VMEM_SHARED((N, HW), jnp.float32),
            pltpu.SemaphoreType.DMA,
            pltpu.SemaphoreType.DMA,
        ],
        compiler_params=pltpu.CompilerParams(use_tc_tiling_on_sc=False, needs_layout_passes=False),
    )(haug, a_s, a_d, src, dst, shift16, zrows)


def _stage_e(nd_ref, haug_ref, as_ref, ad_ref, shift_ref, gb_ref, cw_ref, cb_ref, out_ref):
    acc = nd_ref[0] + nd_ref[1]
    numer = acc[:, :C]
    denom = acc[:, C]
    ha = haug_ref[...]
    h = ha[:, :C]
    u = as_ref[...][:, 0] + ad_ref[...][:, 0]
    e = jnp.where(u > 0.0, u, 0.2 * u)
    ws = jnp.exp(e - shift_ref[0, 0])
    numer = numer + ws[:, None] * h
    denom = denom + ws
    gat = numer / denom[:, None] + gb_ref[...]
    x3 = jnp.maximum(gat, 0.0)
    z = jnp.sum(x3 * cw_ref[...], axis=1, keepdims=True) + cb_ref[0, 0]
    out_ref[...] = jax.nn.sigmoid(z)


def _call_stage_e(nd, haug, a_s, a_d, shift, gat_b, cheb_w, cheb_b):
    return pl.pallas_call(
        _stage_e,
        grid=(N // BN,),
        in_specs=[
            pl.BlockSpec((NC, BN, HW), lambda i: (0, i, 0)),
            pl.BlockSpec((BN, HW), lambda i: (i, 0)),
            pl.BlockSpec((BN, 1), lambda i: (i, 0)),
            pl.BlockSpec((BN, 1), lambda i: (i, 0)),
            pl.BlockSpec((1, 16), lambda i: (0, 0)),
            pl.BlockSpec((1, C), lambda i: (0, 0)),
            pl.BlockSpec((1, C), lambda i: (0, 0)),
            pl.BlockSpec((1, 1), lambda i: (0, 0)),
        ],
        out_specs=[pl.BlockSpec((BN, 1), lambda i: (i, 0))],
        out_shape=[jax.ShapeDtypeStruct((N, 1), jnp.float32)],
    )(nd, haug, a_s, a_d, shift, gat_b, cheb_w, cheb_b)


def kernel(x, edge_index, fb_w1, fb_w2, sage_wl, sage_bl, sage_wr,
           gat_w, att_src, att_dst, gat_b, cheb_w, cheb_b):
    src_b = edge_index[0].reshape(NW, NCHUNK_B, KB)
    dst_b = edge_index[1].reshape(NW, NCHUNK_B, KB)
    src_d = edge_index[0].reshape(NW, NCHUNK_D, KD)
    dst_d = edge_index[1].reshape(NW, NCHUNK_D, KD)

    x1aug, xr = _call_stage_a(x, fb_w1, fb_w2, sage_wr)

    zrows_a = jnp.zeros((RT, AW), jnp.float32)
    aggdeg = _call_sage(x1aug, src_b, dst_b, zrows_a)

    haug, as_n, ad_n, _pm, shiftv = _call_stage_c(
        aggdeg, xr, sage_wl, sage_bl.reshape(1, D), gat_w,
        att_src.reshape(1, C), att_dst.reshape(1, C))

    zrows_d = jnp.zeros((RT, HW), jnp.float32)
    nd = _call_gat(haug, as_n.reshape(N), ad_n.reshape(N), src_d, dst_d,
                   shiftv.reshape(16), zrows_d)

    (out,) = _call_stage_e(nd, haug, as_n, ad_n, shiftv, gat_b.reshape(1, C),
                           cheb_w, cheb_b.reshape(1, 1))
    return out

# --- scband reference (transcript-rebuilt; emitter-appended) ---
"""Pipeline reference for scband-net-83837761618431 (READ-ONLY COPY).

The authoritative reference and input builder live on the scoring server;
editing this copy changes nothing except your own understanding.
"""

import jax, jax.numpy as jnp
import numpy as np


def setup_inputs(seed: int = 0) -> dict:
    key = jax.random.key(seed)
    ks = jax.random.split(key, 16)
    N, E, D, C = 10000, 320000, 128, 64
    x = jax.random.normal(ks[0], (N, D), dtype=jnp.float32)
    edge_index = jax.random.randint(ks[1], (2, E), 0, N)
    # FeatureBooster MLP (Linear(128->64,no bias), ReLU, Linear(64->128,no bias))
    fb_w1 = jax.random.normal(ks[2], (D // 2, D), dtype=jnp.float32) * 0.05
    fb_w2 = jax.random.normal(ks[3], (D, D // 2), dtype=jnp.float32) * 0.05
    # SAGEConv(128 -> 128): lin_l (with bias) on aggregated neighbors, lin_r (no bias) on self
    sage_wl = jax.random.normal(ks[4], (D, D), dtype=jnp.float32) * 0.05
    sage_bl = jnp.zeros((D,), dtype=jnp.float32)
    sage_wr = jax.random.normal(ks[5], (D, D), dtype=jnp.float32) * 0.05
    # GATConv(128 -> 64, heads=1)
    gat_w = jax.random.normal(ks[6], (C, D), dtype=jnp.float32) * 0.05
    att_src = jax.random.normal(ks[7], (C,), dtype=jnp.float32) * 0.05
    att_dst = jax.random.normal(ks[8], (C,), dtype=jnp.float32) * 0.05
    gat_b = jnp.zeros((C,), dtype=jnp.float32)
    # ChebConv(64 -> 1, K=1): only T0=x term -> single linear
    cheb_w = jax.random.normal(ks[9], (1, C), dtype=jnp.float32) * 0.05
    cheb_b = jnp.zeros((1,), dtype=jnp.float32)
    return {"x": x, "edge_index": edge_index, "fb_w1": fb_w1, "fb_w2": fb_w2,
            "sage_wl": sage_wl, "sage_bl": sage_bl, "sage_wr": sage_wr,
            "gat_w": gat_w, "att_src": att_src, "att_dst": att_dst, "gat_b": gat_b,
            "cheb_w": cheb_w, "cheb_b": cheb_b}


def reference(x, edge_index, fb_w1, fb_w2, sage_wl, sage_bl, sage_wr,
              gat_w, att_src, att_dst, gat_b, cheb_w, cheb_b):
    N = x.shape[0]
    E = edge_index.shape[1]
    # --- FeatureBooster (batch = arange(N), so scatter is identity but kept faithful) ---
    batch = jnp.arange(N)
    max_result = jax.ops.segment_max(x, batch, num_segments=N)
    sum_result = jax.ops.segment_sum(x, batch, num_segments=N)

    def mlp(h):
        return jax.nn.relu(h @ fb_w1.T) @ fb_w2.T

    y = jax.nn.sigmoid(mlp(max_result) + mlp(sum_result))
    x = x * y[batch]
    # --- SAGEConv (mean aggregation) ---
    src, dst = edge_index[0], edge_index[1]
    agg = jax.ops.segment_sum(x[src], dst, num_segments=N)
    deg = jax.ops.segment_sum(jnp.ones((E,), dtype=x.dtype), dst, num_segments=N)
    mean = agg / jnp.maximum(deg, 1.0)[:, None]
    x = mean @ sage_wl.T + sage_bl + x @ sage_wr.T
    x = jax.nn.relu(x)
    # dropout p=0.1 is identity in eval mode
    # --- GATConv (heads=1, add self loops, leaky_relu slope 0.2, softmax over dst) ---
    loop = jnp.arange(N)
    s2 = jnp.concatenate([src, loop])
    d2 = jnp.concatenate([dst, loop])
    h = x @ gat_w.T  # [N, 64]
    a_src = (h * att_src).sum(-1)
    a_dst = (h * att_dst).sum(-1)
    e = jax.nn.leaky_relu(a_src[s2] + a_dst[d2], negative_slope=0.2)
    e_max = jax.ops.segment_max(e, d2, num_segments=N)
    ex = jnp.exp(e - e_max[d2])
    denom = jax.ops.segment_sum(ex, d2, num_segments=N)
    alpha = ex / denom[d2]
    out = jax.ops.segment_sum(alpha[:, None] * h[s2], d2, num_segments=N) + gat_b
    x = jax.nn.relu(out)
    # --- ChebConv K=1: out = lin0(T0) = x @ W0^T + b ---
    x = x @ cheb_w.T + cheb_b
    return jax.nn.sigmoid(x)

if __name__ == "__main__":
    import jax
    _d = setup_inputs()
    print(jax.jit(kernel)(*tuple(_d.values())))

</pallas_src>

<mosaic_0001>
#map = affine_map<(d0, d1) -> (0, 0)>
#map1 = affine_map<(d0, d1) -> (0, 0, 0)>
module attributes {stable_mosaic.version = 14 : i64} {
  func.func @_sage_body(%arg0: i32, %arg1: i32, %arg2: memref<10000x144xf32, #tpu.memory_space<hbm>>, %arg3: memref<32x250x40xi32, #tpu.memory_space<hbm>>, %arg4: memref<32x250x40xi32, #tpu.memory_space<hbm>>, %arg5: memref<624x144xf32, #tpu.memory_space<hbm>>, %arg6: memref<2x10000x144xf32, #tpu.memory_space<hbm>>, %arg7: memref<2x5x40xi32, #tpu.memory_space<vmem>>, %arg8: memref<2x5x40xi32, #tpu.memory_space<vmem>>, %arg9: memref<5x40x144xf32, #tpu.memory_space<vmem>>, %arg10: memref<10000x144xf32, #tpu.memory_space<vmem_shared>>, %arg11: memref<!tpu.dma_semaphore, #tpu.memory_space<semaphore_mem>>, %arg12: memref<!tpu.dma_semaphore, #tpu.memory_space<semaphore_mem>>, %arg13: memref<!tpu.dma_semaphore, #tpu.memory_space<semaphore_mem>>) attributes {dimension_semantics = [#tpu.dimension_semantics<core_parallel>, #tpu.dimension_semantics<subcore_parallel>], iteration_bounds = array<i64: 2, 16>, scalar_prefetch = 0 : i64, scratch_operands = 7 : i64, tpu.core_type = #tpu.core_type<sc_vector_subcore>, window_params = [{transform_indices = #map}, {transform_indices = #map1}, {transform_indices = #map1}, {transform_indices = #map}, {transform_indices = #map1}]} {
    %mul3A = arith.constant 2 : i32
    %mul3A_0 = arith.muli %arg1, %mul3A : i32
    %add3A = arith.addi %mul3A_0, %arg0 : i32
    %mul3A_1 = arith.constant 624 : i32
    %mul3A_2 = arith.muli %arg1, %mul3A_1 : i32
    "tpu.region"() ({
      %run_scoped3A = tpu.sem_alloc : memref<!tpu.dma_semaphore, #tpu.memory_space<semaphore_mem>>
      %dma_start3A_90 = arith.constant 0 : i32
      %dma_start3A_91 = tpu.memref_slice %arg10[%mul3A_2, %dma_start3A_90] : memref<10000x144xf32, #tpu.memory_space<vmem_shared>> -> memref<624x144xf32, #tpu.memory_space<vmem_shared>>
      %dma_start3A_92 = arith.constant 0 : i32
      %dma_start3A_93 = arith.constant 0 : i32
      %dma_start3A_94 = tpu.memref_slice %arg5[%dma_start3A_92, %dma_start3A_93] : memref<624x144xf32, #tpu.memory_space<hbm>> -> memref<624x144xf32, #tpu.memory_space<hbm>>
      tpu.enqueue_dma source(%dma_start3A_94 : memref<624x144xf32, #tpu.memory_space<hbm>>) target(%dma_start3A_91 : memref<624x144xf32, #tpu.memory_space<vmem_shared>>) target_semaphore(%run_scoped3A : memref<!tpu.dma_semaphore, #tpu.memory_space<semaphore_mem>>)
      %dma_wait3A_95 = arith.constant 0 : i32
      %dma_wait3A_96 = tpu.memref_slice %arg10[%mul3A_2, %dma_wait3A_95] : memref<10000x144xf32, #tpu.memory_space<vmem_shared>> -> memref<624x144xf32, #tpu.memory_space<vmem_shared>>
      %dma_wait3A_97 = arith.constant 0 : i32
      %dma_wait3A_98 = arith.constant 0 : i32
      %dma_wait3A_99 = tpu.memref_slice %arg5[%dma_wait3A_97, %dma_wait3A_98] : memref<624x144xf32, #tpu.memory_space<hbm>> -> memref<624x144xf32, #tpu.memory_space<hbm>>
      tpu.wait_dma2 semaphore(%run_scoped3A : memref<!tpu.dma_semaphore, #tpu.memory_space<semaphore_mem>>) src(%dma_wait3A_99 : memref<624x144xf32, #tpu.memory_space<hbm>>) dst(%dma_wait3A_96 : memref<624x144xf32, #tpu.memory_space<vmem_shared>>)
      tpu.yield
    }) : () -> ()
    %eq3A = arith.constant 0 : i32
    %eq3A_3 = arith.cmpi eq, %arg1, %eq3A : i32
    %convert_element_type3A = arith.extui %eq3A_3 : i1 to i32
    %cond3A = arith.constant 0 : i32
    %cond3A_4 = arith.cmpi ne, %convert_element_type3A, %cond3A : i32
    scf.if %cond3A_4 {
      "tpu.region"() ({
        %run_scoped3A = tpu.sem_alloc : memref<!tpu.dma_semaphore, #tpu.memory_space<semaphore_mem>>
        %dma_start3A_90 = arith.constant 9984 : i32
        %dma_start3A_91 = arith.constant 0 : i32
        %dma_start3A_92 = tpu.memref_slice %arg10[%dma_start3A_90, %dma_start3A_91] : memref<10000x144xf32, #tpu.memory_space<vmem_shared>> -> memref<16x144xf32, #tpu.memory_space<vmem_shared>>
        %dma_start3A_93 = arith.constant 0 : i32
        %dma_start3A_94 = arith.constant 0 : i32
        %dma_start3A_95 = tpu.memref_slice %arg5[%dma_start3A_93, %dma_start3A_94] : memref<624x144xf32, #tpu.memory_space<hbm>> -> memref<16x144xf32, #tpu.memory_space<hbm>>
        tpu.enqueue_dma source(%dma_start3A_95 : memref<16x144xf32, #tpu.memory_space<hbm>>) target(%dma_start3A_92 : memref<16x144xf32, #tpu.memory_space<vmem_shared>>) target_semaphore(%run_scoped3A : memref<!tpu.dma_semaphore, #tpu.memory_space<semaphore_mem>>)
        %dma_wait3A_96 = arith.constant 9984 : i32
        %dma_wait3A_97 = arith.constant 0 : i32
        %dma_wait3A_98 = tpu.memref_slice %arg10[%dma_wait3A_96, %dma_wait3A_97] : memref<10000x144xf32, #tpu.memory_space<vmem_shared>> -> memref<16x144xf32, #tpu.memory_space<vmem_shared>>
        %dma_wait3A_99 = arith.constant 0 : i32
        %dma_wait3A_100 = arith.constant 0 : i32
        %dma_wait3A_101 = tpu.memref_slice %arg5[%dma_wait3A_99, %dma_wait3A_100] : memref<624x144xf32, #tpu.memory_space<hbm>> -> memref<16x144xf32, #tpu.memory_space<hbm>>
        tpu.wait_dma2 semaphore(%run_scoped3A : memref<!tpu.dma_semaphore, #tpu.memory_space<semaphore_mem>>) src(%dma_wait3A_101 : memref<16x144xf32, #tpu.memory_space<hbm>>) dst(%dma_wait3A_98 : memref<16x144xf32, #tpu.memory_space<vmem_shared>>)
        tpu.yield
      }) : () -> ()
    } else {
    }
    %dma_start3A = arith.constant 0 : i32
    %dma_start3A_5 = arith.constant 0 : i32
    %dma_start3A_6 = arith.constant 0 : i32
    %dma_start3A_7 = tpu.memref_slice %arg7[%dma_start3A, %dma_start3A_5, %dma_start3A_6] : memref<2x5x40xi32, #tpu.memory_space<vmem>> -> memref<1x5x40xi32, #tpu.memory_space<vmem>>
    %dma_start3A_8 = tpu.memref_squeeze %dma_start3A_7 : memref<1x5x40xi32, #tpu.memory_space<vmem>> -> memref<5x40xi32, #tpu.memory_space<vmem>>
    %dma_start3A_9 = arith.constant 0 : i32
    %dma_start3A_10 = arith.constant 0 : i32
    %dma_start3A_11 = tpu.memref_slice %arg3[%add3A, %dma_start3A_9, %dma_start3A_10] : memref<32x250x40xi32, #tpu.memory_space<hbm>> -> memref<1x5x40xi32, #tpu.memory_space<hbm>>
    %dma_start3A_12 = tpu.memref_squeeze %dma_start3A_11 : memref<1x5x40xi32, #tpu.memory_space<hbm>> -> memref<5x40xi32, #tpu.memory_space<hbm>>
    %dma_start3A_13 = arith.constant 0 : i32
    %dma_start3A_14 = arith.constant 0 : i32
    %dma_start3A_15 = tpu.memref_slice %arg7[%dma_start3A, %dma_start3A_13, %dma_start3A_14] : memref<2x5x40xi32, #tpu.memory_space<vmem>> -> memref<1x5x40xi32, #tpu.memory_space<vmem>>
    %dma_start3A_16 = tpu.memref_squeeze %dma_start3A_15 : memref<1x5x40xi32, #tpu.memory_space<vmem>> -> memref<5x40xi32, #tpu.memory_space<vmem>>
    %dma_start3A_17 = arith.constant 0 : i32
    %dma_start3A_18 = arith.constant 0 : i32
    %dma_start3A_19 = tpu.memref_slice %arg3[%add3A, %dma_start3A_17, %dma_start3A_18] : memref<32x250x40xi32, #tpu.memory_space<hbm>> -> memref<1x5x40xi32, #tpu.memory_space<hbm>>
    %dma_start3A_20 = tpu.memref_squeeze %dma_start3A_19 : memref<1x5x40xi32, #tpu.memory_space<hbm>> -> memref<5x40xi32, #tpu.memory_space<hbm>>
    tpu.enqueue_dma source(%dma_start3A_20 : memref<5x40xi32, #tpu.memory_space<hbm>>) target(%dma_start3A_16 : memref<5x40xi32, #tpu.memory_space<vmem>>) target_semaphore(%arg13 : memref<!tpu.dma_semaphore, #tpu.memory_space<semaphore_mem>>)
    %dma_start3A_21 = arith.constant 0 : i32
    %dma_start3A_22 = arith.constant 0 : i32
    %dma_start3A_23 = arith.constant 0 : i32
    %dma_start3A_24 = tpu.memref_slice %arg8[%dma_start3A_21, %dma_start3A_22, %dma_start3A_23] : memref<2x5x40xi32, #tpu.memory_space<vmem>> -> memref<1x5x40xi32, #tpu.memory_space<vmem>>
    %dma_start3A_25 = tpu.memref_squeeze %dma_start3A_24 : memref<1x5x40xi32, #tpu.memory_space<vmem>> -> memref<5x40xi32, #tpu.memory_space<vmem>>
    %dma_start3A_26 = arith.constant 0 : i32
    %dma_start3A_27 = arith.constant 0 : i32
    %dma_start3A_28 = tpu.memref_slice %arg4[%add3A, %dma_start3A_26, %dma_start3A_27] : memref<32x250x40xi32, #tpu.memory_space<hbm>> -> memref<1x5x40xi32, #tpu.memory_space<hbm>>
    %dma_start3A_29 = tpu.memref_squeeze %dma_start3A_28 : memref<1x5x40xi32, #tpu.memory_space<hbm>> -> memref<5x40xi32, #tpu.memory_space<hbm>>
    %dma_start3A_30 = arith.constant 0 : i32
    %dma_start3A_31 = arith.constant 0 : i32
    %dma_start3A_32 = tpu.memref_slice %arg8[%dma_start3A_21, %dma_start3A_30, %dma_start3A_31] : memref<2x5x40xi32, #tpu.memory_space<vmem>> -> memref<1x5x40xi32, #tpu.memory_space<vmem>>
    %dma_start3A_33 = tpu.memref_squeeze %dma_start3A_32 : memref<1x5x40xi32, #tpu.memory_space<vmem>> -> memref<5x40xi32, #tpu.memory_space<vmem>>
    %dma_start3A_34 = arith.constant 0 : i32
    %dma_start3A_35 = arith.constant 0 : i32
    %dma_start3A_36 = tpu.memref_slice %arg4[%add3A, %dma_start3A_34, %dma_start3A_35] : memref<32x250x40xi32, #tpu.memory_space<hbm>> -> memref<1x5x40xi32, #tpu.memory_space<hbm>>
    %dma_start3A_37 = tpu.memref_squeeze %dma_start3A_36 : memref<1x5x40xi32, #tpu.memory_space<hbm>> -> memref<5x40xi32, #tpu.memory_space<hbm>>
    tpu.enqueue_dma source(%dma_start3A_37 : memref<5x40xi32, #tpu.memory_space<hbm>>) target(%dma_start3A_33 : memref<5x40xi32, #tpu.memory_space<vmem>>) target_semaphore(%arg13 : memref<!tpu.dma_semaphore, #tpu.memory_space<semaphore_mem>>)
    %barrier3A = arith.constant 0 : index
    tpu.barrier barrier_id(%barrier3A)
    %scan3A = arith.constant 0 : i32
    %scan3A_38 = arith.constant 0 : i32
    %scan3A_39 = arith.constant 50 : i32
    %scan3A_40 = arith.addi %scan3A_38, %scan3A_39 : i32
    %scan3A_41 = arith.constant 1 : i32
    %scan3A_42 = scf.for %scan3A_90 = %scan3A_38 to %scan3A_40 step %scan3A_41 iter_args(%scan3A_91 = %scan3A) -> (i32)  : i32 {
      %rem3A_92 = arith.constant 2 : i32
      %rem3A_93 = arith.remsi %scan3A_90, %rem3A_92 : i32
      %sub3A = arith.constant 1 : i32
      %sub3A_94 = arith.subi %sub3A, %rem3A_93 : i32
      %add3A_95 = arith.constant 1 : i32
      %add3A_96 = arith.addi %scan3A_90, %add3A_95 : i32
      %rem3A_97 = arith.constant 50 : i32
      %rem3A_98 = arith.remsi %add3A_96, %rem3A_97 : i32
      %dma_wait3A_99 = arith.constant 0 : i32
      %dma_wait3A_100 = arith.constant 0 : i32
      %dma_wait3A_101 = tpu.memref_slice %arg7[%rem3A_93, %dma_wait3A_99, %dma_wait3A_100] : memref<2x5x40xi32, #tpu.memory_space<vmem>> -> memref<1x5x40xi32, #tpu.memory_space<vmem>>
      %dma_wait3A_102 = tpu.memref_squeeze %dma_wait3A_101 : memref<1x5x40xi32, #tpu.memory_space<vmem>> -> memref<5x40xi32, #tpu.memory_space<vmem>>
      %dma_wait3A_103 = arith.constant 0 : i32
      %dma_wait3A_104 = arith.constant 0 : i32
      %dma_wait3A_105 = tpu.memref_slice %arg3[%add3A, %dma_wait3A_103, %dma_wait3A_104] : memref<32x250x40xi32, #tpu.memory_space<hbm>> -> memref<1x5x40xi32, #tpu.memory_space<hbm>>
      %dma_wait3A_106 = tpu.memref_squeeze %dma_wait3A_105 : memref<1x5x40xi32, #tpu.memory_space<hbm>> -> memref<5x40xi32, #tpu.memory_space<hbm>>
      %dma_wait3A_107 = arith.constant 0 : i32
      %dma_wait3A_108 = arith.constant 0 : i32
      %dma_wait3A_109 = tpu.memref_slice %arg7[%rem3A_93, %dma_wait3A_107, %dma_wait3A_108] : memref<2x5x40xi32, #tpu.memory_space<vmem>> -> memref<1x5x40xi32, #tpu.memory_space<vmem>>
      %dma_wait3A_110 = tpu.memref_squeeze %dma_wait3A_109 : memref<1x5x40xi32, #tpu.memory_space<vmem>> -> memref<5x40xi32, #tpu.memory_space<vmem>>
      %dma_wait3A_111 = arith.constant 0 : i32
      %dma_wait3A_112 = arith.constant 0 : i32
      %dma_wait3A_113 = tpu.memref_slice %arg3[%add3A, %dma_wait3A_111, %dma_wait3A_112] : memref<32x250x40xi32, #tpu.memory_space<hbm>> -> memref<1x5x40xi32, #tpu.memory_space<hbm>>
      %dma_wait3A_114 = tpu.memref_squeeze %dma_wait3A_113 : memref<1x5x40xi32, #tpu.memory_space<hbm>> -> memref<5x40xi32, #tpu.memory_space<hbm>>
      tpu.wait_dma2 semaphore(%arg13 : memref<!tpu.dma_semaphore, #tpu.memory_space<semaphore_mem>>) src(%dma_wait3A_114 : memref<5x40xi32, #tpu.memory_space<hbm>>) dst(%dma_wait3A_110 : memref<5x40xi32, #tpu.memory_space<vmem>>)
      %dma_wait3A_115 = arith.constant 0 : i32
      %dma_wait3A_116 = arith.constant 0 : i32
      %dma_wait3A_117 = tpu.memref_slice %arg8[%rem3A_93, %dma_wait3A_115, %dma_wait3A_116] : memref<2x5x40xi32, #tpu.memory_space<vmem>> -> memref<1x5x40xi32, #tpu.memory_space<vmem>>
      %dma_wait3A_118 = tpu.memref_squeeze %dma_wait3A_117 : memref<1x5x40xi32, #tpu.memory_space<vmem>> -> memref<5x40xi32, #tpu.memory_space<vmem>>
      %dma_wait3A_119 = arith.constant 0 : i32
      %dma_wait3A_120 = arith.constant 0 : i32
      %dma_wait3A_121 = tpu.memref_slice %arg4[%add3A, %dma_wait3A_119, %dma_wait3A_120] : memref<32x250x40xi32, #tpu.memory_space<hbm>> -> memref<1x5x40xi32, #tpu.memory_space<hbm>>
      %dma_wait3A_122 = tpu.memref_squeeze %dma_wait3A_121 : memref<1x5x40xi32, #tpu.memory_space<hbm>> -> memref<5x40xi32, #tpu.memory_space<hbm>>
      %dma_wait3A_123 = arith.constant 0 : i32
      %dma_wait3A_124 = arith.constant 0 : i32
      %dma_wait3A_125 = tpu.memref_slice %arg8[%rem3A_93, %dma_wait3A_123, %dma_wait3A_124] : memref<2x5x40xi32, #tpu.memory_space<vmem>> -> memref<1x5x40xi32, #tpu.memory_space<vmem>>
      %dma_wait3A_126 = tpu.memref_squeeze %dma_wait3A_125 : memref<1x5x40xi32, #tpu.memory_space<vmem>> -> memref<5x40xi32, #tpu.memory_space<vmem>>
      %dma_wait3A_127 = arith.constant 0 : i32
      %dma_wait3A_128 = arith.constant 0 : i32
      %dma_wait3A_129 = tpu.memref_slice %arg4[%add3A, %dma_wait3A_127, %dma_wait3A_128] : memref<32x250x40xi32, #tpu.memory_space<hbm>> -> memref<1x5x40xi32, #tpu.memory_space<hbm>>
      %dma_wait3A_130 = tpu.memref_squeeze %dma_wait3A_129 : memref<1x5x40xi32, #tpu.memory_space<hbm>> -> memref<5x40xi32, #tpu.memory_space<hbm>>
      tpu.wait_dma2 semaphore(%arg13 : memref<!tpu.dma_semaphore, #tpu.memory_space<semaphore_mem>>) src(%dma_wait3A_130 : memref<5x40xi32, #tpu.memory_space<hbm>>) dst(%dma_wait3A_126 : memref<5x40xi32, #tpu.memory_space<vmem>>)
      %mul3A_131 = arith.constant 5 : i32
      %mul3A_132 = arith.muli %rem3A_98, %mul3A_131 : i32
      %dma_start3A_133 = arith.constant 0 : i32
      %dma_start3A_134 = arith.constant 0 : i32
      %dma_start3A_135 = tpu.memref_slice %arg7[%sub3A_94, %dma_start3A_133, %dma_start3A_134] : memref<2x5x40xi32, #tpu.memory_space<vmem>> -> memref<1x5x40xi32, #tpu.memory_space<vmem>>
      %dma_start3A_136 = tpu.memref_squeeze %dma_start3A_135 : memref<1x5x40xi32, #tpu.memory_space<vmem>> -> memref<5x40xi32, #tpu.memory_space<vmem>>
      %dma_start3A_137 = arith.constant 0 : i32
      %dma_start3A_138 = tpu.memref_slice %arg3[%add3A, %mul3A_132, %dma_start3A_137] : memref<32x250x40xi32, #tpu.memory_space<hbm>> -> memref<1x5x40xi32, #tpu.memory_space<hbm>>
      %dma_start3A_139 = tpu.memref_squeeze %dma_start3A_138 : memref<1x5x40xi32, #tpu.memory_space<hbm>> -> memref<5x40xi32, #tpu.memory_space<hbm>>
      %dma_start3A_140 = arith.constant 0 : i32
      %dma_start3A_141 = arith.constant 0 : i32
      %dma_start3A_142 = tpu.memref_slice %arg7[%sub3A_94, %dma_start3A_140, %dma_start3A_141] : memref<2x5x40xi32, #tpu.memory_space<vmem>> -> memref<1x5x40xi32, #tpu.memory_space<vmem>>
      %dma_start3A_143 = tpu.memref_squeeze %dma_start3A_142 : memref<1x5x40xi32, #tpu.memory_space<vmem>> -> memref<5x40xi32, #tpu.memory_space<vmem>>
      %dma_start3A_144 = arith.constant 0 : i32
      %dma_start3A_145 = tpu.memref_slice %arg3[%add3A, %mul3A_132, %dma_start3A_144] : memref<32x250x40xi32, #tpu.memory_space<hbm>> -> memref<1x5x40xi32, #tpu.memory_space<hbm>>
      %dma_start3A_146 = tpu.memref_squeeze %dma_start3A_145 : memref<1x5x40xi32, #tpu.memory_space<hbm>> -> memref<5x40xi32, #tpu.memory_space<hbm>>
      tpu.enqueue_dma source(%dma_start3A_146 : memref<5x40xi32, #tpu.memory_space<hbm>>) target(%dma_start3A_143 : memref<5x40xi32, #tpu.memory_space<vmem>>) target_semaphore(%arg13 : memref<!tpu.dma_semaphore, #tpu.memory_space<semaphore_mem>>)
      %mul3A_147 = arith.constant 5 : i32
      %mul3A_148 = arith.muli %rem3A_98, %mul3A_147 : i32
      %dma_start3A_149 = arith.constant 0 : i32
      %dma_start3A_150 = arith.constant 0 : i32
      %dma_start3A_151 = tpu.memref_slice %arg8[%sub3A_94, %dma_start3A_149, %dma_start3A_150] : memref<2x5x40xi32, #tpu.memory_space<vmem>> -> memref<1x5x40xi32, #tpu.memory_space<vmem>>
      %dma_start3A_152 = tpu.memref_squeeze %dma_start3A_151 : memref<1x5x40xi32, #tpu.memory_space<vmem>> -> memref<5x40xi32, #tpu.memory_space<vmem>>
      %dma_start3A_153 = arith.constant 0 : i32
      %dma_start3A_154 = tpu.memref_slice %arg4[%add3A, %mul3A_148, %dma_start3A_153] : memref<32x250x40xi32, #tpu.memory_space<hbm>> -> memref<1x5x40xi32, #tpu.memory_space<hbm>>
      %dma_start3A_155 = tpu.memref_squeeze %dma_start3A_154 : memref<1x5x40xi32, #tpu.memory_space<hbm>> -> memref<5x40xi32, #tpu.memory_space<hbm>>
      %dma_start3A_156 = arith.constant 0 : i32
      %dma_start3A_157 = arith.constant 0 : i32
      %dma_start3A_158 = tpu.memref_slice %arg8[%sub3A_94, %dma_start3A_156, %dma_start3A_157] : memref<2x5x40xi32, #tpu.memory_space<vmem>> -> memref<1x5x40xi32, #tpu.memory_space<vmem>>
      %dma_start3A_159 = tpu.memref_squeeze %dma_start3A_158 : memref<1x5x40xi32, #tpu.memory_space<vmem>> -> memref<5x40xi32, #tpu.memory_space<vmem>>
      %dma_start3A_160 = arith.constant 0 : i32
      %dma_start3A_161 = tpu.memref_slice %arg4[%add3A, %mul3A_148, %dma_start3A_160] : memref<32x250x40xi32, #tpu.memory_space<hbm>> -> memref<1x5x40xi32, #tpu.memory_space<hbm>>
      %dma_start3A_162 = tpu.memref_squeeze %dma_start3A_161 : memref<1x5x40xi32, #tpu.memory_space<hbm>> -> memref<5x40xi32, #tpu.memory_space<hbm>>
      tpu.enqueue_dma source(%dma_start3A_162 : memref<5x40xi32, #tpu.memory_space<hbm>>) target(%dma_start3A_159 : memref<5x40xi32, #tpu.memory_space<vmem>>) target_semaphore(%arg13 : memref<!tpu.dma_semaphore, #tpu.memory_space<semaphore_mem>>)
      %dma_start3A_163 = arith.constant 0 : i32
      %dma_start3A_164 = arith.constant 0 : i32
      %dma_start3A_165 = arith.constant 0 : i32
      %dma_start3A_166 = arith.constant 0 : i32
      %dma_start3A_167 = tpu.memref_slice %arg9[%dma_start3A_164, %dma_start3A_165, %dma_start3A_166] : memref<5x40x144xf32, #tpu.memory_space<vmem>> -> memref<1x40x144xf32, #tpu.memory_space<vmem>>
      %dma_start3A_168 = tpu.memref_squeeze %dma_start3A_167 : memref<1x40x144xf32, #tpu.memory_space<vmem>> -> memref<40x144xf32, #tpu.memory_space<vmem>>
      %dma_start3A_169 = arith.constant 0 : i32
      %dma_start3A_170 = tpu.memref_slice %arg7[%rem3A_93, %dma_start3A_163, %dma_start3A_169] : memref<2x5x40xi32, #tpu.memory_space<vmem>> -> memref<1x1x40xi32, #tpu.memory_space<vmem>>
      %dma_start3A_171 = tpu.memref_squeeze %dma_start3A_170 : memref<1x1x40xi32, #tpu.memory_space<vmem>> -> memref<40xi32, #tpu.memory_space<vmem>>
      %dma_start3A_172 = arith.constant 0 : i32
      %dma_start3A_173 = arith.constant 0 : i32
      %dma_start3A_174 = tpu.memref_slice %arg2[%dma_start3A_172, %dma_start3A_173] : memref<10000x144xf32, #tpu.memory_space<hbm>> -> memref<10000x144xf32, #tpu.memory_space<hbm>>
      tpu.enqueue_indirect_dma source(%dma_start3A_174 : memref<10000x144xf32, #tpu.memory_space<hbm>>) target(%dma_start3A_168 : memref<40x144xf32, #tpu.memory_space<vmem>>) offsets(%dma_start3A_171 : memref<40xi32, #tpu.memory_space<vmem>>) semaphore(%arg11 : memref<!tpu.dma_semaphore, #tpu.memory_space<semaphore_mem>>)
      %dma_start3A_175 = arith.constant 1 : i32
      %dma_start3A_176 = arith.constant 1 : i32
      %dma_start3A_177 = arith.constant 0 : i32
      %dma_start3A_178 = arith.constant 0 : i32
      %dma_start3A_179 = tpu.memref_slice %arg9[%dma_start3A_176, %dma_start3A_177, %dma_start3A_178] : memref<5x40x144xf32, #tpu.memory_space<vmem>> -> memref<1x40x144xf32, #tpu.memory_space<vmem>>
      %dma_start3A_180 = tpu.memref_squeeze %dma_start3A_179 : memref<1x40x144xf32, #tpu.memory_space<vmem>> -> memref<40x144xf32, #tpu.memory_space<vmem>>
      %dma_start3A_181 = arith.constant 0 : i32
      %dma_start3A_182 = tpu.memref_slice %arg7[%rem3A_93, %dma_start3A_175, %dma_start3A_181] : memref<2x5x40xi32, #tpu.memory_space<vmem>> -> memref<1x1x40xi32, #tpu.memory_space<vmem>>
      %dma_start3A_183 = tpu.memref_squeeze %dma_start3A_182 : memref<1x1x40xi32, #tpu.memory_space<vmem>> -> memref<40xi32, #tpu.memory_space<vmem>>
      %dma_start3A_184 = arith.constant 0 : i32
      %dma_start3A_185 = arith.constant 0 : i32
      %dma_start3A_186 = tpu.memref_slice %arg2[%dma_start3A_184, %dma_start3A_185] : memref<10000x144xf32, #tpu.memory_space<hbm>> -> memref<10000x144xf32, #tpu.memory_space<hbm>>
      tpu.enqueue_indirect_dma source(%dma_start3A_186 : memref<10000x144xf32, #tpu.memory_space<hbm>>) target(%dma_start3A_180 : memref<40x144xf32, #tpu.memory_space<vmem>>) offsets(%dma_start3A_183 : memref<40xi32, #tpu.memory_space<vmem>>) semaphore(%arg11 : memref<!tpu.dma_semaphore, #tpu.memory_space<semaphore_mem>>)
      %dma_start3A_187 = arith.constant 2 : i32
      %dma_start3A_188 = arith.constant 2 : i32
      %dma_start3A_189 = arith.constant 0 : i32
      %dma_start3A_190 = arith.constant 0 : i32
      %dma_start3A_191 = tpu.memref_slice %arg9[%dma_start3A_188, %dma_start3A_189, %dma_start3A_190] : memref<5x40x144xf32, #tpu.memory_space<vmem>> -> memref<1x40x144xf32, #tpu.memory_space<vmem>>
      %dma_start3A_192 = tpu.memref_squeeze %dma_start3A_191 : memref<1x40x144xf32, #tpu.memory_space<vmem>> -> memref<40x144xf32, #tpu.memory_space<vmem>>
      %dma_start3A_193 = arith.constant 0 : i32
      %dma_start3A_194 = tpu.memref_slice %arg7[%rem3A_93, %dma_start3A_187, %dma_start3A_193] : memref<2x5x40xi32, #tpu.memory_space<vmem>> -> memref<1x1x40xi32, #tpu.memory_space<vmem>>
      %dma_start3A_195 = tpu.memref_squeeze %dma_start3A_194 : memref<1x1x40xi32, #tpu.memory_space<vmem>> -> memref<40xi32, #tpu.memory_space<vmem>>
      %dma_start3A_196 = arith.constant 0 : i32
      %dma_start3A_197 = arith.constant 0 : i32
      %dma_start3A_198 = tpu.memref_slice %arg2[%dma_start3A_196, %dma_start3A_197] : memref<10000x144xf32, #tpu.memory_space<hbm>> -> memref<10000x144xf32, #tpu.memory_space<hbm>>
      tpu.enqueue_indirect_dma source(%dma_start3A_198 : memref<10000x144xf32, #tpu.memory_space<hbm>>) target(%dma_start3A_192 : memref<40x144xf32, #tpu.memory_space<vmem>>) offsets(%dma_start3A_195 : memref<40xi32, #tpu.memory_space<vmem>>) semaphore(%arg11 : memref<!tpu.dma_semaphore, #tpu.memory_space<semaphore_mem>>)
      %dma_start3A_199 = arith.constant 3 : i32
      %dma_start3A_200 = arith.constant 3 : i32
      %dma_start3A_201 = arith.constant 0 : i32
      %dma_start3A_202 = arith.constant 0 : i32
      %dma_start3A_203 = tpu.memref_slice %arg9[%dma_start3A_200, %dma_start3A_201, %dma_start3A_202] : memref<5x40x144xf32, #tpu.memory_space<vmem>> -> memref<1x40x144xf32, #tpu.memory_space<vmem>>
      %dma_start3A_204 = tpu.memref_squeeze %dma_start3A_203 : memref<1x40x144xf32, #tpu.memory_space<vmem>> -> memref<40x144xf32, #tpu.memory_space<vmem>>
      %dma_start3A_205 = arith.constant 0 : i32
      %dma_start3A_206 = tpu.memref_slice %arg7[%rem3A_93, %dma_start3A_199, %dma_start3A_205] : memref<2x5x40xi32, #tpu.memory_space<vmem>> -> memref<1x1x40xi32, #tpu.memory_space<vmem>>
      %dma_start3A_207 = tpu.memref_squeeze %dma_start3A_206 : memref<1x1x40xi32, #tpu.memory_space<vmem>> -> memref<40xi32, #tpu.memory_space<vmem>>
      %dma_start3A_208 = arith.constant 0 : i32
      %dma_start3A_209 = arith.constant 0 : i32
      %dma_start3A_210 = tpu.memref_slice %arg2[%dma_start3A_208, %dma_start3A_209] : memref<10000x144xf32, #tpu.memory_space<hbm>> -> memref<10000x144xf32, #tpu.memory_space<hbm>>
      tpu.enqueue_indirect_dma source(%dma_start3A_210 : memref<10000x144xf32, #tpu.memory_space<hbm>>) target(%dma_start3A_204 : memref<40x144xf32, #tpu.memory_space<vmem>>) offsets(%dma_start3A_207 : memref<40xi32, #tpu.memory_space<vmem>>) semaphore(%arg11 : memref<!tpu.dma_semaphore, #tpu.memory_space<semaphore_mem>>)
      %dma_start3A_211 = arith.constant 4 : i32
      %dma_start3A_212 = arith.constant 4 : i32
      %dma_start3A_213 = arith.constant 0 : i32
      %dma_start3A_214 = arith.constant 0 : i32
      %dma_start3A_215 = tpu.memref_slice %arg9[%dma_start3A_212, %dma_start3A_213, %dma_start3A_214] : memref<5x40x144xf32, #tpu.memory_space<vmem>> -> memref<1x40x144xf32, #tpu.memory_space<vmem>>
      %dma_start3A_216 = tpu.memref_squeeze %dma_start3A_215 : memref<1x40x144xf32, #tpu.memory_space<vmem>> -> memref<40x144xf32, #tpu.memory_space<vmem>>
      %dma_start3A_217 = arith.constant 0 : i32
      %dma_start3A_218 = tpu.memref_slice %arg7[%rem3A_93, %dma_start3A_211, %dma_start3A_217] : memref<2x5x40xi32, #tpu.memory_space<vmem>> -> memref<1x1x40xi32, #tpu.memory_space<vmem>>
      %dma_start3A_219 = tpu.memref_squeeze %dma_start3A_218 : memref<1x1x40xi32, #tpu.memory_space<vmem>> -> memref<40xi32, #tpu.memory_space<vmem>>
      %dma_start3A_220 = arith.constant 0 : i32
      %dma_start3A_221 = arith.constant 0 : i32
      %dma_start3A_222 = tpu.memref_slice %arg2[%dma_start3A_220, %dma_start3A_221] : memref<10000x144xf32, #tpu.memory_space<hbm>> -> memref<10000x144xf32, #tpu.memory_space<hbm>>
      tpu.enqueue_indirect_dma source(%dma_start3A_222 : memref<10000x144xf32, #tpu.memory_space<hbm>>) target(%dma_start3A_216 : memref<40x144xf32, #tpu.memory_space<vmem>>) offsets(%dma_start3A_219 : memref<40xi32, #tpu.memory_space<vmem>>) semaphore(%arg11 : memref<!tpu.dma_semaphore, #tpu.memory_space<semaphore_mem>>)
      %dma_wait3A_223 = arith.constant 0 : i32
      %dma_wait3A_224 = arith.constant 0 : i32
      %dma_wait3A_225 = arith.constant 0 : i32
      %dma_wait3A_226 = arith.constant 0 : i32
      %dma_wait3A_227 = tpu.memref_slice %arg9[%dma_wait3A_224, %dma_wait3A_225, %dma_wait3A_226] : memref<5x40x144xf32, #tpu.memory_space<vmem>> -> memref<1x40x144xf32, #tpu.memory_space<vmem>>
      %dma_wait3A_228 = tpu.memref_squeeze %dma_wait3A_227 : memref<1x40x144xf32, #tpu.memory_space<vmem>> -> memref<40x144xf32, #tpu.memory_space<vmem>>
      %dma_wait3A_229 = arith.constant 0 : i32
      %dma_wait3A_230 = tpu.memref_slice %arg7[%rem3A_93, %dma_wait3A_223, %dma_wait3A_229] : memref<2x5x40xi32, #tpu.memory_space<vmem>> -> memref<1x1x40xi32, #tpu.memory_space<vmem>>
      %dma_wait3A_231 = tpu.memref_squeeze %dma_wait3A_230 : memref<1x1x40xi32, #tpu.memory_space<vmem>> -> memref<40xi32, #tpu.memory_space<vmem>>
      %dma_wait3A_232 = arith.constant 0 : i32
      %dma_wait3A_233 = arith.constant 0 : i32
      %dma_wait3A_234 = tpu.memref_slice %arg2[%dma_wait3A_232, %dma_wait3A_233] : memref<10000x144xf32, #tpu.memory_space<hbm>> -> memref<10000x144xf32, #tpu.memory_space<hbm>>
      tpu.wait_indirect_dma semaphore(%arg11 : memref<!tpu.dma_semaphore, #tpu.memory_space<semaphore_mem>>) src(%dma_wait3A_234 : memref<10000x144xf32, #tpu.memory_space<hbm>>) dst(%dma_wait3A_228 : memref<40x144xf32, #tpu.memory_space<vmem>>)
      %dma_start3A_235 = arith.constant 0 : i32
      %dma_start3A_236 = arith.constant 0 : i32
      %dma_start3A_237 = arith.constant 0 : i32
      %dma_start3A_238 = arith.constant 0 : i32
      %dma_start3A_239 = tpu.memref_slice %arg9[%dma_start3A_235, %dma_start3A_237, %dma_start3A_238] : memref<5x40x144xf32, #tpu.memory_space<vmem>> -> memref<1x40x144xf32, #tpu.memory_space<vmem>>
      %dma_start3A_240 = tpu.memref_squeeze %dma_start3A_239 : memref<1x40x144xf32, #tpu.memory_space<vmem>> -> memref<40x144xf32, #tpu.memory_space<vmem>>
      %dma_start3A_241 = arith.constant 0 : i32
      %dma_start3A_242 = tpu.memref_slice %arg8[%rem3A_93, %dma_start3A_236, %dma_start3A_241] : memref<2x5x40xi32, #tpu.memory_space<vmem>> -> memref<1x1x40xi32, #tpu.memory_space<vmem>>
      %dma_start3A_243 = tpu.memref_squeeze %dma_start3A_242 : memref<1x1x40xi32, #tpu.memory_space<vmem>> -> memref<40xi32, #tpu.memory_space<vmem>>
      %dma_start3A_244 = arith.constant 0 : i32
      %dma_start3A_245 = arith.constant 0 : i32
      %dma_start3A_246 = tpu.memref_slice %arg10[%dma_start3A_244, %dma_start3A_245] : memref<10000x144xf32, #tpu.memory_space<vmem_shared>> -> memref<10000x144xf32, #tpu.memory_space<vmem_shared>>
      tpu.enqueue_indirect_dma source(%dma_start3A_240 : memref<40x144xf32, #tpu.memory_space<vmem>>) target(%dma_start3A_246 : memref<10000x144xf32, #tpu.memory_space<vmem_shared>>) offsets(%dma_start3A_243 : memref<40xi32, #tpu.memory_space<vmem>>) semaphore(%arg12 : memref<!tpu.dma_semaphore, #tpu.memory_space<semaphore_mem>>) {add = true}
      %dma_wait3A_247 = arith.constant 1 : i32
      %dma_wait3A_248 = arith.constant 1 : i32
      %dma_wait3A_249 = arith.constant 0 : i32
      %dma_wait3A_250 = arith.constant 0 : i32
      %dma_wait3A_251 = tpu.memref_slice %arg9[%dma_wait3A_248, %dma_wait3A_249, %dma_wait3A_250] : memref<5x40x144xf32, #tpu.memory_space<vmem>> -> memref<1x40x144xf32, #tpu.memory_space<vmem>>
      %dma_wait3A_252 = tpu.memref_squeeze %dma_wait3A_251 : memref<1x40x144xf32, #tpu.memory_space<vmem>> -> memref<40x144xf32, #tpu.memory_space<vmem>>
      %dma_wait3A_253 = arith.constant 0 : i32
      %dma_wait3A_254 = tpu.memref_slice %arg7[%rem3A_93, %dma_wait3A_247, %dma_wait3A_253] : memref<2x5x40xi32, #tpu.memory_space<vmem>> -> memref<1x1x40xi32, #tpu.memory_space<vmem>>
      %dma_wait3A_255 = tpu.memref_squeeze %dma_wait3A_254 : memref<1x1x40xi32, #tpu.memory_space<vmem>> -> memref<40xi32, #tpu.memory_space<vmem>>
      %dma_wait3A_256 = arith.constant 0 : i32
      %dma_wait3A_257 = arith.constant 0 : i32
      %dma_wait3A_258 = tpu.memref_slice %arg2[%dma_wait3A_256, %dma_wait3A_257] : memref<10000x144xf32, #tpu.memory_space<hbm>> -> memref<10000x144xf32, #tpu.memory_space<hbm>>
      tpu.wait_indirect_dma semaphore(%arg11 : memref<!tpu.dma_semaphore, #tpu.memory_space<semaphore_mem>>) src(%dma_wait3A_258 : memref<10000x144xf32, #tpu.memory_space<hbm>>) dst(%dma_wait3A_252 : memref<40x144xf32, #tpu.memory_space<vmem>>)
      %dma_start3A_259 = arith.constant 1 : i32
      %dma_start3A_260 = arith.constant 1 : i32
      %dma_start3A_261 = arith.constant 0 : i32
      %dma_start3A_262 = arith.constant 0 : i32
      %dma_start3A_263 = tpu.memref_slice %arg9[%dma_start3A_259, %dma_start3A_261, %dma_start3A_262] : memref<5x40x144xf32, #tpu.memory_space<vmem>> -> memref<1x40x144xf32, #tpu.memory_space<vmem>>
      %dma_start3A_264 = tpu.memref_squeeze %dma_start3A_263 : memref<1x40x144xf32, #tpu.memory_space<vmem>> -> memref<40x144xf32, #tpu.memory_space<vmem>>
      %dma_start3A_265 = arith.constant 0 : i32
      %dma_start3A_266 = tpu.memref_slice %arg8[%rem3A_93, %dma_start3A_260, %dma_start3A_265] : memref<2x5x40xi32, #tpu.memory_space<vmem>> -> memref<1x1x40xi32, #tpu.memory_space<vmem>>
      %dma_start3A_267 = tpu.memref_squeeze %dma_start3A_266 : memref<1x1x40xi32, #tpu.memory_space<vmem>> -> memref<40xi32, #tpu.memory_space<vmem>>
      %dma_start3A_268 = arith.constant 0 : i32
      %dma_start3A_269 = arith.constant 0 : i32
      %dma_start3A_270 = tpu.memref_slice %arg10[%dma_start3A_268, %dma_start3A_269] : memref<10000x144xf32, #tpu.memory_space<vmem_shared>> -> memref<10000x144xf32, #tpu.memory_space<vmem_shared>>
      tpu.enqueue_indirect_dma source(%dma_start3A_264 : memref<40x144xf32, #tpu.memory_space<vmem>>) target(%dma_start3A_270 : memref<10000x144xf32, #tpu.memory_space<vmem_shared>>) offsets(%dma_start3A_267 : memref<40xi32, #tpu.memory_space<vmem>>) semaphore(%arg12 : memref<!tpu.dma_semaphore, #tpu.memory_space<semaphore_mem>>) {add = true}
      %dma_wait3A_271 = arith.constant 2 : i32
      %dma_wait3A_272 = arith.constant 2 : i32
      %dma_wait3A_273 = arith.constant 0 : i32
      %dma_wait3A_274 = arith.constant 0 : i32
      %dma_wait3A_275 = tpu.memref_slice %arg9[%dma_wait3A_272, %dma_wait3A_273, %dma_wait3A_274] : memref<5x40x144xf32, #tpu.memory_space<vmem>> -> memref<1x40x144xf32, #tpu.memory_space<vmem>>
      %dma_wait3A_276 = tpu.memref_squeeze %dma_wait3A_275 : memref<1x40x144xf32, #tpu.memory_space<vmem>> -> memref<40x144xf32, #tpu.memory_space<vmem>>
      %dma_wait3A_277 = arith.constant 0 : i32
      %dma_wait3A_278 = tpu.memref_slice %arg7[%rem3A_93, %dma_wait3A_271, %dma_wait3A_277] : memref<2x5x40xi32, #tpu.memory_space<vmem>> -> memref<1x1x40xi32, #tpu.memory_space<vmem>>
      %dma_wait3A_279 = tpu.memref_squeeze %dma_wait3A_278 : memref<1x1x40xi32, #tpu.memory_space<vmem>> -> memref<40xi32, #tpu.memory_space<vmem>>
      %dma_wait3A_280 = arith.constant 0 : i32
      %dma_wait3A_281 = arith.constant 0 : i32
      %dma_wait3A_282 = tpu.memref_slice %arg2[%dma_wait3A_280, %dma_wait3A_281] : memref<10000x144xf32, #tpu.memory_space<hbm>> -> memref<10000x144xf32, #tpu.memory_space<hbm>>
      tpu.wait_indirect_dma semaphore(%arg11 : memref<!tpu.dma_semaphore, #tpu.memory_space<semaphore_mem>>) src(%dma_wait3A_282 : memref<10000x144xf32, #tpu.memory_space<hbm>>) dst(%dma_wait3A_276 : memref<40x144xf32, #tpu.memory_space<vmem>>)
      %dma_start3A_283 = arith.constant 2 : i32
      %dma_start3A_284 = arith.constant 2 : i32
      %dma_start3A_285 = arith.constant 0 : i32
      %dma_start3A_286 = arith.constant 0 : i32
      %dma_start3A_287 = tpu.memref_slice %arg9[%dma_start3A_283, %dma_start3A_285, %dma_start3A_286] : memref<5x40x144xf32, #tpu.memory_space<vmem>> -> memref<1x40x144xf32, #tpu.memory_space<vmem>>
      %dma_start3A_288 = tpu.memref_squeeze %dma_start3A_287 : memref<1x40x144xf32, #tpu.memory_space<vmem>> -> memref<40x144xf32, #tpu.memory_space<vmem>>
      %dma_start3A_289 = arith.constant 0 : i32
      %dma_start3A_290 = tpu.memref_slice %arg8[%rem3A_93, %dma_start3A_284, %dma_start3A_289] : memref<2x5x40xi32, #tpu.memory_space<vmem>> -> memref<1x1x40xi32, #tpu.memory_space<vmem>>
      %dma_start3A_291 = tpu.memref_squeeze %dma_start3A_290 : memref<1x1x40xi32, #tpu.memory_space<vmem>> -> memref<40xi32, #tpu.memory_space<vmem>>
      %dma_start3A_292 = arith.constant 0 : i32
      %dma_start3A_293 = arith.constant 0 : i32
      %dma_start3A_294 = tpu.memref_slice %arg10[%dma_start3A_292, %dma_start3A_293] : memref<10000x144xf32, #tpu.memory_space<vmem_shared>> -> memref<10000x144xf32, #tpu.memory_space<vmem_shared>>
      tpu.enqueue_indirect_dma source(%dma_start3A_288 : memref<40x144xf32, #tpu.memory_space<vmem>>) target(%dma_start3A_294 : memref<10000x144xf32, #tpu.memory_space<vmem_shared>>) offsets(%dma_start3A_291 : memref<40xi32, #tpu.memory_space<vmem>>) semaphore(%arg12 : memref<!tpu.dma_semaphore, #tpu.memory_space<semaphore_mem>>) {add = true}
      %dma_wait3A_295 = arith.constant 3 : i32
      %dma_wait3A_296 = arith.constant 3 : i32
      %dma_wait3A_297 = arith.constant 0 : i32
      %dma_wait3A_298 = arith.constant 0 : i32
      %dma_wait3A_299 = tpu.memref_slice %arg9[%dma_wait3A_296, %dma_wait3A_297, %dma_wait3A_298] : memref<5x40x144xf32, #tpu.memory_space<vmem>> -> memref<1x40x144xf32, #tpu.memory_space<vmem>>
      %dma_wait3A_300 = tpu.memref_squeeze %dma_wait3A_299 : memref<1x40x144xf32, #tpu.memory_space<vmem>> -> memref<40x144xf32, #tpu.memory_space<vmem>>
      %dma_wait3A_301 = arith.constant 0 : i32
      %dma_wait3A_302 = tpu.memref_slice %arg7[%rem3A_93, %dma_wait3A_295, %dma_wait3A_301] : memref<2x5x40xi32, #tpu.memory_space<vmem>> -> memref<1x1x40xi32, #tpu.memory_space<vmem>>
      %dma_wait3A_303 = tpu.memref_squeeze %dma_wait3A_302 : memref<1x1x40xi32, #tpu.memory_space<vmem>> -> memref<40xi32, #tpu.memory_space<vmem>>
      %dma_wait3A_304 = arith.constant 0 : i32
      %dma_wait3A_305 = arith.constant 0 : i32
      %dma_wait3A_306 = tpu.memref_slice %arg2[%dma_wait3A_304, %dma_wait3A_305] : memref<10000x144xf32, #tpu.memory_space<hbm>> -> memref<10000x144xf32, #tpu.memory_space<hbm>>
      tpu.wait_indirect_dma semaphore(%arg11 : memref<!tpu.dma_semaphore, #tpu.memory_space<semaphore_mem>>) src(%dma_wait3A_306 : memref<10000x144xf32, #tpu.memory_space<hbm>>) dst(%dma_wait3A_300 : memref<40x144xf32, #tpu.memory_space<vmem>>)
      %dma_start3A_307 = arith.constant 3 : i32
      %dma_start3A_308 = arith.constant 3 : i32
      %dma_start3A_309 = arith.constant 0 : i32
      %dma_start3A_310 = arith.constant 0 : i32
      %dma_start3A_311 = tpu.memref_slice %arg9[%dma_start3A_307, %dma_start3A_309, %dma_start3A_310] : memref<5x40x144xf32, #tpu.memory_space<vmem>> -> memref<1x40x144xf32, #tpu.memory_space<vmem>>
      %dma_start3A_312 = tpu.memref_squeeze %dma_start3A_311 : memref<1x40x144xf32, #tpu.memory_space<vmem>> -> memref<40x144xf32, #tpu.memory_space<vmem>>
      %dma_start3A_313 = arith.constant 0 : i32
      %dma_start3A_314 = tpu.memref_slice %arg8[%rem3A_93, %dma_start3A_308, %dma_start3A_313] : memref<2x5x40xi32, #tpu.memory_space<vmem>> -> memref<1x1x40xi32, #tpu.memory_space<vmem>>
      %dma_start3A_315 = tpu.memref_squeeze %dma_start3A_314 : memref<1x1x40xi32, #tpu.memory_space<vmem>> -> memref<40xi32, #tpu.memory_space<vmem>>
      %dma_start3A_316 = arith.constant 0 : i32
      %dma_start3A_317 = arith.constant 0 : i32
      %dma_start3A_318 = tpu.memref_slice %arg10[%dma_start3A_316, %dma_start3A_317] : memref<10000x144xf32, #tpu.memory_space<vmem_shared>> -> memref<10000x144xf32, #tpu.memory_space<vmem_shared>>
      tpu.enqueue_indirect_dma source(%dma_start3A_312 : memref<40x144xf32, #tpu.memory_space<vmem>>) target(%dma_start3A_318 : memref<10000x144xf32, #tpu.memory_space<vmem_shared>>) offsets(%dma_start3A_315 : memref<40xi32, #tpu.memory_space<vmem>>) semaphore(%arg12 : memref<!tpu.dma_semaphore, #tpu.memory_space<semaphore_mem>>) {add = true}
      %dma_wait3A_319 = arith.constant 4 : i32
      %dma_wait3A_320 = arith.constant 4 : i32
      %dma_wait3A_321 = arith.constant 0 : i32
      %dma_wait3A_322 = arith.constant 0 : i32
      %dma_wait3A_323 = tpu.memref_slice %arg9[%dma_wait3A_320, %dma_wait3A_321, %dma_wait3A_322] : memref<5x40x144xf32, #tpu.memory_space<vmem>> -> memref<1x40x144xf32, #tpu.memory_space<vmem>>
      %dma_wait3A_324 = tpu.memref_squeeze %dma_wait3A_323 : memref<1x40x144xf32, #tpu.memory_space<vmem>> -> memref<40x144xf32, #tpu.memory_space<vmem>>
      %dma_wait3A_325 = arith.constant 0 : i32
      %dma_wait3A_326 = tpu.memref_slice %arg7[%rem3A_93, %dma_wait3A_319, %dma_wait3A_325] : memref<2x5x40xi32, #tpu.memory_space<vmem>> -> memref<1x1x40xi32, #tpu.memory_space<vmem>>
      %dma_wait3A_327 = tpu.memref_squeeze %dma_wait3A_326 : memref<1x1x40xi32, #tpu.memory_space<vmem>> -> memref<40xi32, #tpu.memory_space<vmem>>
      %dma_wait3A_328 = arith.constant 0 : i32
      %dma_wait3A_329 = arith.constant 0 : i32
      %dma_wait3A_330 = tpu.memref_slice %arg2[%dma_wait3A_328, %dma_wait3A_329] : memref<10000x144xf32, #tpu.memory_space<hbm>> -> memref<10000x144xf32, #tpu.memory_space<hbm>>
      tpu.wait_indirect_dma semaphore(%arg11 : memref<!tpu.dma_semaphore, #tpu.memory_space<semaphore_mem>>) src(%dma_wait3A_330 : memref<10000x144xf32, #tpu.memory_space<hbm>>) dst(%dma_wait3A_324 : memref<40x144xf32, #tpu.memory_space<vmem>>)
      %dma_start3A_331 = arith.constant 4 : i32
      %dma_start3A_332 = arith.constant 4 : i32
      %dma_start3A_333 = arith.constant 0 : i32
      %dma_start3A_334 = arith.constant 0 : i32
      %dma_start3A_335 = tpu.memref_slice %arg9[%dma_start3A_331, %dma_start3A_333, %dma_start3A_334] : memref<5x40x144xf32, #tpu.memory_space<vmem>> -> memref<1x40x144xf32, #tpu.memory_space<vmem>>
      %dma_start3A_336 = tpu.memref_squeeze %dma_start3A_335 : memref<1x40x144xf32, #tpu.memory_space<vmem>> -> memref<40x144xf32, #tpu.memory_space<vmem>>
      %dma_start3A_337 = arith.constant 0 : i32
      %dma_start3A_338 = tpu.memref_slice %arg8[%rem3A_93, %dma_start3A_332, %dma_start3A_337] : memref<2x5x40xi32, #tpu.memory_space<vmem>> -> memref<1x1x40xi32, #tpu.memory_space<vmem>>
      %dma_start3A_339 = tpu.memref_squeeze %dma_start3A_338 : memref<1x1x40xi32, #tpu.memory_space<vmem>> -> memref<40xi32, #tpu.memory_space<vmem>>
      %dma_start3A_340 = arith.constant 0 : i32
      %dma_start3A_341 = arith.constant 0 : i32
      %dma_start3A_342 = tpu.memref_slice %arg10[%dma_start3A_340, %dma_start3A_341] : memref<10000x144xf32, #tpu.memory_space<vmem_shared>> -> memref<10000x144xf32, #tpu.memory_space<vmem_shared>>
      tpu.enqueue_indirect_dma source(%dma_start3A_336 : memref<40x144xf32, #tpu.memory_space<vmem>>) target(%dma_start3A_342 : memref<10000x144xf32, #tpu.memory_space<vmem_shared>>) offsets(%dma_start3A_339 : memref<40xi32, #tpu.memory_space<vmem>>) semaphore(%arg12 : memref<!tpu.dma_semaphore, #tpu.memory_space<semaphore_mem>>) {add = true}
      %dma_wait3A_343 = arith.constant 0 : i32
      %dma_wait3A_344 = arith.constant 0 : i32
      %dma_wait3A_345 = arith.constant 0 : i32
      %dma_wait3A_346 = arith.constant 0 : i32
      %dma_wait3A_347 = tpu.memref_slice %arg9[%dma_wait3A_343, %dma_wait3A_345, %dma_wait3A_346] : memref<5x40x144xf32, #tpu.memory_space<vmem>> -> memref<1x40x144xf32, #tpu.memory_space<vmem>>
      %dma_wait3A_348 = tpu.memref_squeeze %dma_wait3A_347 : memref<1x40x144xf32, #tpu.memory_space<vmem>> -> memref<40x144xf32, #tpu.memory_space<vmem>>
      %dma_wait3A_349 = arith.constant 0 : i32
      %dma_wait3A_350 = tpu.memref_slice %arg8[%rem3A_93, %dma_wait3A_344, %dma_wait3A_349] : memref<2x5x40xi32, #tpu.memory_space<vmem>> -> memref<1x1x40xi32, #tpu.memory_space<vmem>>
      %dma_wait3A_351 = tpu.memref_squeeze %dma_wait3A_350 : memref<1x1x40xi32, #tpu.memory_space<vmem>> -> memref<40xi32, #tpu.memory_space<vmem>>
      %dma_wait3A_352 = arith.constant 0 : i32
      %dma_wait3A_353 = arith.constant 0 : i32
      %dma_wait3A_354 = tpu.memref_slice %arg10[%dma_wait3A_352, %dma_wait3A_353] : memref<10000x144xf32, #tpu.memory_space<vmem_shared>> -> memref<10000x144xf32, #tpu.memory_space<vmem_shared>>
      tpu.wait_indirect_dma semaphore(%arg12 : memref<!tpu.dma_semaphore, #tpu.memory_space<semaphore_mem>>) src(%dma_wait3A_348 : memref<40x144xf32, #tpu.memory_space<vmem>>) dst(%dma_wait3A_354 : memref<10000x144xf32, #tpu.memory_space<vmem_shared>>)
      %dma_wait3A_355 = arith.constant 1 : i32
      %dma_wait3A_356 = arith.constant 1 : i32
      %dma_wait3A_357 = arith.constant 0 : i32
      %dma_wait3A_358 = arith.constant 0 : i32
      %dma_wait3A_359 = tpu.memref_slice %arg9[%dma_wait3A_355, %dma_wait3A_357, %dma_wait3A_358] : memref<5x40x144xf32, #tpu.memory_space<vmem>> -> memref<1x40x144xf32, #tpu.memory_space<vmem>>
      %dma_wait3A_360 = tpu.memref_squeeze %dma_wait3A_359 : memref<1x40x144xf32, #tpu.memory_space<vmem>> -> memref<40x144xf32, #tpu.memory_space<vmem>>
      %dma_wait3A_361 = arith.constant 0 : i32
      %dma_wait3A_362 = tpu.memref_slice %arg8[%rem3A_93, %dma_wait3A_356, %dma_wait3A_361] : memref<2x5x40xi32, #tpu.memory_space<vmem>> -> memref<1x1x40xi32, #tpu.memory_space<vmem>>
      %dma_wait3A_363 = tpu.memref_squeeze %dma_wait3A_362 : memref<1x1x40xi32, #tpu.memory_space<vmem>> -> memref<40xi32, #tpu.memory_space<vmem>>
      %dma_wait3A_364 = arith.constant 0 : i32
      %dma_wait3A_365 = arith.constant 0 : i32
      %dma_wait3A_366 = tpu.memref_slice %arg10[%dma_wait3A_364, %dma_wait3A_365] : memref<10000x144xf32, #tpu.memory_space<vmem_shared>> -> memref<10000x144xf32, #tpu.memory_space<vmem_shared>>
      tpu.wait_indirect_dma semaphore(%arg12 : memref<!tpu.dma_semaphore, #tpu.memory_space<semaphore_mem>>) src(%dma_wait3A_360 : memref<40x144xf32, #tpu.memory_space<vmem>>) dst(%dma_wait3A_366 : memref<10000x144xf32, #tpu.memory_space<vmem_shared>>)
      %dma_wait3A_367 = arith.constant 2 : i32
      %dma_wait3A_368 = arith.constant 2 : i32
      %dma_wait3A_369 = arith.constant 0 : i32
      %dma_wait3A_370 = arith.constant 0 : i32
      %dma_wait3A_371 = tpu.memref_slice %arg9[%dma_wait3A_367, %dma_wait3A_369, %dma_wait3A_370] : memref<5x40x144xf32, #tpu.memory_space<vmem>> -> memref<1x40x144xf32, #tpu.memory_space<vmem>>
      %dma_wait3A_372 = tpu.memref_squeeze %dma_wait3A_371 : memref<1x40x144xf32, #tpu.memory_space<vmem>> -> memref<40x144xf32, #tpu.memory_space<vmem>>
      %dma_wait3A_373 = arith.constant 0 : i32
      %dma_wait3A_374 = tpu.memref_slice %arg8[%rem3A_93, %dma_wait3A_368, %dma_wait3A_373] : memref<2x5x40xi32, #tpu.memory_space<vmem>> -> memref<1x1x40xi32, #tpu.memory_space<vmem>>
      %dma_wait3A_375 = tpu.memref_squeeze %dma_wait3A_374 : memref<1x1x40xi32, #tpu.memory_space<vmem>> -> memref<40xi32, #tpu.memory_space<vmem>>
      %dma_wait3A_376 = arith.constant 0 : i32
      %dma_wait3A_377 = arith.constant 0 : i32
      %dma_wait3A_378 = tpu.memref_slice %arg10[%dma_wait3A_376, %dma_wait3A_377] : memref<10000x144xf32, #tpu.memory_space<vmem_shared>> -> memref<10000x144xf32, #tpu.memory_space<vmem_shared>>
      tpu.wait_indirect_dma semaphore(%arg12 : memref<!tpu.dma_semaphore, #tpu.memory_space<semaphore_mem>>) src(%dma_wait3A_372 : memref<40x144xf32, #tpu.memory_space<vmem>>) dst(%dma_wait3A_378 : memref<10000x144xf32, #tpu.memory_space<vmem_shared>>)
      %dma_wait3A_379 = arith.constant 3 : i32
      %dma_wait3A_380 = arith.constant 3 : i32
      %dma_wait3A_381 = arith.constant 0 : i32
      %dma_wait3A_382 = arith.constant 0 : i32
      %dma_wait3A_383 = tpu.memref_slice %arg9[%dma_wait3A_379, %dma_wait3A_381, %dma_wait3A_382] : memref<5x40x144xf32, #tpu.memory_space<vmem>> -> memref<1x40x144xf32, #tpu.memory_space<vmem>>
      %dma_wait3A_384 = tpu.memref_squeeze %dma_wait3A_383 : memref<1x40x144xf32, #tpu.memory_space<vmem>> -> memref<40x144xf32, #tpu.memory_space<vmem>>
      %dma_wait3A_385 = arith.constant 0 : i32
      %dma_wait3A_386 = tpu.memref_slice %arg8[%rem3A_93, %dma_wait3A_380, %dma_wait3A_385] : memref<2x5x40xi32, #tpu.memory_space<vmem>> -> memref<1x1x40xi32, #tpu.memory_space<vmem>>
      %dma_wait3A_387 = tpu.memref_squeeze %dma_wait3A_386 : memref<1x1x40xi32, #tpu.memory_space<vmem>> -> memref<40xi32, #tpu.memory_space<vmem>>
      %dma_wait3A_388 = arith.constant 0 : i32
      %dma_wait3A_389 = arith.constant 0 : i32
      %dma_wait3A_390 = tpu.memref_slice %arg10[%dma_wait3A_388, %dma_wait3A_389] : memref<10000x144xf32, #tpu.memory_space<vmem_shared>> -> memref<10000x144xf32, #tpu.memory_space<vmem_shared>>
      tpu.wait_indirect_dma semaphore(%arg12 : memref<!tpu.dma_semaphore, #tpu.memory_space<semaphore_mem>>) src(%dma_wait3A_384 : memref<40x144xf32, #tpu.memory_space<vmem>>) dst(%dma_wait3A_390 : memref<10000x144xf32, #tpu.memory_space<vmem_shared>>)
      %dma_wait3A_391 = arith.constant 4 : i32
      %dma_wait3A_392 = arith.constant 4 : i32
      %dma_wait3A_393 = arith.constant 0 : i32
      %dma_wait3A_394 = arith.constant 0 : i32
      %dma_wait3A_395 = tpu.memref_slice %arg9[%dma_wait3A_391, %dma_wait3A_393, %dma_wait3A_394] : memref<5x40x144xf32, #tpu.memory_space<vmem>> -> memref<1x40x144xf32, #tpu.memory_space<vmem>>
      %dma_wait3A_396 = tpu.memref_squeeze %dma_wait3A_395 : memref<1x40x144xf32, #tpu.memory_space<vmem>> -> memref<40x144xf32, #tpu.memory_space<vmem>>
      %dma_wait3A_397 = arith.constant 0 : i32
      %dma_wait3A_398 = tpu.memref_slice %arg8[%rem3A_93, %dma_wait3A_392, %dma_wait3A_397] : memref<2x5x40xi32, #tpu.memory_space<vmem>> -> memref<1x1x40xi32, #tpu.memory_space<vmem>>
      %dma_wait3A_399 = tpu.memref_squeeze %dma_wait3A_398 : memref<1x1x40xi32, #tpu.memory_space<vmem>> -> memref<40xi32, #tpu.memory_space<vmem>>
      %dma_wait3A_400 = arith.constant 0 : i32
      %dma_wait3A_401 = arith.constant 0 : i32
      %dma_wait3A_402 = tpu.memref_slice %arg10[%dma_wait3A_400, %dma_wait3A_401] : memref<10000x144xf32, #tpu.memory_space<vmem_shared>> -> memref<10000x144xf32, #tpu.memory_space<vmem_shared>>
      tpu.wait_indirect_dma semaphore(%arg12 : memref<!tpu.dma_semaphore, #tpu.memory_space<semaphore_mem>>) src(%dma_wait3A_396 : memref<40x144xf32, #tpu.memory_space<vmem>>) dst(%dma_wait3A_402 : memref<10000x144xf32, #tpu.memory_space<vmem_shared>>)
      %scan3A_403 = arith.constant 0 : i32
      scf.yield %scan3A_403 : i32
    }
    %scan3A_43 = arith.constant 50 : i32
    %rem3A = arith.constant 50 : i32
    %rem3A_44 = arith.constant 2 : i32
    %rem3A_45 = arith.remsi %rem3A, %rem3A_44 : i32
    %dma_wait3A = arith.constant 0 : i32
    %dma_wait3A_46 = arith.constant 0 : i32
    %dma_wait3A_47 = tpu.memref_slice %arg7[%rem3A_45, %dma_wait3A, %dma_wait3A_46] : memref<2x5x40xi32, #tpu.memory_space<vmem>> -> memref<1x5x40xi32, #tpu.memory_space<vmem>>
    %dma_wait3A_48 = tpu.memref_squeeze %dma_wait3A_47 : memref<1x5x40xi32, #tpu.memory_space<vmem>> -> memref<5x40xi32, #tpu.memory_space<vmem>>
    %dma_wait3A_49 = arith.constant 0 : i32
    %dma_wait3A_50 = arith.constant 0 : i32
    %dma_wait3A_51 = tpu.memref_slice %arg3[%add3A, %dma_wait3A_49, %dma_wait3A_50] : memref<32x250x40xi32, #tpu.memory_space<hbm>> -> memref<1x5x40xi32, #tpu.memory_space<hbm>>
    %dma_wait3A_52 = tpu.memref_squeeze %dma_wait3A_51 : memref<1x5x40xi32, #tpu.memory_space<hbm>> -> memref<5x40xi32, #tpu.memory_space<hbm>>
    %dma_wait3A_53 = arith.constant 0 : i32
    %dma_wait3A_54 = arith.constant 0 : i32
    %dma_wait3A_55 = tpu.memref_slice %arg7[%rem3A_45, %dma_wait3A_53, %dma_wait3A_54] : memref<2x5x40xi32, #tpu.memory_space<vmem>> -> memref<1x5x40xi32, #tpu.memory_space<vmem>>
    %dma_wait3A_56 = tpu.memref_squeeze %dma_wait3A_55 : memref<1x5x40xi32, #tpu.memory_space<vmem>> -> memref<5x40xi32, #tpu.memory_space<vmem>>
    %dma_wait3A_57 = arith.constant 0 : i32
    %dma_wait3A_58 = arith.constant 0 : i32
    %dma_wait3A_59 = tpu.memref_slice %arg3[%add3A, %dma_wait3A_57, %dma_wait3A_58] : memref<32x250x40xi32, #tpu.memory_space<hbm>> -> memref<1x5x40xi32, #tpu.memory_space<hbm>>
    %dma_wait3A_60 = tpu.memref_squeeze %dma_wait3A_59 : memref<1x5x40xi32, #tpu.memory_space<hbm>> -> memref<5x40xi32, #tpu.memory_space<hbm>>
    tpu.wait_dma2 semaphore(%arg13 : memref<!tpu.dma_semaphore, #tpu.memory_space<semaphore_mem>>) src(%dma_wait3A_60 : memref<5x40xi32, #tpu.memory_space<hbm>>) dst(%dma_wait3A_56 : memref<5x40xi32, #tpu.memory_space<vmem>>)
    %rem3A_61 = arith.constant 50 : i32
    %rem3A_62 = arith.constant 2 : i32
    %rem3A_63 = arith.remsi %rem3A_61, %rem3A_62 : i32
    %dma_wait3A_64 = arith.constant 0 : i32
    %dma_wait3A_65 = arith.constant 0 : i32
    %dma_wait3A_66 = tpu.memref_slice %arg8[%rem3A_63, %dma_wait3A_64, %dma_wait3A_65] : memref<2x5x40xi32, #tpu.memory_space<vmem>> -> memref<1x5x40xi32, #tpu.memory_space<vmem>>
    %dma_wait3A_67 = tpu.memref_squeeze %dma_wait3A_66 : memref<1x5x40xi32, #tpu.memory_space<vmem>> -> memref<5x40xi32, #tpu.memory_space<vmem>>
    %dma_wait3A_68 = arith.constant 0 : i32
    %dma_wait3A_69 = arith.constant 0 : i32
    %dma_wait3A_70 = tpu.memref_slice %arg4[%add3A, %dma_wait3A_68, %dma_wait3A_69] : memref<32x250x40xi32, #tpu.memory_space<hbm>> -> memref<1x5x40xi32, #tpu.memory_space<hbm>>
    %dma_wait3A_71 = tpu.memref_squeeze %dma_wait3A_70 : memref<1x5x40xi32, #tpu.memory_space<hbm>> -> memref<5x40xi32, #tpu.memory_space<hbm>>
    %dma_wait3A_72 = arith.constant 0 : i32
    %dma_wait3A_73 = arith.constant 0 : i32
    %dma_wait3A_74 = tpu.memref_slice %arg8[%rem3A_63, %dma_wait3A_72, %dma_wait3A_73] : memref<2x5x40xi32, #tpu.memory_space<vmem>> -> memref<1x5x40xi32, #tpu.memory_space<vmem>>
    %dma_wait3A_75 = tpu.memref_squeeze %dma_wait3A_74 : memref<1x5x40xi32, #tpu.memory_space<vmem>> -> memref<5x40xi32, #tpu.memory_space<vmem>>
    %dma_wait3A_76 = arith.constant 0 : i32
    %dma_wait3A_77 = arith.constant 0 : i32
    %dma_wait3A_78 = tpu.memref_slice %arg4[%add3A, %dma_wait3A_76, %dma_wait3A_77] : memref<32x250x40xi32, #tpu.memory_space<hbm>> -> memref<1x5x40xi32, #tpu.memory_space<hbm>>
    %dma_wait3A_79 = tpu.memref_squeeze %dma_wait3A_78 : memref<1x5x40xi32, #tpu.memory_space<hbm>> -> memref<5x40xi32, #tpu.memory_space<hbm>>
    tpu.wait_dma2 semaphore(%arg13 : memref<!tpu.dma_semaphore, #tpu.memory_space<semaphore_mem>>) src(%dma_wait3A_79 : memref<5x40xi32, #tpu.memory_space<hbm>>) dst(%dma_wait3A_75 : memref<5x40xi32, #tpu.memory_space<vmem>>)
    %barrier3A_80 = arith.constant 0 : index
    tpu.barrier barrier_id(%barrier3A_80)
    %mul3A_81 = arith.constant 624 : i32
    %mul3A_82 = arith.muli %arg1, %mul3A_81 : i32
    %mul3A_83 = arith.constant 624 : i32
    %mul3A_84 = arith.muli %arg1, %mul3A_83 : i32
    "tpu.region"() ({
      %run_scoped3A = tpu.sem_alloc : memref<!tpu.dma_semaphore, #tpu.memory_space<semaphore_mem>>
      %dma_start3A_90 = arith.constant 0 : i32
      %dma_start3A_91 = tpu.memref_slice %arg6[%arg0, %mul3A_84, %dma_start3A_90] : memref<2x10000x144xf32, #tpu.memory_space<hbm>> -> memref<1x624x144xf32, #tpu.memory_space<hbm>>
      %dma_start3A_92 = tpu.memref_squeeze %dma_start3A_91 : memref<1x624x144xf32, #tpu.memory_space<hbm>> -> memref<624x144xf32, #tpu.memory_space<hbm>>
      %dma_start3A_93 = arith.constant 0 : i32
      %dma_start3A_94 = tpu.memref_slice %arg10[%mul3A_82, %dma_start3A_93] : memref<10000x144xf32, #tpu.memory_space<vmem_shared>> -> memref<624x144xf32, #tpu.memory_space<vmem_shared>>
      tpu.enqueue_dma source(%dma_start3A_94 : memref<624x144xf32, #tpu.memory_space<vmem_shared>>) target(%dma_start3A_92 : memref<624x144xf32, #tpu.memory_space<hbm>>) target_semaphore(%run_scoped3A : memref<!tpu.dma_semaphore, #tpu.memory_space<semaphore_mem>>)
      %dma_wait3A_95 = arith.constant 0 : i32
      %dma_wait3A_96 = tpu.memref_slice %arg6[%arg0, %mul3A_84, %dma_wait3A_95] : memref<2x10000x144xf32, #tpu.memory_space<hbm>> -> memref<1x624x144xf32, #tpu.memory_space<hbm>>
      %dma_wait3A_97 = tpu.memref_squeeze %dma_wait3A_96 : memref<1x624x144xf32, #tpu.memory_space<hbm>> -> memref<624x144xf32, #tpu.memory_space<hbm>>
      %dma_wait3A_98 = arith.constant 0 : i32
      %dma_wait3A_99 = tpu.memref_slice %arg10[%mul3A_82, %dma_wait3A_98] : memref<10000x144xf32, #tpu.memory_space<vmem_shared>> -> memref<624x144xf32, #tpu.memory_space<vmem_shared>>
      tpu.wait_dma2 semaphore(%run_scoped3A : memref<!tpu.dma_semaphore, #tpu.memory_space<semaphore_mem>>) src(%dma_wait3A_99 : memref<624x144xf32, #tpu.memory_space<vmem_shared>>) dst(%dma_wait3A_97 : memref<624x144xf32, #tpu.memory_space<hbm>>)
      tpu.yield
    }) : () -> ()
    %eq3A_85 = arith.constant 0 : i32
    %eq3A_86 = arith.cmpi eq, %arg1, %eq3A_85 : i32
    %convert_element_type3A_87 = arith.extui %eq3A_86 : i1 to i32
    %cond3A_88 = arith.constant 0 : i32
    %cond3A_89 = arith.cmpi ne, %convert_element_type3A_87, %cond3A_88 : i32
    scf.if %cond3A_89 {
      "tpu.region"() ({
        %run_scoped3A = tpu.sem_alloc : memref<!tpu.dma_semaphore, #tpu.memory_space<semaphore_mem>>
        %dma_start3A_90 = arith.constant 9984 : i32
        %dma_start3A_91 = arith.constant 0 : i32
        %dma_start3A_92 = tpu.memref_slice %arg6[%arg0, %dma_start3A_90, %dma_start3A_91] : memref<2x10000x144xf32, #tpu.memory_space<hbm>> -> memref<1x16x144xf32, #tpu.memory_space<hbm>>
        %dma_start3A_93 = tpu.memref_squeeze %dma_start3A_92 : memref<1x16x144xf32, #tpu.memory_space<hbm>> -> memref<16x144xf32, #tpu.memory_space<hbm>>
        %dma_start3A_94 = arith.constant 9984 : i32
        %dma_start3A_95 = arith.constant 0 : i32
        %dma_start3A_96 = tpu.memref_slice %arg10[%dma_start3A_94, %dma_start3A_95] : memref<10000x144xf32, #tpu.memory_space<vmem_shared>> -> memref<16x144xf32, #tpu.memory_space<vmem_shared>>
        tpu.enqueue_dma source(%dma_start3A_96 : memref<16x144xf32, #tpu.memory_space<vmem_shared>>) target(%dma_start3A_93 : memref<16x144xf32, #tpu.memory_space<hbm>>) target_semaphore(%run_scoped3A : memref<!tpu.dma_semaphore, #tpu.memory_space<semaphore_mem>>)
        %dma_wait3A_97 = arith.constant 9984 : i32
        %dma_wait3A_98 = arith.constant 0 : i32
        %dma_wait3A_99 = tpu.memref_slice %arg6[%arg0, %dma_wait3A_97, %dma_wait3A_98] : memref<2x10000x144xf32, #tpu.memory_space<hbm>> -> memref<1x16x144xf32, #tpu.memory_space<hbm>>
        %dma_wait3A_100 = tpu.memref_squeeze %dma_wait3A_99 : memref<1x16x144xf32, #tpu.memory_space<hbm>> -> memref<16x144xf32, #tpu.memory_space<hbm>>
        %dma_wait3A_101 = arith.constant 9984 : i32
        %dma_wait3A_102 = arith.constant 0 : i32
        %dma_wait3A_103 = tpu.memref_slice %arg10[%dma_wait3A_101, %dma_wait3A_102] : memref<10000x144xf32, #tpu.memory_space<vmem_shared>> -> memref<16x144xf32, #tpu.memory_space<vmem_shared>>
        tpu.wait_dma2 semaphore(%run_scoped3A : memref<!tpu.dma_semaphore, #tpu.memory_space<semaphore_mem>>) src(%dma_wait3A_103 : memref<16x144xf32, #tpu.memory_space<vmem_shared>>) dst(%dma_wait3A_100 : memref<16x144xf32, #tpu.memory_space<hbm>>)
        tpu.yield
      }) : () -> ()
    } else {
    }
    return
  }
}

#map = affine_map<(d0, d1) -> (0, 0)>
#map1 = affine_map<(d0, d1) -> (0)>
#map2 = affine_map<(d0, d1) -> (0, 0, 0)>
module attributes {stable_mosaic.version = 14 : i64} {
  func.func @_gat_body(%arg0: i32, %arg1: i32, %arg2: memref<10000x80xf32, #tpu.memory_space<hbm>>, %arg3: memref<10000xf32, #tpu.memory_space<hbm>>, %arg4: memref<10000xf32, #tpu.memory_space<hbm>>, %arg5: memref<32x125x80xi32, #tpu.memory_space<hbm>>, %arg6: memref<32x125x80xi32, #tpu.memory_space<hbm>>, %arg7: memref<16xf32, #tpu.memory_space<hbm>>, %arg8: memref<624x80xf32, #tpu.memory_space<hbm>>, %arg9: memref<2x10000x80xf32, #tpu.memory_space<hbm>>, %arg10: memref<125x80xi32, #tpu.memory_space<vmem>>, %arg11: memref<125x80xi32, #tpu.memory_space<vmem>>, %arg12: memref<5x80x80xf32, #tpu.memory_space<vmem>>, %arg13: memref<80xf32, #tpu.memory_space<vmem>>, %arg14: memref<10000xf32, #tpu.memory_space<vmem>>, %arg15: memref<10000xf32, #tpu.memory_space<vmem>>, %arg16: memref<16xf32, #tpu.memory_space<vmem>>, %arg17: memref<10000x80xf32, #tpu.memory_space<vmem_shared>>, %arg18: memref<!tpu.dma_semaphore, #tpu.memory_space<semaphore_mem>>, %arg19: memref<!tpu.dma_semaphore, #tpu.memory_space<semaphore_mem>>) attributes {dimension_semantics = [#tpu.dimension_semantics<core_parallel>, #tpu.dimension_semantics<subcore_parallel>], iteration_bounds = array<i64: 2, 16>, scalar_prefetch = 0 : i64, scratch_operands = 10 : i64, tpu.core_type = #tpu.core_type<sc_vector_subcore>, window_params = [{transform_indices = #map}, {transform_indices = #map1}, {transform_indices = #map1}, {transform_indices = #map2}, {transform_indices = #map2}, {transform_indices = #map1}, {transform_indices = #map}, {transform_indices = #map2}]} {
    %mul3A = arith.constant 2 : i32
    %mul3A_0 = arith.muli %arg1, %mul3A : i32
    %add3A = arith.addi %mul3A_0, %arg0 : i32
    "tpu.region"() ({
      %run_scoped3A = tpu.sem_alloc : memref<!tpu.dma_semaphore, #tpu.memory_space<semaphore_mem>>
      %dma_start3A = arith.constant 0 : i32
      %dma_start3A_22 = arith.constant 0 : i32
      %dma_start3A_23 = tpu.memref_slice %arg5[%add3A, %dma_start3A, %dma_start3A_22] : memref<32x125x80xi32, #tpu.memory_space<hbm>> -> memref<1x125x80xi32, #tpu.memory_space<hbm>>
      %dma_start3A_24 = tpu.memref_squeeze %dma_start3A_23 : memref<1x125x80xi32, #tpu.memory_space<hbm>> -> memref<125x80xi32, #tpu.memory_space<hbm>>
      %dma_start3A_25 = arith.constant 0 : i32
      %dma_start3A_26 = arith.constant 0 : i32
      %dma_start3A_27 = tpu.memref_slice %arg5[%add3A, %dma_start3A_25, %dma_start3A_26] : memref<32x125x80xi32, #tpu.memory_space<hbm>> -> memref<1x125x80xi32, #tpu.memory_space<hbm>>
      %dma_start3A_28 = tpu.memref_squeeze %dma_start3A_27 : memref<1x125x80xi32, #tpu.memory_space<hbm>> -> memref<125x80xi32, #tpu.memory_space<hbm>>
      tpu.enqueue_dma source(%dma_start3A_28 : memref<125x80xi32, #tpu.memory_space<hbm>>) target(%arg10 : memref<125x80xi32, #tpu.memory_space<vmem>>) target_semaphore(%run_scoped3A : memref<!tpu.dma_semaphore, #tpu.memory_space<semaphore_mem>>)
      %dma_wait3A = arith.constant 0 : i32
      %dma_wait3A_29 = arith.constant 0 : i32
      %dma_wait3A_30 = tpu.memref_slice %arg5[%add3A, %dma_wait3A, %dma_wait3A_29] : memref<32x125x80xi32, #tpu.memory_space<hbm>> -> memref<1x125x80xi32, #tpu.memory_space<hbm>>
      %dma_wait3A_31 = tpu.memref_squeeze %dma_wait3A_30 : memref<1x125x80xi32, #tpu.memory_space<hbm>> -> memref<125x80xi32, #tpu.memory_space<hbm>>
      %dma_wait3A_32 = arith.constant 0 : i32
      %dma_wait3A_33 = arith.constant 0 : i32
      %dma_wait3A_34 = tpu.memref_slice %arg5[%add3A, %dma_wait3A_32, %dma_wait3A_33] : memref<32x125x80xi32, #tpu.memory_space<hbm>> -> memref<1x125x80xi32, #tpu.memory_space<hbm>>
      %dma_wait3A_35 = tpu.memref_squeeze %dma_wait3A_34 : memref<1x125x80xi32, #tpu.memory_space<hbm>> -> memref<125x80xi32, #tpu.memory_space<hbm>>
      tpu.wait_dma2 semaphore(%run_scoped3A : memref<!tpu.dma_semaphore, #tpu.memory_space<semaphore_mem>>) src(%dma_wait3A_35 : memref<125x80xi32, #tpu.memory_space<hbm>>) dst(%arg10 : memref<125x80xi32, #tpu.memory_space<vmem>>)
      tpu.yield
    }) : () -> ()
    "tpu.region"() ({
      %run_scoped3A = tpu.sem_alloc : memref<!tpu.dma_semaphore, #tpu.memory_space<semaphore_mem>>
      %dma_start3A = arith.constant 0 : i32
      %dma_start3A_22 = arith.constant 0 : i32
      %dma_start3A_23 = tpu.memref_slice %arg6[%add3A, %dma_start3A, %dma_start3A_22] : memref<32x125x80xi32, #tpu.memory_space<hbm>> -> memref<1x125x80xi32, #tpu.memory_space<hbm>>
      %dma_start3A_24 = tpu.memref_squeeze %dma_start3A_23 : memref<1x125x80xi32, #tpu.memory_space<hbm>> -> memref<125x80xi32, #tpu.memory_space<hbm>>
      %dma_start3A_25 = arith.constant 0 : i32
      %dma_start3A_26 = arith.constant 0 : i32
      %dma_start3A_27 = tpu.memref_slice %arg6[%add3A, %dma_start3A_25, %dma_start3A_26] : memref<32x125x80xi32, #tpu.memory_space<hbm>> -> memref<1x125x80xi32, #tpu.memory_space<hbm>>
      %dma_start3A_28 = tpu.memref_squeeze %dma_start3A_27 : memref<1x125x80xi32, #tpu.memory_space<hbm>> -> memref<125x80xi32, #tpu.memory_space<hbm>>
      tpu.enqueue_dma source(%dma_start3A_28 : memref<125x80xi32, #tpu.memory_space<hbm>>) target(%arg11 : memref<125x80xi32, #tpu.memory_space<vmem>>) target_semaphore(%run_scoped3A : memref<!tpu.dma_semaphore, #tpu.memory_space<semaphore_mem>>)
      %dma_wait3A = arith.constant 0 : i32
      %dma_wait3A_29 = arith.constant 0 : i32
      %dma_wait3A_30 = tpu.memref_slice %arg6[%add3A, %dma_wait3A, %dma_wait3A_29] : memref<32x125x80xi32, #tpu.memory_space<hbm>> -> memref<1x125x80xi32, #tpu.memory_space<hbm>>
      %dma_wait3A_31 = tpu.memref_squeeze %dma_wait3A_30 : memref<1x125x80xi32, #tpu.memory_space<hbm>> -> memref<125x80xi32, #tpu.memory_space<hbm>>
      %dma_wait3A_32 = arith.constant 0 : i32
      %dma_wait3A_33 = arith.constant 0 : i32
      %dma_wait3A_34 = tpu.memref_slice %arg6[%add3A, %dma_wait3A_32, %dma_wait3A_33] : memref<32x125x80xi32, #tpu.memory_space<hbm>> -> memref<1x125x80xi32, #tpu.memory_space<hbm>>
      %dma_wait3A_35 = tpu.memref_squeeze %dma_wait3A_34 : memref<1x125x80xi32, #tpu.memory_space<hbm>> -> memref<125x80xi32, #tpu.memory_space<hbm>>
      tpu.wait_dma2 semaphore(%run_scoped3A : memref<!tpu.dma_semaphore, #tpu.memory_space<semaphore_mem>>) src(%dma_wait3A_35 : memref<125x80xi32, #tpu.memory_space<hbm>>) dst(%arg11 : memref<125x80xi32, #tpu.memory_space<vmem>>)
      tpu.yield
    }) : () -> ()
    %mul3A_1 = arith.constant 624 : i32
    %mul3A_2 = arith.muli %arg1, %mul3A_1 : i32
    "tpu.region"() ({
      %run_scoped3A = tpu.sem_alloc : memref<!tpu.dma_semaphore, #tpu.memory_space<semaphore_mem>>
      %dma_start3A = arith.constant 0 : i32
      %dma_start3A_22 = tpu.memref_slice %arg17[%mul3A_2, %dma_start3A] : memref<10000x80xf32, #tpu.memory_space<vmem_shared>> -> memref<624x80xf32, #tpu.memory_space<vmem_shared>>
      %dma_start3A_23 = arith.constant 0 : i32
      %dma_start3A_24 = arith.constant 0 : i32
      %dma_start3A_25 = tpu.memref_slice %arg8[%dma_start3A_23, %dma_start3A_24] : memref<624x80xf32, #tpu.memory_space<hbm>> -> memref<624x80xf32, #tpu.memory_space<hbm>>
      tpu.enqueue_dma source(%dma_start3A_25 : memref<624x80xf32, #tpu.memory_space<hbm>>) target(%dma_start3A_22 : memref<624x80xf32, #tpu.memory_space<vmem_shared>>) target_semaphore(%run_scoped3A : memref<!tpu.dma_semaphore, #tpu.memory_space<semaphore_mem>>)
      %dma_wait3A = arith.constant 0 : i32
      %dma_wait3A_26 = tpu.memref_slice %arg17[%mul3A_2, %dma_wait3A] : memref<10000x80xf32, #tpu.memory_space<vmem_shared>> -> memref<624x80xf32, #tpu.memory_space<vmem_shared>>
      %dma_wait3A_27 = arith.constant 0 : i32
      %dma_wait3A_28 = arith.constant 0 : i32
      %dma_wait3A_29 = tpu.memref_slice %arg8[%dma_wait3A_27, %dma_wait3A_28] : memref<624x80xf32, #tpu.memory_space<hbm>> -> memref<624x80xf32, #tpu.memory_space<hbm>>
      tpu.wait_dma2 semaphore(%run_scoped3A : memref<!tpu.dma_semaphore, #tpu.memory_space<semaphore_mem>>) src(%dma_wait3A_29 : memref<624x80xf32, #tpu.memory_space<hbm>>) dst(%dma_wait3A_26 : memref<624x80xf32, #tpu.memory_space<vmem_shared>>)
      tpu.yield
    }) : () -> ()
    %eq3A = arith.constant 0 : i32
    %eq3A_3 = arith.cmpi eq, %arg1, %eq3A : i32
    %convert_element_type3A = arith.extui %eq3A_3 : i1 to i32
    %cond3A = arith.constant 0 : i32
    %cond3A_4 = arith.cmpi ne, %convert_element_type3A, %cond3A : i32
    scf.if %cond3A_4 {
      "tpu.region"() ({
        %run_scoped3A = tpu.sem_alloc : memref<!tpu.dma_semaphore, #tpu.memory_space<semaphore_mem>>
        %dma_start3A = arith.constant 9984 : i32
        %dma_start3A_22 = arith.constant 0 : i32
        %dma_start3A_23 = tpu.memref_slice %arg17[%dma_start3A, %dma_start3A_22] : memref<10000x80xf32, #tpu.memory_space<vmem_shared>> -> memref<16x80xf32, #tpu.memory_space<vmem_shared>>
        %dma_start3A_24 = arith.constant 0 : i32
        %dma_start3A_25 = arith.constant 0 : i32
        %dma_start3A_26 = tpu.memref_slice %arg8[%dma_start3A_24, %dma_start3A_25] : memref<624x80xf32, #tpu.memory_space<hbm>> -> memref<16x80xf32, #tpu.memory_space<hbm>>
        tpu.enqueue_dma source(%dma_start3A_26 : memref<16x80xf32, #tpu.memory_space<hbm>>) target(%dma_start3A_23 : memref<16x80xf32, #tpu.memory_space<vmem_shared>>) target_semaphore(%run_scoped3A : memref<!tpu.dma_semaphore, #tpu.memory_space<semaphore_mem>>)
        %dma_wait3A = arith.constant 9984 : i32
        %dma_wait3A_27 = arith.constant 0 : i32
        %dma_wait3A_28 = tpu.memref_slice %arg17[%dma_wait3A, %dma_wait3A_27] : memref<10000x80xf32, #tpu.memory_space<vmem_shared>> -> memref<16x80xf32, #tpu.memory_space<vmem_shared>>
        %dma_wait3A_29 = arith.constant 0 : i32
        %dma_wait3A_30 = arith.constant 0 : i32
        %dma_wait3A_31 = tpu.memref_slice %arg8[%dma_wait3A_29, %dma_wait3A_30] : memref<624x80xf32, #tpu.memory_space<hbm>> -> memref<16x80xf32, #tpu.memory_space<hbm>>
        tpu.wait_dma2 semaphore(%run_scoped3A : memref<!tpu.dma_semaphore, #tpu.memory_space<semaphore_mem>>) src(%dma_wait3A_31 : memref<16x80xf32, #tpu.memory_space<hbm>>) dst(%dma_wait3A_28 : memref<16x80xf32, #tpu.memory_space<vmem_shared>>)
        tpu.yield
      }) : () -> ()
    } else {
    }
    "tpu.region"() ({
      %run_scoped3A = tpu.sem_alloc : memref<!tpu.dma_semaphore, #tpu.memory_space<semaphore_mem>>
      tpu.enqueue_dma source(%arg3 : memref<10000xf32, #tpu.memory_space<hbm>>) target(%arg14 : memref<10000xf32, #tpu.memory_space<vmem>>) target_semaphore(%run_scoped3A : memref<!tpu.dma_semaphore, #tpu.memory_space<semaphore_mem>>)
      tpu.wait_dma2 semaphore(%run_scoped3A : memref<!tpu.dma_semaphore, #tpu.memory_space<semaphore_mem>>) src(%arg3 : memref<10000xf32, #tpu.memory_space<hbm>>) dst(%arg14 : memref<10000xf32, #tpu.memory_space<vmem>>)
      tpu.yield
    }) : () -> ()
    "tpu.region"() ({
      %run_scoped3A = tpu.sem_alloc : memref<!tpu.dma_semaphore, #tpu.memory_space<semaphore_mem>>
      tpu.enqueue_dma source(%arg4 : memref<10000xf32, #tpu.memory_space<hbm>>) target(%arg15 : memref<10000xf32, #tpu.memory_space<vmem>>) target_semaphore(%run_scoped3A : memref<!tpu.dma_semaphore, #tpu.memory_space<semaphore_mem>>)
      tpu.wait_dma2 semaphore(%run_scoped3A : memref<!tpu.dma_semaphore, #tpu.memory_space<semaphore_mem>>) src(%arg4 : memref<10000xf32, #tpu.memory_space<hbm>>) dst(%arg15 : memref<10000xf32, #tpu.memory_space<vmem>>)
      tpu.yield
    }) : () -> ()
    "tpu.region"() ({
      %run_scoped3A = tpu.sem_alloc : memref<!tpu.dma_semaphore, #tpu.memory_space<semaphore_mem>>
      tpu.enqueue_dma source(%arg7 : memref<16xf32, #tpu.memory_space<hbm>>) target(%arg16 : memref<16xf32, #tpu.memory_space<vmem>>) target_semaphore(%run_scoped3A : memref<!tpu.dma_semaphore, #tpu.memory_space<semaphore_mem>>)
      tpu.wait_dma2 semaphore(%run_scoped3A : memref<!tpu.dma_semaphore, #tpu.memory_space<semaphore_mem>>) src(%arg7 : memref<16xf32, #tpu.memory_space<hbm>>) dst(%arg16 : memref<16xf32, #tpu.memory_space<vmem>>)
      tpu.yield
    }) : () -> ()
    %barrier3A = arith.constant 0 : index
    tpu.barrier barrier_id(%barrier3A)
    %get3A = arith.constant 0 : index
    %get3A_5 = tpu.vector_load %arg16[%get3A] {strides = array<i32>} : memref<16xf32, #tpu.memory_space<vmem>>, vector<16xf32>,
    %scan3A = arith.constant 0 : i32
    %scan3A_6 = arith.constant 0 : i32
    %scan3A_7 = arith.constant 25 : i32
    %scan3A_8 = arith.addi %scan3A_6, %scan3A_7 : i32
    %scan3A_9 = arith.constant 1 : i32
    %scan3A_10 = scf.for %scan3A_22 = %scan3A_6 to %scan3A_8 step %scan3A_9 iter_args(%scan3A_23 = %scan3A) -> (i32)  : i32 {
      %mul3A_24 = arith.constant 5 : i32
      %mul3A_25 = arith.muli %scan3A_22, %mul3A_24 : i32
      %add3A_26 = arith.constant 0 : i32
      %add3A_27 = arith.addi %mul3A_25, %add3A_26 : i32
      %dma_start3A = arith.constant 0 : i32
      %dma_start3A_28 = arith.constant 0 : i32
      %dma_start3A_29 = arith.constant 0 : i32
      %dma_start3A_30 = tpu.memref_slice %arg12[%dma_start3A, %dma_start3A_28, %dma_start3A_29] : memref<5x80x80xf32, #tpu.memory_space<vmem>> -> memref<1x80x80xf32, #tpu.memory_space<vmem>>
      %dma_start3A_31 = tpu.memref_squeeze %dma_start3A_30 : memref<1x80x80xf32, #tpu.memory_space<vmem>> -> memref<80x80xf32, #tpu.memory_space<vmem>>
      %dma_start3A_32 = arith.constant 0 : i32
      %dma_start3A_33 = tpu.memref_slice %arg10[%add3A_27, %dma_start3A_32] : memref<125x80xi32, #tpu.memory_space<vmem>> -> memref<1x80xi32, #tpu.memory_space<vmem>>
      %dma_start3A_34 = tpu.memref_squeeze %dma_start3A_33 : memref<1x80xi32, #tpu.memory_space<vmem>> -> memref<80xi32, #tpu.memory_space<vmem>>
      %dma_start3A_35 = arith.constant 0 : i32
      %dma_start3A_36 = arith.constant 0 : i32
      %dma_start3A_37 = tpu.memref_slice %arg2[%dma_start3A_35, %dma_start3A_36] : memref<10000x80xf32, #tpu.memory_space<hbm>> -> memref<10000x80xf32, #tpu.memory_space<hbm>>
      tpu.enqueue_indirect_dma source(%dma_start3A_37 : memref<10000x80xf32, #tpu.memory_space<hbm>>) target(%dma_start3A_31 : memref<80x80xf32, #tpu.memory_space<vmem>>) offsets(%dma_start3A_34 : memref<80xi32, #tpu.memory_space<vmem>>) semaphore(%arg18 : memref<!tpu.dma_semaphore, #tpu.memory_space<semaphore_mem>>)
      %add3A_38 = arith.constant 1 : i32
      %add3A_39 = arith.addi %mul3A_25, %add3A_38 : i32
      %dma_start3A_40 = arith.constant 1 : i32
      %dma_start3A_41 = arith.constant 0 : i32
      %dma_start3A_42 = arith.constant 0 : i32
      %dma_start3A_43 = tpu.memref_slice %arg12[%dma_start3A_40, %dma_start3A_41, %dma_start3A_42] : memref<5x80x80xf32, #tpu.memory_space<vmem>> -> memref<1x80x80xf32, #tpu.memory_space<vmem>>
      %dma_start3A_44 = tpu.memref_squeeze %dma_start3A_43 : memref<1x80x80xf32, #tpu.memory_space<vmem>> -> memref<80x80xf32, #tpu.memory_space<vmem>>
      %dma_start3A_45 = arith.constant 0 : i32
      %dma_start3A_46 = tpu.memref_slice %arg10[%add3A_39, %dma_start3A_45] : memref<125x80xi32, #tpu.memory_space<vmem>> -> memref<1x80xi32, #tpu.memory_space<vmem>>
      %dma_start3A_47 = tpu.memref_squeeze %dma_start3A_46 : memref<1x80xi32, #tpu.memory_space<vmem>> -> memref<80xi32, #tpu.memory_space<vmem>>
      %dma_start3A_48 = arith.constant 0 : i32
      %dma_start3A_49 = arith.constant 0 : i32
      %dma_start3A_50 = tpu.memref_slice %arg2[%dma_start3A_48, %dma_start3A_49] : memref<10000x80xf32, #tpu.memory_space<hbm>> -> memref<10000x80xf32, #tpu.memory_space<hbm>>
      tpu.enqueue_indirect_dma source(%dma_start3A_50 : memref<10000x80xf32, #tpu.memory_space<hbm>>) target(%dma_start3A_44 : memref<80x80xf32, #tpu.memory_space<vmem>>) offsets(%dma_start3A_47 : memref<80xi32, #tpu.memory_space<vmem>>) semaphore(%arg18 : memref<!tpu.dma_semaphore, #tpu.memory_space<semaphore_mem>>)
      %add3A_51 = arith.constant 2 : i32
      %add3A_52 = arith.addi %mul3A_25, %add3A_51 : i32
      %dma_start3A_53 = arith.constant 2 : i32
      %dma_start3A_54 = arith.constant 0 : i32
      %dma_start3A_55 = arith.constant 0 : i32
      %dma_start3A_56 = tpu.memref_slice %arg12[%dma_start3A_53, %dma_start3A_54, %dma_start3A_55] : memref<5x80x80xf32, #tpu.memory_space<vmem>> -> memref<1x80x80xf32, #tpu.memory_space<vmem>>
      %dma_start3A_57 = tpu.memref_squeeze %dma_start3A_56 : memref<1x80x80xf32, #tpu.memory_space<vmem>> -> memref<80x80xf32, #tpu.memory_space<vmem>>
      %dma_start3A_58 = arith.constant 0 : i32
      %dma_start3A_59 = tpu.memref_slice %arg10[%add3A_52, %dma_start3A_58] : memref<125x80xi32, #tpu.memory_space<vmem>> -> memref<1x80xi32, #tpu.memory_space<vmem>>
      %dma_start3A_60 = tpu.memref_squeeze %dma_start3A_59 : memref<1x80xi32, #tpu.memory_space<vmem>> -> memref<80xi32, #tpu.memory_space<vmem>>
      %dma_start3A_61 = arith.constant 0 : i32
      %dma_start3A_62 = arith.constant 0 : i32
      %dma_start3A_63 = tpu.memref_slice %arg2[%dma_start3A_61, %dma_start3A_62] : memref<10000x80xf32, #tpu.memory_space<hbm>> -> memref<10000x80xf32, #tpu.memory_space<hbm>>
      tpu.enqueue_indirect_dma source(%dma_start3A_63 : memref<10000x80xf32, #tpu.memory_space<hbm>>) target(%dma_start3A_57 : memref<80x80xf32, #tpu.memory_space<vmem>>) offsets(%dma_start3A_60 : memref<80xi32, #tpu.memory_space<vmem>>) semaphore(%arg18 : memref<!tpu.dma_semaphore, #tpu.memory_space<semaphore_mem>>)
      %add3A_64 = arith.constant 3 : i32
      %add3A_65 = arith.addi %mul3A_25, %add3A_64 : i32
      %dma_start3A_66 = arith.constant 3 : i32
      %dma_start3A_67 = arith.constant 0 : i32
      %dma_start3A_68 = arith.constant 0 : i32
      %dma_start3A_69 = tpu.memref_slice %arg12[%dma_start3A_66, %dma_start3A_67, %dma_start3A_68] : memref<5x80x80xf32, #tpu.memory_space<vmem>> -> memref<1x80x80xf32, #tpu.memory_space<vmem>>
      %dma_start3A_70 = tpu.memref_squeeze %dma_start3A_69 : memref<1x80x80xf32, #tpu.memory_space<vmem>> -> memref<80x80xf32, #tpu.memory_space<vmem>>
      %dma_start3A_71 = arith.constant 0 : i32
      %dma_start3A_72 = tpu.memref_slice %arg10[%add3A_65, %dma_start3A_71] : memref<125x80xi32, #tpu.memory_space<vmem>> -> memref<1x80xi32, #tpu.memory_space<vmem>>
      %dma_start3A_73 = tpu.memref_squeeze %dma_start3A_72 : memref<1x80xi32, #tpu.memory_space<vmem>> -> memref<80xi32, #tpu.memory_space<vmem>>
      %dma_start3A_74 = arith.constant 0 : i32
      %dma_start3A_75 = arith.constant 0 : i32
      %dma_start3A_76 = tpu.memref_slice %arg2[%dma_start3A_74, %dma_start3A_75] : memref<10000x80xf32, #tpu.memory_space<hbm>> -> memref<10000x80xf32, #tpu.memory_space<hbm>>
      tpu.enqueue_indirect_dma source(%dma_start3A_76 : memref<10000x80xf32, #tpu.memory_space<hbm>>) target(%dma_start3A_70 : memref<80x80xf32, #tpu.memory_space<vmem>>) offsets(%dma_start3A_73 : memref<80xi32, #tpu.memory_space<vmem>>) semaphore(%arg18 : memref<!tpu.dma_semaphore, #tpu.memory_space<semaphore_mem>>)
      %add3A_77 = arith.constant 4 : i32
      %add3A_78 = arith.addi %mul3A_25, %add3A_77 : i32
      %dma_start3A_79 = arith.constant 4 : i32
      %dma_start3A_80 = arith.constant 0 : i32
      %dma_start3A_81 = arith.constant 0 : i32
      %dma_start3A_82 = tpu.memref_slice %arg12[%dma_start3A_79, %dma_start3A_80, %dma_start3A_81] : memref<5x80x80xf32, #tpu.memory_space<vmem>> -> memref<1x80x80xf32, #tpu.memory_space<vmem>>
      %dma_start3A_83 = tpu.memref_squeeze %dma_start3A_82 : memref<1x80x80xf32, #tpu.memory_space<vmem>> -> memref<80x80xf32, #tpu.memory_space<vmem>>
      %dma_start3A_84 = arith.constant 0 : i32
      %dma_start3A_85 = tpu.memref_slice %arg10[%add3A_78, %dma_start3A_84] : memref<125x80xi32, #tpu.memory_space<vmem>> -> memref<1x80xi32, #tpu.memory_space<vmem>>
      %dma_start3A_86 = tpu.memref_squeeze %dma_start3A_85 : memref<1x80xi32, #tpu.memory_space<vmem>> -> memref<80xi32, #tpu.memory_space<vmem>>
      %dma_start3A_87 = arith.constant 0 : i32
      %dma_start3A_88 = arith.constant 0 : i32
      %dma_start3A_89 = tpu.memref_slice %arg2[%dma_start3A_87, %dma_start3A_88] : memref<10000x80xf32, #tpu.memory_space<hbm>> -> memref<10000x80xf32, #tpu.memory_space<hbm>>
      tpu.enqueue_indirect_dma source(%dma_start3A_89 : memref<10000x80xf32, #tpu.memory_space<hbm>>) target(%dma_start3A_83 : memref<80x80xf32, #tpu.memory_space<vmem>>) offsets(%dma_start3A_86 : memref<80xi32, #tpu.memory_space<vmem>>) semaphore(%arg18 : memref<!tpu.dma_semaphore, #tpu.memory_space<semaphore_mem>>)
      %dma_wait3A = arith.constant 0 : i32
      %dma_wait3A_90 = arith.constant 0 : i32
      %dma_wait3A_91 = arith.constant 0 : i32
      %dma_wait3A_92 = tpu.memref_slice %arg12[%dma_wait3A, %dma_wait3A_90, %dma_wait3A_91] : memref<5x80x80xf32, #tpu.memory_space<vmem>> -> memref<1x80x80xf32, #tpu.memory_space<vmem>>
      %dma_wait3A_93 = tpu.memref_squeeze %dma_wait3A_92 : memref<1x80x80xf32, #tpu.memory_space<vmem>> -> memref<80x80xf32, #tpu.memory_space<vmem>>
      %dma_wait3A_94 = arith.constant 0 : i32
      %dma_wait3A_95 = tpu.memref_slice %arg10[%add3A_27, %dma_wait3A_94] : memref<125x80xi32, #tpu.memory_space<vmem>> -> memref<1x80xi32, #tpu.memory_space<vmem>>
      %dma_wait3A_96 = tpu.memref_squeeze %dma_wait3A_95 : memref<1x80xi32, #tpu.memory_space<vmem>> -> memref<80xi32, #tpu.memory_space<vmem>>
      %dma_wait3A_97 = arith.constant 0 : i32
      %dma_wait3A_98 = arith.constant 0 : i32
      %dma_wait3A_99 = tpu.memref_slice %arg2[%dma_wait3A_97, %dma_wait3A_98] : memref<10000x80xf32, #tpu.memory_space<hbm>> -> memref<10000x80xf32, #tpu.memory_space<hbm>>
      tpu.wait_indirect_dma semaphore(%arg18 : memref<!tpu.dma_semaphore, #tpu.memory_space<semaphore_mem>>) src(%dma_wait3A_99 : memref<10000x80xf32, #tpu.memory_space<hbm>>) dst(%dma_wait3A_93 : memref<80x80xf32, #tpu.memory_space<vmem>>)
      %add3A_100 = arith.constant 0 : i32
      %add3A_101 = arith.addi %mul3A_25, %add3A_100 : i32
      %get3A_102 = arith.index_cast %add3A_101 : i32 to index
      %get3A_103 = arith.constant 0 : index
      %get3A_104 = tpu.vector_load %arg10[%get3A_102, %get3A_103] {strides = array<i32>} : memref<125x80xi32, #tpu.memory_space<vmem>>, vector<16xi32>,
      %gather3A = tpu.vector_load_idx %arg14[%get3A_104] : memref<10000xf32, #tpu.memory_space<vmem>>[vector<16xi32>], vector<16xf32>,
      %add3A_105 = arith.constant 0 : i32
      %add3A_106 = arith.addi %mul3A_25, %add3A_105 : i32
      %get3A_107 = arith.index_cast %add3A_106 : i32 to index
      %get3A_108 = arith.constant 0 : index
      %get3A_109 = tpu.vector_load %arg11[%get3A_107, %get3A_108] {strides = array<i32>} : memref<125x80xi32, #tpu.memory_space<vmem>>, vector<16xi32>,
      %gather3A_110 = tpu.vector_load_idx %arg15[%get3A_109] : memref<10000xf32, #tpu.memory_space<vmem>>[vector<16xi32>], vector<16xf32>,
      %add3A_111 = arith.addf %gather3A, %gather3A_110 : vector<16xf32>
      %gt3A = arith.constant 0.000000e+00 : f32
      %gt3A_112 = vector.broadcast %gt3A : f32 to vector<16xf32>
      %gt3A_113 = arith.cmpf ogt, %add3A_111, %gt3A_112 : vector<16xf32>
      %mul3A_114 = arith.constant 2.000000e-01 : f32
      %mul3A_115 = vector.broadcast %mul3A_114 : f32 to vector<16xf32>
      %mul3A_116 = arith.mulf %mul3A_115, %add3A_111 : vector<16xf32>
      %select_n3A = arith.select %gt3A_113, %add3A_111, %mul3A_116 : vector<16xi1>, vector<16xf32>
      %sub3A = arith.subf %select_n3A, %get3A_5 : vector<16xf32>
      %exp3A = math.exp %sub3A : vector<16xf32>
      %swap3A = arith.constant 0 : index
      %swap3A_117 = tpu.vector_load %arg13[%swap3A] {strides = array<i32>} : memref<80xf32, #tpu.memory_space<vmem>>, vector<16xf32>,
      tpu.vector_store %arg13[%swap3A], %exp3A {strides = array<i32>} : memref<80xf32, #tpu.memory_space<vmem>>, vector<16xf32>,
      %add3A_118 = arith.constant 0 : i32
      %add3A_119 = arith.addi %mul3A_25, %add3A_118 : i32
      %get3A_120 = arith.index_cast %add3A_119 : i32 to index
      %get3A_121 = arith.constant 16 : index
      %get3A_122 = tpu.vector_load %arg10[%get3A_120, %get3A_121] {strides = array<i32>} : memref<125x80xi32, #tpu.memory_space<vmem>>, vector<16xi32>,
      %gather3A_123 = tpu.vector_load_idx %arg14[%get3A_122] : memref<10000xf32, #tpu.memory_space<vmem>>[vector<16xi32>], vector<16xf32>,
      %add3A_124 = arith.constant 0 : i32
      %add3A_125 = arith.addi %mul3A_25, %add3A_124 : i32
      %get3A_126 = arith.index_cast %add3A_125 : i32 to index
      %get3A_127 = arith.constant 16 : index
      %get3A_128 = tpu.vector_load %arg11[%get3A_126, %get3A_127] {strides = array<i32>} : memref<125x80xi32, #tpu.memory_space<vmem>>, vector<16xi32>,
      %gather3A_129 = tpu.vector_load_idx %arg15[%get3A_128] : memref<10000xf32, #tpu.memory_space<vmem>>[vector<16xi32>], vector<16xf32>,
      %add3A_130 = arith.addf %gather3A_123, %gather3A_129 : vector<16xf32>
      %gt3A_131 = arith.constant 0.000000e+00 : f32
      %gt3A_132 = vector.broadcast %gt3A_131 : f32 to vector<16xf32>
      %gt3A_133 = arith.cmpf ogt, %add3A_130, %gt3A_132 : vector<16xf32>
      %mul3A_134 = arith.constant 2.000000e-01 : f32
      %mul3A_135 = vector.broadcast %mul3A_134 : f32 to vector<16xf32>
      %mul3A_136 = arith.mulf %mul3A_135, %add3A_130 : vector<16xf32>
      %select_n3A_137 = arith.select %gt3A_133, %add3A_130, %mul3A_136 : vector<16xi1>, vector<16xf32>
      %sub3A_138 = arith.subf %select_n3A_137, %get3A_5 : vector<16xf32>
      %exp3A_139 = math.exp %sub3A_138 : vector<16xf32>
      %swap3A_140 = arith.constant 16 : index
      %swap3A_141 = tpu.vector_load %arg13[%swap3A_140] {strides = array<i32>} : memref<80xf32, #tpu.memory_space<vmem>>, vector<16xf32>,
      tpu.vector_store %arg13[%swap3A_140], %exp3A_139 {strides = array<i32>} : memref<80xf32, #tpu.memory_space<vmem>>, vector<16xf32>,
      %add3A_142 = arith.constant 0 : i32
      %add3A_143 = arith.addi %mul3A_25, %add3A_142 : i32
      %get3A_144 = arith.index_cast %add3A_143 : i32 to index
      %get3A_145 = arith.constant 32 : index
      %get3A_146 = tpu.vector_load %arg10[%get3A_144, %get3A_145] {strides = array<i32>} : memref<125x80xi32, #tpu.memory_space<vmem>>, vector<16xi32>,
      %gather3A_147 = tpu.vector_load_idx %arg14[%get3A_146] : memref<10000xf32, #tpu.memory_space<vmem>>[vector<16xi32>], vector<16xf32>,
      %add3A_148 = arith.constant 0 : i32
      %add3A_149 = arith.addi %mul3A_25, %add3A_148 : i32
      %get3A_150 = arith.index_cast %add3A_149 : i32 to index
      %get3A_151 = arith.constant 32 : index
      %get3A_152 = tpu.vector_load %arg11[%get3A_150, %get3A_151] {strides = array<i32>} : memref<125x80xi32, #tpu.memory_space<vmem>>, vector<16xi32>,
      %gather3A_153 = tpu.vector_load_idx %arg15[%get3A_152] : memref<10000xf32, #tpu.memory_space<vmem>>[vector<16xi32>], vector<16xf32>,
      %add3A_154 = arith.addf %gather3A_147, %gather3A_153 : vector<16xf32>
      %gt3A_155 = arith.constant 0.000000e+00 : f32
      %gt3A_156 = vector.broadcast %gt3A_155 : f32 to vector<16xf32>
      %gt3A_157 = arith.cmpf ogt, %add3A_154, %gt3A_156 : vector<16xf32>
      %mul3A_158 = arith.constant 2.000000e-01 : f32
      %mul3A_159 = vector.broadcast %mul3A_158 : f32 to vector<16xf32>
      %mul3A_160 = arith.mulf %mul3A_159, %add3A_154 : vector<16xf32>
      %select_n3A_161 = arith.select %gt3A_157, %add3A_154, %mul3A_160 : vector<16xi1>, vector<16xf32>
      %sub3A_162 = arith.subf %select_n3A_161, %get3A_5 : vector<16xf32>
      %exp3A_163 = math.exp %sub3A_162 : vector<16xf32>
      %swap3A_164 = arith.constant 32 : index
      %swap3A_165 = tpu.vector_load %arg13[%swap3A_164] {strides = array<i32>} : memref<80xf32, #tpu.memory_space<vmem>>, vector<16xf32>,
      tpu.vector_store %arg13[%swap3A_164], %exp3A_163 {strides = array<i32>} : memref<80xf32, #tpu.memory_space<vmem>>, vector<16xf32>,
      %add3A_166 = arith.constant 0 : i32
      %add3A_167 = arith.addi %mul3A_25, %add3A_166 : i32
      %get3A_168 = arith.index_cast %add3A_167 : i32 to index
      %get3A_169 = arith.constant 48 : index
      %get3A_170 = tpu.vector_load %arg10[%get3A_168, %get3A_169] {strides = array<i32>} : memref<125x80xi32, #tpu.memory_space<vmem>>, vector<16xi32>,
      %gather3A_171 = tpu.vector_load_idx %arg14[%get3A_170] : memref<10000xf32, #tpu.memory_space<vmem>>[vector<16xi32>], vector<16xf32>,
      %add3A_172 = arith.constant 0 : i32
      %add3A_173 = arith.addi %mul3A_25, %add3A_172 : i32
      %get3A_174 = arith.index_cast %add3A_173 : i32 to index
      %get3A_175 = arith.constant 48 : index
      %get3A_176 = tpu.vector_load %arg11[%get3A_174, %get3A_175] {strides = array<i32>} : memref<125x80xi32, #tpu.memory_space<vmem>>, vector<16xi32>,
      %gather3A_177 = tpu.vector_load_idx %arg15[%get3A_176] : memref<10000xf32, #tpu.memory_space<vmem>>[vector<16xi32>], vector<16xf32>,
      %add3A_178 = arith.addf %gather3A_171, %gather3A_177 : vector<16xf32>
      %gt3A_179 = arith.constant 0.000000e+00 : f32
      %gt3A_180 = vector.broadcast %gt3A_179 : f32 to vector<16xf32>
      %gt3A_181 = arith.cmpf ogt, %add3A_178, %gt3A_180 : vector<16xf32>
      %mul3A_182 = arith.constant 2.000000e-01 : f32
      %mul3A_183 = vector.broadcast %mul3A_182 : f32 to vector<16xf32>
      %mul3A_184 = arith.mulf %mul3A_183, %add3A_178 : vector<16xf32>
      %select_n3A_185 = arith.select %gt3A_181, %add3A_178, %mul3A_184 : vector<16xi1>, vector<16xf32>
      %sub3A_186 = arith.subf %select_n3A_185, %get3A_5 : vector<16xf32>
      %exp3A_187 = math.exp %sub3A_186 : vector<16xf32>
      %swap3A_188 = arith.constant 48 : index
      %swap3A_189 = tpu.vector_load %arg13[%swap3A_188] {strides = array<i32>} : memref<80xf32, #tpu.memory_space<vmem>>, vector<16xf32>,
      tpu.vector_store %arg13[%swap3A_188], %exp3A_187 {strides = array<i32>} : memref<80xf32, #tpu.memory_space<vmem>>, vector<16xf32>,
      %add3A_190 = arith.constant 0 : i32
      %add3A_191 = arith.addi %mul3A_25, %add3A_190 : i32
      %get3A_192 = arith.index_cast %add3A_191 : i32 to index
      %get3A_193 = arith.constant 64 : index
      %get3A_194 = tpu.vector_load %arg10[%get3A_192, %get3A_193] {strides = array<i32>} : memref<125x80xi32, #tpu.memory_space<vmem>>, vector<16xi32>,
      %gather3A_195 = tpu.vector_load_idx %arg14[%get3A_194] : memref<10000xf32, #tpu.memory_space<vmem>>[vector<16xi32>], vector<16xf32>,
      %add3A_196 = arith.constant 0 : i32
      %add3A_197 = arith.addi %mul3A_25, %add3A_196 : i32
      %get3A_198 = arith.index_cast %add3A_197 : i32 to index
      %get3A_199 = arith.constant 64 : index
      %get3A_200 = tpu.vector_load %arg11[%get3A_198, %get3A_199] {strides = array<i32>} : memref<125x80xi32, #tpu.memory_space<vmem>>, vector<16xi32>,
      %gather3A_201 = tpu.vector_load_idx %arg15[%get3A_200] : memref<10000xf32, #tpu.memory_space<vmem>>[vector<16xi32>], vector<16xf32>,
      %add3A_202 = arith.addf %gather3A_195, %gather3A_201 : vector<16xf32>
      %gt3A_203 = arith.constant 0.000000e+00 : f32
      %gt3A_204 = vector.broadcast %gt3A_203 : f32 to vector<16xf32>
      %gt3A_205 = arith.cmpf ogt, %add3A_202, %gt3A_204 : vector<16xf32>
      %mul3A_206 = arith.constant 2.000000e-01 : f32
      %mul3A_207 = vector.broadcast %mul3A_206 : f32 to vector<16xf32>
      %mul3A_208 = arith.mulf %mul3A_207, %add3A_202 : vector<16xf32>
      %select_n3A_209 = arith.select %gt3A_205, %add3A_202, %mul3A_208 : vector<16xi1>, vector<16xf32>
      %sub3A_210 = arith.subf %select_n3A_209, %get3A_5 : vector<16xf32>
      %exp3A_211 = math.exp %sub3A_210 : vector<16xf32>
      %swap3A_212 = arith.constant 64 : index
      %swap3A_213 = tpu.vector_load %arg13[%swap3A_212] {strides = array<i32>} : memref<80xf32, #tpu.memory_space<vmem>>, vector<16xf32>,
      tpu.vector_store %arg13[%swap3A_212], %exp3A_211 {strides = array<i32>} : memref<80xf32, #tpu.memory_space<vmem>>, vector<16xf32>,
      %parallel_loop3A = arith.constant 0 : i32
      %parallel_loop3A_214 = arith.constant 80 : i32
      %parallel_loop3A_215 = arith.constant 1 : i32
      scf.for %parallel_loop3A_873 = %parallel_loop3A to %parallel_loop3A_214 step %parallel_loop3A_215  : i32 {
        %parallel_loop3A_874 = arith.constant 0 : i32
        %parallel_loop3A_875 = vector.broadcast %parallel_loop3A_874 : i32 to vector<16xi32>
        %parallel_loop3A_876 = vector.broadcast %parallel_loop3A_873 : i32 to vector<16xi32>
        %parallel_loop3A_877 = arith.addi %parallel_loop3A_875, %parallel_loop3A_876 : vector<16xi32>
        %parallel_loop3A_878 = tpu.vector_load_idx %arg13[%parallel_loop3A_877] : memref<80xf32, #tpu.memory_space<vmem>>[vector<16xi32>], vector<16xf32>,
        %parallel_loop3A_879 = arith.constant 0 : i32
        %parallel_loop3A_880 = arith.index_cast %parallel_loop3A_879 : i32 to index
        %parallel_loop3A_881 = arith.index_cast %parallel_loop3A_873 : i32 to index
        %parallel_loop3A_882 = arith.constant 0 : index
        %parallel_loop3A_883 = tpu.vector_load %arg12[%parallel_loop3A_880, %parallel_loop3A_881, %parallel_loop3A_882] {strides = array<i32>} : memref<5x80x80xf32, #tpu.memory_space<vmem>>, vector<16xf32>,
        %parallel_loop3A_884 = arith.mulf %parallel_loop3A_883, %parallel_loop3A_878 : vector<16xf32>
        %parallel_loop3A_885 = arith.constant 0 : i32
        %parallel_loop3A_886 = arith.index_cast %parallel_loop3A_885 : i32 to index
        %parallel_loop3A_887 = arith.index_cast %parallel_loop3A_873 : i32 to index
        %parallel_loop3A_888 = arith.constant 0 : index
        %parallel_loop3A_889 = tpu.vector_load %arg12[%parallel_loop3A_886, %parallel_loop3A_887, %parallel_loop3A_888] {strides = array<i32>} : memref<5x80x80xf32, #tpu.memory_space<vmem>>, vector<16xf32>,
        tpu.vector_store %arg12[%parallel_loop3A_886, %parallel_loop3A_887, %parallel_loop3A_888], %parallel_loop3A_884 {strides = array<i32>} : memref<5x80x80xf32, #tpu.memory_space<vmem>>, vector<16xf32>,
        %parallel_loop3A_890 = arith.constant 0 : i32
        %parallel_loop3A_891 = arith.index_cast %parallel_loop3A_890 : i32 to index
        %parallel_loop3A_892 = arith.index_cast %parallel_loop3A_873 : i32 to index
        %parallel_loop3A_893 = arith.constant 16 : index
        %parallel_loop3A_894 = tpu.vector_load %arg12[%parallel_loop3A_891, %parallel_loop3A_892, %parallel_loop3A_893] {strides = array<i32>} : memref<5x80x80xf32, #tpu.memory_space<vmem>>, vector<16xf32>,
        %parallel_loop3A_895 = arith.mulf %parallel_loop3A_894, %parallel_loop3A_878 : vector<16xf32>
        %parallel_loop3A_896 = arith.constant 0 : i32
        %parallel_loop3A_897 = arith.index_cast %parallel_loop3A_896 : i32 to index
        %parallel_loop3A_898 = arith.index_cast %parallel_loop3A_873 : i32 to index
        %parallel_loop3A_899 = arith.constant 16 : index
        %parallel_loop3A_900 = tpu.vector_load %arg12[%parallel_loop3A_897, %parallel_loop3A_898, %parallel_loop3A_899] {strides = array<i32>} : memref<5x80x80xf32, #tpu.memory_space<vmem>>, vector<16xf32>,
        tpu.vector_store %arg12[%parallel_loop3A_897, %parallel_loop3A_898, %parallel_loop3A_899], %parallel_loop3A_895 {strides = array<i32>} : memref<5x80x80xf32, #tpu.memory_space<vmem>>, vector<16xf32>,
        %parallel_loop3A_901 = arith.constant 0 : i32
        %parallel_loop3A_902 = arith.index_cast %parallel_loop3A_901 : i32 to index
        %parallel_loop3A_903 = arith.index_cast %parallel_loop3A_873 : i32 to index
        %parallel_loop3A_904 = arith.constant 32 : index
        %parallel_loop3A_905 = tpu.vector_load %arg12[%parallel_loop3A_902, %parallel_loop3A_903, %parallel_loop3A_904] {strides = array<i32>} : memref<5x80x80xf32, #tpu.memory_space<vmem>>, vector<16xf32>,
        %parallel_loop3A_906 = arith.mulf %parallel_loop3A_905, %parallel_loop3A_878 : vector<16xf32>
        %parallel_loop3A_907 = arith.constant 0 : i32
        %parallel_loop3A_908 = arith.index_cast %parallel_loop3A_907 : i32 to index
        %parallel_loop3A_909 = arith.index_cast %parallel_loop3A_873 : i32 to index
        %parallel_loop3A_910 = arith.constant 32 : index
        %parallel_loop3A_911 = tpu.vector_load %arg12[%parallel_loop3A_908, %parallel_loop3A_909, %parallel_loop3A_910] {strides = array<i32>} : memref<5x80x80xf32, #tpu.memory_space<vmem>>, vector<16xf32>,
        tpu.vector_store %arg12[%parallel_loop3A_908, %parallel_loop3A_909, %parallel_loop3A_910], %parallel_loop3A_906 {strides = array<i32>} : memref<5x80x80xf32, #tpu.memory_space<vmem>>, vector<16xf32>,
        %parallel_loop3A_912 = arith.constant 0 : i32
        %parallel_loop3A_913 = arith.index_cast %parallel_loop3A_912 : i32 to index
        %parallel_loop3A_914 = arith.index_cast %parallel_loop3A_873 : i32 to index
        %parallel_loop3A_915 = arith.constant 48 : index
        %parallel_loop3A_916 = tpu.vector_load %arg12[%parallel_loop3A_913, %parallel_loop3A_914, %parallel_loop3A_915] {strides = array<i32>} : memref<5x80x80xf32, #tpu.memory_space<vmem>>, vector<16xf32>,
        %parallel_loop3A_917 = arith.mulf %parallel_loop3A_916, %parallel_loop3A_878 : vector<16xf32>
        %parallel_loop3A_918 = arith.constant 0 : i32
        %parallel_loop3A_919 = arith.index_cast %parallel_loop3A_918 : i32 to index
        %parallel_loop3A_920 = arith.index_cast %parallel_loop3A_873 : i32 to index
        %parallel_loop3A_921 = arith.constant 48 : index
        %parallel_loop3A_922 = tpu.vector_load %arg12[%parallel_loop3A_919, %parallel_loop3A_920, %parallel_loop3A_921] {strides = array<i32>} : memref<5x80x80xf32, #tpu.memory_space<vmem>>, vector<16xf32>,
        tpu.vector_store %arg12[%parallel_loop3A_919, %parallel_loop3A_920, %parallel_loop3A_921], %parallel_loop3A_917 {strides = array<i32>} : memref<5x80x80xf32, #tpu.memory_space<vmem>>, vector<16xf32>,
        %parallel_loop3A_923 = arith.constant 0 : i32
        %parallel_loop3A_924 = arith.index_cast %parallel_loop3A_923 : i32 to index
        %parallel_loop3A_925 = arith.index_cast %parallel_loop3A_873 : i32 to index
        %parallel_loop3A_926 = arith.constant 64 : index
        %parallel_loop3A_927 = tpu.vector_load %arg12[%parallel_loop3A_924, %parallel_loop3A_925, %parallel_loop3A_926] {strides = array<i32>} : memref<5x80x80xf32, #tpu.memory_space<vmem>>, vector<16xf32>,
        %parallel_loop3A_928 = arith.mulf %parallel_loop3A_927, %parallel_loop3A_878 : vector<16xf32>
        %parallel_loop3A_929 = arith.constant 0 : i32
        %parallel_loop3A_930 = arith.index_cast %parallel_loop3A_929 : i32 to index
        %parallel_loop3A_931 = arith.index_cast %parallel_loop3A_873 : i32 to index
        %parallel_loop3A_932 = arith.constant 64 : index
        %parallel_loop3A_933 = tpu.vector_load %arg12[%parallel_loop3A_930, %parallel_loop3A_931, %parallel_loop3A_932] {strides = array<i32>} : memref<5x80x80xf32, #tpu.memory_space<vmem>>, vector<16xf32>,
        tpu.vector_store %arg12[%parallel_loop3A_930, %parallel_loop3A_931, %parallel_loop3A_932], %parallel_loop3A_928 {strides = array<i32>} : memref<5x80x80xf32, #tpu.memory_space<vmem>>, vector<16xf32>,
      } {sc.loop_unroll_factor = 8 : i64, sc.parallel_access}
      %add3A_216 = arith.constant 0 : i32
      %add3A_217 = arith.addi %mul3A_25, %add3A_216 : i32
      %dma_start3A_218 = arith.constant 0 : i32
      %dma_start3A_219 = arith.constant 0 : i32
      %dma_start3A_220 = arith.constant 0 : i32
      %dma_start3A_221 = tpu.memref_slice %arg12[%dma_start3A_218, %dma_start3A_219, %dma_start3A_220] : memref<5x80x80xf32, #tpu.memory_space<vmem>> -> memref<1x80x80xf32, #tpu.memory_space<vmem>>
      %dma_start3A_222 = tpu.memref_squeeze %dma_start3A_221 : memref<1x80x80xf32, #tpu.memory_space<vmem>> -> memref<80x80xf32, #tpu.memory_space<vmem>>
      %dma_start3A_223 = arith.constant 0 : i32
      %dma_start3A_224 = tpu.memref_slice %arg11[%add3A_217, %dma_start3A_223] : memref<125x80xi32, #tpu.memory_space<vmem>> -> memref<1x80xi32, #tpu.memory_space<vmem>>
      %dma_start3A_225 = tpu.memref_squeeze %dma_start3A_224 : memref<1x80xi32, #tpu.memory_space<vmem>> -> memref<80xi32, #tpu.memory_space<vmem>>
      %dma_start3A_226 = arith.constant 0 : i32
      %dma_start3A_227 = arith.constant 0 : i32
      %dma_start3A_228 = tpu.memref_slice %arg17[%dma_start3A_226, %dma_start3A_227] : memref<10000x80xf32, #tpu.memory_space<vmem_shared>> -> memref<10000x80xf32, #tpu.memory_space<vmem_shared>>
      tpu.enqueue_indirect_dma source(%dma_start3A_222 : memref<80x80xf32, #tpu.memory_space<vmem>>) target(%dma_start3A_228 : memref<10000x80xf32, #tpu.memory_space<vmem_shared>>) offsets(%dma_start3A_225 : memref<80xi32, #tpu.memory_space<vmem>>) semaphore(%arg19 : memref<!tpu.dma_semaphore, #tpu.memory_space<semaphore_mem>>) {add = true}
      %dma_wait3A_229 = arith.constant 1 : i32
      %dma_wait3A_230 = arith.constant 0 : i32
      %dma_wait3A_231 = arith.constant 0 : i32
      %dma_wait3A_232 = tpu.memref_slice %arg12[%dma_wait3A_229, %dma_wait3A_230, %dma_wait3A_231] : memref<5x80x80xf32, #tpu.memory_space<vmem>> -> memref<1x80x80xf32, #tpu.memory_space<vmem>>
      %dma_wait3A_233 = tpu.memref_squeeze %dma_wait3A_232 : memref<1x80x80xf32, #tpu.memory_space<vmem>> -> memref<80x80xf32, #tpu.memory_space<vmem>>
      %dma_wait3A_234 = arith.constant 0 : i32
      %dma_wait3A_235 = tpu.memref_slice %arg10[%add3A_39, %dma_wait3A_234] : memref<125x80xi32, #tpu.memory_space<vmem>> -> memref<1x80xi32, #tpu.memory_space<vmem>>
      %dma_wait3A_236 = tpu.memref_squeeze %dma_wait3A_235 : memref<1x80xi32, #tpu.memory_space<vmem>> -> memref<80xi32, #tpu.memory_space<vmem>>
      %dma_wait3A_237 = arith.constant 0 : i32
      %dma_wait3A_238 = arith.constant 0 : i32
      %dma_wait3A_239 = tpu.memref_slice %arg2[%dma_wait3A_237, %dma_wait3A_238] : memref<10000x80xf32, #tpu.memory_space<hbm>> -> memref<10000x80xf32, #tpu.memory_space<hbm>>
      tpu.wait_indirect_dma semaphore(%arg18 : memref<!tpu.dma_semaphore, #tpu.memory_space<semaphore_mem>>) src(%dma_wait3A_239 : memref<10000x80xf32, #tpu.memory_space<hbm>>) dst(%dma_wait3A_233 : memref<80x80xf32, #tpu.memory_space<vmem>>)
      %add3A_240 = arith.constant 1 : i32
      %add3A_241 = arith.addi %mul3A_25, %add3A_240 : i32
      %get3A_242 = arith.index_cast %add3A_241 : i32 to index
      %get3A_243 = arith.constant 0 : index
      %get3A_244 = tpu.vector_load %arg10[%get3A_242, %get3A_243] {strides = array<i32>} : memref<125x80xi32, #tpu.memory_space<vmem>>, vector<16xi32>,
      %gather3A_245 = tpu.vector_load_idx %arg14[%get3A_244] : memref<10000xf32, #tpu.memory_space<vmem>>[vector<16xi32>], vector<16xf32>,
      %add3A_246 = arith.constant 1 : i32
      %add3A_247 = arith.addi %mul3A_25, %add3A_246 : i32
      %get3A_248 = arith.index_cast %add3A_247 : i32 to index
      %get3A_249 = arith.constant 0 : index
      %get3A_250 = tpu.vector_load %arg11[%get3A_248, %get3A_249] {strides = array<i32>} : memref<125x80xi32, #tpu.memory_space<vmem>>, vector<16xi32>,
      %gather3A_251 = tpu.vector_load_idx %arg15[%get3A_250] : memref<10000xf32, #tpu.memory_space<vmem>>[vector<16xi32>], vector<16xf32>,
      %add3A_252 = arith.addf %gather3A_245, %gather3A_251 : vector<16xf32>
      %gt3A_253 = arith.constant 0.000000e+00 : f32
      %gt3A_254 = vector.broadcast %gt3A_253 : f32 to vector<16xf32>
      %gt3A_255 = arith.cmpf ogt, %add3A_252, %gt3A_254 : vector<16xf32>
      %mul3A_256 = arith.constant 2.000000e-01 : f32
      %mul3A_257 = vector.broadcast %mul3A_256 : f32 to vector<16xf32>
      %mul3A_258 = arith.mulf %mul3A_257, %add3A_252 : vector<16xf32>
      %select_n3A_259 = arith.select %gt3A_255, %add3A_252, %mul3A_258 : vector<16xi1>, vector<16xf32>
      %sub3A_260 = arith.subf %select_n3A_259, %get3A_5 : vector<16xf32>
      %exp3A_261 = math.exp %sub3A_260 : vector<16xf32>
      %swap3A_262 = arith.constant 0 : index
      %swap3A_263 = tpu.vector_load %arg13[%swap3A_262] {strides = array<i32>} : memref<80xf32, #tpu.memory_space<vmem>>, vector<16xf32>,
      tpu.vector_store %arg13[%swap3A_262], %exp3A_261 {strides = array<i32>} : memref<80xf32, #tpu.memory_space<vmem>>, vector<16xf32>,
      %add3A_264 = arith.constant 1 : i32
      %add3A_265 = arith.addi %mul3A_25, %add3A_264 : i32
      %get3A_266 = arith.index_cast %add3A_265 : i32 to index
      %get3A_267 = arith.constant 16 : index
      %get3A_268 = tpu.vector_load %arg10[%get3A_266, %get3A_267] {strides = array<i32>} : memref<125x80xi32, #tpu.memory_space<vmem>>, vector<16xi32>,
      %gather3A_269 = tpu.vector_load_idx %arg14[%get3A_268] : memref<10000xf32, #tpu.memory_space<vmem>>[vector<16xi32>], vector<16xf32>,
      %add3A_270 = arith.constant 1 : i32
      %add3A_271 = arith.addi %mul3A_25, %add3A_270 : i32
      %get3A_272 = arith.index_cast %add3A_271 : i32 to index
      %get3A_273 = arith.constant 16 : index
      %get3A_274 = tpu.vector_load %arg11[%get3A_272, %get3A_273] {strides = array<i32>} : memref<125x80xi32, #tpu.memory_space<vmem>>, vector<16xi32>,
      %gather3A_275 = tpu.vector_load_idx %arg15[%get3A_274] : memref<10000xf32, #tpu.memory_space<vmem>>[vector<16xi32>], vector<16xf32>,
      %add3A_276 = arith.addf %gather3A_269, %gather3A_275 : vector<16xf32>
      %gt3A_277 = arith.constant 0.000000e+00 : f32
      %gt3A_278 = vector.broadcast %gt3A_277 : f32 to vector<16xf32>
      %gt3A_279 = arith.cmpf ogt, %add3A_276, %gt3A_278 : vector<16xf32>
      %mul3A_280 = arith.constant 2.000000e-01 : f32
      %mul3A_281 = vector.broadcast %mul3A_280 : f32 to vector<16xf32>
      %mul3A_282 = arith.mulf %mul3A_281, %add3A_276 : vector<16xf32>
      %select_n3A_283 = arith.select %gt3A_279, %add3A_276, %mul3A_282 : vector<16xi1>, vector<16xf32>
      %sub3A_284 = arith.subf %select_n3A_283, %get3A_5 : vector<16xf32>
      %exp3A_285 = math.exp %sub3A_284 : vector<16xf32>
      %swap3A_286 = arith.constant 16 : index
      %swap3A_287 = tpu.vector_load %arg13[%swap3A_286] {strides = array<i32>} : memref<80xf32, #tpu.memory_space<vmem>>, vector<16xf32>,
      tpu.vector_store %arg13[%swap3A_286], %exp3A_285 {strides = array<i32>} : memref<80xf32, #tpu.memory_space<vmem>>, vector<16xf32>,
      %add3A_288 = arith.constant 1 : i32
      %add3A_289 = arith.addi %mul3A_25, %add3A_288 : i32
      %get3A_290 = arith.index_cast %add3A_289 : i32 to index
      %get3A_291 = arith.constant 32 : index
      %get3A_292 = tpu.vector_load %arg10[%get3A_290, %get3A_291] {strides = array<i32>} : memref<125x80xi32, #tpu.memory_space<vmem>>, vector<16xi32>,
      %gather3A_293 = tpu.vector_load_idx %arg14[%get3A_292] : memref<10000xf32, #tpu.memory_space<vmem>>[vector<16xi32>], vector<16xf32>,
      %add3A_294 = arith.constant 1 : i32
      %add3A_295 = arith.addi %mul3A_25, %add3A_294 : i32
      %get3A_296 = arith.index_cast %add3A_295 : i32 to index
      %get3A_297 = arith.constant 32 : index
      %get3A_298 = tpu.vector_load %arg11[%get3A_296, %get3A_297] {strides = array<i32>} : memref<125x80xi32, #tpu.memory_space<vmem>>, vector<16xi32>,
      %gather3A_299 = tpu.vector_load_idx %arg15[%get3A_298] : memref<10000xf32, #tpu.memory_space<vmem>>[vector<16xi32>], vector<16xf32>,
      %add3A_300 = arith.addf %gather3A_293, %gather3A_299 : vector<16xf32>
      %gt3A_301 = arith.constant 0.000000e+00 : f32
      %gt3A_302 = vector.broadcast %gt3A_301 : f32 to vector<16xf32>
      %gt3A_303 = arith.cmpf ogt, %add3A_300, %gt3A_302 : vector<16xf32>
      %mul3A_304 = arith.constant 2.000000e-01 : f32
      %mul3A_305 = vector.broadcast %mul3A_304 : f32 to vector<16xf32>
      %mul3A_306 = arith.mulf %mul3A_305, %add3A_300 : vector<16xf32>
      %select_n3A_307 = arith.select %gt3A_303, %add3A_300, %mul3A_306 : vector<16xi1>, vector<16xf32>
      %sub3A_308 = arith.subf %select_n3A_307, %get3A_5 : vector<16xf32>
      %exp3A_309 = math.exp %sub3A_308 : vector<16xf32>
      %swap3A_310 = arith.constant 32 : index
      %swap3A_311 = tpu.vector_load %arg13[%swap3A_310] {strides = array<i32>} : memref<80xf32, #tpu.memory_space<vmem>>, vector<16xf32>,
      tpu.vector_store %arg13[%swap3A_310], %exp3A_309 {strides = array<i32>} : memref<80xf32, #tpu.memory_space<vmem>>, vector<16xf32>,
      %add3A_312 = arith.constant 1 : i32
      %add3A_313 = arith.addi %mul3A_25, %add3A_312 : i32
      %get3A_314 = arith.index_cast %add3A_313 : i32 to index
      %get3A_315 = arith.constant 48 : index
      %get3A_316 = tpu.vector_load %arg10[%get3A_314, %get3A_315] {strides = array<i32>} : memref<125x80xi32, #tpu.memory_space<vmem>>, vector<16xi32>,
      %gather3A_317 = tpu.vector_load_idx %arg14[%get3A_316] : memref<10000xf32, #tpu.memory_space<vmem>>[vector<16xi32>], vector<16xf32>,
      %add3A_318 = arith.constant 1 : i32
      %add3A_319 = arith.addi %mul3A_25, %add3A_318 : i32
      %get3A_320 = arith.index_cast %add3A_319 : i32 to index
      %get3A_321 = arith.constant 48 : index
      %get3A_322 = tpu.vector_load %arg11[%get3A_320, %get3A_321] {strides = array<i32>} : memref<125x80xi32, #tpu.memory_space<vmem>>, vector<16xi32>,
      %gather3A_323 = tpu.vector_load_idx %arg15[%get3A_322] : memref<10000xf32, #tpu.memory_space<vmem>>[vector<16xi32>], vector<16xf32>,
      %add3A_324 = arith.addf %gather3A_317, %gather3A_323 : vector<16xf32>
      %gt3A_325 = arith.constant 0.000000e+00 : f32
      %gt3A_326 = vector.broadcast %gt3A_325 : f32 to vector<16xf32>
      %gt3A_327 = arith.cmpf ogt, %add3A_324, %gt3A_326 : vector<16xf32>
      %mul3A_328 = arith.constant 2.000000e-01 : f32
      %mul3A_329 = vector.broadcast %mul3A_328 : f32 to vector<16xf32>
      %mul3A_330 = arith.mulf %mul3A_329, %add3A_324 : vector<16xf32>
      %select_n3A_331 = arith.select %gt3A_327, %add3A_324, %mul3A_330 : vector<16xi1>, vector<16xf32>
      %sub3A_332 = arith.subf %select_n3A_331, %get3A_5 : vector<16xf32>
      %exp3A_333 = math.exp %sub3A_332 : vector<16xf32>
      %swap3A_334 = arith.constant 48 : index
      %swap3A_335 = tpu.vector_load %arg13[%swap3A_334] {strides = array<i32>} : memref<80xf32, #tpu.memory_space<vmem>>, vector<16xf32>,
      tpu.vector_store %arg13[%swap3A_334], %exp3A_333 {strides = array<i32>} : memref<80xf32, #tpu.memory_space<vmem>>, vector<16xf32>,
      %add3A_336 = arith.constant 1 : i32
      %add3A_337 = arith.addi %mul3A_25, %add3A_336 : i32
      %get3A_338 = arith.index_cast %add3A_337 : i32 to index
      %get3A_339 = arith.constant 64 : index
      %get3A_340 = tpu.vector_load %arg10[%get3A_338, %get3A_339] {strides = array<i32>} : memref<125x80xi32, #tpu.memory_space<vmem>>, vector<16xi32>,
      %gather3A_341 = tpu.vector_load_idx %arg14[%get3A_340] : memref<10000xf32, #tpu.memory_space<vmem>>[vector<16xi32>], vector<16xf32>,
      %add3A_342 = arith.constant 1 : i32
      %add3A_343 = arith.addi %mul3A_25, %add3A_342 : i32
      %get3A_344 = arith.index_cast %add3A_343 : i32 to index
      %get3A_345 = arith.constant 64 : index
      %get3A_346 = tpu.vector_load %arg11[%get3A_344, %get3A_345] {strides = array<i32>} : memref<125x80xi32, #tpu.memory_space<vmem>>, vector<16xi32>,
      %gather3A_347 = tpu.vector_load_idx %arg15[%get3A_346] : memref<10000xf32, #tpu.memory_space<vmem>>[vector<16xi32>], vector<16xf32>,
      %add3A_348 = arith.addf %gather3A_341, %gather3A_347 : vector<16xf32>
      %gt3A_349 = arith.constant 0.000000e+00 : f32
      %gt3A_350 = vector.broadcast %gt3A_349 : f32 to vector<16xf32>
      %gt3A_351 = arith.cmpf ogt, %add3A_348, %gt3A_350 : vector<16xf32>
      %mul3A_352 = arith.constant 2.000000e-01 : f32
      %mul3A_353 = vector.broadcast %mul3A_352 : f32 to vector<16xf32>
      %mul3A_354 = arith.mulf %mul3A_353, %add3A_348 : vector<16xf32>
      %select_n3A_355 = arith.select %gt3A_351, %add3A_348, %mul3A_354 : vector<16xi1>, vector<16xf32>
      %sub3A_356 = arith.subf %select_n3A_355, %get3A_5 : vector<16xf32>
      %exp3A_357 = math.exp %sub3A_356 : vector<16xf32>
      %swap3A_358 = arith.constant 64 : index
      %swap3A_359 = tpu.vector_load %arg13[%swap3A_358] {strides = array<i32>} : memref<80xf32, #tpu.memory_space<vmem>>, vector<16xf32>,
      tpu.vector_store %arg13[%swap3A_358], %exp3A_357 {strides = array<i32>} : memref<80xf32, #tpu.memory_space<vmem>>, vector<16xf32>,
      %parallel_loop3A_360 = arith.constant 0 : i32
      %parallel_loop3A_361 = arith.constant 80 : i32
      %parallel_loop3A_362 = arith.constant 1 : i32
      scf.for %parallel_loop3A_873 = %parallel_loop3A_360 to %parallel_loop3A_361 step %parallel_loop3A_362  : i32 {
        %parallel_loop3A_874 = arith.constant 0 : i32
        %parallel_loop3A_875 = vector.broadcast %parallel_loop3A_874 : i32 to vector<16xi32>
        %parallel_loop3A_876 = vector.broadcast %parallel_loop3A_873 : i32 to vector<16xi32>
        %parallel_loop3A_877 = arith.addi %parallel_loop3A_875, %parallel_loop3A_876 : vector<16xi32>
        %parallel_loop3A_878 = tpu.vector_load_idx %arg13[%parallel_loop3A_877] : memref<80xf32, #tpu.memory_space<vmem>>[vector<16xi32>], vector<16xf32>,
        %parallel_loop3A_879 = arith.constant 1 : i32
        %parallel_loop3A_880 = arith.index_cast %parallel_loop3A_879 : i32 to index
        %parallel_loop3A_881 = arith.index_cast %parallel_loop3A_873 : i32 to index
        %parallel_loop3A_882 = arith.constant 0 : index
        %parallel_loop3A_883 = tpu.vector_load %arg12[%parallel_loop3A_880, %parallel_loop3A_881, %parallel_loop3A_882] {strides = array<i32>} : memref<5x80x80xf32, #tpu.memory_space<vmem>>, vector<16xf32>,
        %parallel_loop3A_884 = arith.mulf %parallel_loop3A_883, %parallel_loop3A_878 : vector<16xf32>
        %parallel_loop3A_885 = arith.constant 1 : i32
        %parallel_loop3A_886 = arith.index_cast %parallel_loop3A_885 : i32 to index
        %parallel_loop3A_887 = arith.index_cast %parallel_loop3A_873 : i32 to index
        %parallel_loop3A_888 = arith.constant 0 : index
        %parallel_loop3A_889 = tpu.vector_load %arg12[%parallel_loop3A_886, %parallel_loop3A_887, %parallel_loop3A_888] {strides = array<i32>} : memref<5x80x80xf32, #tpu.memory_space<vmem>>, vector<16xf32>,
        tpu.vector_store %arg12[%parallel_loop3A_886, %parallel_loop3A_887, %parallel_loop3A_888], %parallel_loop3A_884 {strides = array<i32>} : memref<5x80x80xf32, #tpu.memory_space<vmem>>, vector<16xf32>,
        %parallel_loop3A_890 = arith.constant 1 : i32
        %parallel_loop3A_891 = arith.index_cast %parallel_loop3A_890 : i32 to index
        %parallel_loop3A_892 = arith.index_cast %parallel_loop3A_873 : i32 to index
        %parallel_loop3A_893 = arith.constant 16 : index
        %parallel_loop3A_894 = tpu.vector_load %arg12[%parallel_loop3A_891, %parallel_loop3A_892, %parallel_loop3A_893] {strides = array<i32>} : memref<5x80x80xf32, #tpu.memory_space<vmem>>, vector<16xf32>,
        %parallel_loop3A_895 = arith.mulf %parallel_loop3A_894, %parallel_loop3A_878 : vector<16xf32>
        %parallel_loop3A_896 = arith.constant 1 : i32
        %parallel_loop3A_897 = arith.index_cast %parallel_loop3A_896 : i32 to index
        %parallel_loop3A_898 = arith.index_cast %parallel_loop3A_873 : i32 to index
        %parallel_loop3A_899 = arith.constant 16 : index
        %parallel_loop3A_900 = tpu.vector_load %arg12[%parallel_loop3A_897, %parallel_loop3A_898, %parallel_loop3A_899] {strides = array<i32>} : memref<5x80x80xf32, #tpu.memory_space<vmem>>, vector<16xf32>,
        tpu.vector_store %arg12[%parallel_loop3A_897, %parallel_loop3A_898, %parallel_loop3A_899], %parallel_loop3A_895 {strides = array<i32>} : memref<5x80x80xf32, #tpu.memory_space<vmem>>, vector<16xf32>,
        %parallel_loop3A_901 = arith.constant 1 : i32
        %parallel_loop3A_902 = arith.index_cast %parallel_loop3A_901 : i32 to index
        %parallel_loop3A_903 = arith.index_cast %parallel_loop3A_873 : i32 to index
        %parallel_loop3A_904 = arith.constant 32 : index
        %parallel_loop3A_905 = tpu.vector_load %arg12[%parallel_loop3A_902, %parallel_loop3A_903, %parallel_loop3A_904] {strides = array<i32>} : memref<5x80x80xf32, #tpu.memory_space<vmem>>, vector<16xf32>,
        %parallel_loop3A_906 = arith.mulf %parallel_loop3A_905, %parallel_loop3A_878 : vector<16xf32>
        %parallel_loop3A_907 = arith.constant 1 : i32
        %parallel_loop3A_908 = arith.index_cast %parallel_loop3A_907 : i32 to index
        %parallel_loop3A_909 = arith.index_cast %parallel_loop3A_873 : i32 to index
        %parallel_loop3A_910 = arith.constant 32 : index
        %parallel_loop3A_911 = tpu.vector_load %arg12[%parallel_loop3A_908, %parallel_loop3A_909, %parallel_loop3A_910] {strides = array<i32>} : memref<5x80x80xf32, #tpu.memory_space<vmem>>, vector<16xf32>,
        tpu.vector_store %arg12[%parallel_loop3A_908, %parallel_loop3A_909, %parallel_loop3A_910], %parallel_loop3A_906 {strides = array<i32>} : memref<5x80x80xf32, #tpu.memory_space<vmem>>, vector<16xf32>,
        %parallel_loop3A_912 = arith.constant 1 : i32
        %parallel_loop3A_913 = arith.index_cast %parallel_loop3A_912 : i32 to index
        %parallel_loop3A_914 = arith.index_cast %parallel_loop3A_873 : i32 to index
        %parallel_loop3A_915 = arith.constant 48 : index
        %parallel_loop3A_916 = tpu.vector_load %arg12[%parallel_loop3A_913, %parallel_loop3A_914, %parallel_loop3A_915] {strides = array<i32>} : memref<5x80x80xf32, #tpu.memory_space<vmem>>, vector<16xf32>,
        %parallel_loop3A_917 = arith.mulf %parallel_loop3A_916, %parallel_loop3A_878 : vector<16xf32>
        %parallel_loop3A_918 = arith.constant 1 : i32
        %parallel_loop3A_919 = arith.index_cast %parallel_loop3A_918 : i32 to index
        %parallel_loop3A_920 = arith.index_cast %parallel_loop3A_873 : i32 to index
        %parallel_loop3A_921 = arith.constant 48 : index
        %parallel_loop3A_922 = tpu.vector_load %arg12[%parallel_loop3A_919, %parallel_loop3A_920, %parallel_loop3A_921] {strides = array<i32>} : memref<5x80x80xf32, #tpu.memory_space<vmem>>, vector<16xf32>,
        tpu.vector_store %arg12[%parallel_loop3A_919, %parallel_loop3A_920, %parallel_loop3A_921], %parallel_loop3A_917 {strides = array<i32>} : memref<5x80x80xf32, #tpu.memory_space<vmem>>, vector<16xf32>,
        %parallel_loop3A_923 = arith.constant 1 : i32
        %parallel_loop3A_924 = arith.index_cast %parallel_loop3A_923 : i32 to index
        %parallel_loop3A_925 = arith.index_cast %parallel_loop3A_873 : i32 to index
        %parallel_loop3A_926 = arith.constant 64 : index
        %parallel_loop3A_927 = tpu.vector_load %arg12[%parallel_loop3A_924, %parallel_loop3A_925, %parallel_loop3A_926] {strides = array<i32>} : memref<5x80x80xf32, #tpu.memory_space<vmem>>, vector<16xf32>,
        %parallel_loop3A_928 = arith.mulf %parallel_loop3A_927, %parallel_loop3A_878 : vector<16xf32>
        %parallel_loop3A_929 = arith.constant 1 : i32
        %parallel_loop3A_930 = arith.index_cast %parallel_loop3A_929 : i32 to index
        %parallel_loop3A_931 = arith.index_cast %parallel_loop3A_873 : i32 to index
        %parallel_loop3A_932 = arith.constant 64 : index
        %parallel_loop3A_933 = tpu.vector_load %arg12[%parallel_loop3A_930, %parallel_loop3A_931, %parallel_loop3A_932] {strides = array<i32>} : memref<5x80x80xf32, #tpu.memory_space<vmem>>, vector<16xf32>,
        tpu.vector_store %arg12[%parallel_loop3A_930, %parallel_loop3A_931, %parallel_loop3A_932], %parallel_loop3A_928 {strides = array<i32>} : memref<5x80x80xf32, #tpu.memory_space<vmem>>, vector<16xf32>,
      } {sc.loop_unroll_factor = 8 : i64, sc.parallel_access}
      %add3A_363 = arith.constant 1 : i32
      %add3A_364 = arith.addi %mul3A_25, %add3A_363 : i32
      %dma_start3A_365 = arith.constant 1 : i32
      %dma_start3A_366 = arith.constant 0 : i32
      %dma_start3A_367 = arith.constant 0 : i32
      %dma_start3A_368 = tpu.memref_slice %arg12[%dma_start3A_365, %dma_start3A_366, %dma_start3A_367] : memref<5x80x80xf32, #tpu.memory_space<vmem>> -> memref<1x80x80xf32, #tpu.memory_space<vmem>>
      %dma_start3A_369 = tpu.memref_squeeze %dma_start3A_368 : memref<1x80x80xf32, #tpu.memory_space<vmem>> -> memref<80x80xf32, #tpu.memory_space<vmem>>
      %dma_start3A_370 = arith.constant 0 : i32
      %dma_start3A_371 = tpu.memref_slice %arg11[%add3A_364, %dma_start3A_370] : memref<125x80xi32, #tpu.memory_space<vmem>> -> memref<1x80xi32, #tpu.memory_space<vmem>>
      %dma_start3A_372 = tpu.memref_squeeze %dma_start3A_371 : memref<1x80xi32, #tpu.memory_space<vmem>> -> memref<80xi32, #tpu.memory_space<vmem>>
      %dma_start3A_373 = arith.constant 0 : i32
      %dma_start3A_374 = arith.constant 0 : i32
      %dma_start3A_375 = tpu.memref_slice %arg17[%dma_start3A_373, %dma_start3A_374] : memref<10000x80xf32, #tpu.memory_space<vmem_shared>> -> memref<10000x80xf32, #tpu.memory_space<vmem_shared>>
      tpu.enqueue_indirect_dma source(%dma_start3A_369 : memref<80x80xf32, #tpu.memory_space<vmem>>) target(%dma_start3A_375 : memref<10000x80xf32, #tpu.memory_space<vmem_shared>>) offsets(%dma_start3A_372 : memref<80xi32, #tpu.memory_space<vmem>>) semaphore(%arg19 : memref<!tpu.dma_semaphore, #tpu.memory_space<semaphore_mem>>) {add = true}
      %dma_wait3A_376 = arith.constant 2 : i32
      %dma_wait3A_377 = arith.constant 0 : i32
      %dma_wait3A_378 = arith.constant 0 : i32
      %dma_wait3A_379 = tpu.memref_slice %arg12[%dma_wait3A_376, %dma_wait3A_377, %dma_wait3A_378] : memref<5x80x80xf32, #tpu.memory_space<vmem>> -> memref<1x80x80xf32, #tpu.memory_space<vmem>>
      %dma_wait3A_380 = tpu.memref_squeeze %dma_wait3A_379 : memref<1x80x80xf32, #tpu.memory_space<vmem>> -> memref<80x80xf32, #tpu.memory_space<vmem>>
      %dma_wait3A_381 = arith.constant 0 : i32
      %dma_wait3A_382 = tpu.memref_slice %arg10[%add3A_52, %dma_wait3A_381] : memref<125x80xi32, #tpu.memory_space<vmem>> -> memref<1x80xi32, #tpu.memory_space<vmem>>
      %dma_wait3A_383 = tpu.memref_squeeze %dma_wait3A_382 : memref<1x80xi32, #tpu.memory_space<vmem>> -> memref<80xi32, #tpu.memory_space<vmem>>
      %dma_wait3A_384 = arith.constant 0 : i32
      %dma_wait3A_385 = arith.constant 0 : i32
      %dma_wait3A_386 = tpu.memref_slice %arg2[%dma_wait3A_384, %dma_wait3A_385] : memref<10000x80xf32, #tpu.memory_space<hbm>> -> memref<10000x80xf32, #tpu.memory_space<hbm>>
      tpu.wait_indirect_dma semaphore(%arg18 : memref<!tpu.dma_semaphore, #tpu.memory_space<semaphore_mem>>) src(%dma_wait3A_386 : memref<10000x80xf32, #tpu.memory_space<hbm>>) dst(%dma_wait3A_380 : memref<80x80xf32, #tpu.memory_space<vmem>>)
      %add3A_387 = arith.constant 2 : i32
      %add3A_388 = arith.addi %mul3A_25, %add3A_387 : i32
      %get3A_389 = arith.index_cast %add3A_388 : i32 to index
      %get3A_390 = arith.constant 0 : index
      %get3A_391 = tpu.vector_load %arg10[%get3A_389, %get3A_390] {strides = array<i32>} : memref<125x80xi32, #tpu.memory_space<vmem>>, vector<16xi32>,
      %gather3A_392 = tpu.vector_load_idx %arg14[%get3A_391] : memref<10000xf32, #tpu.memory_space<vmem>>[vector<16xi32>], vector<16xf32>,
      %add3A_393 = arith.constant 2 : i32
      %add3A_394 = arith.addi %mul3A_25, %add3A_393 : i32
      %get3A_395 = arith.index_cast %add3A_394 : i32 to index
      %get3A_396 = arith.constant 0 : index
      %get3A_397 = tpu.vector_load %arg11[%get3A_395, %get3A_396] {strides = array<i32>} : memref<125x80xi32, #tpu.memory_space<vmem>>, vector<16xi32>,
      %gather3A_398 = tpu.vector_load_idx %arg15[%get3A_397] : memref<10000xf32, #tpu.memory_space<vmem>>[vector<16xi32>], vector<16xf32>,
      %add3A_399 = arith.addf %gather3A_392, %gather3A_398 : vector<16xf32>
      %gt3A_400 = arith.constant 0.000000e+00 : f32
      %gt3A_401 = vector.broadcast %gt3A_400 : f32 to vector<16xf32>
      %gt3A_402 = arith.cmpf ogt, %add3A_399, %gt3A_401 : vector<16xf32>
      %mul3A_403 = arith.constant 2.000000e-01 : f32
      %mul3A_404 = vector.broadcast %mul3A_403 : f32 to vector<16xf32>
      %mul3A_405 = arith.mulf %mul3A_404, %add3A_399 : vector<16xf32>
      %select_n3A_406 = arith.select %gt3A_402, %add3A_399, %mul3A_405 : vector<16xi1>, vector<16xf32>
      %sub3A_407 = arith.subf %select_n3A_406, %get3A_5 : vector<16xf32>
      %exp3A_408 = math.exp %sub3A_407 : vector<16xf32>
      %swap3A_409 = arith.constant 0 : index
      %swap3A_410 = tpu.vector_load %arg13[%swap3A_409] {strides = array<i32>} : memref<80xf32, #tpu.memory_space<vmem>>, vector<16xf32>,
      tpu.vector_store %arg13[%swap3A_409], %exp3A_408 {strides = array<i32>} : memref<80xf32, #tpu.memory_space<vmem>>, vector<16xf32>,
      %add3A_411 = arith.constant 2 : i32
      %add3A_412 = arith.addi %mul3A_25, %add3A_411 : i32
      %get3A_413 = arith.index_cast %add3A_412 : i32 to index
      %get3A_414 = arith.constant 16 : index
      %get3A_415 = tpu.vector_load %arg10[%get3A_413, %get3A_414] {strides = array<i32>} : memref<125x80xi32, #tpu.memory_space<vmem>>, vector<16xi32>,
      %gather3A_416 = tpu.vector_load_idx %arg14[%get3A_415] : memref<10000xf32, #tpu.memory_space<vmem>>[vector<16xi32>], vector<16xf32>,
      %add3A_417 = arith.constant 2 : i32
      %add3A_418 = arith.addi %mul3A_25, %add3A_417 : i32
      %get3A_419 = arith.index_cast %add3A_418 : i32 to index
      %get3A_420 = arith.constant 16 : index
      %get3A_421 = tpu.vector_load %arg11[%get3A_419, %get3A_420] {strides = array<i32>} : memref<125x80xi32, #tpu.memory_space<vmem>>, vector<16xi32>,
      %gather3A_422 = tpu.vector_load_idx %arg15[%get3A_421] : memref<10000xf32, #tpu.memory_space<vmem>>[vector<16xi32>], vector<16xf32>,
      %add3A_423 = arith.addf %gather3A_416, %gather3A_422 : vector<16xf32>
      %gt3A_424 = arith.constant 0.000000e+00 : f32
      %gt3A_425 = vector.broadcast %gt3A_424 : f32 to vector<16xf32>
      %gt3A_426 = arith.cmpf ogt, %add3A_423, %gt3A_425 : vector<16xf32>
      %mul3A_427 = arith.constant 2.000000e-01 : f32
      %mul3A_428 = vector.broadcast %mul3A_427 : f32 to vector<16xf32>
      %mul3A_429 = arith.mulf %mul3A_428, %add3A_423 : vector<16xf32>
      %select_n3A_430 = arith.select %gt3A_426, %add3A_423, %mul3A_429 : vector<16xi1>, vector<16xf32>
      %sub3A_431 = arith.subf %select_n3A_430, %get3A_5 : vector<16xf32>
      %exp3A_432 = math.exp %sub3A_431 : vector<16xf32>
      %swap3A_433 = arith.constant 16 : index
      %swap3A_434 = tpu.vector_load %arg13[%swap3A_433] {strides = array<i32>} : memref<80xf32, #tpu.memory_space<vmem>>, vector<16xf32>,
      tpu.vector_store %arg13[%swap3A_433], %exp3A_432 {strides = array<i32>} : memref<80xf32, #tpu.memory_space<vmem>>, vector<16xf32>,
      %add3A_435 = arith.constant 2 : i32
      %add3A_436 = arith.addi %mul3A_25, %add3A_435 : i32
      %get3A_437 = arith.index_cast %add3A_436 : i32 to index
      %get3A_438 = arith.constant 32 : index
      %get3A_439 = tpu.vector_load %arg10[%get3A_437, %get3A_438] {strides = array<i32>} : memref<125x80xi32, #tpu.memory_space<vmem>>, vector<16xi32>,
      %gather3A_440 = tpu.vector_load_idx %arg14[%get3A_439] : memref<10000xf32, #tpu.memory_space<vmem>>[vector<16xi32>], vector<16xf32>,
      %add3A_441 = arith.constant 2 : i32
      %add3A_442 = arith.addi %mul3A_25, %add3A_441 : i32
      %get3A_443 = arith.index_cast %add3A_442 : i32 to index
      %get3A_444 = arith.constant 32 : index
      %get3A_445 = tpu.vector_load %arg11[%get3A_443, %get3A_444] {strides = array<i32>} : memref<125x80xi32, #tpu.memory_space<vmem>>, vector<16xi32>,
      %gather3A_446 = tpu.vector_load_idx %arg15[%get3A_445] : memref<10000xf32, #tpu.memory_space<vmem>>[vector<16xi32>], vector<16xf32>,
      %add3A_447 = arith.addf %gather3A_440, %gather3A_446 : vector<16xf32>
      %gt3A_448 = arith.constant 0.000000e+00 : f32
      %gt3A_449 = vector.broadcast %gt3A_448 : f32 to vector<16xf32>
      %gt3A_450 = arith.cmpf ogt, %add3A_447, %gt3A_449 : vector<16xf32>
      %mul3A_451 = arith.constant 2.000000e-01 : f32
      %mul3A_452 = vector.broadcast %mul3A_451 : f32 to vector<16xf32>
      %mul3A_453 = arith.mulf %mul3A_452, %add3A_447 : vector<16xf32>
      %select_n3A_454 = arith.select %gt3A_450, %add3A_447, %mul3A_453 : vector<16xi1>, vector<16xf32>
      %sub3A_455 = arith.subf %select_n3A_454, %get3A_5 : vector<16xf32>
      %exp3A_456 = math.exp %sub3A_455 : vector<16xf32>
      %swap3A_457 = arith.constant 32 : index
      %swap3A_458 = tpu.vector_load %arg13[%swap3A_457] {strides = array<i32>} : memref<80xf32, #tpu.memory_space<vmem>>, vector<16xf32>,
      tpu.vector_store %arg13[%swap3A_457], %exp3A_456 {strides = array<i32>} : memref<80xf32, #tpu.memory_space<vmem>>, vector<16xf32>,
      %add3A_459 = arith.constant 2 : i32
      %add3A_460 = arith.addi %mul3A_25, %add3A_459 : i32
      %get3A_461 = arith.index_cast %add3A_460 : i32 to index
      %get3A_462 = arith.constant 48 : index
      %get3A_463 = tpu.vector_load %arg10[%get3A_461, %get3A_462] {strides = array<i32>} : memref<125x80xi32, #tpu.memory_space<vmem>>, vector<16xi32>,
      %gather3A_464 = tpu.vector_load_idx %arg14[%get3A_463] : memref<10000xf32, #tpu.memory_space<vmem>>[vector<16xi32>], vector<16xf32>,
      %add3A_465 = arith.constant 2 : i32
      %add3A_466 = arith.addi %mul3A_25, %add3A_465 : i32
      %get3A_467 = arith.index_cast %add3A_466 : i32 to index
      %get3A_468 = arith.constant 48 : index
      %get3A_469 = tpu.vector_load %arg11[%get3A_467, %get3A_468] {strides = array<i32>} : memref<125x80xi32, #tpu.memory_space<vmem>>, vector<16xi32>,
      %gather3A_470 = tpu.vector_load_idx %arg15[%get3A_469] : memref<10000xf32, #tpu.memory_space<vmem>>[vector<16xi32>], vector<16xf32>,
      %add3A_471 = arith.addf %gather3A_464, %gather3A_470 : vector<16xf32>
      %gt3A_472 = arith.constant 0.000000e+00 : f32
      %gt3A_473 = vector.broadcast %gt3A_472 : f32 to vector<16xf32>
      %gt3A_474 = arith.cmpf ogt, %add3A_471, %gt3A_473 : vector<16xf32>
      %mul3A_475 = arith.constant 2.000000e-01 : f32
      %mul3A_476 = vector.broadcast %mul3A_475 : f32 to vector<16xf32>
      %mul3A_477 = arith.mulf %mul3A_476, %add3A_471 : vector<16xf32>
      %select_n3A_478 = arith.select %gt3A_474, %add3A_471, %mul3A_477 : vector<16xi1>, vector<16xf32>
      %sub3A_479 = arith.subf %select_n3A_478, %get3A_5 : vector<16xf32>
      %exp3A_480 = math.exp %sub3A_479 : vector<16xf32>
      %swap3A_481 = arith.constant 48 : index
      %swap3A_482 = tpu.vector_load %arg13[%swap3A_481] {strides = array<i32>} : memref<80xf32, #tpu.memory_space<vmem>>, vector<16xf32>,
      tpu.vector_store %arg13[%swap3A_481], %exp3A_480 {strides = array<i32>} : memref<80xf32, #tpu.memory_space<vmem>>, vector<16xf32>,
      %add3A_483 = arith.constant 2 : i32
      %add3A_484 = arith.addi %mul3A_25, %add3A_483 : i32
      %get3A_485 = arith.index_cast %add3A_484 : i32 to index
      %get3A_486 = arith.constant 64 : index
      %get3A_487 = tpu.vector_load %arg10[%get3A_485, %get3A_486] {strides = array<i32>} : memref<125x80xi32, #tpu.memory_space<vmem>>, vector<16xi32>,
      %gather3A_488 = tpu.vector_load_idx %arg14[%get3A_487] : memref<10000xf32, #tpu.memory_space<vmem>>[vector<16xi32>], vector<16xf32>,
      %add3A_489 = arith.constant 2 : i32
      %add3A_490 = arith.addi %mul3A_25, %add3A_489 : i32
      %get3A_491 = arith.index_cast %add3A_490 : i32 to index
      %get3A_492 = arith.constant 64 : index
      %get3A_493 = tpu.vector_load %arg11[%get3A_491, %get3A_492] {strides = array<i32>} : memref<125x80xi32, #tpu.memory_space<vmem>>, vector<16xi32>,
      %gather3A_494 = tpu.vector_load_idx %arg15[%get3A_493] : memref<10000xf32, #tpu.memory_space<vmem>>[vector<16xi32>], vector<16xf32>,
      %add3A_495 = arith.addf %gather3A_488, %gather3A_494 : vector<16xf32>
      %gt3A_496 = arith.constant 0.000000e+00 : f32
      %gt3A_497 = vector.broadcast %gt3A_496 : f32 to vector<16xf32>
      %gt3A_498 = arith.cmpf ogt, %add3A_495, %gt3A_497 : vector<16xf32>
      %mul3A_499 = arith.constant 2.000000e-01 : f32
      %mul3A_500 = vector.broadcast %mul3A_499 : f32 to vector<16xf32>
      %mul3A_501 = arith.mulf %mul3A_500, %add3A_495 : vector<16xf32>
      %select_n3A_502 = arith.select %gt3A_498, %add3A_495, %mul3A_501 : vector<16xi1>, vector<16xf32>
      %sub3A_503 = arith.subf %select_n3A_502, %get3A_5 : vector<16xf32>
      %exp3A_504 = math.exp %sub3A_503 : vector<16xf32>
      %swap3A_505 = arith.constant 64 : index
      %swap3A_506 = tpu.vector_load %arg13[%swap3A_505] {strides = array<i32>} : memref<80xf32, #tpu.memory_space<vmem>>, vector<16xf32>,
      tpu.vector_store %arg13[%swap3A_505], %exp3A_504 {strides = array<i32>} : memref<80xf32, #tpu.memory_space<vmem>>, vector<16xf32>,
      %parallel_loop3A_507 = arith.constant 0 : i32
      %parallel_loop3A_508 = arith.constant 80 : i32
      %parallel_loop3A_509 = arith.constant 1 : i32
      scf.for %parallel_loop3A_873 = %parallel_loop3A_507 to %parallel_loop3A_508 step %parallel_loop3A_509  : i32 {
        %parallel_loop3A_874 = arith.constant 0 : i32
        %parallel_loop3A_875 = vector.broadcast %parallel_loop3A_874 : i32 to vector<16xi32>
        %parallel_loop3A_876 = vector.broadcast %parallel_loop3A_873 : i32 to vector<16xi32>
        %parallel_loop3A_877 = arith.addi %parallel_loop3A_875, %parallel_loop3A_876 : vector<16xi32>
        %parallel_loop3A_878 = tpu.vector_load_idx %arg13[%parallel_loop3A_877] : memref<80xf32, #tpu.memory_space<vmem>>[vector<16xi32>], vector<16xf32>,
        %parallel_loop3A_879 = arith.constant 2 : i32
        %parallel_loop3A_880 = arith.index_cast %parallel_loop3A_879 : i32 to index
        %parallel_loop3A_881 = arith.index_cast %parallel_loop3A_873 : i32 to index
        %parallel_loop3A_882 = arith.constant 0 : index
        %parallel_loop3A_883 = tpu.vector_load %arg12[%parallel_loop3A_880, %parallel_loop3A_881, %parallel_loop3A_882] {strides = array<i32>} : memref<5x80x80xf32, #tpu.memory_space<vmem>>, vector<16xf32>,
        %parallel_loop3A_884 = arith.mulf %parallel_loop3A_883, %parallel_loop3A_878 : vector<16xf32>
        %parallel_loop3A_885 = arith.constant 2 : i32
        %parallel_loop3A_886 = arith.index_cast %parallel_loop3A_885 : i32 to index
        %parallel_loop3A_887 = arith.index_cast %parallel_loop3A_873 : i32 to index
        %parallel_loop3A_888 = arith.constant 0 : index
        %parallel_loop3A_889 = tpu.vector_load %arg12[%parallel_loop3A_886, %parallel_loop3A_887, %parallel_loop3A_888] {strides = array<i32>} : memref<5x80x80xf32, #tpu.memory_space<vmem>>, vector<16xf32>,
        tpu.vector_store %arg12[%parallel_loop3A_886, %parallel_loop3A_887, %parallel_loop3A_888], %parallel_loop3A_884 {strides = array<i32>} : memref<5x80x80xf32, #tpu.memory_space<vmem>>, vector<16xf32>,
        %parallel_loop3A_890 = arith.constant 2 : i32
        %parallel_loop3A_891 = arith.index_cast %parallel_loop3A_890 : i32 to index
        %parallel_loop3A_892 = arith.index_cast %parallel_loop3A_873 : i32 to index
        %parallel_loop3A_893 = arith.constant 16 : index
        %parallel_loop3A_894 = tpu.vector_load %arg12[%parallel_loop3A_891, %parallel_loop3A_892, %parallel_loop3A_893] {strides = array<i32>} : memref<5x80x80xf32, #tpu.memory_space<vmem>>, vector<16xf32>,
        %parallel_loop3A_895 = arith.mulf %parallel_loop3A_894, %parallel_loop3A_878 : vector<16xf32>
        %parallel_loop3A_896 = arith.constant 2 : i32
        %parallel_loop3A_897 = arith.index_cast %parallel_loop3A_896 : i32 to index
        %parallel_loop3A_898 = arith.index_cast %parallel_loop3A_873 : i32 to index
        %parallel_loop3A_899 = arith.constant 16 : index
        %parallel_loop3A_900 = tpu.vector_load %arg12[%parallel_loop3A_897, %parallel_loop3A_898, %parallel_loop3A_899] {strides = array<i32>} : memref<5x80x80xf32, #tpu.memory_space<vmem>>, vector<16xf32>,
        tpu.vector_store %arg12[%parallel_loop3A_897, %parallel_loop3A_898, %parallel_loop3A_899], %parallel_loop3A_895 {strides = array<i32>} : memref<5x80x80xf32, #tpu.memory_space<vmem>>, vector<16xf32>,
        %parallel_loop3A_901 = arith.constant 2 : i32
        %parallel_loop3A_902 = arith.index_cast %parallel_loop3A_901 : i32 to index
        %parallel_loop3A_903 = arith.index_cast %parallel_loop3A_873 : i32 to index
        %parallel_loop3A_904 = arith.constant 32 : index
        %parallel_loop3A_905 = tpu.vector_load %arg12[%parallel_loop3A_902, %parallel_loop3A_903, %parallel_loop3A_904] {strides = array<i32>} : memref<5x80x80xf32, #tpu.memory_space<vmem>>, vector<16xf32>,
        %parallel_loop3A_906 = arith.mulf %parallel_loop3A_905, %parallel_loop3A_878 : vector<16xf32>
        %parallel_loop3A_907 = arith.constant 2 : i32
        %parallel_loop3A_908 = arith.index_cast %parallel_loop3A_907 : i32 to index
        %parallel_loop3A_909 = arith.index_cast %parallel_loop3A_873 : i32 to index
        %parallel_loop3A_910 = arith.constant 32 : index
        %parallel_loop3A_911 = tpu.vector_load %arg12[%parallel_loop3A_908, %parallel_loop3A_909, %parallel_loop3A_910] {strides = array<i32>} : memref<5x80x80xf32, #tpu.memory_space<vmem>>, vector<16xf32>,
        tpu.vector_store %arg12[%parallel_loop3A_908, %parallel_loop3A_909, %parallel_loop3A_910], %parallel_loop3A_906 {strides = array<i32>} : memref<5x80x80xf32, #tpu.memory_space<vmem>>, vector<16xf32>,
        %parallel_loop3A_912 = arith.constant 2 : i32
        %parallel_loop3A_913 = arith.index_cast %parallel_loop3A_912 : i32 to index
        %parallel_loop3A_914 = arith.index_cast %parallel_loop3A_873 : i32 to index
        %parallel_loop3A_915 = arith.constant 48 : index
        %parallel_loop3A_916 = tpu.vector_load %arg12[%parallel_loop3A_913, %parallel_loop3A_914, %parallel_loop3A_915] {strides = array<i32>} : memref<5x80x80xf32, #tpu.memory_space<vmem>>, vector<16xf32>,
        %parallel_loop3A_917 = arith.mulf %parallel_loop3A_916, %parallel_loop3A_878 : vector<16xf32>
        %parallel_loop3A_918 = arith.constant 2 : i32
        %parallel_loop3A_919 = arith.index_cast %parallel_loop3A_918 : i32 to index
        %parallel_loop3A_920 = arith.index_cast %parallel_loop3A_873 : i32 to index
        %parallel_loop3A_921 = arith.constant 48 : index
        %parallel_loop3A_922 = tpu.vector_load %arg12[%parallel_loop3A_919, %parallel_loop3A_920, %parallel_loop3A_921] {strides = array<i32>} : memref<5x80x80xf32, #tpu.memory_space<vmem>>, vector<16xf32>,
        tpu.vector_store %arg12[%parallel_loop3A_919, %parallel_loop3A_920, %parallel_loop3A_921], %parallel_loop3A_917 {strides = array<i32>} : memref<5x80x80xf32, #tpu.memory_space<vmem>>, vector<16xf32>,
        %parallel_loop3A_923 = arith.constant 2 : i32
        %parallel_loop3A_924 = arith.index_cast %parallel_loop3A_923 : i32 to index
        %parallel_loop3A_925 = arith.index_cast %parallel_loop3A_873 : i32 to index
        %parallel_loop3A_926 = arith.constant 64 : index
        %parallel_loop3A_927 = tpu.vector_load %arg12[%parallel_loop3A_924, %parallel_loop3A_925, %parallel_loop3A_926] {strides = array<i32>} : memref<5x80x80xf32, #tpu.memory_space<vmem>>, vector<16xf32>,
        %parallel_loop3A_928 = arith.mulf %parallel_loop3A_927, %parallel_loop3A_878 : vector<16xf32>
        %parallel_loop3A_929 = arith.constant 2 : i32
        %parallel_loop3A_930 = arith.index_cast %parallel_loop3A_929 : i32 to index
        %parallel_loop3A_931 = arith.index_cast %parallel_loop3A_873 : i32 to index
        %parallel_loop3A_932 = arith.constant 64 : index
        %parallel_loop3A_933 = tpu.vector_load %arg12[%parallel_loop3A_930, %parallel_loop3A_931, %parallel_loop3A_932] {strides = array<i32>} : memref<5x80x80xf32, #tpu.memory_space<vmem>>, vector<16xf32>,
        tpu.vector_store %arg12[%parallel_loop3A_930, %parallel_loop3A_931, %parallel_loop3A_932], %parallel_loop3A_928 {strides = array<i32>} : memref<5x80x80xf32, #tpu.memory_space<vmem>>, vector<16xf32>,
      } {sc.loop_unroll_factor = 8 : i64, sc.parallel_access}
      %add3A_510 = arith.constant 2 : i32
      %add3A_511 = arith.addi %mul3A_25, %add3A_510 : i32
      %dma_start3A_512 = arith.constant 2 : i32
      %dma_start3A_513 = arith.constant 0 : i32
      %dma_start3A_514 = arith.constant 0 : i32
      %dma_start3A_515 = tpu.memref_slice %arg12[%dma_start3A_512, %dma_start3A_513, %dma_start3A_514] : memref<5x80x80xf32, #tpu.memory_space<vmem>> -> memref<1x80x80xf32, #tpu.memory_space<vmem>>
      %dma_start3A_516 = tpu.memref_squeeze %dma_start3A_515 : memref<1x80x80xf32, #tpu.memory_space<vmem>> -> memref<80x80xf32, #tpu.memory_space<vmem>>
      %dma_start3A_517 = arith.constant 0 : i32
      %dma_start3A_518 = tpu.memref_slice %arg11[%add3A_511, %dma_start3A_517] : memref<125x80xi32, #tpu.memory_space<vmem>> -> memref<1x80xi32, #tpu.memory_space<vmem>>
      %dma_start3A_519 = tpu.memref_squeeze %dma_start3A_518 : memref<1x80xi32, #tpu.memory_space<vmem>> -> memref<80xi32, #tpu.memory_space<vmem>>
      %dma_start3A_520 = arith.constant 0 : i32
      %dma_start3A_521 = arith.constant 0 : i32
      %dma_start3A_522 = tpu.memref_slice %arg17[%dma_start3A_520, %dma_start3A_521] : memref<10000x80xf32, #tpu.memory_space<vmem_shared>> -> memref<10000x80xf32, #tpu.memory_space<vmem_shared>>
      tpu.enqueue_indirect_dma source(%dma_start3A_516 : memref<80x80xf32, #tpu.memory_space<vmem>>) target(%dma_start3A_522 : memref<10000x80xf32, #tpu.memory_space<vmem_shared>>) offsets(%dma_start3A_519 : memref<80xi32, #tpu.memory_space<vmem>>) semaphore(%arg19 : memref<!tpu.dma_semaphore, #tpu.memory_space<semaphore_mem>>) {add = true}
      %dma_wait3A_523 = arith.constant 3 : i32
      %dma_wait3A_524 = arith.constant 0 : i32
      %dma_wait3A_525 = arith.constant 0 : i32
      %dma_wait3A_526 = tpu.memref_slice %arg12[%dma_wait3A_523, %dma_wait3A_524, %dma_wait3A_525] : memref<5x80x80xf32, #tpu.memory_space<vmem>> -> memref<1x80x80xf32, #tpu.memory_space<vmem>>
      %dma_wait3A_527 = tpu.memref_squeeze %dma_wait3A_526 : memref<1x80x80xf32, #tpu.memory_space<vmem>> -> memref<80x80xf32, #tpu.memory_space<vmem>>
      %dma_wait3A_528 = arith.constant 0 : i32
      %dma_wait3A_529 = tpu.memref_slice %arg10[%add3A_65, %dma_wait3A_528] : memref<125x80xi32, #tpu.memory_space<vmem>> -> memref<1x80xi32, #tpu.memory_space<vmem>>
      %dma_wait3A_530 = tpu.memref_squeeze %dma_wait3A_529 : memref<1x80xi32, #tpu.memory_space<vmem>> -> memref<80xi32, #tpu.memory_space<vmem>>
      %dma_wait3A_531 = arith.constant 0 : i32
      %dma_wait3A_532 = arith.constant 0 : i32
      %dma_wait3A_533 = tpu.memref_slice %arg2[%dma_wait3A_531, %dma_wait3A_532] : memref<10000x80xf32, #tpu.memory_space<hbm>> -> memref<10000x80xf32, #tpu.memory_space<hbm>>
      tpu.wait_indirect_dma semaphore(%arg18 : memref<!tpu.dma_semaphore, #tpu.memory_space<semaphore_mem>>) src(%dma_wait3A_533 : memref<10000x80xf32, #tpu.memory_space<hbm>>) dst(%dma_wait3A_527 : memref<80x80xf32, #tpu.memory_space<vmem>>)
      %add3A_534 = arith.constant 3 : i32
      %add3A_535 = arith.addi %mul3A_25, %add3A_534 : i32
      %get3A_536 = arith.index_cast %add3A_535 : i32 to index
      %get3A_537 = arith.constant 0 : index
      %get3A_538 = tpu.vector_load %arg10[%get3A_536, %get3A_537] {strides = array<i32>} : memref<125x80xi32, #tpu.memory_space<vmem>>, vector<16xi32>,
      %gather3A_539 = tpu.vector_load_idx %arg14[%get3A_538] : memref<10000xf32, #tpu.memory_space<vmem>>[vector<16xi32>], vector<16xf32>,
      %add3A_540 = arith.constant 3 : i32
      %add3A_541 = arith.addi %mul3A_25, %add3A_540 : i32
      %get3A_542 = arith.index_cast %add3A_541 : i32 to index
      %get3A_543 = arith.constant 0 : index
      %get3A_544 = tpu.vector_load %arg11[%get3A_542, %get3A_543] {strides = array<i32>} : memref<125x80xi32, #tpu.memory_space<vmem>>, vector<16xi32>,
      %gather3A_545 = tpu.vector_load_idx %arg15[%get3A_544] : memref<10000xf32, #tpu.memory_space<vmem>>[vector<16xi32>], vector<16xf32>,
      %add3A_546 = arith.addf %gather3A_539, %gather3A_545 : vector<16xf32>
      %gt3A_547 = arith.constant 0.000000e+00 : f32
      %gt3A_548 = vector.broadcast %gt3A_547 : f32 to vector<16xf32>
      %gt3A_549 = arith.cmpf ogt, %add3A_546, %gt3A_548 : vector<16xf32>
      %mul3A_550 = arith.constant 2.000000e-01 : f32
      %mul3A_551 = vector.broadcast %mul3A_550 : f32 to vector<16xf32>
      %mul3A_552 = arith.mulf %mul3A_551, %add3A_546 : vector<16xf32>
      %select_n3A_553 = arith.select %gt3A_549, %add3A_546, %mul3A_552 : vector<16xi1>, vector<16xf32>
      %sub3A_554 = arith.subf %select_n3A_553, %get3A_5 : vector<16xf32>
      %exp3A_555 = math.exp %sub3A_554 : vector<16xf32>
      %swap3A_556 = arith.constant 0 : index
      %swap3A_557 = tpu.vector_load %arg13[%swap3A_556] {strides = array<i32>} : memref<80xf32, #tpu.memory_space<vmem>>, vector<16xf32>,
      tpu.vector_store %arg13[%swap3A_556], %exp3A_555 {strides = array<i32>} : memref<80xf32, #tpu.memory_space<vmem>>, vector<16xf32>,
      %add3A_558 = arith.constant 3 : i32
      %add3A_559 = arith.addi %mul3A_25, %add3A_558 : i32
      %get3A_560 = arith.index_cast %add3A_559 : i32 to index
      %get3A_561 = arith.constant 16 : index
      %get3A_562 = tpu.vector_load %arg10[%get3A_560, %get3A_561] {strides = array<i32>} : memref<125x80xi32, #tpu.memory_space<vmem>>, vector<16xi32>,
      %gather3A_563 = tpu.vector_load_idx %arg14[%get3A_562] : memref<10000xf32, #tpu.memory_space<vmem>>[vector<16xi32>], vector<16xf32>,
      %add3A_564 = arith.constant 3 : i32
      %add3A_565 = arith.addi %mul3A_25, %add3A_564 : i32
      %get3A_566 = arith.index_cast %add3A_565 : i32 to index
      %get3A_567 = arith.constant 16 : index
      %get3A_568 = tpu.vector_load %arg11[%get3A_566, %get3A_567] {strides = array<i32>} : memref<125x80xi32, #tpu.memory_space<vmem>>, vector<16xi32>,
      %gather3A_569 = tpu.vector_load_idx %arg15[%get3A_568] : memref<10000xf32, #tpu.memory_space<vmem>>[vector<16xi32>], vector<16xf32>,
      %add3A_570 = arith.addf %gather3A_563, %gather3A_569 : vector<16xf32>
      %gt3A_571 = arith.constant 0.000000e+00 : f32
      %gt3A_572 = vector.broadcast %gt3A_571 : f32 to vector<16xf32>
      %gt3A_573 = arith.cmpf ogt, %add3A_570, %gt3A_572 : vector<16xf32>
      %mul3A_574 = arith.constant 2.000000e-01 : f32
      %mul3A_575 = vector.broadcast %mul3A_574 : f32 to vector<16xf32>
      %mul3A_576 = arith.mulf %mul3A_575, %add3A_570 : vector<16xf32>
      %select_n3A_577 = arith.select %gt3A_573, %add3A_570, %mul3A_576 : vector<16xi1>, vector<16xf32>
      %sub3A_578 = arith.subf %select_n3A_577, %get3A_5 : vector<16xf32>
      %exp3A_579 = math.exp %sub3A_578 : vector<16xf32>
      %swap3A_580 = arith.constant 16 : index
      %swap3A_581 = tpu.vector_load %arg13[%swap3A_580] {strides = array<i32>} : memref<80xf32, #tpu.memory_space<vmem>>, vector<16xf32>,
      tpu.vector_store %arg13[%swap3A_580], %exp3A_579 {strides = array<i32>} : memref<80xf32, #tpu.memory_space<vmem>>, vector<16xf32>,
      %add3A_582 = arith.constant 3 : i32
      %add3A_583 = arith.addi %mul3A_25, %add3A_582 : i32
      %get3A_584 = arith.index_cast %add3A_583 : i32 to index
      %get3A_585 = arith.constant 32 : index
      %get3A_586 = tpu.vector_load %arg10[%get3A_584, %get3A_585] {strides = array<i32>} : memref<125x80xi32, #tpu.memory_space<vmem>>, vector<16xi32>,
      %gather3A_587 = tpu.vector_load_idx %arg14[%get3A_586] : memref<10000xf32, #tpu.memory_space<vmem>>[vector<16xi32>], vector<16xf32>,
      %add3A_588 = arith.constant 3 : i32
      %add3A_589 = arith.addi %mul3A_25, %add3A_588 : i32
      %get3A_590 = arith.index_cast %add3A_589 : i32 to index
      %get3A_591 = arith.constant 32 : index
      %get3A_592 = tpu.vector_load %arg11[%get3A_590, %get3A_591] {strides = array<i32>} : memref<125x80xi32, #tpu.memory_space<vmem>>, vector<16xi32>,
      %gather3A_593 = tpu.vector_load_idx %arg15[%get3A_592] : memref<10000xf32, #tpu.memory_space<vmem>>[vector<16xi32>], vector<16xf32>,
      %add3A_594 = arith.addf %gather3A_587, %gather3A_593 : vector<16xf32>
      %gt3A_595 = arith.constant 0.000000e+00 : f32
      %gt3A_596 = vector.broadcast %gt3A_595 : f32 to vector<16xf32>
      %gt3A_597 = arith.cmpf ogt, %add3A_594, %gt3A_596 : vector<16xf32>
      %mul3A_598 = arith.constant 2.000000e-01 : f32
      %mul3A_599 = vector.broadcast %mul3A_598 : f32 to vector<16xf32>
      %mul3A_600 = arith.mulf %mul3A_599, %add3A_594 : vector<16xf32>
      %select_n3A_601 = arith.select %gt3A_597, %add3A_594, %mul3A_600 : vector<16xi1>, vector<16xf32>
      %sub3A_602 = arith.subf %select_n3A_601, %get3A_5 : vector<16xf32>
      %exp3A_603 = math.exp %sub3A_602 : vector<16xf32>
      %swap3A_604 = arith.constant 32 : index
      %swap3A_605 = tpu.vector_load %arg13[%swap3A_604] {strides = array<i32>} : memref<80xf32, #tpu.memory_space<vmem>>, vector<16xf32>,
      tpu.vector_store %arg13[%swap3A_604], %exp3A_603 {strides = array<i32>} : memref<80xf32, #tpu.memory_space<vmem>>, vector<16xf32>,
      %add3A_606 = arith.constant 3 : i32
      %add3A_607 = arith.addi %mul3A_25, %add3A_606 : i32
      %get3A_608 = arith.index_cast %add3A_607 : i32 to index
      %get3A_609 = arith.constant 48 : index
      %get3A_610 = tpu.vector_load %arg10[%get3A_608, %get3A_609] {strides = array<i32>} : memref<125x80xi32, #tpu.memory_space<vmem>>, vector<16xi32>,
      %gather3A_611 = tpu.vector_load_idx %arg14[%get3A_610] : memref<10000xf32, #tpu.memory_space<vmem>>[vector<16xi32>], vector<16xf32>,
      %add3A_612 = arith.constant 3 : i32
      %add3A_613 = arith.addi %mul3A_25, %add3A_612 : i32
      %get3A_614 = arith.index_cast %add3A_613 : i32 to index
      %get3A_615 = arith.constant 48 : index
      %get3A_616 = tpu.vector_load %arg11[%get3A_614, %get3A_615] {strides = array<i32>} : memref<125x80xi32, #tpu.memory_space<vmem>>, vector<16xi32>,
      %gather3A_617 = tpu.vector_load_idx %arg15[%get3A_616] : memref<10000xf32, #tpu.memory_space<vmem>>[vector<16xi32>], vector<16xf32>,
      %add3A_618 = arith.addf %gather3A_611, %gather3A_617 : vector<16xf32>
      %gt3A_619 = arith.constant 0.000000e+00 : f32
      %gt3A_620 = vector.broadcast %gt3A_619 : f32 to vector<16xf32>
      %gt3A_621 = arith.cmpf ogt, %add3A_618, %gt3A_620 : vector<16xf32>
      %mul3A_622 = arith.constant 2.000000e-01 : f32
      %mul3A_623 = vector.broadcast %mul3A_622 : f32 to vector<16xf32>
      %mul3A_624 = arith.mulf %mul3A_623, %add3A_618 : vector<16xf32>
      %select_n3A_625 = arith.select %gt3A_621, %add3A_618, %mul3A_624 : vector<16xi1>, vector<16xf32>
      %sub3A_626 = arith.subf %select_n3A_625, %get3A_5 : vector<16xf32>
      %exp3A_627 = math.exp %sub3A_626 : vector<16xf32>
      %swap3A_628 = arith.constant 48 : index
      %swap3A_629 = tpu.vector_load %arg13[%swap3A_628] {strides = array<i32>} : memref<80xf32, #tpu.memory_space<vmem>>, vector<16xf32>,
      tpu.vector_store %arg13[%swap3A_628], %exp3A_627 {strides = array<i32>} : memref<80xf32, #tpu.memory_space<vmem>>, vector<16xf32>,
      %add3A_630 = arith.constant 3 : i32
      %add3A_631 = arith.addi %mul3A_25, %add3A_630 : i32
      %get3A_632 = arith.index_cast %add3A_631 : i32 to index
      %get3A_633 = arith.constant 64 : index
      %get3A_634 = tpu.vector_load %arg10[%get3A_632, %get3A_633] {strides = array<i32>} : memref<125x80xi32, #tpu.memory_space<vmem>>, vector<16xi32>,
      %gather3A_635 = tpu.vector_load_idx %arg14[%get3A_634] : memref<10000xf32, #tpu.memory_space<vmem>>[vector<16xi32>], vector<16xf32>,
      %add3A_636 = arith.constant 3 : i32
      %add3A_637 = arith.addi %mul3A_25, %add3A_636 : i32
      %get3A_638 = arith.index_cast %add3A_637 : i32 to index
      %get3A_639 = arith.constant 64 : index
      %get3A_640 = tpu.vector_load %arg11[%get3A_638, %get3A_639] {strides = array<i32>} : memref<125x80xi32, #tpu.memory_space<vmem>>, vector<16xi32>,
      %gather3A_641 = tpu.vector_load_idx %arg15[%get3A_640] : memref<10000xf32, #tpu.memory_space<vmem>>[vector<16xi32>], vector<16xf32>,
      %add3A_642 = arith.addf %gather3A_635, %gather3A_641 : vector<16xf32>
      %gt3A_643 = arith.constant 0.000000e+00 : f32
      %gt3A_644 = vector.broadcast %gt3A_643 : f32 to vector<16xf32>
      %gt3A_645 = arith.cmpf ogt, %add3A_642, %gt3A_644 : vector<16xf32>
      %mul3A_646 = arith.constant 2.000000e-01 : f32
      %mul3A_647 = vector.broadcast %mul3A_646 : f32 to vector<16xf32>
      %mul3A_648 = arith.mulf %mul3A_647, %add3A_642 : vector<16xf32>
      %select_n3A_649 = arith.select %gt3A_645, %add3A_642, %mul3A_648 : vector<16xi1>, vector<16xf32>
      %sub3A_650 = arith.subf %select_n3A_649, %get3A_5 : vector<16xf32>
      %exp3A_651 = math.exp %sub3A_650 : vector<16xf32>
      %swap3A_652 = arith.constant 64 : index
      %swap3A_653 = tpu.vector_load %arg13[%swap3A_652] {strides = array<i32>} : memref<80xf32, #tpu.memory_space<vmem>>, vector<16xf32>,
      tpu.vector_store %arg13[%swap3A_652], %exp3A_651 {strides = array<i32>} : memref<80xf32, #tpu.memory_space<vmem>>, vector<16xf32>,
      %parallel_loop3A_654 = arith.constant 0 : i32
      %parallel_loop3A_655 = arith.constant 80 : i32
      %parallel_loop3A_656 = arith.constant 1 : i32
      scf.for %parallel_loop3A_873 = %parallel_loop3A_654 to %parallel_loop3A_655 step %parallel_loop3A_656  : i32 {
        %parallel_loop3A_874 = arith.constant 0 : i32
        %parallel_loop3A_875 = vector.broadcast %parallel_loop3A_874 : i32 to vector<16xi32>
        %parallel_loop3A_876 = vector.broadcast %parallel_loop3A_873 : i32 to vector<16xi32>
        %parallel_loop3A_877 = arith.addi %parallel_loop3A_875, %parallel_loop3A_876 : vector<16xi32>
        %parallel_loop3A_878 = tpu.vector_load_idx %arg13[%parallel_loop3A_877] : memref<80xf32, #tpu.memory_space<vmem>>[vector<16xi32>], vector<16xf32>,
        %parallel_loop3A_879 = arith.constant 3 : i32
        %parallel_loop3A_880 = arith.index_cast %parallel_loop3A_879 : i32 to index
        %parallel_loop3A_881 = arith.index_cast %parallel_loop3A_873 : i32 to index
        %parallel_loop3A_882 = arith.constant 0 : index
        %parallel_loop3A_883 = tpu.vector_load %arg12[%parallel_loop3A_880, %parallel_loop3A_881, %parallel_loop3A_882] {strides = array<i32>} : memref<5x80x80xf32, #tpu.memory_space<vmem>>, vector<16xf32>,
        %parallel_loop3A_884 = arith.mulf %parallel_loop3A_883, %parallel_loop3A_878 : vector<16xf32>
        %parallel_loop3A_885 = arith.constant 3 : i32
        %parallel_loop3A_886 = arith.index_cast %parallel_loop3A_885 : i32 to index
        %parallel_loop3A_887 = arith.index_cast %parallel_loop3A_873 : i32 to index
        %parallel_loop3A_888 = arith.constant 0 : index
        %parallel_loop3A_889 = tpu.vector_load %arg12[%parallel_loop3A_886, %parallel_loop3A_887, %parallel_loop3A_888] {strides = array<i32>} : memref<5x80x80xf32, #tpu.memory_space<vmem>>, vector<16xf32>,
        tpu.vector_store %arg12[%parallel_loop3A_886, %parallel_loop3A_887, %parallel_loop3A_888], %parallel_loop3A_884 {strides = array<i32>} : memref<5x80x80xf32, #tpu.memory_space<vmem>>, vector<16xf32>,
        %parallel_loop3A_890 = arith.constant 3 : i32
        %parallel_loop3A_891 = arith.index_cast %parallel_loop3A_890 : i32 to index
        %parallel_loop3A_892 = arith.index_cast %parallel_loop3A_873 : i32 to index
        %parallel_loop3A_893 = arith.constant 16 : index
        %parallel_loop3A_894 = tpu.vector_load %arg12[%parallel_loop3A_891, %parallel_loop3A_892, %parallel_loop3A_893] {strides = array<i32>} : memref<5x80x80xf32, #tpu.memory_space<vmem>>, vector<16xf32>,
        %parallel_loop3A_895 = arith.mulf %parallel_loop3A_894, %parallel_loop3A_878 : vector<16xf32>
        %parallel_loop3A_896 = arith.constant 3 : i32
        %parallel_loop3A_897 = arith.index_cast %parallel_loop3A_896 : i32 to index
        %parallel_loop3A_898 = arith.index_cast %parallel_loop3A_873 : i32 to index
        %parallel_loop3A_899 = arith.constant 16 : index
        %parallel_loop3A_900 = tpu.vector_load %arg12[%parallel_loop3A_897, %parallel_loop3A_898, %parallel_loop3A_899] {strides = array<i32>} : memref<5x80x80xf32, #tpu.memory_space<vmem>>, vector<16xf32>,
        tpu.vector_store %arg12[%parallel_loop3A_897, %parallel_loop3A_898, %parallel_loop3A_899], %parallel_loop3A_895 {strides = array<i32>} : memref<5x80x80xf32, #tpu.memory_space<vmem>>, vector<16xf32>,
        %parallel_loop3A_901 = arith.constant 3 : i32
        %parallel_loop3A_902 = arith.index_cast %parallel_loop3A_901 : i32 to index
        %parallel_loop3A_903 = arith.index_cast %parallel_loop3A_873 : i32 to index
        %parallel_loop3A_904 = arith.constant 32 : index
        %parallel_loop3A_905 = tpu.vector_load %arg12[%parallel_loop3A_902, %parallel_loop3A_903, %parallel_loop3A_904] {strides = array<i32>} : memref<5x80x80xf32, #tpu.memory_space<vmem>>, vector<16xf32>,
        %parallel_loop3A_906 = arith.mulf %parallel_loop3A_905, %parallel_loop3A_878 : vector<16xf32>
        %parallel_loop3A_907 = arith.constant 3 : i32
        %parallel_loop3A_908 = arith.index_cast %parallel_loop3A_907 : i32 to index
        %parallel_loop3A_909 = arith.index_cast %parallel_loop3A_873 : i32 to index
        %parallel_loop3A_910 = arith.constant 32 : index
        %parallel_loop3A_911 = tpu.vector_load %arg12[%parallel_loop3A_908, %parallel_loop3A_909, %parallel_loop3A_910] {strides = array<i32>} : memref<5x80x80xf32, #tpu.memory_space<vmem>>, vector<16xf32>,
        tpu.vector_store %arg12[%parallel_loop3A_908, %parallel_loop3A_909, %parallel_loop3A_910], %parallel_loop3A_906 {strides = array<i32>} : memref<5x80x80xf32, #tpu.memory_space<vmem>>, vector<16xf32>,
        %parallel_loop3A_912 = arith.constant 3 : i32
        %parallel_loop3A_913 = arith.index_cast %parallel_loop3A_912 : i32 to index
        %parallel_loop3A_914 = arith.index_cast %parallel_loop3A_873 : i32 to index
        %parallel_loop3A_915 = arith.constant 48 : index
        %parallel_loop3A_916 = tpu.vector_load %arg12[%parallel_loop3A_913, %parallel_loop3A_914, %parallel_loop3A_915] {strides = array<i32>} : memref<5x80x80xf32, #tpu.memory_space<vmem>>, vector<16xf32>,
        %parallel_loop3A_917 = arith.mulf %parallel_loop3A_916, %parallel_loop3A_878 : vector<16xf32>
        %parallel_loop3A_918 = arith.constant 3 : i32
        %parallel_loop3A_919 = arith.index_cast %parallel_loop3A_918 : i32 to index
        %parallel_loop3A_920 = arith.index_cast %parallel_loop3A_873 : i32 to index
        %parallel_loop3A_921 = arith.constant 48 : index
        %parallel_loop3A_922 = tpu.vector_load %arg12[%parallel_loop3A_919, %parallel_loop3A_920, %parallel_loop3A_921] {strides = array<i32>} : memref<5x80x80xf32, #tpu.memory_space<vmem>>, vector<16xf32>,
        tpu.vector_store %arg12[%parallel_loop3A_919, %parallel_loop3A_920, %parallel_loop3A_921], %parallel_loop3A_917 {strides = array<i32>} : memref<5x80x80xf32, #tpu.memory_space<vmem>>, vector<16xf32>,
        %parallel_loop3A_923 = arith.constant 3 : i32
        %parallel_loop3A_924 = arith.index_cast %parallel_loop3A_923 : i32 to index
        %parallel_loop3A_925 = arith.index_cast %parallel_loop3A_873 : i32 to index
        %parallel_loop3A_926 = arith.constant 64 : index
        %parallel_loop3A_927 = tpu.vector_load %arg12[%parallel_loop3A_924, %parallel_loop3A_925, %parallel_loop3A_926] {strides = array<i32>} : memref<5x80x80xf32, #tpu.memory_space<vmem>>, vector<16xf32>,
        %parallel_loop3A_928 = arith.mulf %parallel_loop3A_927, %parallel_loop3A_878 : vector<16xf32>
        %parallel_loop3A_929 = arith.constant 3 : i32
        %parallel_loop3A_930 = arith.index_cast %parallel_loop3A_929 : i32 to index
        %parallel_loop3A_931 = arith.index_cast %parallel_loop3A_873 : i32 to index
        %parallel_loop3A_932 = arith.constant 64 : index
        %parallel_loop3A_933 = tpu.vector_load %arg12[%parallel_loop3A_930, %parallel_loop3A_931, %parallel_loop3A_932] {strides = array<i32>} : memref<5x80x80xf32, #tpu.memory_space<vmem>>, vector<16xf32>,
        tpu.vector_store %arg12[%parallel_loop3A_930, %parallel_loop3A_931, %parallel_loop3A_932], %parallel_loop3A_928 {strides = array<i32>} : memref<5x80x80xf32, #tpu.memory_space<vmem>>, vector<16xf32>,
      } {sc.loop_unroll_factor = 8 : i64, sc.parallel_access}
      %add3A_657 = arith.constant 3 : i32
      %add3A_658 = arith.addi %mul3A_25, %add3A_657 : i32
      %dma_start3A_659 = arith.constant 3 : i32
      %dma_start3A_660 = arith.constant 0 : i32
      %dma_start3A_661 = arith.constant 0 : i32
      %dma_start3A_662 = tpu.memref_slice %arg12[%dma_start3A_659, %dma_start3A_660, %dma_start3A_661] : memref<5x80x80xf32, #tpu.memory_space<vmem>> -> memref<1x80x80xf32, #tpu.memory_space<vmem>>
      %dma_start3A_663 = tpu.memref_squeeze %dma_start3A_662 : memref<1x80x80xf32, #tpu.memory_space<vmem>> -> memref<80x80xf32, #tpu.memory_space<vmem>>
      %dma_start3A_664 = arith.constant 0 : i32
      %dma_start3A_665 = tpu.memref_slice %arg11[%add3A_658, %dma_start3A_664] : memref<125x80xi32, #tpu.memory_space<vmem>> -> memref<1x80xi32, #tpu.memory_space<vmem>>
      %dma_start3A_666 = tpu.memref_squeeze %dma_start3A_665 : memref<1x80xi32, #tpu.memory_space<vmem>> -> memref<80xi32, #tpu.memory_space<vmem>>
      %dma_start3A_667 = arith.constant 0 : i32
      %dma_start3A_668 = arith.constant 0 : i32
      %dma_start3A_669 = tpu.memref_slice %arg17[%dma_start3A_667, %dma_start3A_668] : memref<10000x80xf32, #tpu.memory_space<vmem_shared>> -> memref<10000x80xf32, #tpu.memory_space<vmem_shared>>
      tpu.enqueue_indirect_dma source(%dma_start3A_663 : memref<80x80xf32, #tpu.memory_space<vmem>>) target(%dma_start3A_669 : memref<10000x80xf32, #tpu.memory_space<vmem_shared>>) offsets(%dma_start3A_666 : memref<80xi32, #tpu.memory_space<vmem>>) semaphore(%arg19 : memref<!tpu.dma_semaphore, #tpu.memory_space<semaphore_mem>>) {add = true}
      %dma_wait3A_670 = arith.constant 4 : i32
      %dma_wait3A_671 = arith.constant 0 : i32
      %dma_wait3A_672 = arith.constant 0 : i32
      %dma_wait3A_673 = tpu.memref_slice %arg12[%dma_wait3A_670, %dma_wait3A_671, %dma_wait3A_672] : memref<5x80x80xf32, #tpu.memory_space<vmem>> -> memref<1x80x80xf32, #tpu.memory_space<vmem>>
      %dma_wait3A_674 = tpu.memref_squeeze %dma_wait3A_673 : memref<1x80x80xf32, #tpu.memory_space<vmem>> -> memref<80x80xf32, #tpu.memory_space<vmem>>
      %dma_wait3A_675 = arith.constant 0 : i32
      %dma_wait3A_676 = tpu.memref_slice %arg10[%add3A_78, %dma_wait3A_675] : memref<125x80xi32, #tpu.memory_space<vmem>> -> memref<1x80xi32, #tpu.memory_space<vmem>>
      %dma_wait3A_677 = tpu.memref_squeeze %dma_wait3A_676 : memref<1x80xi32, #tpu.memory_space<vmem>> -> memref<80xi32, #tpu.memory_space<vmem>>
      %dma_wait3A_678 = arith.constant 0 : i32
      %dma_wait3A_679 = arith.constant 0 : i32
      %dma_wait3A_680 = tpu.memref_slice %arg2[%dma_wait3A_678, %dma_wait3A_679] : memref<10000x80xf32, #tpu.memory_space<hbm>> -> memref<10000x80xf32, #tpu.memory_space<hbm>>
      tpu.wait_indirect_dma semaphore(%arg18 : memref<!tpu.dma_semaphore, #tpu.memory_space<semaphore_mem>>) src(%dma_wait3A_680 : memref<10000x80xf32, #tpu.memory_space<hbm>>) dst(%dma_wait3A_674 : memref<80x80xf32, #tpu.memory_space<vmem>>)
      %add3A_681 = arith.constant 4 : i32
      %add3A_682 = arith.addi %mul3A_25, %add3A_681 : i32
      %get3A_683 = arith.index_cast %add3A_682 : i32 to index
      %get3A_684 = arith.constant 0 : index
      %get3A_685 = tpu.vector_load %arg10[%get3A_683, %get3A_684] {strides = array<i32>} : memref<125x80xi32, #tpu.memory_space<vmem>>, vector<16xi32>,
      %gather3A_686 = tpu.vector_load_idx %arg14[%get3A_685] : memref<10000xf32, #tpu.memory_space<vmem>>[vector<16xi32>], vector<16xf32>,
      %add3A_687 = arith.constant 4 : i32
      %add3A_688 = arith.addi %mul3A_25, %add3A_687 : i32
      %get3A_689 = arith.index_cast %add3A_688 : i32 to index
      %get3A_690 = arith.constant 0 : index
      %get3A_691 = tpu.vector_load %arg11[%get3A_689, %get3A_690] {strides = array<i32>} : memref<125x80xi32, #tpu.memory_space<vmem>>, vector<16xi32>,
      %gather3A_692 = tpu.vector_load_idx %arg15[%get3A_691] : memref<10000xf32, #tpu.memory_space<vmem>>[vector<16xi32>], vector<16xf32>,
      %add3A_693 = arith.addf %gather3A_686, %gather3A_692 : vector<16xf32>
      %gt3A_694 = arith.constant 0.000000e+00 : f32
      %gt3A_695 = vector.broadcast %gt3A_694 : f32 to vector<16xf32>
      %gt3A_696 = arith.cmpf ogt, %add3A_693, %gt3A_695 : vector<16xf32>
      %mul3A_697 = arith.constant 2.000000e-01 : f32
      %mul3A_698 = vector.broadcast %mul3A_697 : f32 to vector<16xf32>
      %mul3A_699 = arith.mulf %mul3A_698, %add3A_693 : vector<16xf32>
      %select_n3A_700 = arith.select %gt3A_696, %add3A_693, %mul3A_699 : vector<16xi1>, vector<16xf32>
      %sub3A_701 = arith.subf %select_n3A_700, %get3A_5 : vector<16xf32>
      %exp3A_702 = math.exp %sub3A_701 : vector<16xf32>
      %swap3A_703 = arith.constant 0 : index
      %swap3A_704 = tpu.vector_load %arg13[%swap3A_703] {strides = array<i32>} : memref<80xf32, #tpu.memory_space<vmem>>, vector<16xf32>,
      tpu.vector_store %arg13[%swap3A_703], %exp3A_702 {strides = array<i32>} : memref<80xf32, #tpu.memory_space<vmem>>, vector<16xf32>,
      %add3A_705 = arith.constant 4 : i32
      %add3A_706 = arith.addi %mul3A_25, %add3A_705 : i32
      %get3A_707 = arith.index_cast %add3A_706 : i32 to index
      %get3A_708 = arith.constant 16 : index
      %get3A_709 = tpu.vector_load %arg10[%get3A_707, %get3A_708] {strides = array<i32>} : memref<125x80xi32, #tpu.memory_space<vmem>>, vector<16xi32>,
      %gather3A_710 = tpu.vector_load_idx %arg14[%get3A_709] : memref<10000xf32, #tpu.memory_space<vmem>>[vector<16xi32>], vector<16xf32>,
      %add3A_711 = arith.constant 4 : i32
      %add3A_712 = arith.addi %mul3A_25, %add3A_711 : i32
      %get3A_713 = arith.index_cast %add3A_712 : i32 to index
      %get3A_714 = arith.constant 16 : index
      %get3A_715 = tpu.vector_load %arg11[%get3A_713, %get3A_714] {strides = array<i32>} : memref<125x80xi32, #tpu.memory_space<vmem>>, vector<16xi32>,
      %gather3A_716 = tpu.vector_load_idx %arg15[%get3A_715] : memref<10000xf32, #tpu.memory_space<vmem>>[vector<16xi32>], vector<16xf32>,
      %add3A_717 = arith.addf %gather3A_710, %gather3A_716 : vector<16xf32>
      %gt3A_718 = arith.constant 0.000000e+00 : f32
      %gt3A_719 = vector.broadcast %gt3A_718 : f32 to vector<16xf32>
      %gt3A_720 = arith.cmpf ogt, %add3A_717, %gt3A_719 : vector<16xf32>
      %mul3A_721 = arith.constant 2.000000e-01 : f32
      %mul3A_722 = vector.broadcast %mul3A_721 : f32 to vector<16xf32>
      %mul3A_723 = arith.mulf %mul3A_722, %add3A_717 : vector<16xf32>
      %select_n3A_724 = arith.select %gt3A_720, %add3A_717, %mul3A_723 : vector<16xi1>, vector<16xf32>
      %sub3A_725 = arith.subf %select_n3A_724, %get3A_5 : vector<16xf32>
      %exp3A_726 = math.exp %sub3A_725 : vector<16xf32>
      %swap3A_727 = arith.constant 16 : index
      %swap3A_728 = tpu.vector_load %arg13[%swap3A_727] {strides = array<i32>} : memref<80xf32, #tpu.memory_space<vmem>>, vector<16xf32>,
      tpu.vector_store %arg13[%swap3A_727], %exp3A_726 {strides = array<i32>} : memref<80xf32, #tpu.memory_space<vmem>>, vector<16xf32>,
      %add3A_729 = arith.constant 4 : i32
      %add3A_730 = arith.addi %mul3A_25, %add3A_729 : i32
      %get3A_731 = arith.index_cast %add3A_730 : i32 to index
      %get3A_732 = arith.constant 32 : index
      %get3A_733 = tpu.vector_load %arg10[%get3A_731, %get3A_732] {strides = array<i32>} : memref<125x80xi32, #tpu.memory_space<vmem>>, vector<16xi32>,
      %gather3A_734 = tpu.vector_load_idx %arg14[%get3A_733] : memref<10000xf32, #tpu.memory_space<vmem>>[vector<16xi32>], vector<16xf32>,
      %add3A_735 = arith.constant 4 : i32
      %add3A_736 = arith.addi %mul3A_25, %add3A_735 : i32
      %get3A_737 = arith.index_cast %add3A_736 : i32 to index
      %get3A_738 = arith.constant 32 : index
      %get3A_739 = tpu.vector_load %arg11[%get3A_737, %get3A_738] {strides = array<i32>} : memref<125x80xi32, #tpu.memory_space<vmem>>, vector<16xi32>,
      %gather3A_740 = tpu.vector_load_idx %arg15[%get3A_739] : memref<10000xf32, #tpu.memory_space<vmem>>[vector<16xi32>], vector<16xf32>,
      %add3A_741 = arith.addf %gather3A_734, %gather3A_740 : vector<16xf32>
      %gt3A_742 = arith.constant 0.000000e+00 : f32
      %gt3A_743 = vector.broadcast %gt3A_742 : f32 to vector<16xf32>
      %gt3A_744 = arith.cmpf ogt, %add3A_741, %gt3A_743 : vector<16xf32>
      %mul3A_745 = arith.constant 2.000000e-01 : f32
      %mul3A_746 = vector.broadcast %mul3A_745 : f32 to vector<16xf32>
      %mul3A_747 = arith.mulf %mul3A_746, %add3A_741 : vector<16xf32>
      %select_n3A_748 = arith.select %gt3A_744, %add3A_741, %mul3A_747 : vector<16xi1>, vector<16xf32>
      %sub3A_749 = arith.subf %select_n3A_748, %get3A_5 : vector<16xf32>
      %exp3A_750 = math.exp %sub3A_749 : vector<16xf32>
      %swap3A_751 = arith.constant 32 : index
      %swap3A_752 = tpu.vector_load %arg13[%swap3A_751] {strides = array<i32>} : memref<80xf32, #tpu.memory_space<vmem>>, vector<16xf32>,
      tpu.vector_store %arg13[%swap3A_751], %exp3A_750 {strides = array<i32>} : memref<80xf32, #tpu.memory_space<vmem>>, vector<16xf32>,
      %add3A_753 = arith.constant 4 : i32
      %add3A_754 = arith.addi %mul3A_25, %add3A_753 : i32
      %get3A_755 = arith.index_cast %add3A_754 : i32 to index
      %get3A_756 = arith.constant 48 : index
      %get3A_757 = tpu.vector_load %arg10[%get3A_755, %get3A_756] {strides = array<i32>} : memref<125x80xi32, #tpu.memory_space<vmem>>, vector<16xi32>,
      %gather3A_758 = tpu.vector_load_idx %arg14[%get3A_757] : memref<10000xf32, #tpu.memory_space<vmem>>[vector<16xi32>], vector<16xf32>,
      %add3A_759 = arith.constant 4 : i32
      %add3A_760 = arith.addi %mul3A_25, %add3A_759 : i32
      %get3A_761 = arith.index_cast %add3A_760 : i32 to index
      %get3A_762 = arith.constant 48 : index
      %get3A_763 = tpu.vector_load %arg11[%get3A_761, %get3A_762] {strides = array<i32>} : memref<125x80xi32, #tpu.memory_space<vmem>>, vector<16xi32>,
      %gather3A_764 = tpu.vector_load_idx %arg15[%get3A_763] : memref<10000xf32, #tpu.memory_space<vmem>>[vector<16xi32>], vector<16xf32>,
      %add3A_765 = arith.addf %gather3A_758, %gather3A_764 : vector<16xf32>
      %gt3A_766 = arith.constant 0.000000e+00 : f32
      %gt3A_767 = vector.broadcast %gt3A_766 : f32 to vector<16xf32>
      %gt3A_768 = arith.cmpf ogt, %add3A_765, %gt3A_767 : vector<16xf32>
      %mul3A_769 = arith.constant 2.000000e-01 : f32
      %mul3A_770 = vector.broadcast %mul3A_769 : f32 to vector<16xf32>
      %mul3A_771 = arith.mulf %mul3A_770, %add3A_765 : vector<16xf32>
      %select_n3A_772 = arith.select %gt3A_768, %add3A_765, %mul3A_771 : vector<16xi1>, vector<16xf32>
      %sub3A_773 = arith.subf %select_n3A_772, %get3A_5 : vector<16xf32>
      %exp3A_774 = math.exp %sub3A_773 : vector<16xf32>
      %swap3A_775 = arith.constant 48 : index
      %swap3A_776 = tpu.vector_load %arg13[%swap3A_775] {strides = array<i32>} : memref<80xf32, #tpu.memory_space<vmem>>, vector<16xf32>,
      tpu.vector_store %arg13[%swap3A_775], %exp3A_774 {strides = array<i32>} : memref<80xf32, #tpu.memory_space<vmem>>, vector<16xf32>,
      %add3A_777 = arith.constant 4 : i32
      %add3A_778 = arith.addi %mul3A_25, %add3A_777 : i32
      %get3A_779 = arith.index_cast %add3A_778 : i32 to index
      %get3A_780 = arith.constant 64 : index
      %get3A_781 = tpu.vector_load %arg10[%get3A_779, %get3A_780] {strides = array<i32>} : memref<125x80xi32, #tpu.memory_space<vmem>>, vector<16xi32>,
      %gather3A_782 = tpu.vector_load_idx %arg14[%get3A_781] : memref<10000xf32, #tpu.memory_space<vmem>>[vector<16xi32>], vector<16xf32>,
      %add3A_783 = arith.constant 4 : i32
      %add3A_784 = arith.addi %mul3A_25, %add3A_783 : i32
      %get3A_785 = arith.index_cast %add3A_784 : i32 to index
      %get3A_786 = arith.constant 64 : index
      %get3A_787 = tpu.vector_load %arg11[%get3A_785, %get3A_786] {strides = array<i32>} : memref<125x80xi32, #tpu.memory_space<vmem>>, vector<16xi32>,
      %gather3A_788 = tpu.vector_load_idx %arg15[%get3A_787] : memref<10000xf32, #tpu.memory_space<vmem>>[vector<16xi32>], vector<16xf32>,
      %add3A_789 = arith.addf %gather3A_782, %gather3A_788 : vector<16xf32>
      %gt3A_790 = arith.constant 0.000000e+00 : f32
      %gt3A_791 = vector.broadcast %gt3A_790 : f32 to vector<16xf32>
      %gt3A_792 = arith.cmpf ogt, %add3A_789, %gt3A_791 : vector<16xf32>
      %mul3A_793 = arith.constant 2.000000e-01 : f32
      %mul3A_794 = vector.broadcast %mul3A_793 : f32 to vector<16xf32>
      %mul3A_795 = arith.mulf %mul3A_794, %add3A_789 : vector<16xf32>
      %select_n3A_796 = arith.select %gt3A_792, %add3A_789, %mul3A_795 : vector<16xi1>, vector<16xf32>
      %sub3A_797 = arith.subf %select_n3A_796, %get3A_5 : vector<16xf32>
      %exp3A_798 = math.exp %sub3A_797 : vector<16xf32>
      %swap3A_799 = arith.constant 64 : index
      %swap3A_800 = tpu.vector_load %arg13[%swap3A_799] {strides = array<i32>} : memref<80xf32, #tpu.memory_space<vmem>>, vector<16xf32>,
      tpu.vector_store %arg13[%swap3A_799], %exp3A_798 {strides = array<i32>} : memref<80xf32, #tpu.memory_space<vmem>>, vector<16xf32>,
      %parallel_loop3A_801 = arith.constant 0 : i32
      %parallel_loop3A_802 = arith.constant 80 : i32
      %parallel_loop3A_803 = arith.constant 1 : i32
      scf.for %parallel_loop3A_873 = %parallel_loop3A_801 to %parallel_loop3A_802 step %parallel_loop3A_803  : i32 {
        %parallel_loop3A_874 = arith.constant 0 : i32
        %parallel_loop3A_875 = vector.broadcast %parallel_loop3A_874 : i32 to vector<16xi32>
        %parallel_loop3A_876 = vector.broadcast %parallel_loop3A_873 : i32 to vector<16xi32>
        %parallel_loop3A_877 = arith.addi %parallel_loop3A_875, %parallel_loop3A_876 : vector<16xi32>
        %parallel_loop3A_878 = tpu.vector_load_idx %arg13[%parallel_loop3A_877] : memref<80xf32, #tpu.memory_space<vmem>>[vector<16xi32>], vector<16xf32>,
        %parallel_loop3A_879 = arith.constant 4 : i32
        %parallel_loop3A_880 = arith.index_cast %parallel_loop3A_879 : i32 to index
        %parallel_loop3A_881 = arith.index_cast %parallel_loop3A_873 : i32 to index
        %parallel_loop3A_882 = arith.constant 0 : index
        %parallel_loop3A_883 = tpu.vector_load %arg12[%parallel_loop3A_880, %parallel_loop3A_881, %parallel_loop3A_882] {strides = array<i32>} : memref<5x80x80xf32, #tpu.memory_space<vmem>>, vector<16xf32>,
        %parallel_loop3A_884 = arith.mulf %parallel_loop3A_883, %parallel_loop3A_878 : vector<16xf32>
        %parallel_loop3A_885 = arith.constant 4 : i32
        %parallel_loop3A_886 = arith.index_cast %parallel_loop3A_885 : i32 to index
        %parallel_loop3A_887 = arith.index_cast %parallel_loop3A_873 : i32 to index
        %parallel_loop3A_888 = arith.constant 0 : index
        %parallel_loop3A_889 = tpu.vector_load %arg12[%parallel_loop3A_886, %parallel_loop3A_887, %parallel_loop3A_888] {strides = array<i32>} : memref<5x80x80xf32, #tpu.memory_space<vmem>>, vector<16xf32>,
        tpu.vector_store %arg12[%parallel_loop3A_886, %parallel_loop3A_887, %parallel_loop3A_888], %parallel_loop3A_884 {strides = array<i32>} : memref<5x80x80xf32, #tpu.memory_space<vmem>>, vector<16xf32>,
        %parallel_loop3A_890 = arith.constant 4 : i32
        %parallel_loop3A_891 = arith.index_cast %parallel_loop3A_890 : i32 to index
        %parallel_loop3A_892 = arith.index_cast %parallel_loop3A_873 : i32 to index
        %parallel_loop3A_893 = arith.constant 16 : index
        %parallel_loop3A_894 = tpu.vector_load %arg12[%parallel_loop3A_891, %parallel_loop3A_892, %parallel_loop3A_893] {strides = array<i32>} : memref<5x80x80xf32, #tpu.memory_space<vmem>>, vector<16xf32>,
        %parallel_loop3A_895 = arith.mulf %parallel_loop3A_894, %parallel_loop3A_878 : vector<16xf32>
        %parallel_loop3A_896 = arith.constant 4 : i32
        %parallel_loop3A_897 = arith.index_cast %parallel_loop3A_896 : i32 to index
        %parallel_loop3A_898 = arith.index_cast %parallel_loop3A_873 : i32 to index
        %parallel_loop3A_899 = arith.constant 16 : index
        %parallel_loop3A_900 = tpu.vector_load %arg12[%parallel_loop3A_897, %parallel_loop3A_898, %parallel_loop3A_899] {strides = array<i32>} : memref<5x80x80xf32, #tpu.memory_space<vmem>>, vector<16xf32>,
        tpu.vector_store %arg12[%parallel_loop3A_897, %parallel_loop3A_898, %parallel_loop3A_899], %parallel_loop3A_895 {strides = array<i32>} : memref<5x80x80xf32, #tpu.memory_space<vmem>>, vector<16xf32>,
        %parallel_loop3A_901 = arith.constant 4 : i32
        %parallel_loop3A_902 = arith.index_cast %parallel_loop3A_901 : i32 to index
        %parallel_loop3A_903 = arith.index_cast %parallel_loop3A_873 : i32 to index
        %parallel_loop3A_904 = arith.constant 32 : index
        %parallel_loop3A_905 = tpu.vector_load %arg12[%parallel_loop3A_902, %parallel_loop3A_903, %parallel_loop3A_904] {strides = array<i32>} : memref<5x80x80xf32, #tpu.memory_space<vmem>>, vector<16xf32>,
        %parallel_loop3A_906 = arith.mulf %parallel_loop3A_905, %parallel_loop3A_878 : vector<16xf32>
        %parallel_loop3A_907 = arith.constant 4 : i32
        %parallel_loop3A_908 = arith.index_cast %parallel_loop3A_907 : i32 to index
        %parallel_loop3A_909 = arith.index_cast %parallel_loop3A_873 : i32 to index
        %parallel_loop3A_910 = arith.constant 32 : index
        %parallel_loop3A_911 = tpu.vector_load %arg12[%parallel_loop3A_908, %parallel_loop3A_909, %parallel_loop3A_910] {strides = array<i32>} : memref<5x80x80xf32, #tpu.memory_space<vmem>>, vector<16xf32>,
        tpu.vector_store %arg12[%parallel_loop3A_908, %parallel_loop3A_909, %parallel_loop3A_910], %parallel_loop3A_906 {strides = array<i32>} : memref<5x80x80xf32, #tpu.memory_space<vmem>>, vector<16xf32>,
        %parallel_loop3A_912 = arith.constant 4 : i32
        %parallel_loop3A_913 = arith.index_cast %parallel_loop3A_912 : i32 to index
        %parallel_loop3A_914 = arith.index_cast %parallel_loop3A_873 : i32 to index
        %parallel_loop3A_915 = arith.constant 48 : index
        %parallel_loop3A_916 = tpu.vector_load %arg12[%parallel_loop3A_913, %parallel_loop3A_914, %parallel_loop3A_915] {strides = array<i32>} : memref<5x80x80xf32, #tpu.memory_space<vmem>>, vector<16xf32>,
        %parallel_loop3A_917 = arith.mulf %parallel_loop3A_916, %parallel_loop3A_878 : vector<16xf32>
        %parallel_loop3A_918 = arith.constant 4 : i32
        %parallel_loop3A_919 = arith.index_cast %parallel_loop3A_918 : i32 to index
        %parallel_loop3A_920 = arith.index_cast %parallel_loop3A_873 : i32 to index
        %parallel_loop3A_921 = arith.constant 48 : index
        %parallel_loop3A_922 = tpu.vector_load %arg12[%parallel_loop3A_919, %parallel_loop3A_920, %parallel_loop3A_921] {strides = array<i32>} : memref<5x80x80xf32, #tpu.memory_space<vmem>>, vector<16xf32>,
        tpu.vector_store %arg12[%parallel_loop3A_919, %parallel_loop3A_920, %parallel_loop3A_921], %parallel_loop3A_917 {strides = array<i32>} : memref<5x80x80xf32, #tpu.memory_space<vmem>>, vector<16xf32>,
        %parallel_loop3A_923 = arith.constant 4 : i32
        %parallel_loop3A_924 = arith.index_cast %parallel_loop3A_923 : i32 to index
        %parallel_loop3A_925 = arith.index_cast %parallel_loop3A_873 : i32 to index
        %parallel_loop3A_926 = arith.constant 64 : index
        %parallel_loop3A_927 = tpu.vector_load %arg12[%parallel_loop3A_924, %parallel_loop3A_925, %parallel_loop3A_926] {strides = array<i32>} : memref<5x80x80xf32, #tpu.memory_space<vmem>>, vector<16xf32>,
        %parallel_loop3A_928 = arith.mulf %parallel_loop3A_927, %parallel_loop3A_878 : vector<16xf32>
        %parallel_loop3A_929 = arith.constant 4 : i32
        %parallel_loop3A_930 = arith.index_cast %parallel_loop3A_929 : i32 to index
        %parallel_loop3A_931 = arith.index_cast %parallel_loop3A_873 : i32 to index
        %parallel_loop3A_932 = arith.constant 64 : index
        %parallel_loop3A_933 = tpu.vector_load %arg12[%parallel_loop3A_930, %parallel_loop3A_931, %parallel_loop3A_932] {strides = array<i32>} : memref<5x80x80xf32, #tpu.memory_space<vmem>>, vector<16xf32>,
        tpu.vector_store %arg12[%parallel_loop3A_930, %parallel_loop3A_931, %parallel_loop3A_932], %parallel_loop3A_928 {strides = array<i32>} : memref<5x80x80xf32, #tpu.memory_space<vmem>>, vector<16xf32>,
      } {sc.loop_unroll_factor = 8 : i64, sc.parallel_access}
      %add3A_804 = arith.constant 4 : i32
      %add3A_805 = arith.addi %mul3A_25, %add3A_804 : i32
      %dma_start3A_806 = arith.constant 4 : i32
      %dma_start3A_807 = arith.constant 0 : i32
      %dma_start3A_808 = arith.constant 0 : i32
      %dma_start3A_809 = tpu.memref_slice %arg12[%dma_start3A_806, %dma_start3A_807, %dma_start3A_808] : memref<5x80x80xf32, #tpu.memory_space<vmem>> -> memref<1x80x80xf32, #tpu.memory_space<vmem>>
      %dma_start3A_810 = tpu.memref_squeeze %dma_start3A_809 : memref<1x80x80xf32, #tpu.memory_space<vmem>> -> memref<80x80xf32, #tpu.memory_space<vmem>>
      %dma_start3A_811 = arith.constant 0 : i32
      %dma_start3A_812 = tpu.memref_slice %arg11[%add3A_805, %dma_start3A_811] : memref<125x80xi32, #tpu.memory_space<vmem>> -> memref<1x80xi32, #tpu.memory_space<vmem>>
      %dma_start3A_813 = tpu.memref_squeeze %dma_start3A_812 : memref<1x80xi32, #tpu.memory_space<vmem>> -> memref<80xi32, #tpu.memory_space<vmem>>
      %dma_start3A_814 = arith.constant 0 : i32
      %dma_start3A_815 = arith.constant 0 : i32
      %dma_start3A_816 = tpu.memref_slice %arg17[%dma_start3A_814, %dma_start3A_815] : memref<10000x80xf32, #tpu.memory_space<vmem_shared>> -> memref<10000x80xf32, #tpu.memory_space<vmem_shared>>
      tpu.enqueue_indirect_dma source(%dma_start3A_810 : memref<80x80xf32, #tpu.memory_space<vmem>>) target(%dma_start3A_816 : memref<10000x80xf32, #tpu.memory_space<vmem_shared>>) offsets(%dma_start3A_813 : memref<80xi32, #tpu.memory_space<vmem>>) semaphore(%arg19 : memref<!tpu.dma_semaphore, #tpu.memory_space<semaphore_mem>>) {add = true}
      %dma_wait3A_817 = arith.constant 0 : i32
      %dma_wait3A_818 = arith.constant 0 : i32
      %dma_wait3A_819 = arith.constant 0 : i32
      %dma_wait3A_820 = tpu.memref_slice %arg12[%dma_wait3A_817, %dma_wait3A_818, %dma_wait3A_819] : memref<5x80x80xf32, #tpu.memory_space<vmem>> -> memref<1x80x80xf32, #tpu.memory_space<vmem>>
      %dma_wait3A_821 = tpu.memref_squeeze %dma_wait3A_820 : memref<1x80x80xf32, #tpu.memory_space<vmem>> -> memref<80x80xf32, #tpu.memory_space<vmem>>
      %dma_wait3A_822 = arith.constant 0 : i32
      %dma_wait3A_823 = tpu.memref_slice %arg11[%add3A_217, %dma_wait3A_822] : memref<125x80xi32, #tpu.memory_space<vmem>> -> memref<1x80xi32, #tpu.memory_space<vmem>>
      %dma_wait3A_824 = tpu.memref_squeeze %dma_wait3A_823 : memref<1x80xi32, #tpu.memory_space<vmem>> -> memref<80xi32, #tpu.memory_space<vmem>>
      %dma_wait3A_825 = arith.constant 0 : i32
      %dma_wait3A_826 = arith.constant 0 : i32
      %dma_wait3A_827 = tpu.memref_slice %arg17[%dma_wait3A_825, %dma_wait3A_826] : memref<10000x80xf32, #tpu.memory_space<vmem_shared>> -> memref<10000x80xf32, #tpu.memory_space<vmem_shared>>
      tpu.wait_indirect_dma semaphore(%arg19 : memref<!tpu.dma_semaphore, #tpu.memory_space<semaphore_mem>>) src(%dma_wait3A_821 : memref<80x80xf32, #tpu.memory_space<vmem>>) dst(%dma_wait3A_827 : memref<10000x80xf32, #tpu.memory_space<vmem_shared>>)
      %dma_wait3A_828 = arith.constant 1 : i32
      %dma_wait3A_829 = arith.constant 0 : i32
      %dma_wait3A_830 = arith.constant 0 : i32
      %dma_wait3A_831 = tpu.memref_slice %arg12[%dma_wait3A_828, %dma_wait3A_829, %dma_wait3A_830] : memref<5x80x80xf32, #tpu.memory_space<vmem>> -> memref<1x80x80xf32, #tpu.memory_space<vmem>>
      %dma_wait3A_832 = tpu.memref_squeeze %dma_wait3A_831 : memref<1x80x80xf32, #tpu.memory_space<vmem>> -> memref<80x80xf32, #tpu.memory_space<vmem>>
      %dma_wait3A_833 = arith.constant 0 : i32
      %dma_wait3A_834 = tpu.memref_slice %arg11[%add3A_364, %dma_wait3A_833] : memref<125x80xi32, #tpu.memory_space<vmem>> -> memref<1x80xi32, #tpu.memory_space<vmem>>
      %dma_wait3A_835 = tpu.memref_squeeze %dma_wait3A_834 : memref<1x80xi32, #tpu.memory_space<vmem>> -> memref<80xi32, #tpu.memory_space<vmem>>
      %dma_wait3A_836 = arith.constant 0 : i32
      %dma_wait3A_837 = arith.constant 0 : i32
      %dma_wait3A_838 = tpu.memref_slice %arg17[%dma_wait3A_836, %dma_wait3A_837] : memref<10000x80xf32, #tpu.memory_space<vmem_shared>> -> memref<10000x80xf32, #tpu.memory_space<vmem_shared>>
      tpu.wait_indirect_dma semaphore(%arg19 : memref<!tpu.dma_semaphore, #tpu.memory_space<semaphore_mem>>) src(%dma_wait3A_832 : memref<80x80xf32, #tpu.memory_space<vmem>>) dst(%dma_wait3A_838 : memref<10000x80xf32, #tpu.memory_space<vmem_shared>>)
      %dma_wait3A_839 = arith.constant 2 : i32
      %dma_wait3A_840 = arith.constant 0 : i32
      %dma_wait3A_841 = arith.constant 0 : i32
      %dma_wait3A_842 = tpu.memref_slice %arg12[%dma_wait3A_839, %dma_wait3A_840, %dma_wait3A_841] : memref<5x80x80xf32, #tpu.memory_space<vmem>> -> memref<1x80x80xf32, #tpu.memory_space<vmem>>
      %dma_wait3A_843 = tpu.memref_squeeze %dma_wait3A_842 : memref<1x80x80xf32, #tpu.memory_space<vmem>> -> memref<80x80xf32, #tpu.memory_space<vmem>>
      %dma_wait3A_844 = arith.constant 0 : i32
      %dma_wait3A_845 = tpu.memref_slice %arg11[%add3A_511, %dma_wait3A_844] : memref<125x80xi32, #tpu.memory_space<vmem>> -> memref<1x80xi32, #tpu.memory_space<vmem>>
      %dma_wait3A_846 = tpu.memref_squeeze %dma_wait3A_845 : memref<1x80xi32, #tpu.memory_space<vmem>> -> memref<80xi32, #tpu.memory_space<vmem>>
      %dma_wait3A_847 = arith.constant 0 : i32
      %dma_wait3A_848 = arith.constant 0 : i32
      %dma_wait3A_849 = tpu.memref_slice %arg17[%dma_wait3A_847, %dma_wait3A_848] : memref<10000x80xf32, #tpu.memory_space<vmem_shared>> -> memref<10000x80xf32, #tpu.memory_space<vmem_shared>>
      tpu.wait_indirect_dma semaphore(%arg19 : memref<!tpu.dma_semaphore, #tpu.memory_space<semaphore_mem>>) src(%dma_wait3A_843 : memref<80x80xf32, #tpu.memory_space<vmem>>) dst(%dma_wait3A_849 : memref<10000x80xf32, #tpu.memory_space<vmem_shared>>)
      %dma_wait3A_850 = arith.constant 3 : i32
      %dma_wait3A_851 = arith.constant 0 : i32
      %dma_wait3A_852 = arith.constant 0 : i32
      %dma_wait3A_853 = tpu.memref_slice %arg12[%dma_wait3A_850, %dma_wait3A_851, %dma_wait3A_852] : memref<5x80x80xf32, #tpu.memory_space<vmem>> -> memref<1x80x80xf32, #tpu.memory_space<vmem>>
      %dma_wait3A_854 = tpu.memref_squeeze %dma_wait3A_853 : memref<1x80x80xf32, #tpu.memory_space<vmem>> -> memref<80x80xf32, #tpu.memory_space<vmem>>
      %dma_wait3A_855 = arith.constant 0 : i32
      %dma_wait3A_856 = tpu.memref_slice %arg11[%add3A_658, %dma_wait3A_855] : memref<125x80xi32, #tpu.memory_space<vmem>> -> memref<1x80xi32, #tpu.memory_space<vmem>>
      %dma_wait3A_857 = tpu.memref_squeeze %dma_wait3A_856 : memref<1x80xi32, #tpu.memory_space<vmem>> -> memref<80xi32, #tpu.memory_space<vmem>>
      %dma_wait3A_858 = arith.constant 0 : i32
      %dma_wait3A_859 = arith.constant 0 : i32
      %dma_wait3A_860 = tpu.memref_slice %arg17[%dma_wait3A_858, %dma_wait3A_859] : memref<10000x80xf32, #tpu.memory_space<vmem_shared>> -> memref<10000x80xf32, #tpu.memory_space<vmem_shared>>
      tpu.wait_indirect_dma semaphore(%arg19 : memref<!tpu.dma_semaphore, #tpu.memory_space<semaphore_mem>>) src(%dma_wait3A_854 : memref<80x80xf32, #tpu.memory_space<vmem>>) dst(%dma_wait3A_860 : memref<10000x80xf32, #tpu.memory_space<vmem_shared>>)
      %dma_wait3A_861 = arith.constant 4 : i32
      %dma_wait3A_862 = arith.constant 0 : i32
      %dma_wait3A_863 = arith.constant 0 : i32
      %dma_wait3A_864 = tpu.memref_slice %arg12[%dma_wait3A_861, %dma_wait3A_862, %dma_wait3A_863] : memref<5x80x80xf32, #tpu.memory_space<vmem>> -> memref<1x80x80xf32, #tpu.memory_space<vmem>>
      %dma_wait3A_865 = tpu.memref_squeeze %dma_wait3A_864 : memref<1x80x80xf32, #tpu.memory_space<vmem>> -> memref<80x80xf32, #tpu.memory_space<vmem>>
      %dma_wait3A_866 = arith.constant 0 : i32
      %dma_wait3A_867 = tpu.memref_slice %arg11[%add3A_805, %dma_wait3A_866] : memref<125x80xi32, #tpu.memory_space<vmem>> -> memref<1x80xi32, #tpu.memory_space<vmem>>
      %dma_wait3A_868 = tpu.memref_squeeze %dma_wait3A_867 : memref<1x80xi32, #tpu.memory_space<vmem>> -> memref<80xi32, #tpu.memory_space<vmem>>
      %dma_wait3A_869 = arith.constant 0 : i32
      %dma_wait3A_870 = arith.constant 0 : i32
      %dma_wait3A_871 = tpu.memref_slice %arg17[%dma_wait3A_869, %dma_wait3A_870] : memref<10000x80xf32, #tpu.memory_space<vmem_shared>> -> memref<10000x80xf32, #tpu.memory_space<vmem_shared>>
      tpu.wait_indirect_dma semaphore(%arg19 : memref<!tpu.dma_semaphore, #tpu.memory_space<semaphore_mem>>) src(%dma_wait3A_865 : memref<80x80xf32, #tpu.memory_space<vmem>>) dst(%dma_wait3A_871 : memref<10000x80xf32, #tpu.memory_space<vmem_shared>>)
      %scan3A_872 = arith.constant 0 : i32
      scf.yield %scan3A_872 : i32
    }
    %scan3A_11 = arith.constant 25 : i32
    %barrier3A_12 = arith.constant 0 : index
    tpu.barrier barrier_id(%barrier3A_12)
    %mul3A_13 = arith.constant 624 : i32
    %mul3A_14 = arith.muli %arg1, %mul3A_13 : i32
    %mul3A_15 = arith.constant 624 : i32
    %mul3A_16 = arith.muli %arg1, %mul3A_15 : i32
    "tpu.region"() ({
      %run_scoped3A = tpu.sem_alloc : memref<!tpu.dma_semaphore, #tpu.memory_space<semaphore_mem>>
      %dma_start3A = arith.constant 0 : i32
      %dma_start3A_22 = tpu.memref_slice %arg9[%arg0, %mul3A_16, %dma_start3A] : memref<2x10000x80xf32, #tpu.memory_space<hbm>> -> memref<1x624x80xf32, #tpu.memory_space<hbm>>
      %dma_start3A_23 = tpu.memref_squeeze %dma_start3A_22 : memref<1x624x80xf32, #tpu.memory_space<hbm>> -> memref<624x80xf32, #tpu.memory_space<hbm>>
      %dma_start3A_24 = arith.constant 0 : i32
      %dma_start3A_25 = tpu.memref_slice %arg17[%mul3A_14, %dma_start3A_24] : memref<10000x80xf32, #tpu.memory_space<vmem_shared>> -> memref<624x80xf32, #tpu.memory_space<vmem_shared>>
      tpu.enqueue_dma source(%dma_start3A_25 : memref<624x80xf32, #tpu.memory_space<vmem_shared>>) target(%dma_start3A_23 : memref<624x80xf32, #tpu.memory_space<hbm>>) target_semaphore(%run_scoped3A : memref<!tpu.dma_semaphore, #tpu.memory_space<semaphore_mem>>)
      %dma_wait3A = arith.constant 0 : i32
      %dma_wait3A_26 = tpu.memref_slice %arg9[%arg0, %mul3A_16, %dma_wait3A] : memref<2x10000x80xf32, #tpu.memory_space<hbm>> -> memref<1x624x80xf32, #tpu.memory_space<hbm>>
      %dma_wait3A_27 = tpu.memref_squeeze %dma_wait3A_26 : memref<1x624x80xf32, #tpu.memory_space<hbm>> -> memref<624x80xf32, #tpu.memory_space<hbm>>
      %dma_wait3A_28 = arith.constant 0 : i32
      %dma_wait3A_29 = tpu.memref_slice %arg17[%mul3A_14, %dma_wait3A_28] : memref<10000x80xf32, #tpu.memory_space<vmem_shared>> -> memref<624x80xf32, #tpu.memory_space<vmem_shared>>
      tpu.wait_dma2 semaphore(%run_scoped3A : memref<!tpu.dma_semaphore, #tpu.memory_space<semaphore_mem>>) src(%dma_wait3A_29 : memref<624x80xf32, #tpu.memory_space<vmem_shared>>) dst(%dma_wait3A_27 : memref<624x80xf32, #tpu.memory_space<hbm>>)
      tpu.yield
    }) : () -> ()
    %eq3A_17 = arith.constant 0 : i32
    %eq3A_18 = arith.cmpi eq, %arg1, %eq3A_17 : i32
    %convert_element_type3A_19 = arith.extui %eq3A_18 : i1 to i32
    %cond3A_20 = arith.constant 0 : i32
    %cond3A_21 = arith.cmpi ne, %convert_element_type3A_19, %cond3A_20 : i32
    scf.if %cond3A_21 {
      "tpu.region"() ({
        %run_scoped3A = tpu.sem_alloc : memref<!tpu.dma_semaphore, #tpu.memory_space<semaphore_mem>>
        %dma_start3A = arith.constant 9984 : i32
        %dma_start3A_22 = arith.constant 0 : i32
        %dma_start3A_23 = tpu.memref_slice %arg9[%arg0, %dma_start3A, %dma_start3A_22] : memref<2x10000x80xf32, #tpu.memory_space<hbm>> -> memref<1x16x80xf32, #tpu.memory_space<hbm>>
        %dma_start3A_24 = tpu.memref_squeeze %dma_start3A_23 : memref<1x16x80xf32, #tpu.memory_space<hbm>> -> memref<16x80xf32, #tpu.memory_space<hbm>>
        %dma_start3A_25 = arith.constant 9984 : i32
        %dma_start3A_26 = arith.constant 0 : i32
        %dma_start3A_27 = tpu.memref_slice %arg17[%dma_start3A_25, %dma_start3A_26] : memref<10000x80xf32, #tpu.memory_space<vmem_shared>> -> memref<16x80xf32, #tpu.memory_space<vmem_shared>>
        tpu.enqueue_dma source(%dma_start3A_27 : memref<16x80xf32, #tpu.memory_space<vmem_shared>>) target(%dma_start3A_24 : memref<16x80xf32, #tpu.memory_space<hbm>>) target_semaphore(%run_scoped3A : memref<!tpu.dma_semaphore, #tpu.memory_space<semaphore_mem>>)
        %dma_wait3A = arith.constant 9984 : i32
        %dma_wait3A_28 = arith.constant 0 : i32
        %dma_wait3A_29 = tpu.memref_slice %arg9[%arg0, %dma_wait3A, %dma_wait3A_28] : memref<2x10000x80xf32, #tpu.memory_space<hbm>> -> memref<1x16x80xf32, #tpu.memory_space<hbm>>
        %dma_wait3A_30 = tpu.memref_squeeze %dma_wait3A_29 : memref<1x16x80xf32, #tpu.memory_space<hbm>> -> memref<16x80xf32, #tpu.memory_space<hbm>>
        %dma_wait3A_31 = arith.constant 9984 : i32
        %dma_wait3A_32 = arith.constant 0 : i32
        %dma_wait3A_33 = tpu.memref_slice %arg17[%dma_wait3A_31, %dma_wait3A_32] : memref<10000x80xf32, #tpu.memory_space<vmem_shared>> -> memref<16x80xf32, #tpu.memory_space<vmem_shared>>
        tpu.wait_dma2 semaphore(%run_scoped3A : memref<!tpu.dma_semaphore, #tpu.memory_space<semaphore_mem>>) src(%dma_wait3A_33 : memref<16x80xf32, #tpu.memory_space<vmem_shared>>) dst(%dma_wait3A_30 : memref<16x80xf32, #tpu.memory_space<hbm>>)
        tpu.yield
      }) : () -> ()
    } else {
    }
    return
  }
}

module attributes {stable_mosaic.version = 14 : i64} {
  func.func @_stage_a(%arg0: i32, %arg1: memref<1000x128xf32, #tpu.memory_space<vmem>>, %arg2: memref<64x128xf32, #tpu.memory_space<vmem>>, %arg3: memref<128x64xf32, #tpu.memory_space<vmem>>, %arg4: memref<128x128xf32, #tpu.memory_space<vmem>>, %arg5: memref<1000x144xf32, #tpu.memory_space<vmem>>, %arg6: memref<1000x128xf32, #tpu.memory_space<vmem>>) attributes {dimension_semantics = [#tpu.dimension_semantics<arbitrary>], iteration_bounds = array<i64: 10>, scalar_prefetch = 0 : i64, scratch_operands = 0 : i64, tpu.core_type = #tpu.core_type<tc>, window_params = [{transform_indices = @transform_0, window_bounds = array<i64: 1000, 128>}, {pipeline_mode = #tpu.pipeline_mode<synchronous>, transform_indices = @transform_1, window_bounds = array<i64: 64, 128>}, {pipeline_mode = #tpu.pipeline_mode<synchronous>, transform_indices = @transform_2, window_bounds = array<i64: 128, 64>}, {pipeline_mode = #tpu.pipeline_mode<synchronous>, transform_indices = @transform_3, window_bounds = array<i64: 128, 128>}, {transform_indices = @transform_4, window_bounds = array<i64: 1000, 144>}, {transform_indices = @transform_5, window_bounds = array<i64: 1000, 128>}]} {
    %get3A = arith.constant 0 : index
    %get3A_0 = arith.constant 0 : index
    %get3A_1 = vector.load %arg1[%get3A, %get3A_0] : memref<1000x128xf32, #tpu.memory_space<vmem>>, vector<1000x128xf32>
    %get3A_2 = arith.constant 0 : index
    %get3A_3 = arith.constant 0 : index
    %get3A_4 = vector.load %arg2[%get3A_2, %get3A_3] : memref<64x128xf32, #tpu.memory_space<vmem>>, vector<64x128xf32>
    %transpose3A = tpu.transpose %get3A_4, [1, 0] : vector<64x128xf32> -> vector<128x64xf32>
    %dot_general3A = arith.constant dense<0.000000e+00> : vector<1000x64xf32>
    %dot_general3A_5 = tpu.matmul %get3A_1, %transpose3A, %dot_general3A {dimension_numbers = #tpu.dot_dimension_numbers<[1], [0], [0], [1], [0, 0, 1, 1], [], []>, transpose_lhs_hint = false} : vector<1000x128xf32>, vector<128x64xf32>, vector<1000x64xf32> -> vector<1000x64xf32>
    %max3A = arith.constant 0.000000e+00 : f32
    %max3A_6 = vector.broadcast %max3A : f32 to vector<1000x64xf32>
    %max3A_7 = arith.maximumf %dot_general3A_5, %max3A_6 : vector<1000x64xf32>
    %get3A_8 = arith.constant 0 : index
    %get3A_9 = arith.constant 0 : index
    %get3A_10 = vector.load %arg3[%get3A_8, %get3A_9] : memref<128x64xf32, #tpu.memory_space<vmem>>, vector<128x64xf32>
    %transpose3A_11 = tpu.transpose %get3A_10, [1, 0] : vector<128x64xf32> -> vector<64x128xf32>
    %dot_general3A_12 = arith.constant dense<0.000000e+00> : vector<1000x128xf32>
    %dot_general3A_13 = tpu.matmul %max3A_7, %transpose3A_11, %dot_general3A_12 {dimension_numbers = #tpu.dot_dimension_numbers<[1], [0], [0], [1], [0, 0, 1, 1], [], []>, transpose_lhs_hint = false} : vector<1000x64xf32>, vector<64x128xf32>, vector<1000x128xf32> -> vector<1000x128xf32>
    %mul3A = arith.constant 2.000000e+00 : f32
    %mul3A_14 = vector.broadcast %mul3A : f32 to vector<1000x128xf32>
    %mul3A_15 = arith.mulf %mul3A_14, %dot_general3A_13 : vector<1000x128xf32>
    %logistic3A = arith.negf %mul3A_15 : vector<1000x128xf32>
    %logistic3A_16 = math.exp %logistic3A : vector<1000x128xf32>
    %logistic3A_17 = arith.constant 1.000000e+00 : f32
    %logistic3A_18 = vector.broadcast %logistic3A_17 : f32 to vector<1000x128xf32>
    %logistic3A_19 = arith.addf %logistic3A_18, %logistic3A_16 : vector<1000x128xf32>
    %logistic3A_20 = arith.divf %logistic3A_18, %logistic3A_19 : vector<1000x128xf32>
    %mul3A_21 = arith.mulf %get3A_1, %logistic3A_20 : vector<1000x128xf32>
    %get3A_22 = arith.constant 0 : index
    %get3A_23 = arith.constant 0 : index
    %get3A_24 = vector.load %arg4[%get3A_22, %get3A_23] : memref<128x128xf32, #tpu.memory_space<vmem>>, vector<128x128xf32>
    %transpose3A_25 = tpu.transpose %get3A_24, [1, 0] : vector<128x128xf32> -> vector<128x128xf32>
    %dot_general3A_26 = arith.constant dense<0.000000e+00> : vector<1000x128xf32>
    %dot_general3A_27 = tpu.matmul %mul3A_21, %transpose3A_25, %dot_general3A_26 {dimension_numbers = #tpu.dot_dimension_numbers<[1], [0], [0], [1], [0, 0, 1, 1], [], []>, transpose_lhs_hint = false} : vector<1000x128xf32>, vector<128x128xf32>, vector<1000x128xf32> -> vector<1000x128xf32>
    %swap3A = arith.constant 0 : index
    %swap3A_28 = arith.constant 0 : index
    %swap3A_29 = vector.load %arg6[%swap3A, %swap3A_28] : memref<1000x128xf32, #tpu.memory_space<vmem>>, vector<1000x128xf32>
    tpu.vector_store %arg6[%swap3A, %swap3A_28], %dot_general3A_27 {strides = array<i32>} : memref<1000x128xf32, #tpu.memory_space<vmem>>, vector<1000x128xf32>,
    %broadcast_in_dim3A = arith.constant 1.000000e+00 : f32
    %broadcast_in_dim3A_30 = vector.broadcast %broadcast_in_dim3A : f32 to vector<1000x1xf32>
    %broadcast_in_dim3A_31 = arith.constant 0.000000e+00 : f32
    %broadcast_in_dim3A_32 = vector.broadcast %broadcast_in_dim3A_31 : f32 to vector<1000x15xf32>
    %concatenate3A = tpu.concatenate %mul3A_21, %broadcast_in_dim3A_30, %broadcast_in_dim3A_32 in 1 : vector<1000x128xf32>, vector<1000x1xf32>, vector<1000x15xf32> -> vector<1000x144xf32>
    %swap3A_33 = arith.constant 0 : index
    %swap3A_34 = arith.constant 0 : index
    %swap3A_35 = vector.load %arg5[%swap3A_33, %swap3A_34] : memref<1000x144xf32, #tpu.memory_space<vmem>>, vector<1000x144xf32>
    tpu.vector_store %arg5[%swap3A_33, %swap3A_34], %concatenate3A {strides = array<i32>} : memref<1000x144xf32, #tpu.memory_space<vmem>>, vector<1000x144xf32>,
    return
  }
  func.func @transform_0(%arg0: i32) -> (i32, i32) {
    %c0_i32 = arith.constant 0 : i32
    %c0_i32_0 = arith.constant 0 : i32
    return %arg0, %c0_i32 : i32, i32
  }
  func.func @transform_1(%arg0: i32) -> (i32, i32) {
    %c0_i32 = arith.constant 0 : i32
    %c0_i32_0 = arith.constant 0 : i32
    %c0_i32_1 = arith.constant 0 : i32
    return %c0_i32, %c0_i32_0 : i32, i32
  }
  func.func @transform_2(%arg0: i32) -> (i32, i32) {
    %c0_i32 = arith.constant 0 : i32
    %c0_i32_0 = arith.constant 0 : i32
    %c0_i32_1 = arith.constant 0 : i32
    return %c0_i32, %c0_i32_0 : i32, i32
  }
  func.func @transform_3(%arg0: i32) -> (i32, i32) {
    %c0_i32 = arith.constant 0 : i32
    %c0_i32_0 = arith.constant 0 : i32
    %c0_i32_1 = arith.constant 0 : i32
    return %c0_i32, %c0_i32_0 : i32, i32
  }
  func.func @transform_4(%arg0: i32) -> (i32, i32) {
    %c0_i32 = arith.constant 0 : i32
    %c0_i32_0 = arith.constant 0 : i32
    return %arg0, %c0_i32 : i32, i32
  }
  func.func @transform_5(%arg0: i32) -> (i32, i32) {
    %c0_i32 = arith.constant 0 : i32
    %c0_i32_0 = arith.constant 0 : i32
    return %arg0, %c0_i32 : i32, i32
  }
}

module attributes {stable_mosaic.version = 14 : i64} {
  func.func @_stage_c(%arg0: i32, %arg1: memref<2x1000x144xf32, #tpu.memory_space<vmem>>, %arg2: memref<1000x128xf32, #tpu.memory_space<vmem>>, %arg3: memref<128x128xf32, #tpu.memory_space<vmem>>, %arg4: memref<1x128xf32, #tpu.memory_space<vmem>>, %arg5: memref<64x128xf32, #tpu.memory_space<vmem>>, %arg6: memref<1x64xf32, #tpu.memory_space<vmem>>, %arg7: memref<1x64xf32, #tpu.memory_space<vmem>>, %arg8: memref<1000x80xf32, #tpu.memory_space<vmem>>, %arg9: memref<1000x1xf32, #tpu.memory_space<vmem>>, %arg10: memref<1000x1xf32, #tpu.memory_space<vmem>>, %arg11: memref<1x8xf32, #tpu.memory_space<vmem>>, %arg12: memref<1x16xf32, #tpu.memory_space<vmem>>) attributes {dimension_semantics = [#tpu.dimension_semantics<arbitrary>], iteration_bounds = array<i64: 10>, scalar_prefetch = 0 : i64, scratch_operands = 0 : i64, tpu.core_type = #tpu.core_type<tc>, window_params = [{transform_indices = @transform_0, window_bounds = array<i64: 2, 1000, 144>}, {transform_indices = @transform_1, window_bounds = array<i64: 1000, 128>}, {pipeline_mode = #tpu.pipeline_mode<synchronous>, transform_indices = @transform_2, window_bounds = array<i64: 128, 128>}, {pipeline_mode = #tpu.pipeline_mode<synchronous>, transform_indices = @transform_3, window_bounds = array<i64: 1, 128>}, {pipeline_mode = #tpu.pipeline_mode<synchronous>, transform_indices = @transform_4, window_bounds = array<i64: 64, 128>}, {pipeline_mode = #tpu.pipeline_mode<synchronous>, transform_indices = @transform_5, window_bounds = array<i64: 1, 64>}, {pipeline_mode = #tpu.pipeline_mode<synchronous>, transform_indices = @transform_6, window_bounds = array<i64: 1, 64>}, {transform_indices = @transform_7, window_bounds = array<i64: 1000, 80>}, {transform_indices = @transform_8, window_bounds = array<i64: 1000, 1>}, {transform_indices = @transform_9, window_bounds = array<i64: 1000, 1>}, {pipeline_mode = #tpu.pipeline_mode<synchronous>, transform_indices = @transform_10, window_bounds = array<i64: 1, 8>}, {pipeline_mode = #tpu.pipeline_mode<synchronous>, transform_indices = @transform_11, window_bounds = array<i64: 1, 16>}]} {
    %get3A = arith.constant 0 : index
    %get3A_0 = arith.constant 0 : index
    %get3A_1 = arith.constant 0 : index
    %get3A_2 = vector.load %arg1[%get3A, %get3A_0, %get3A_1] : memref<2x1000x144xf32, #tpu.memory_space<vmem>>, vector<1x1000x144xf32>
    %get3A_3 = vector.shape_cast %get3A_2 : vector<1x1000x144xf32> to vector<1000x144xf32>
    %get3A_4 = arith.constant 1 : index
    %get3A_5 = arith.constant 0 : index
    %get3A_6 = arith.constant 0 : index
    %get3A_7 = vector.load %arg1[%get3A_4, %get3A_5, %get3A_6] : memref<2x1000x144xf32, #tpu.memory_space<vmem>>, vector<1x1000x144xf32>
    %get3A_8 = vector.shape_cast %get3A_7 : vector<1x1000x144xf32> to vector<1000x144xf32>
    %slice3A = vector.extract_strided_slice %get3A_3 {offsets = [0, 0], sizes = [1000, 128], strides = [1, 1]} : vector<1000x144xf32> to vector<1000x128xf32>
    %slice3A_9 = vector.extract_strided_slice %get3A_8 {offsets = [0, 0], sizes = [1000, 128], strides = [1, 1]} : vector<1000x144xf32> to vector<1000x128xf32>
    %add3A = arith.addf %slice3A, %slice3A_9 : vector<1000x128xf32>
    %slice3A_10 = vector.extract_strided_slice %get3A_3 {offsets = [0, 128], sizes = [1000, 1], strides = [1, 1]} : vector<1000x144xf32> to vector<1000x1xf32>
    %squeeze3A = vector.shape_cast %slice3A_10 : vector<1000x1xf32> to vector<1000xf32>
    %slice3A_11 = vector.extract_strided_slice %get3A_8 {offsets = [0, 128], sizes = [1000, 1], strides = [1, 1]} : vector<1000x144xf32> to vector<1000x1xf32>
    %squeeze3A_12 = vector.shape_cast %slice3A_11 : vector<1000x1xf32> to vector<1000xf32>
    %add3A_13 = arith.addf %squeeze3A, %squeeze3A_12 : vector<1000xf32>
    %max3A = arith.constant 1.000000e+00 : f32
    %max3A_14 = vector.broadcast %max3A : f32 to vector<1000xf32>
    %max3A_15 = arith.maximumf %add3A_13, %max3A_14 : vector<1000xf32>
    %broadcast_in_dim3A = vector.shape_cast %max3A_15 : vector<1000xf32> to vector<1000x1xf32>
    %div3A = vector.broadcast %broadcast_in_dim3A : vector<1000x1xf32> to vector<1000x128xf32>
    %div3A_16 = arith.divf %add3A, %div3A : vector<1000x128xf32>
    %get3A_17 = arith.constant 0 : index
    %get3A_18 = arith.constant 0 : index
    %get3A_19 = vector.load %arg3[%get3A_17, %get3A_18] : memref<128x128xf32, #tpu.memory_space<vmem>>, vector<128x128xf32>
    %transpose3A = tpu.transpose %get3A_19, [1, 0] : vector<128x128xf32> -> vector<128x128xf32>
    %dot_general3A = arith.constant dense<0.000000e+00> : vector<1000x128xf32>
    %dot_general3A_20 = tpu.matmul %div3A_16, %transpose3A, %dot_general3A {dimension_numbers = #tpu.dot_dimension_numbers<[1], [0], [0], [1], [0, 0, 1, 1], [], []>, transpose_lhs_hint = false} : vector<1000x128xf32>, vector<128x128xf32>, vector<1000x128xf32> -> vector<1000x128xf32>
    %get3A_21 = arith.constant 0 : index
    %get3A_22 = arith.constant 0 : index
    %get3A_23 = vector.load %arg4[%get3A_21, %get3A_22] : memref<1x128xf32, #tpu.memory_space<vmem>>, vector<1x128xf32>
    %add3A_24 = vector.broadcast %get3A_23 : vector<1x128xf32> to vector<1000x128xf32>
    %add3A_25 = arith.addf %dot_general3A_20, %add3A_24 : vector<1000x128xf32>
    %get3A_26 = arith.constant 0 : index
    %get3A_27 = arith.constant 0 : index
    %get3A_28 = vector.load %arg2[%get3A_26, %get3A_27] : memref<1000x128xf32, #tpu.memory_space<vmem>>, vector<1000x128xf32>
    %add3A_29 = arith.addf %add3A_25, %get3A_28 : vector<1000x128xf32>
    %max3A_30 = arith.constant 0.000000e+00 : f32
    %max3A_31 = vector.broadcast %max3A_30 : f32 to vector<1000x128xf32>
    %max3A_32 = arith.maximumf %add3A_29, %max3A_31 : vector<1000x128xf32>
    %get3A_33 = arith.constant 0 : index
    %get3A_34 = arith.constant 0 : index
    %get3A_35 = vector.load %arg5[%get3A_33, %get3A_34] : memref<64x128xf32, #tpu.memory_space<vmem>>, vector<64x128xf32>
    %transpose3A_36 = tpu.transpose %get3A_35, [1, 0] : vector<64x128xf32> -> vector<128x64xf32>
    %dot_general3A_37 = arith.constant dense<0.000000e+00> : vector<1000x64xf32>
    %dot_general3A_38 = tpu.matmul %max3A_32, %transpose3A_36, %dot_general3A_37 {dimension_numbers = #tpu.dot_dimension_numbers<[1], [0], [0], [1], [0, 0, 1, 1], [], []>, transpose_lhs_hint = false} : vector<1000x128xf32>, vector<128x64xf32>, vector<1000x64xf32> -> vector<1000x64xf32>
    %get3A_39 = arith.constant 0 : index
    %get3A_40 = arith.constant 0 : index
    %get3A_41 = vector.load %arg6[%get3A_39, %get3A_40] : memref<1x64xf32, #tpu.memory_space<vmem>>, vector<1x64xf32>
    %mul3A = vector.broadcast %get3A_41 : vector<1x64xf32> to vector<1000x64xf32>
    %mul3A_42 = arith.mulf %dot_general3A_38, %mul3A : vector<1000x64xf32>
    %reduce_sum3A = arith.constant dense<0.000000e+00> : vector<1000xf32>
    %reduce_sum3A_43 = vector.multi_reduction <add>, %mul3A_42, %reduce_sum3A [1] : vector<1000x64xf32> to vector<1000xf32>
    %get3A_44 = arith.constant 0 : index
    %get3A_45 = arith.constant 0 : index
    %get3A_46 = vector.load %arg7[%get3A_44, %get3A_45] : memref<1x64xf32, #tpu.memory_space<vmem>>, vector<1x64xf32>
    %mul3A_47 = vector.broadcast %get3A_46 : vector<1x64xf32> to vector<1000x64xf32>
    %mul3A_48 = arith.mulf %dot_general3A_38, %mul3A_47 : vector<1000x64xf32>
    %reduce_sum3A_49 = arith.constant dense<0.000000e+00> : vector<1000xf32>
    %reduce_sum3A_50 = vector.multi_reduction <add>, %mul3A_48, %reduce_sum3A_49 [1] : vector<1000x64xf32> to vector<1000xf32>
    %broadcast_in_dim3A_51 = arith.constant 1.000000e+00 : f32
    %broadcast_in_dim3A_52 = vector.broadcast %broadcast_in_dim3A_51 : f32 to vector<1000x1xf32>
    %broadcast_in_dim3A_53 = arith.constant 0.000000e+00 : f32
    %broadcast_in_dim3A_54 = vector.broadcast %broadcast_in_dim3A_53 : f32 to vector<1000x15xf32>
    %concatenate3A = tpu.concatenate %dot_general3A_38, %broadcast_in_dim3A_52, %broadcast_in_dim3A_54 in 1 : vector<1000x64xf32>, vector<1000x1xf32>, vector<1000x15xf32> -> vector<1000x80xf32>
    %swap3A = arith.constant 0 : index
    %swap3A_55 = arith.constant 0 : index
    %swap3A_56 = vector.load %arg8[%swap3A, %swap3A_55] : memref<1000x80xf32, #tpu.memory_space<vmem>>, vector<1000x80xf32>
    tpu.vector_store %arg8[%swap3A, %swap3A_55], %concatenate3A {strides = array<i32>} : memref<1000x80xf32, #tpu.memory_space<vmem>>, vector<1000x80xf32>,
    %broadcast_in_dim3A_57 = vector.shape_cast %reduce_sum3A_43 : vector<1000xf32> to vector<1000x1xf32>
    %swap3A_58 = arith.constant 0 : index
    %swap3A_59 = arith.constant 0 : index
    %swap3A_60 = vector.load %arg9[%swap3A_58, %swap3A_59] : memref<1000x1xf32, #tpu.memory_space<vmem>>, vector<1000x1xf32>
    tpu.vector_store %arg9[%swap3A_58, %swap3A_59], %broadcast_in_dim3A_57 {strides = array<i32>} : memref<1000x1xf32, #tpu.memory_space<vmem>>, vector<1000x1xf32>,
    %broadcast_in_dim3A_61 = vector.shape_cast %reduce_sum3A_50 : vector<1000xf32> to vector<1000x1xf32>
    %swap3A_62 = arith.constant 0 : index
    %swap3A_63 = arith.constant 0 : index
    %swap3A_64 = vector.load %arg10[%swap3A_62, %swap3A_63] : memref<1000x1xf32, #tpu.memory_space<vmem>>, vector<1000x1xf32>
    tpu.vector_store %arg10[%swap3A_62, %swap3A_63], %broadcast_in_dim3A_61 {strides = array<i32>} : memref<1000x1xf32, #tpu.memory_space<vmem>>, vector<1000x1xf32>,
    %reduce_max3A = vector.shape_cast %reduce_sum3A_43 : vector<1000xf32> to vector<1x1000xf32>
    %reduce_max3A_65 = arith.constant dense<0xFF800000> : vector<1xf32>
    %reduce_max3A_66 = vector.multi_reduction <maximumf>, %reduce_max3A, %reduce_max3A_65 [1] : vector<1x1000xf32> to vector<1xf32>
    %reduce_max3A_67 = vector.shape_cast %reduce_max3A_66 : vector<1xf32> to vector<1x1xf32>
    %reduce_max3A_68 = vector.extract %reduce_max3A_67[0, 0] : f32 from vector<1x1xf32>
    %reshape3A = vector.broadcast %reduce_max3A_68 : f32 to vector<1x1xf32>
    %reduce_max3A_69 = vector.shape_cast %reduce_sum3A_50 : vector<1000xf32> to vector<1x1000xf32>
    %reduce_max3A_70 = arith.constant dense<0xFF800000> : vector<1xf32>
    %reduce_max3A_71 = vector.multi_reduction <maximumf>, %reduce_max3A_69, %reduce_max3A_70 [1] : vector<1x1000xf32> to vector<1xf32>
    %reduce_max3A_72 = vector.shape_cast %reduce_max3A_71 : vector<1xf32> to vector<1x1xf32>
    %reduce_max3A_73 = vector.extract %reduce_max3A_72[0, 0] : f32 from vector<1x1xf32>
    %reshape3A_74 = vector.broadcast %reduce_max3A_73 : f32 to vector<1x1xf32>
    %broadcast_in_dim3A_75 = arith.constant 0xFF800000 : f32
    %broadcast_in_dim3A_76 = vector.broadcast %broadcast_in_dim3A_75 : f32 to vector<1x6xf32>
    %concatenate3A_77 = tpu.concatenate %reshape3A, %reshape3A_74, %broadcast_in_dim3A_76 in 1 : vector<1x1xf32>, vector<1x1xf32>, vector<1x6xf32> -> vector<1x8xf32>
    %eq3A = arith.constant 0 : i32
    %eq3A_78 = arith.cmpi eq, %arg0, %eq3A : i32
    %broadcast_in_dim3A_79 = arith.constant 0xFF800000 : f32
    %broadcast_in_dim3A_80 = vector.broadcast %broadcast_in_dim3A_79 : f32 to vector<1x8xf32>
    %get3A_81 = arith.constant 0 : index
    %get3A_82 = arith.constant 0 : index
    %get3A_83 = vector.load %arg11[%get3A_81, %get3A_82] : memref<1x8xf32, #tpu.memory_space<vmem>>, vector<1x8xf32>
    %select_n3A = arith.select %eq3A_78, %broadcast_in_dim3A_80, %get3A_83 : vector<1x8xf32>
    %max3A_84 = arith.maximumf %select_n3A, %concatenate3A_77 : vector<1x8xf32>
    %swap3A_85 = arith.constant 0 : index
    %swap3A_86 = arith.constant 0 : index
    %swap3A_87 = vector.load %arg11[%swap3A_85, %swap3A_86] : memref<1x8xf32, #tpu.memory_space<vmem>>, vector<1x8xf32>
    tpu.vector_store %arg11[%swap3A_85, %swap3A_86], %max3A_84 {strides = array<i32>} : memref<1x8xf32, #tpu.memory_space<vmem>>, vector<1x8xf32>,
    %slice3A_88 = vector.extract_strided_slice %max3A_84 {offsets = [0, 0], sizes = [1, 1], strides = [1, 1]} : vector<1x8xf32> to vector<1x1xf32>
    %squeeze3A_89 = vector.extract %slice3A_88[0, 0] : f32 from vector<1x1xf32>
    %slice3A_90 = vector.extract_strided_slice %max3A_84 {offsets = [0, 1], sizes = [1, 1], strides = [1, 1]} : vector<1x8xf32> to vector<1x1xf32>
    %squeeze3A_91 = vector.extract %slice3A_90[0, 0] : f32 from vector<1x1xf32>
    %add3A_92 = arith.addf %squeeze3A_89, %squeeze3A_91 : f32
    %gt3A = arith.constant 0.000000e+00 : f32
    %gt3A_93 = arith.cmpf ogt, %add3A_92, %gt3A : f32
    %mul3A_94 = arith.constant 2.000000e-01 : f32
    %mul3A_95 = arith.mulf %mul3A_94, %add3A_92 : f32
    %select_n3A_96 = arith.select %gt3A_93, %add3A_92, %mul3A_95 : f32
    %broadcast_in_dim3A_97 = vector.broadcast %select_n3A_96 : f32 to vector<1x16xf32>
    %swap3A_98 = arith.constant 0 : index
    %swap3A_99 = arith.constant 0 : index
    %swap3A_100 = vector.load %arg12[%swap3A_98, %swap3A_99] : memref<1x16xf32, #tpu.memory_space<vmem>>, vector<1x16xf32>
    tpu.vector_store %arg12[%swap3A_98, %swap3A_99], %broadcast_in_dim3A_97 {strides = array<i32>} : memref<1x16xf32, #tpu.memory_space<vmem>>, vector<1x16xf32>,
    return
  }
  func.func @transform_0(%arg0: i32) -> (i32, i32, i32) {
    %c0_i32 = arith.constant 0 : i32
    %c0_i32_0 = arith.constant 0 : i32
    %c0_i32_1 = arith.constant 0 : i32
    return %c0_i32, %arg0, %c0_i32_0 : i32, i32, i32
  }
  func.func @transform_1(%arg0: i32) -> (i32, i32) {
    %c0_i32 = arith.constant 0 : i32
    %c0_i32_0 = arith.constant 0 : i32
    return %arg0, %c0_i32 : i32, i32
  }
  func.func @transform_2(%arg0: i32) -> (i32, i32) {
    %c0_i32 = arith.constant 0 : i32
    %c0_i32_0 = arith.constant 0 : i32
    %c0_i32_1 = arith.constant 0 : i32
    return %c0_i32, %c0_i32_0 : i32, i32
  }
  func.func @transform_3(%arg0: i32) -> (i32, i32) {
    %c0_i32 = arith.constant 0 : i32
    %c0_i32_0 = arith.constant 0 : i32
    %c0_i32_1 = arith.constant 0 : i32
    return %c0_i32, %c0_i32_0 : i32, i32
  }
  func.func @transform_4(%arg0: i32) -> (i32, i32) {
    %c0_i32 = arith.constant 0 : i32
    %c0_i32_0 = arith.constant 0 : i32
    %c0_i32_1 = arith.constant 0 : i32
    return %c0_i32, %c0_i32_0 : i32, i32
  }
  func.func @transform_5(%arg0: i32) -> (i32, i32) {
    %c0_i32 = arith.constant 0 : i32
    %c0_i32_0 = arith.constant 0 : i32
    %c0_i32_1 = arith.constant 0 : i32
    return %c0_i32, %c0_i32_0 : i32, i32
  }
  func.func @transform_6(%arg0: i32) -> (i32, i32) {
    %c0_i32 = arith.constant 0 : i32
    %c0_i32_0 = arith.constant 0 : i32
    %c0_i32_1 = arith.constant 0 : i32
    return %c0_i32, %c0_i32_0 : i32, i32
  }
  func.func @transform_7(%arg0: i32) -> (i32, i32) {
    %c0_i32 = arith.constant 0 : i32
    %c0_i32_0 = arith.constant 0 : i32
    return %arg0, %c0_i32 : i32, i32
  }
  func.func @transform_8(%arg0: i32) -> (i32, i32) {
    %c0_i32 = arith.constant 0 : i32
    %c0_i32_0 = arith.constant 0 : i32
    return %arg0, %c0_i32 : i32, i32
  }
  func.func @transform_9(%arg0: i32) -> (i32, i32) {
    %c0_i32 = arith.constant 0 : i32
    %c0_i32_0 = arith.constant 0 : i32
    return %arg0, %c0_i32 : i32, i32
  }
  func.func @transform_10(%arg0: i32) -> (i32, i32) {
    %c0_i32 = arith.constant 0 : i32
    %c0_i32_0 = arith.constant 0 : i32
    %c0_i32_1 = arith.constant 0 : i32
    return %c0_i32, %c0_i32_0 : i32, i32
  }
  func.func @transform_11(%arg0: i32) -> (i32, i32) {
    %c0_i32 = arith.constant 0 : i32
    %c0_i32_0 = arith.constant 0 : i32
    %c0_i32_1 = arith.constant 0 : i32
    return %c0_i32, %c0_i32_0 : i32, i32
  }
}

module attributes {stable_mosaic.version = 14 : i64} {
  func.func @_stage_e(%arg0: i32, %arg1: memref<2x1000x80xf32, #tpu.memory_space<vmem>>, %arg2: memref<1000x80xf32, #tpu.memory_space<vmem>>, %arg3: memref<1000x1xf32, #tpu.memory_space<vmem>>, %arg4: memref<1000x1xf32, #tpu.memory_space<vmem>>, %arg5: memref<1x16xf32, #tpu.memory_space<vmem>>, %arg6: memref<1x64xf32, #tpu.memory_space<vmem>>, %arg7: memref<1x64xf32, #tpu.memory_space<vmem>>, %arg8: memref<1x1xf32, #tpu.memory_space<vmem>>, %arg9: memref<1000x1xf32, #tpu.memory_space<vmem>>) attributes {dimension_semantics = [#tpu.dimension_semantics<arbitrary>], iteration_bounds = array<i64: 10>, scalar_prefetch = 0 : i64, scratch_operands = 0 : i64, tpu.core_type = #tpu.core_type<tc>, window_params = [{transform_indices = @transform_0, window_bounds = array<i64: 2, 1000, 80>}, {transform_indices = @transform_1, window_bounds = array<i64: 1000, 80>}, {transform_indices = @transform_2, window_bounds = array<i64: 1000, 1>}, {transform_indices = @transform_3, window_bounds = array<i64: 1000, 1>}, {pipeline_mode = #tpu.pipeline_mode<synchronous>, transform_indices = @transform_4, window_bounds = array<i64: 1, 16>}, {pipeline_mode = #tpu.pipeline_mode<synchronous>, transform_indices = @transform_5, window_bounds = array<i64: 1, 64>}, {pipeline_mode = #tpu.pipeline_mode<synchronous>, transform_indices = @transform_6, window_bounds = array<i64: 1, 64>}, {pipeline_mode = #tpu.pipeline_mode<synchronous>, transform_indices = @transform_7, window_bounds = array<i64: 1, 1>}, {transform_indices = @transform_8, window_bounds = array<i64: 1000, 1>}]} {
    %get3A = arith.constant 0 : index
    %get3A_0 = arith.constant 0 : index
    %get3A_1 = arith.constant 0 : index
    %get3A_2 = vector.load %arg1[%get3A, %get3A_0, %get3A_1] : memref<2x1000x80xf32, #tpu.memory_space<vmem>>, vector<1x1000x80xf32>
    %get3A_3 = vector.shape_cast %get3A_2 : vector<1x1000x80xf32> to vector<1000x80xf32>
    %get3A_4 = arith.constant 1 : index
    %get3A_5 = arith.constant 0 : index
    %get3A_6 = arith.constant 0 : index
    %get3A_7 = vector.load %arg1[%get3A_4, %get3A_5, %get3A_6] : memref<2x1000x80xf32, #tpu.memory_space<vmem>>, vector<1x1000x80xf32>
    %get3A_8 = vector.shape_cast %get3A_7 : vector<1x1000x80xf32> to vector<1000x80xf32>
    %add3A = arith.addf %get3A_3, %get3A_8 : vector<1000x80xf32>
    %slice3A = vector.extract_strided_slice %add3A {offsets = [0, 0], sizes = [1000, 64], strides = [1, 1]} : vector<1000x80xf32> to vector<1000x64xf32>
    %slice3A_9 = vector.extract_strided_slice %add3A {offsets = [0, 64], sizes = [1000, 1], strides = [1, 1]} : vector<1000x80xf32> to vector<1000x1xf32>
    %squeeze3A = vector.shape_cast %slice3A_9 : vector<1000x1xf32> to vector<1000xf32>
    %get3A_10 = arith.constant 0 : index
    %get3A_11 = arith.constant 0 : index
    %get3A_12 = vector.load %arg2[%get3A_10, %get3A_11] : memref<1000x80xf32, #tpu.memory_space<vmem>>, vector<1000x80xf32>
    %slice3A_13 = vector.extract_strided_slice %get3A_12 {offsets = [0, 0], sizes = [1000, 64], strides = [1, 1]} : vector<1000x80xf32> to vector<1000x64xf32>
    %get3A_14 = arith.constant 0 : index
    %get3A_15 = arith.constant 0 : index
    %get3A_16 = vector.load %arg3[%get3A_14, %get3A_15] : memref<1000x1xf32, #tpu.memory_space<vmem>>, vector<1000x1xf32>
    %squeeze3A_17 = vector.shape_cast %get3A_16 : vector<1000x1xf32> to vector<1000xf32>
    %get3A_18 = arith.constant 0 : index
    %get3A_19 = arith.constant 0 : index
    %get3A_20 = vector.load %arg4[%get3A_18, %get3A_19] : memref<1000x1xf32, #tpu.memory_space<vmem>>, vector<1000x1xf32>
    %squeeze3A_21 = vector.shape_cast %get3A_20 : vector<1000x1xf32> to vector<1000xf32>
    %add3A_22 = arith.addf %squeeze3A_17, %squeeze3A_21 : vector<1000xf32>
    %gt3A = arith.constant 0.000000e+00 : f32
    %gt3A_23 = vector.broadcast %gt3A : f32 to vector<1000xf32>
    %gt3A_24 = arith.cmpf ogt, %add3A_22, %gt3A_23 : vector<1000xf32>
    %mul3A = arith.constant 2.000000e-01 : f32
    %mul3A_25 = vector.broadcast %mul3A : f32 to vector<1000xf32>
    %mul3A_26 = arith.mulf %mul3A_25, %add3A_22 : vector<1000xf32>
    %select_n3A = arith.select %gt3A_24, %add3A_22, %mul3A_26 : vector<1000xi1>, vector<1000xf32>
    %get3A_27 = arith.constant 0 : index
    %get3A_28 = arith.constant 0 : index
    %get3A_29 = vector.load %arg5[%get3A_27, %get3A_28] : memref<1x16xf32, #tpu.memory_space<vmem>>, vector<1x1xf32>
    %get3A_30 = vector.extract %get3A_29[0, 0] : f32 from vector<1x1xf32>
    %sub3A = vector.broadcast %get3A_30 : f32 to vector<1000xf32>
    %sub3A_31 = arith.subf %select_n3A, %sub3A : vector<1000xf32>
    %exp3A = math.exp %sub3A_31 : vector<1000xf32>
    %broadcast_in_dim3A = vector.shape_cast %exp3A : vector<1000xf32> to vector<1000x1xf32>
    %mul3A_32 = vector.broadcast %broadcast_in_dim3A : vector<1000x1xf32> to vector<1000x64xf32>
    %mul3A_33 = arith.mulf %mul3A_32, %slice3A_13 : vector<1000x64xf32>
    %add3A_34 = arith.addf %slice3A, %mul3A_33 : vector<1000x64xf32>
    %add3A_35 = arith.addf %squeeze3A, %exp3A : vector<1000xf32>
    %broadcast_in_dim3A_36 = vector.shape_cast %add3A_35 : vector<1000xf32> to vector<1000x1xf32>
    %div3A = vector.broadcast %broadcast_in_dim3A_36 : vector<1000x1xf32> to vector<1000x64xf32>
    %div3A_37 = arith.divf %add3A_34, %div3A : vector<1000x64xf32>
    %get3A_38 = arith.constant 0 : index
    %get3A_39 = arith.constant 0 : index
    %get3A_40 = vector.load %arg6[%get3A_38, %get3A_39] : memref<1x64xf32, #tpu.memory_space<vmem>>, vector<1x64xf32>
    %add3A_41 = vector.broadcast %get3A_40 : vector<1x64xf32> to vector<1000x64xf32>
    %add3A_42 = arith.addf %div3A_37, %add3A_41 : vector<1000x64xf32>
    %max3A = arith.constant 0.000000e+00 : f32
    %max3A_43 = vector.broadcast %max3A : f32 to vector<1000x64xf32>
    %max3A_44 = arith.maximumf %add3A_42, %max3A_43 : vector<1000x64xf32>
    %get3A_45 = arith.constant 0 : index
    %get3A_46 = arith.constant 0 : index
    %get3A_47 = vector.load %arg7[%get3A_45, %get3A_46] : memref<1x64xf32, #tpu.memory_space<vmem>>, vector<1x64xf32>
    %mul3A_48 = vector.broadcast %get3A_47 : vector<1x64xf32> to vector<1000x64xf32>
    %mul3A_49 = arith.mulf %max3A_44, %mul3A_48 : vector<1000x64xf32>
    %reduce_sum3A = arith.constant dense<0.000000e+00> : vector<1000xf32>
    %reduce_sum3A_50 = vector.multi_reduction <add>, %mul3A_49, %reduce_sum3A [1] : vector<1000x64xf32> to vector<1000xf32>
    %broadcast_in_dim3A_51 = vector.shape_cast %reduce_sum3A_50 : vector<1000xf32> to vector<1000x1xf32>
    %get3A_52 = arith.constant 0 : index
    %get3A_53 = arith.constant 0 : index
    %get3A_54 = vector.load %arg8[%get3A_52, %get3A_53] : memref<1x1xf32, #tpu.memory_space<vmem>>, vector<1x1xf32>
    %get3A_55 = vector.extract %get3A_54[0, 0] : f32 from vector<1x1xf32>
    %add3A_56 = vector.broadcast %get3A_55 : f32 to vector<1000x1xf32>
    %add3A_57 = arith.addf %broadcast_in_dim3A_51, %add3A_56 : vector<1000x1xf32>
    %logistic3A = arith.negf %add3A_57 : vector<1000x1xf32>
    %logistic3A_58 = math.exp %logistic3A : vector<1000x1xf32>
    %logistic3A_59 = arith.constant 1.000000e+00 : f32
    %logistic3A_60 = vector.broadcast %logistic3A_59 : f32 to vector<1000x1xf32>
    %logistic3A_61 = arith.addf %logistic3A_60, %logistic3A_58 : vector<1000x1xf32>
    %logistic3A_62 = arith.divf %logistic3A_60, %logistic3A_61 : vector<1000x1xf32>
    %swap3A = arith.constant 0 : index
    %swap3A_63 = arith.constant 0 : index
    %swap3A_64 = vector.load %arg9[%swap3A, %swap3A_63] : memref<1000x1xf32, #tpu.memory_space<vmem>>, vector<1000x1xf32>
    tpu.vector_store %arg9[%swap3A, %swap3A_63], %logistic3A_62 {strides = array<i32>} : memref<1000x1xf32, #tpu.memory_space<vmem>>, vector<1000x1xf32>,
    return
  }
  func.func @transform_0(%arg0: i32) -> (i32, i32, i32) {
    %c0_i32 = arith.constant 0 : i32
    %c0_i32_0 = arith.constant 0 : i32
    %c0_i32_1 = arith.constant 0 : i32
    return %c0_i32, %arg0, %c0_i32_0 : i32, i32, i32
  }
  func.func @transform_1(%arg0: i32) -> (i32, i32) {
    %c0_i32 = arith.constant 0 : i32
    %c0_i32_0 = arith.constant 0 : i32
    return %arg0, %c0_i32 : i32, i32
  }
  func.func @transform_2(%arg0: i32) -> (i32, i32) {
    %c0_i32 = arith.constant 0 : i32
    %c0_i32_0 = arith.constant 0 : i32
    return %arg0, %c0_i32 : i32, i32
  }
  func.func @transform_3(%arg0: i32) -> (i32, i32) {
    %c0_i32 = arith.constant 0 : i32
    %c0_i32_0 = arith.constant 0 : i32
    return %arg0, %c0_i32 : i32, i32
  }
  func.func @transform_4(%arg0: i32) -> (i32, i32) {
    %c0_i32 = arith.constant 0 : i32
    %c0_i32_0 = arith.constant 0 : i32
    %c0_i32_1 = arith.constant 0 : i32
    return %c0_i32, %c0_i32_0 : i32, i32
  }
  func.func @transform_5(%arg0: i32) -> (i32, i32) {
    %c0_i32 = arith.constant 0 : i32
    %c0_i32_0 = arith.constant 0 : i32
    %c0_i32_1 = arith.constant 0 : i32
    return %c0_i32, %c0_i32_0 : i32, i32
  }
  func.func @transform_6(%arg0: i32) -> (i32, i32) {
    %c0_i32 = arith.constant 0 : i32
    %c0_i32_0 = arith.constant 0 : i32
    %c0_i32_1 = arith.constant 0 : i32
    return %c0_i32, %c0_i32_0 : i32, i32
  }
  func.func @transform_7(%arg0: i32) -> (i32, i32) {
    %c0_i32 = arith.constant 0 : i32
    %c0_i32_0 = arith.constant 0 : i32
    %c0_i32_1 = arith.constant 0 : i32
    return %c0_i32, %c0_i32_0 : i32, i32
  }
  func.func @transform_8(%arg0: i32) -> (i32, i32) {
    %c0_i32 = arith.constant 0 : i32
    %c0_i32_0 = arith.constant 0 : i32
    return %arg0, %c0_i32 : i32, i32
  }
}

</mosaic_0001>

<sc_bundles>
// kernel: kernel.10.cloned.1.call-start
scs
__scs_entry_jumppad:
0x0: {  	(pc) =	sbr.rel $0x88, $3  }
0x1: {  	(tag) =	ssettag $0x0;
	lr =	simm.s32 $0x1  }
0x2: {  	[smem:$0x3F94] =	sst lr;
	_ =	strace $0xD0000000  }
0x3: {  	_ = 	snop  }
0x4: {  	_ = 	snop  }
0x5: {  	_ = 	snop  }
0x6: {  	_ = 	snop  }
0x7: {  	_ = 	snop  }
__scs_overlays_trampoline_lowered:
0x8: {  	[smem:$0x3FA3] =	sst s0  }
0x9: {  	[smem:$0x3FA4] =	sst s1  }
0xa: {  	[smem:$0x3FA5] =	sst s2  }
0xb: {  	[smem:$0x3FA6] =	sst s3  }
0xc: {  	[smem:$0x3FA7] =	sst s4  }
0xd: {  	[smem:$0x3FA8] =	sst s5  }
0xe: {  	[smem:$0x3FA9] =	sst s6  }
0xf: {  	[smem:$0x3FAA] =	sst s7  }
0x10: {  	[smem:$0x3FAB] =	sst s8  }
0x11: {  	[smem:$0x3FAC] =	sst s9;
	s0 =	simm.s32 @!p0 $0x0  }
0x12: {  	s1 =	sld [smem:$0x3F92];
	s0 =	simm.s32 @p0 $0x1  }
0x13: {  	[smem:$0x3FAD] =	sst s0;
	s0 =	simm.s32 @!p1 $0x0  }
0x14: {  	s2 =	sld [smem:$0x3F91];
	s0 =	simm.s32 @p1 $0x1  }
0x15: {  	[smem:$0x3FAE] =	sst s0;
	s0 =	simm.s32 @!p2 $0x0  }
0x16: {  	s3 =	sld [smem:$0x3FDB];
	s0 =	simm.s32 @p2 $0x1  }
0x17: {  	s4 =	simm.s32 $0x1BF5;
	[smem:$0x3FB0] =	sst s0  }
0x18: {  	s0 =	sld [smem:$0x3F93];
	_ =	swait.ge [sflag:s4], $0x0  }
0x19: {  	s7 =	sld [smem:$0x3F94]  }
0x1a: {  	s8 =	sadd.s32 $0xFFFFE003, lr  }
0x1b: {  	s9 =	sadd.s32 $0xFFFFFEF7, lr;
	s5 =	simm.s32 $0xFFFFFFFF;
	p2 =	slt.u32 s8, $0xFFFFF086  }
0x1c: {  	p1 =	slt.u32 s9, $0xF7A;
	s5 =	simm.s32 @!p2 $0x0  }
0x1d: {  	s5 =	simm.s32 @p1 $0x1;
	p0 =	seq.s32 s7, s2  }
0x1e: {  	s7 =	smul.u32 @!p0 $0xF7A, s2;
	p2 =	seq.s32 @!p0 s5, $0x0  }
0x1f: {  	s9 =	smul.u32 $0xF7A, s1;
	s8 =	simm.s32 @!p0 $0x1BF5;
	p2 =	por !p2, p0  }
0x20: {  	[sflag:s8] =	ssyncset.s32 @!p0 $0xFFFFF086;
	s6 =	sadd.s32 @!p0 s3, s7;
	s7 =	simm.s32 @!p0 $0x108  }
0x21: {  	s3 =	sadd.s32 s3, s9;
	s6 =	sadd.s32 @!p0 $0x88, s6;
	s7 =	simm.s32 @p2 $0x1082  }
0x22: {  	[simem:s7], [sflag:s8] =	dma.local @!p0 [hbm:s6], $0xF7A  }
0x23: {  	s9 =	sor.u32 $0xD0000000, s2;
	s6 =	simm.s32 $0x108;
	_ =	swait.ge @!p0 [sflag:s8], $0x0  }
0x24: {  	s3 =	sadd.s32 $0x88, s3;
	s6 =	simm.s32 @!p1 $0x1082;
	[sflag:s4] =	ssyncset.s32 $0xFFFFF086  }
0x25: {  	[simem:s6], [sflag:s4] =	dma.local [hbm:s3], $0xF7A  }
0x26: {  	[smem:$0x3F94] =	sst s1;
	(tag) =	ssettag s2;
	_ =	strace s9  }
0x27: {  	s1 =	sld [smem:$0x3FA4]  }
0x28: {  	s2 =	sld [smem:$0x3FA5]  }
0x29: {  	s4 =	sld [smem:$0x3FA7]  }
0x2a: {  	p0 =	seq.s32 s5, $0x0;
	s5 =	sld [smem:$0x3FA8]  }
0x2b: {  	s6 =	sld [smem:$0x3FA9]  }
0x2c: {  	s7 =	sld [smem:$0x3FAA]  }
0x2d: {  	s3 =	simm.s32 $0x108;
	s8 =	sld [smem:$0x3FAB]  }
0x2e: {  	s3 =	simm.s32 @!p0 $0x1082;
	s9 =	sld [smem:$0x3FAC]  }
0x2f: {  	lr =	sadd.s32 s0, s3;
	s0 =	sld [smem:$0x3FA3]  }
0x30: {  	s3 =	sld [smem:$0x3FA6]  }
0x31: {  	[smem:$0x3FAF] =	sst s10  }
0x32: {  	s10 =	sld [smem:$0x3FAD];
	_ =	sdelay $0x3  }
0x33: {  	p0 =	seq.s32 s10, $0x1;
	s10 =	sld [smem:$0x3FAF];
	_ =	sdelay $0x3  }
0x34: {  	[smem:$0x3FAF] =	sst s10  }
0x35: {  	s10 =	sld [smem:$0x3FAE];
	_ =	sdelay $0x3  }
0x36: {  	p1 =	seq.s32 s10, $0x1;
	s10 =	sld [smem:$0x3FAF];
	_ =	sdelay $0x3  }
0x37: {  	[smem:$0x3FAF] =	sst s10  }
0x38: {  	s10 =	sld [smem:$0x3FB0]  }
0x39: {  	_ = 	snop;
	(pc) =	sbr.ind lr, $3  }
0x3a: {  	_ = 	snop  }
0x3b: {  	_ = 	snop  }
0x3c: {  	p2 =	seq.s32 s10, $0x1;
	s10 =	sld [smem:$0x3FAF]  }
0x3d: {  	_ =	shalt  }
0x3e: {  	_ =	shalt  }
0x3f: {  	_ =	shalt  }
0x40: {  	_ =	shalt  }
0x41: {  	_ =	shalt  }
0x42: {  	_ =	shalt  }
0x43: {  	_ =	shalt  }
0x44: {  	_ =	shalt  }
0x45: {  	_ =	shalt  }
0x46: {  	_ =	shalt  }
0x47: {  	_ =	shalt  }
0x48: {  	_ =	shalt  }
0x49: {  	_ =	shalt  }
0x4a: {  	_ =	shalt  }
0x4b: {  	_ =	shalt  }
0x4c: {  	_ =	shalt  }
0x4d: {  	_ =	shalt  }
0x4e: {  	_ =	shalt  }
0x4f: {  	_ =	shalt  }
0x50: {  	_ =	shalt  }
0x51: {  	_ =	shalt  }
0x52: {  	_ =	shalt  }
0x53: {  	_ =	shalt  }
0x54: {  	_ =	shalt  }
0x55: {  	_ =	shalt  }
0x56: {  	_ =	shalt  }
0x57: {  	_ =	shalt  }
0x58: {  	_ =	shalt  }
0x59: {  	_ =	shalt  }
0x5a: {  	_ =	shalt  }
0x5b: {  	_ =	shalt  }
0x5c: {  	_ =	shalt  }
0x5d: {  	_ =	shalt  }
0x5e: {  	_ =	shalt  }
0x5f: {  	_ =	shalt  }
0x60: {  	_ =	shalt  }
0x61: {  	_ =	shalt  }
0x62: {  	_ =	shalt  }
0x63: {  	_ =	shalt  }
0x64: {  	_ =	shalt  }
0x65: {  	_ =	shalt  }
0x66: {  	_ =	shalt  }
0x67: {  	_ =	shalt  }
0x68: {  	_ =	shalt  }
0x69: {  	_ =	shalt  }
0x6a: {  	_ =	shalt  }
0x6b: {  	_ =	shalt  }
0x6c: {  	_ =	shalt  }
0x6d: {  	_ =	shalt  }
0x6e: {  	_ =	shalt  }
0x6f: {  	_ =	shalt  }
0x70: {  	_ =	shalt  }
0x71: {  	_ =	shalt  }
0x72: {  	_ =	shalt  }
0x73: {  	_ =	shalt  }
0x74: {  	_ =	shalt  }
0x75: {  	_ =	shalt  }
0x76: {  	_ =	shalt  }
0x77: {  	_ =	shalt  }
0x78: {  	_ =	shalt  }
0x79: {  	_ =	shalt  }
0x7a: {  	_ =	shalt  }
0x7b: {  	_ =	shalt  }
0x7c: {  	_ =	shalt  }
0x7d: {  	_ =	shalt  }
0x7e: {  	_ =	shalt  }
0x7f: {  	_ =	shalt  }
0x80: {  	_ =	shalt  }
0x81: {  	_ =	shalt  }
0x82: {  	_ =	shalt  }
0x83: {  	_ =	shalt  }
0x84: {  	_ =	shalt  }
0x85: {  	_ =	shalt  }
0x86: {  	_ =	shalt  }
0x87: {  	_ =	shalt  }
.Lfunc_end0:
.L_simem_size_0:
called_computation.1_lowered:
.L_overlay_start_0:
0x88: {  	s2 =	sld [smem:$0x3FD9]  }
0x89: {  	s3 =	sld [smem:$0x3FFE];
	_ =	sdelay $0x1  }
0x8a: {  	s1 =	srdreg.scid  }
0x8b: {  	s0 =	sand.u32 $0x1, s1  }
0x8c: {  	s17 =	sshll.u32 s0, $0xA;
	s2 =	sadd.s32 s3, s2  }
0x8d: {  	s2 =	sadd.s32 s2, s17  }
0x8e: {  	[smem:$0x3FBB] =	sst s2  }
0x8f: {  	_ = 	snop  }
0x90: {  	s2 =	sld [smem:$0x3FD0];
	(tm) =	ssettm $0x1  }
0x91: {  	s18 =	sld [smem:$0x3FFB];
	_ =	sdelay $0x3  }
0x92: {  	_ =	strace s18  }
0x93: {  	s3 =	sld [smem:$0x3FFC];
	_ =	sdelay $0x3  }
0x94: {  	_ =	strace s3  }
0x95: {  	s3 =	sld [smem:$0x3FFD];
	_ =	sdelay $0x3  }
0x96: {  	_ =	strace s3  }
0x97: {  	_ =	strace $0x8FFFFFFF  }
0x98: {  	s19 =	sld [smem:$0x3FDB];
	_ =	sdelay $0x1  }
0x99: {  	s4 =	simm.s32 $_scs_section_size  }
0x9a: {  	s5 =	simm.s32 $_size__tile_overlayer_lowered;
	s6 =	simm.s32 $_tile_overlayer_lowered  }
0x9b: {  	s22 =	simm.s32 $0x1BFF;
	s21 =	sshll.u32 s6, $0x1;
	s3 =	sadd.s32 s4, s19  }
0x9c: {  	s7 =	simm.s32 $0x0;
	s20 =	sshll.u32 s5, $0x1;
	s5 =	sadd.s32 s21, s3  }
0x9d: {  	[timem:s7], [sflag:s22] =	dma.local [hbm:s5], s20  }
0x9e: {  	_ =	swait.ge [sflag:s22], s20  }
0x9f: {  	s4 =	ssub.s32 $0x0, s20;
	[sflag:s22] =	ssyncset.done $0x0  }
0xa0: {  	[sflag:s22] =	ssyncadd.s32 s4;
	_ =	sdelay $0x1  }
0xa1: {  	s23 =	simm.s32 $0x1B8B  }
0xa2: {  	_ =	swait.ge [sflag:s23], $0x1  }
0xa3: {  	[sflag:s23] =	ssyncset.done $0x0  }
0xa4: {  	s25 =	simm.s32 $0x1B8E;
	s24 =	sld [smem:$0x3FFE];
	[sflag:s23] =	ssyncadd.s32 $0xFFFFFFFF  }
0xa5: {  	s26 =	simm.s32 $execute0_lowered;
	[smem:$0x3FD2] =	sst s25  }
0xa6: {  	s5 =	sshll.u32 s26, $0x1;
	_ =	strace $0x80000049;
	[dreg:$0x1] =	wrdreg $0xFFFFFFFF  }
0xa7: {  	s28 =	simm.s32 $_size_execute0_lowered;
	s3 =	sadd.s32 s3, s5;
	[dreg:$0x0] =	wrdreg $0x0  }
0xa8: {  	s5 =	sshll.u32 s28, $0x1;
	[dreg:$0x2] =	wrdreg s3  }
0xa9: {  	[dreg:$0x3] =	wrdreg s5  }
0xaa: {  	[dreg:$0x4] =	wrdreg $0xC0  }
0xab: {  	_ =	task [dreg:s7], $0x5FFFF  }
0xac: {  	[dreg:$0x1] =	wrdreg $0xFFFFFFFF  }
0xad: {  	[dreg:$0x0] =	wrdreg $0x60  }
0xae: {  	[dreg:$0x2] =	wrdreg s24  }
0xaf: {  	[dreg:$0x3] =	wrdreg s2  }
0xb0: {  	[dreg:$0x4] =	wrdreg $0x119A00  }
0xb1: {  	[dreg:$0x5] =	wrdreg $0x9  }
0xb2: {  	_ =	task.clear_ibuf [dreg:s7], $0x6FFFF;
	_ =	strace $0x90000049  }
0xb3: {  	s29 =	simm.s32 $0x9;
	_ =	strace $0x8000004B  }
0xb4: {  	_ =	swait.ge [sflag:s29], $0x1  }
0xb5: {  	[sflag:s29] =	ssyncadd.s32 $0xFFFFFFFF  }
0xb6: {  	_ =	strace $0x9000004B  }
0xb7: {  	_ =	sfence  }
0xb8: {  	s30 =	sld [smem:$0x0];
	_ =	sdelay $0x2  }
0xb9: {  	s31 =	sshll.u32 s1, $0xD;
	s1 =	sshrl.u32 s1, $0x2  }
0xba: {  	s3 =	sand.u32 $0x4000, s31;
	s1 =	sadd.s32 s1, s30  }
0xbb: {  	s0 =	sor.u32 s3, s0;
	s1 =	sshll.u32 s1, $0x11  }
0xbc: {  	s0 =	sor.u32 s1, s0  }
0xbd: {  	s0 =	sadd.s32 $0x8F2B, s0  }
0xbe: {  	[sflag:s0] =	ssyncadd.remote.s32 $0x1  }
0xbf: {  	_ =	sfence.sel $0xFFFF  }
0xc0: {  	[dreg:$0x0] =	wrdreg $0xFFFFFFFF;
	(pc) =	sbr.abs _section_cstart, $3  }
0xc1: {  	[dreg:$0x1] =	wrdreg $0xFFFFFFFF  }
0xc2: {  	_ =	task.clear_ibuf [dreg:s7], $0x2FFFF;
	_ =	strace $0x9FFFFFFF  }
0xc3: {  	(tm) =	ssettm $0x7FFFFFFF  }
tec
execute0_lowered:
.L_overlay_start_1:
0x0: {  	(tag) =	ssettag $0x1  }
0x1: {  	s0 =	rddreg [dreg:$0x0]  }
0x2: {  	s2 =	rddreg [dreg:$0x2]  }
0x3: {  	s1 =	srdreg.scid;
	s5 =	stileid.u32  }
0x4: {  	s3 =	simm.s32 $0x0;
	s13 =	simm.s32 $0x3;
	s18 =	simm.s32 $0xCB70  }
0x5: {  	s19 =	simm.s32 $0xF280;
	s28 =	simm.s32 $0x1;
	s29 =	simm.s32 $0xCB20  }
0x6: {  	s30 =	simm.s32 $0x2;
	s31 =	simm.s32 $0x0;
	s1 =	sand.u32 $0x1, s1  }
0x7: {  	s4 =	sshll.u32 s5, $0x1;
	[smem:$0x7FF] =	sst s3;
	s7 =	sadd.s32 $0x2DE00, s0  }
0x8: {  	s21 =	sadd.s32 $0x2D800, s0;
	s9 =	smul.u32 $0xC300, s5;
	p0 =	sne.s32 s5, $0x0  }
0x9: {  	s26 =	sshll.u32 s5, $0x6;
	_ =	strace $0x8000004A;
	[dreg:$0x4] =	wrdreg s7  }
0xa: {  	s4 =	sor.u32 s1, s4;
	[dreg:$0x5] =	wrdreg s21;
	s8 =	ssub.s32 $0x2, s1  }
0xb: {  	s7 =	sadd.s32 $0x2E400, s0;
	s1 =	smul.u32 $0xC3500, s1;
	s15 =	sor.u32 $0x1C03, s26  }
0xc: {  	s21 =	simm.s32 $0x50;
	s26 =	simm.s32 $0xB220;
	s10 =	sshrl.u32 s8, $0x1  }
0xd: {  	s6 =	smul.u32 $0x4E2, s4;
	s4 =	sadd.s32 $0x15000, s0;
	s8 =	ssub.s32 s8, s10  }
0xe: {  	s23 =	sadd.s32 s9, s1;
	s1 =	sshrl.u32 s1, $0x3;
	s9 =	sadd.s32 s9, s2  }
0xf: {  	s10 =	sadd.s32 $0xC3000, s2;
	s6 =	sadd.s32 s6, s0;
	s0 =	sadd.s32 $0x2FE00, s0  }
0x10: {  	s25 =	smax.u32 s8, $0x1;
	s16 =	sshrl.u32 s9, $0x3;
	s17 =	sshrl.u32 @!p0 s10, $0x3  }
0x11: {  	s22 =	sadd.s32 $0xB200, s6;
	s6 =	sadd.s32 $0x1400, s6;
	[dreg:$0xa] =	wrdreg s25  }
0x12: {  	s1 =	sadd.s32 s0, s1;
	s25 =	simm.s32 $0x9920;
	[dreg:$0x6] =	wrdreg s22  }
0x13: {  	[dreg:$0x7] =	wrdreg s6;
	s6 =	sshrl.u32 s23, $0x3;
	s24 =	sadd.s32 $0x18600, s1  }
0x14: {  	v0 =	vimm.s32 $0x0;
	vm0 =	vcmask $0x300;
	s22 =	simm.s32 $0x4E20;
	s0 =	sadd.s32 s0, s6;
	[dreg:$0x9] =	wrdreg s24  }
0x15: {  	v0 =	vsel vm0, $0x3, v0;
	s23 =	simm.s32 $0x6720;
	s24 =	simm.s32 $0x8020;
	[dreg:$0x8] =	wrdreg s0  }
.LBB2_1:
0x16: {  	s0 =	rddreg [dreg:$0x6]  }
0x17: {  	[tilespmem:s3], [sflag:$0x3] =	stream.linear.gather [hbm4b:s0+s3], $0x2710, $0x38;
	[tilespmem:$0x1DCF0] =	vst v63  }
0x18: {  	_ =	swait.ge [sflag:s13], $0x2710  }
0x19: {  	[sflag:s13] =	ssyncset.done $0x0  }
0x1a: {  	s1 =	simm.s32 $0x2710;
	s10 =	rddreg [dreg:$0x7];
	[sflag:s13] =	ssyncadd.s32 $0xFFFFD8F0  }
0x1b: {  	[tilespmem:s1], [sflag:$0x3] =	stream.linear.gather [hbm4b:s10+s3], $0x2710, $0x38;
	[tilespmem:$0x1DCF0] =	vst v63  }
0x1c: {  	_ =	swait.ge [sflag:s13], $0x2710  }
0x1d: {  	[sflag:s13] =	ssyncset.done $0x0  }
0x1e: {  	[sflag:s13] =	ssyncadd.s32 $0xFFFFD8F0  }
0x1f: {  	[spmem:s16], [sflag:s15] =	dma.local [hbm:s7], $0x1860  }
0x20: {  	_ =	swait.ge [sflag:s13], $0x1860  }
0x21: {  	[sflag:s13] =	ssyncset.done $0x0  }
0x22: {  	s0 =	simm.s32 @!p0 $0x3;
	[sflag:s13] =	ssyncadd.s32 $0xFFFFE7A0  }
0x23: {  	[spmem:s17], [sflag:s15] =	dma.local @!p0 [hbm:s7], $0xA0  }
0x24: {  	_ =	swait.ge @!p0 [sflag:s0], $0xA0  }
0x25: {  	[sflag:s0] =	ssyncset.done @!p0 $0x0  }
0x26: {  	s11 =	rddreg [dreg:$0x4];
	[sflag:s0] =	ssyncadd.s32 @!p0 $0xFFFFFF60  }
0x27: {  	[tilespmem:s18], [sflag:$0x3] =	stream.linear.gather [hbm4b:s11+s3], $0x2710, $0x38;
	[tilespmem:$0x1DCF0] =	vst v63  }
0x28: {  	_ =	swait.ge [sflag:s13], $0x2710  }
0x29: {  	[sflag:s13] =	ssyncset.done $0x0  }
0x2a: {  	s12 =	rddreg [dreg:$0x5];
	[sflag:s13] =	ssyncadd.s32 $0xFFFFD8F0  }
0x2b: {  	[tilespmem:s19], [sflag:$0x3] =	stream.linear.gather [hbm4b:s12+s3], $0x2710, $0x38;
	[tilespmem:$0x1DCF0] =	vst v63  }
0x2c: {  	_ =	swait.ge [sflag:s13], $0x2710  }
0x2d: {  	[sflag:s13] =	ssyncset.done $0x0  }
0x2e: {  	[sflag:s13] =	ssyncadd.s32 $0xFFFFD8F0  }
0x2f: {  	s20 =	simm.s32 $0x11990;
	s14 =	rddreg [dreg:$0x1]  }
0x30: {  	[tilespmem:s20], [sflag:$0x3] =	stream.linear.gather [hbm4b:s14+s3], $0x10, $0x38;
	[tilespmem:$0x1DCF0] =	vst v63  }
0x31: {  	_ =	swait.ge [sflag:s13], $0x10  }
0x32: {  	[sflag:s13] =	ssyncset.done $0x0  }
0x33: {  	[sflag:s13] =	ssyncadd.s32 $0xFFFFFFF0  }
0x34: {  	[bflag:$0x0] =	sbarrier.arrive $0xFFFF  }
0x35: {  	s0 =	simm.s32 $0x0;
	v1 =	vld [tilespmem:$0x11990]  }
.LBB2_2:
0x36: {  	s14 =	smul.u32 $0x190, s0;
	_ =	sdelay $0x1  }
0x37: {  	[tilespmem:s22], [sflag:$0x1] =	stream.indirect.gather [hbm4b:s4+s21], $0x50, s14, s21, $0xb8;
	[tilespmem:$0x1DCF0] =	vst v63  }
0x38: {  	s6 =	sadd.s32 $0x50, s14  }
0x39: {  	[tilespmem:s23], [sflag:$0x1] =	stream.indirect.gather [hbm4b:s4+s21], $0x50, s6, s21, $0xb8;
	[tilespmem:$0x1DCF0] =	vst v63  }
0x3a: {  	s5 =	sadd.s32 $0xA0, s14  }
0x3b: {  	[tilespmem:s24], [sflag:$0x1] =	stream.indirect.gather [hbm4b:s4+s21], $0x50, s5, s21, $0xb8;
	[tilespmem:$0x1DCF0] =	vst v63  }
0x3c: {  	s20 =	sadd.s32 $0xF0, s14  }
0x3d: {  	[tilespmem:s25], [sflag:$0x1] =	stream.indirect.gather [hbm4b:s4+s21], $0x50, s20, s21, $0xb8;
	[tilespmem:$0x1DCF0] =	vst v63  }
0x3e: {  	s1 =	sadd.s32 $0x140, s14  }
0x3f: {  	[tilespmem:s26], [sflag:$0x1] =	stream.indirect.gather [hbm4b:s4+s21], $0x50, s1, s21, $0xb8;
	[tilespmem:$0x1DCF0] =	vst v63  }
0x40: {  	_ =	swait.ge [sflag:s28], $0x1900  }
0x41: {  	[sflag:s28] =	ssyncset.done $0x0  }
0x42: {  	[sflag:s28] =	ssyncadd.s32 $0xFFFFE700  }
0x43: {  	v2 =	vld [tilespmem:s14+$0x0]  }
0x44: {  	v3 =	vld [tilespmem:s14+$0x2710];
	_ =	sdelay $0x6  }
0x45: {  	v2 =	vld.idx.msk [tilespmem:v2+s18+$0x0], $0xffff  }
0x46: {  	v3 =	vld.idx.msk [tilespmem:v3+s19+$0x0], $0xffff;
	_ =	sdelay $0x4  }
0x47: {  	v2 =	vadd.f32 v3, v2;
	_ =	sdelay $0x1  }
0x48: {  	v3 =	vmul.f32 $2.000000030e-01, v2  }
0x49: {  	vm0 =	vgt.f32 v2, $0.0e+00  }
0x4a: {  	v2 =	vsel vm0, v2, v3  }
0x4b: {  	v2 =	vsub.f32 v2, v1;
	_ =	sdelay $0x1  }
0x4c: {  	v2 =	vmul.f32 $1.442695020e+00, v2;
	_ =	sdelay $0x1  }
0x4d: {  	(erf) = vpow2.f32 v2;
	_ =	sdelay $0x8  }
0x4e: {  	v2 =	vpop (erf)  }
0x4f: {  	[tilespmem:$0xCB20] =	vst v2  }
0x50: {  	v2 =	vld [tilespmem:s14+$0x10]  }
0x51: {  	v3 =	vld [tilespmem:s14+$0x2720];
	_ =	sdelay $0x6  }
0x52: {  	v2 =	vld.idx.msk [tilespmem:v2+s18+$0x0], $0xffff  }
0x53: {  	v3 =	vld.idx.msk [tilespmem:v3+s19+$0x0], $0xffff;
	_ =	sdelay $0x4  }
0x54: {  	v2 =	vadd.f32 v3, v2;
	_ =	sdelay $0x1  }
0x55: {  	v3 =	vmul.f32 $2.000000030e-01, v2  }
0x56: {  	vm12 =	vgt.f32 v2, $0.0e+00  }
0x57: {  	v2 =	vsel vm12, v2, v3  }
0x58: {  	v2 =	vsub.f32 v2, v1;
	_ =	sdelay $0x1  }
0x59: {  	v2 =	vmul.f32 $1.442695020e+00, v2;
	_ =	sdelay $0x1  }
0x5a: {  	(erf) = vpow2.f32 v2;
	_ =	sdelay $0x8  }
0x5b: {  	v2 =	vpop (erf)  }
0x5c: {  	[tilespmem:$0xCB30] =	vst v2  }
0x5d: {  	v2 =	vld [tilespmem:s14+$0x20]  }
0x5e: {  	v3 =	vld [tilespmem:s14+$0x2730];
	_ =	sdelay $0x6  }
0x5f: {  	v2 =	vld.idx.msk [tilespmem:v2+s18+$0x0], $0xffff  }
0x60: {  	v3 =	vld.idx.msk [tilespmem:v3+s19+$0x0], $0xffff;
	_ =	sdelay $0x4  }
0x61: {  	v2 =	vadd.f32 v3, v2;
	_ =	sdelay $0x1  }
0x62: {  	v3 =	vmul.f32 $2.000000030e-01, v2  }
0x63: {  	vm13 =	vgt.f32 v2, $0.0e+00  }
0x64: {  	v2 =	vsel vm13, v2, v3  }
0x65: {  	v2 =	vsub.f32 v2, v1;
	_ =	sdelay $0x1  }
0x66: {  	v2 =	vmul.f32 $1.442695020e+00, v2;
	_ =	sdelay $0x1  }
0x67: {  	(erf) = vpow2.f32 v2;
	_ =	sdelay $0x8  }
0x68: {  	v2 =	vpop (erf)  }
0x69: {  	[tilespmem:$0xCB40] =	vst v2  }
0x6a: {  	v2 =	vld [tilespmem:s14+$0x30]  }
0x6b: {  	v3 =	vld [tilespmem:s14+$0x2740];
	_ =	sdelay $0x6  }
0x6c: {  	v2 =	vld.idx.msk [tilespmem:v2+s18+$0x0], $0xffff  }
0x6d: {  	v3 =	vld.idx.msk [tilespmem:v3+s19+$0x0], $0xffff;
	_ =	sdelay $0x4  }
0x6e: {  	v2 =	vadd.f32 v3, v2;
	_ =	sdelay $0x1  }
0x6f: {  	v3 =	vmul.f32 $2.000000030e-01, v2  }
0x70: {  	vm14 =	vgt.f32 v2, $0.0e+00  }
0x71: {  	v2 =	vsel vm14, v2, v3  }
0x72: {  	v2 =	vsub.f32 v2, v1;
	_ =	sdelay $0x1  }
0x73: {  	v2 =	vmul.f32 $1.442695020e+00, v2;
	_ =	sdelay $0x1  }
0x74: {  	(erf) = vpow2.f32 v2;
	_ =	sdelay $0x8  }
0x75: {  	v2 =	vpop (erf)  }
0x76: {  	[tilespmem:$0xCB50] =	vst v2  }
0x77: {  	v2 =	vld [tilespmem:s14+$0x40]  }
0x78: {  	v3 =	vld [tilespmem:s14+$0x2750];
	_ =	sdelay $0x6  }
0x79: {  	v2 =	vld.idx.msk [tilespmem:v2+s18+$0x0], $0xffff  }
0x7a: {  	v3 =	vld.idx.msk [tilespmem:v3+s19+$0x0], $0xffff;
	_ =	sdelay $0x4  }
0x7b: {  	v2 =	vadd.f32 v3, v2;
	_ =	sdelay $0x1  }
0x7c: {  	v3 =	vmul.f32 $2.000000030e-01, v2  }
0x7d: {  	vm15 =	vgt.f32 v2, $0.0e+00  }
0x7e: {  	v2 =	vsel vm15, v2, v3  }
0x7f: {  	v2 =	vsub.f32 v2, v1;
	_ =	sdelay $0x1  }
0x80: {  	s9 =	simm.s32 $0x2;
	s12 =	simm.s32 $0x3;
	v2 =	vmul.f32 $1.442695020e+00, v2  }
0x81: {  	s10 =	simm.s32 $0x4;
	v4 =	vmov s9;
	v5 =	vmov s12;
	s12 =	simm.s32 $0x6  }
0x82: {  	s8 =	simm.s32 $0x0;
	v6 =	vmov s10;
	v8 =	vmov s12;
	(erf) = vpow2.f32 v2  }
0x83: {  	s11 =	simm.s32 $0x1;
	v4 =	vshrl.u32 v4, $0x3;
	v5 =	vshrl.u32 v5, $0x3;
	v3 =	vmov s8  }
0x84: {  	s9 =	simm.s32 $0x7;
	v6 =	vshrl.u32 v6, $0x3;
	v2 =	vshrl.u32 v3, $0x3;
	v3 =	vmov s11  }
0x85: {  	v9 =	vmov s9;
	v4 =	vshll.u32 v4, v0;
	v3 =	vshrl.u32 v3, $0x3  }
0x86: {  	v5 =	vshll.u32 v5, v0;
	v2 =	vshll.u32 v2, v0;
	v3 =	vshll.u32 v3, v0  }
0x87: {  	v6 =	vshll.u32 v6, v0;
	s11 =	simm.s32 $0x5;
	v2 =	vbroadcast v2, $0x0;
	v3 =	vadd.s32 $0x1, v3  }
0x88: {  	v4 =	vadd.s32 $0x2, v4;
	v7 =	vmov s11;
	v3 =	vbroadcast v3, $0x0  }
0x89: {  	v5 =	vadd.s32 $0x3, v5;
	v4 =	vbroadcast v4, $0x0;
	v7 =	vshrl.u32 v7, $0x3  }
0x8a: {  	v6 =	vadd.s32 $0x4, v6;
	v5 =	vbroadcast v5, $0x0;
	v7 =	vshll.u32 v7, v0  }
0x8b: {  	v8 =	vshrl.u32 v8, $0x3;
	v6 =	vbroadcast v6, $0x0;
	v7 =	vadd.s32 $0x5, v7;
	v10 =	vpop (erf)  }
0x8c: {  	v9 =	vshrl.u32 v9, $0x3;
	v8 =	vshll.u32 v8, v0;
	v7 =	vbroadcast v7, $0x0;
	[tilespmem:$0xCB60] =	vst v10  }
0x8d: {  	v9 =	vshll.u32 v9, v0;
	v8 =	vadd.s32 $0x6, v8;
	v10 =	vld.idx.msk [tilespmem:v2+s29+$0x0], $0xffff  }
0x8e: {  	v2 =	vbroadcast v8, $0x0;
	v8 =	vadd.s32 $0x7, v9;
	v9 =	vld.idx.msk [tilespmem:v3+s29+$0x0], $0xffff  }
0x8f: {  	v11 =	vld.idx.msk [tilespmem:v4+s29+$0x0], $0xffff  }
0x90: {  	v5 =	vld.idx.msk [tilespmem:v5+s29+$0x0], $0xffff;
	v8 =	vbroadcast v8, $0x0  }
0x91: {  	v12 =	vld.idx.msk [tilespmem:v6+s29+$0x0], $0xffff  }
0x92: {  	s8 =	simm.s32 $0x4F60;
	v4 =	vld.idx.msk [tilespmem:v7+s29+$0x0], $0xffff  }
0x93: {  	v6 =	vld [tilespmem:s8+$0x130]  }
0x94: {  	v7 =	vld [tilespmem:s8+$0xFFFFFEC0]  }
0x95: {  	v3 =	vld.idx.msk [tilespmem:v2+s29+$0x0], $0xffff  }
0x96: {  	v2 =	vld.idx.msk [tilespmem:v8+s29+$0x0], $0xffff  }
0x97: {  	v8 =	vld [tilespmem:s8+$0xFFFFFED0]  }
0x98: {  	v13 =	vld [tilespmem:s8+$0xFFFFFEE0]  }
0x99: {  	v14 =	vld [tilespmem:s8+$0xFFFFFEF0]  }
0x9a: {  	v15 =	vld [tilespmem:s8+$0xFFFFFF00];
	v7 =	vmul.f32 v7, v10  }
0x9b: {  	v16 =	vld [tilespmem:s8+$0xFFFFFF10];
	v6 =	vmul.f32 v6, v2  }
0x9c: {  	v17 =	vld [tilespmem:s8+$0xFFFFFF20];
	[tilespmem:s8+$0xFFFFFEC0] =	vst v7;
	v8 =	vmul.f32 v8, v10  }
0x9d: {  	v7 =	vld [tilespmem:s8+$0xFFFFFF30];
	[tilespmem:s8+$0x130] =	vst v6;
	v6 =	vmul.f32 v13, v10  }
0x9e: {  	[tilespmem:s8+$0xFFFFFED0] =	vst v8;
	v8 =	vmul.f32 v14, v10;
	v13 =	vld [tilespmem:s8+$0xFFFFFF40]  }
0x9f: {  	[tilespmem:s8+$0xFFFFFEE0] =	vst v6;
	v6 =	vmul.f32 v15, v10;
	v10 =	vld [tilespmem:s8+$0xFFFFFF50]  }
0xa0: {  	v14 =	vld [tilespmem:s8+$0xFFFFFF60];
	[tilespmem:s8+$0xFFFFFEF0] =	vst v8;
	v8 =	vmul.f32 v16, v9  }
0xa1: {  	v15 =	vld [tilespmem:s8+$0xFFFFFF70];
	[tilespmem:s8+$0xFFFFFF00] =	vst v6;
	v6 =	vmul.f32 v17, v9  }
0xa2: {  	v7 =	vmul.f32 v7, v9;
	[tilespmem:s8+$0xFFFFFF10] =	vst v8;
	v8 =	vld [tilespmem:s8+$0xFFFFFF80]  }
0xa3: {  	[tilespmem:s8+$0xFFFFFF20] =	vst v6;
	v6 =	vmul.f32 v13, v9;
	v13 =	vld [tilespmem:s8+$0xFFFFFF90]  }
0xa4: {  	[tilespmem:s8+$0xFFFFFF30] =	vst v7;
	v7 =	vmul.f32 v10, v9;
	v9 =	vld [tilespmem:s8+$0xFFFFFFA0]  }
0xa5: {  	v10 =	vld [tilespmem:s8+$0xFFFFFFB0];
	[tilespmem:s8+$0xFFFFFF40] =	vst v6;
	v6 =	vmul.f32 v14, v11  }
0xa6: {  	v14 =	vld [tilespmem:s8+$0xFFFFFFC0];
	[tilespmem:s8+$0xFFFFFF50] =	vst v7;
	v7 =	vmul.f32 v15, v11  }
0xa7: {  	[tilespmem:s8+$0xFFFFFF60] =	vst v6;
	v6 =	vmul.f32 v8, v11;
	v8 =	vld [tilespmem:s8+$0xFFFFFFD0]  }
0xa8: {  	[tilespmem:s8+$0xFFFFFF70] =	vst v7;
	v7 =	vmul.f32 v13, v11;
	v13 =	vld [tilespmem:s8+$0xFFFFFFE0]  }
0xa9: {  	s12 =	simm.s32 $0xA;
	[tilespmem:s8+$0xFFFFFF80] =	vst v6;
	v6 =	vmul.f32 v9, v11;
	v9 =	vld [tilespmem:s8+$0xFFFFFFF0]  }
0xaa: {  	v16 =	vmov s12;
	s12 =	simm.s32 $0xC;
	[tilespmem:s8+$0xFFFFFF90] =	vst v7;
	v7 =	vmul.f32 v10, v5;
	v10 =	vld [tilespmem:s8+$0x0]  }
0xab: {  	s11 =	simm.s32 $0x9;
	v18 =	vmov s12;
	s12 =	simm.s32 $0xE;
	[tilespmem:s8+$0xFFFFFFA0] =	vst v6;
	v6 =	vmul.f32 v14, v5;
	v14 =	vld [tilespmem:s8+$0x10]  }
0xac: {  	s10 =	simm.s32 $0x8;
	v20 =	vmov s12;
	v15 =	vmov s11;
	s11 =	simm.s32 $0xB;
	[tilespmem:s8+$0xFFFFFFB0] =	vst v7;
	v7 =	vmul.f32 v8, v5;
	v8 =	vld [tilespmem:s8+$0x20]  }
0xad: {  	v17 =	vmov s11;
	s11 =	simm.s32 $0xD;
	v11 =	vmov s10;
	[tilespmem:s8+$0xFFFFFFC0] =	vst v6;
	v6 =	vmul.f32 v13, v5;
	v13 =	vld [tilespmem:s8+$0x30]  }
0xae: {  	v19 =	vmov s11;
	v11 =	vshrl.u32 v11, $0x3;
	[tilespmem:s8+$0xFFFFFFD0] =	vst v7;
	v5 =	vmul.f32 v9, v5;
	v7 =	vld [tilespmem:s8+$0x40]  }
0xaf: {  	v9 =	vshll.u32 v11, v0;
	v11 =	vshrl.u32 v15, $0x3;
	[tilespmem:s8+$0xFFFFFFE0] =	vst v6;
	v6 =	vmul.f32 v10, v12;
	v10 =	vld [tilespmem:s8+$0x50]  }
0xb0: {  	v15 =	vshrl.u32 v16, $0x3;
	v16 =	vshrl.u32 v17, $0x3;
	[tilespmem:s8+$0xFFFFFFF0] =	vst v5;
	v5 =	vmul.f32 v14, v12;
	v14 =	vld [tilespmem:s8+$0x60]  }
0xb1: {  	v17 =	vshrl.u32 v18, $0x3;
	v18 =	vshrl.u32 v19, $0x3;
	v19 =	vld [tilespmem:s8+$0x70];
	[tilespmem:s8+$0x0] =	vst v6;
	v8 =	vmul.f32 v8, v12  }
0xb2: {  	v11 =	vshll.u32 v11, v0;
	v15 =	vshll.u32 v15, v0;
	[tilespmem:s8+$0x10] =	vst v5;
	v5 =	vmul.f32 v13, v12;
	v13 =	vld [tilespmem:s8+$0x80]  }
0xb3: {  	v63 =	vld [tilespmem:s8+$0x90];
	v18 =	vshll.u32 v18, v0;
	v6 =	vbroadcast v9, $0x0;
	[tilespmem:s8+$0x20] =	vst v8;
	v7 =	vmul.f32 v7, v12  }
0xb4: {  	v9 =	vshrl.u32 v20, $0x3;
	v12 =	vshll.u32 v17, v0;
	v17 =	vld [tilespmem:s8+$0xA0];
	[tilespmem:s8+$0x30] =	vst v5;
	v10 =	vmul.f32 v10, v4  }
0xb5: {  	v11 =	vadd.s32 $0x1, v11;
	v21 =	vshll.u32 v9, v0;
	v5 =	vld [tilespmem:s8+$0xB0];
	[tilespmem:s8+$0x40] =	vst v7;
	v9 =	vmul.f32 v14, v4  }
0xb6: {  	v8 =	vshll.u32 v16, v0;
	v14 =	vadd.s32 $0x2, v15;
	v15 =	vmul.f32 v19, v4;
	v7 =	vld [tilespmem:s8+$0xC0];
	[tilespmem:s8+$0x50] =	vst v10  }
0xb7: {  	v16 =	vadd.s32 $0x3, v8;
	v12 =	vadd.s32 $0x4, v12;
	v8 =	vld [tilespmem:s8+$0xD0];
	[tilespmem:s8+$0x60] =	vst v9;
	v19 =	vmul.f32 v13, v4  }
0xb8: {  	v10 =	vbroadcast v11, $0x0;
	v13 =	vadd.s32 $0x5, v18;
	[tilespmem:s8+$0x70] =	vst v15;
	v15 =	vmul.f32 v63, v4;
	v9 =	vld [tilespmem:s8+$0xE0]  }
0xb9: {  	s9 =	sadd.s32 $0x2710, s14;
	s11 =	simm.s32 $0xF;
	s10 =	simm.s32 $0x10;
	v11 =	vld [tilespmem:s8+$0xF0];
	v4 =	vbroadcast v14, $0x0;
	v14 =	vadd.s32 $0x6, v21;
	v17 =	vmul.f32 v17, v3;
	[tilespmem:s8+$0x80] =	vst v19  }
.LBB2_3:
0xba: {  	p1 =	slt.u32 s10, $0x48;
	v16 =	vbroadcast v16, $0x0;
	v18 =	vmov s11;
	[tilespmem:s8+$0x90] =	vst v15;
	v5 =	vmul.f32 v5, v3;
	v15 =	vld [tilespmem:s8+$0x100]  }
0xbb: {  	v12 =	vbroadcast v12, $0x0;
	v18 =	vshrl.u32 v18, $0x3;
	[tilespmem:s8+$0xA0] =	vst v17;
	v7 =	vmul.f32 v7, v3;
	v17 =	vld [tilespmem:s8+$0x110]  }
0xbc: {  	v13 =	vbroadcast v13, $0x0;
	v18 =	vshll.u32 v18, v0;
	[tilespmem:s8+$0xB0] =	vst v5;
	v5 =	vmul.f32 v8, v3;
	v8 =	vld [tilespmem:s8+$0x120]  }
0xbd: {  	v14 =	vbroadcast v14, $0x0;
	v6 =	vld.idx.msk [tilespmem:v6+s29+$0x0], $0xffff;
	v18 =	vadd.s32 $0x7, v18;
	[tilespmem:s8+$0xC0] =	vst v7;
	v3 =	vmul.f32 v9, v3  }
0xbe: {  	v7 =	vld.idx.msk [tilespmem:v10+s29+$0x0], $0xffff;
	v9 =	vbroadcast v18, $0x0;
	[tilespmem:s8+$0xD0] =	vst v5;
	v5 =	vmul.f32 v11, v2  }
0xbf: {  	v10 =	vld.idx.msk [tilespmem:v4+s29+$0x0], $0xffff;
	[tilespmem:s8+$0xE0] =	vst v3;
	v3 =	vmul.f32 v15, v2  }
0xc0: {  	v11 =	vld.idx.msk [tilespmem:v16+s29+$0x0], $0xffff;
	[tilespmem:s8+$0xF0] =	vst v5;
	v15 =	vmul.f32 v17, v2  }
0xc1: {  	v5 =	vld.idx.msk [tilespmem:v12+s29+$0x0], $0xffff;
	[tilespmem:s8+$0x100] =	vst v3;
	v2 =	vmul.f32 v8, v2  }
0xc2: {  	v4 =	vld.idx.msk [tilespmem:v13+s29+$0x0], $0xffff;
	[tilespmem:s8+$0x110] =	vst v15  }
0xc3: {  	v3 =	vld.idx.msk [tilespmem:v14+s29+$0x0], $0xffff;
	[tilespmem:s8+$0x120] =	vst v2  }
0xc4: {  	s8 =	sadd.s32 $0x280, s8;
	v2 =	vld.idx.msk [tilespmem:v9+s29+$0x0], $0xffff  }
0xc5: {  	v8 =	vld [tilespmem:s8+$0x130]  }
0xc6: {  	v9 =	vld [tilespmem:s8+$0xFFFFFEC0]  }
0xc7: {  	v12 =	vld [tilespmem:s8+$0xFFFFFED0]  }
0xc8: {  	v13 =	vld [tilespmem:s8+$0xFFFFFEE0]  }
0xc9: {  	v14 =	vld [tilespmem:s8+$0xFFFFFEF0]  }
0xca: {  	v15 =	vld [tilespmem:s8+$0xFFFFFF00];
	v8 =	vmul.f32 v8, v2  }
0xcb: {  	v9 =	vmul.f32 v9, v6;
	v16 =	vld [tilespmem:s8+$0xFFFFFF10]  }
0xcc: {  	v12 =	vmul.f32 v12, v6;
	v17 =	vld [tilespmem:s8+$0xFFFFFF20];
	[tilespmem:s8+$0x130] =	vst v8  }
0xcd: {  	[tilespmem:s8+$0xFFFFFEC0] =	vst v9;
	v8 =	vmul.f32 v13, v6;
	v9 =	vld [tilespmem:s8+$0xFFFFFF30]  }
0xce: {  	[tilespmem:s8+$0xFFFFFED0] =	vst v12;
	v12 =	vmul.f32 v14, v6;
	v13 =	vld [tilespmem:s8+$0xFFFFFF40]  }
0xcf: {  	[tilespmem:s8+$0xFFFFFEE0] =	vst v8;
	v6 =	vmul.f32 v15, v6;
	v8 =	vld [tilespmem:s8+$0xFFFFFF50]  }
0xd0: {  	[tilespmem:s8+$0xFFFFFEF0] =	vst v12;
	v12 =	vmul.f32 v16, v7;
	v14 =	vld [tilespmem:s8+$0xFFFFFF60]  }
0xd1: {  	[tilespmem:s8+$0xFFFFFF00] =	vst v6;
	v6 =	vmul.f32 v17, v7;
	v15 =	vld [tilespmem:s8+$0xFFFFFF70]  }
0xd2: {  	[tilespmem:s8+$0xFFFFFF10] =	vst v12;
	v9 =	vmul.f32 v9, v7;
	v12 =	vld [tilespmem:s8+$0xFFFFFF80]  }
0xd3: {  	[tilespmem:s8+$0xFFFFFF20] =	vst v6;
	v6 =	vmul.f32 v13, v7;
	v13 =	vld [tilespmem:s8+$0xFFFFFF90]  }
0xd4: {  	[tilespmem:s8+$0xFFFFFF30] =	vst v9;
	v7 =	vmul.f32 v8, v7;
	v8 =	vld [tilespmem:s8+$0xFFFFFFA0]  }
0xd5: {  	[tilespmem:s8+$0xFFFFFF40] =	vst v6;
	v6 =	vmul.f32 v14, v10;
	v9 =	vld [tilespmem:s8+$0xFFFFFFB0]  }
0xd6: {  	[tilespmem:s8+$0xFFFFFF50] =	vst v7;
	v7 =	vmul.f32 v15, v10;
	v14 =	vld [tilespmem:s8+$0xFFFFFFC0]  }
0xd7: {  	[tilespmem:s8+$0xFFFFFF60] =	vst v6;
	v6 =	vmul.f32 v12, v10;
	v12 =	vld [tilespmem:s8+$0xFFFFFFD0]  }
0xd8: {  	[tilespmem:s8+$0xFFFFFF70] =	vst v7;
	v7 =	vmul.f32 v13, v10;
	v13 =	vld [tilespmem:s8+$0xFFFFFFE0]  }
0xd9: {  	[tilespmem:s8+$0xFFFFFF80] =	vst v6;
	v6 =	vmul.f32 v8, v10;
	v8 =	vld [tilespmem:s8+$0xFFFFFFF0]  }
0xda: {  	v10 =	vmov s10;
	[tilespmem:s8+$0xFFFFFF90] =	vst v7;
	v7 =	vmul.f32 v9, v11;
	v9 =	vld [tilespmem:s8+$0x0]  }
0xdb: {  	s11 =	sadd.s32 $0x1, s10;
	s12 =	sadd.s32 $0x2, s10;
	v10 =	vshrl.u32 v10, $0x3;
	[tilespmem:s8+$0xFFFFFFA0] =	vst v6;
	v6 =	vmul.f32 v14, v11;
	v14 =	vld [tilespmem:s8+$0x10]  }
0xdc: {  	v16 =	vmov s12;
	s12 =	sadd.s32 $0x4, s10;
	v15 =	vmov s11;
	s11 =	sadd.s32 $0x3, s10;
	[tilespmem:s8+$0xFFFFFFB0] =	vst v7;
	v7 =	vmul.f32 v12, v11;
	v12 =	vld [tilespmem:s8+$0x20]  }
0xdd: {  	v18 =	vmov s12;
	s12 =	sadd.s32 $0x6, s10;
	v17 =	vmov s11;
	s11 =	sadd.s32 $0x5, s10;
	[tilespmem:s8+$0xFFFFFFC0] =	vst v6;
	v6 =	vmul.f32 v13, v11;
	v13 =	vld [tilespmem:s8+$0x30]  }
0xde: {  	v20 =	vmov s12;
	v19 =	vmov s11;
	[tilespmem:s8+$0xFFFFFFD0] =	vst v7;
	v7 =	vmul.f32 v8, v11;
	v8 =	vld [tilespmem:s8+$0x40]  }
0xdf: {  	v10 =	vshll.u32 v10, v0;
	v11 =	vshrl.u32 v15, $0x3;
	[tilespmem:s8+$0xFFFFFFE0] =	vst v6;
	v6 =	vmul.f32 v9, v5;
	v9 =	vld [tilespmem:s8+$0x50]  }
0xe0: {  	v15 =	vshrl.u32 v16, $0x3;
	v16 =	vshrl.u32 v17, $0x3;
	[tilespmem:s8+$0xFFFFFFF0] =	vst v7;
	v7 =	vmul.f32 v14, v5;
	v14 =	vld [tilespmem:s8+$0x60]  }
0xe1: {  	v17 =	vshrl.u32 v18, $0x3;
	v18 =	vshrl.u32 v19, $0x3;
	[tilespmem:s8+$0x0] =	vst v6;
	v12 =	vmul.f32 v12, v5;
	v19 =	vld [tilespmem:s8+$0x70]  }
0xe2: {  	v6 =	vbroadcast v10, $0x0;
	v10 =	vshrl.u32 v20, $0x3;
	[tilespmem:s8+$0x10] =	vst v7;
	v7 =	vmul.f32 v13, v5;
	v13 =	vld [tilespmem:s8+$0x80]  }
0xe3: {  	v11 =	vshll.u32 v11, v0;
	v15 =	vshll.u32 v15, v0;
	[tilespmem:s8+$0x20] =	vst v12;
	v5 =	vmul.f32 v8, v5;
	v20 =	vld [tilespmem:s8+$0x90]  }
0xe4: {  	v8 =	vshll.u32 v16, v0;
	v12 =	vshll.u32 v17, v0;
	[tilespmem:s8+$0x30] =	vst v7;
	v7 =	vmul.f32 v9, v4;
	v17 =	vld [tilespmem:s8+$0xA0]  }
.Ltmp0:
0xe5: {  	v9 =	vshll.u32 v18, v0;
	v18 =	vshll.u32 v10, v0;
	[tilespmem:s8+$0x40] =	vst v5;
	v10 =	vmul.f32 v14, v4;
	v5 =	vld [tilespmem:s8+$0xB0];
	(pc) =	sbr.rel @p1 .LBB2_3-.Ltmp0, $4  }
0xe6: {  	v11 =	vadd.s32 $0x1, v11;
	v14 =	vadd.s32 $0x2, v15;
	[tilespmem:s8+$0x50] =	vst v7;
	v15 =	vmul.f32 v19, v4;
	v7 =	vld [tilespmem:s8+$0xC0]  }
0xe7: {  	v16 =	vadd.s32 $0x3, v8;
	v12 =	vadd.s32 $0x4, v12;
	[tilespmem:s8+$0x60] =	vst v10;
	v19 =	vmul.f32 v13, v4;
	v8 =	vld [tilespmem:s8+$0xD0]  }
0xe8: {  	v10 =	vbroadcast v11, $0x0;
	v13 =	vadd.s32 $0x5, v9;
	[tilespmem:s8+$0x70] =	vst v15;
	v15 =	vmul.f32 v20, v4;
	v9 =	vld [tilespmem:s8+$0xE0]  }
0xe9: {  	s11 =	sadd.s32 $0x7, s10;
	s10 =	sadd.s32 $0x8, s10;
	v4 =	vbroadcast v14, $0x0;
	v14 =	vadd.s32 $0x6, v18;
	[tilespmem:s8+$0x80] =	vst v19;
	v17 =	vmul.f32 v17, v3;
	v11 =	vld [tilespmem:s8+$0xF0]  }
0xea: {  	_ = 	snop  }
0xeb: {  	v19 =	vld [tilespmem:s8+$0x100]  }
0xec: {  	v20 =	vld [tilespmem:s8+$0x110]  }
0xed: {  	v18 =	vmov s11;
	v21 =	vld [tilespmem:s8+$0x120]  }
0xee: {  	v6 =	vld.idx.msk [tilespmem:v6+s29+$0x0], $0xffff;
	v18 =	vshrl.u32 v18, $0x3  }
0xef: {  	v16 =	vbroadcast v16, $0x0;
	v10 =	vld.idx.msk [tilespmem:v10+s29+$0x0], $0xffff;
	v18 =	vshll.u32 v18, v0  }
0xf0: {  	v13 =	vbroadcast v13, $0x0;
	s10 =	sadd.s32 $0x280, s8;
	v22 =	vld.idx.msk [tilespmem:v4+s29+$0x0], $0xffff;
	v7 =	vmul.f32 v7, v3;
	v18 =	vadd.s32 $0x7, v18  }
0xf1: {  	[tilespmem:s8+$0x90] =	vst v15;
	v15 =	vld [tilespmem:s10+$0xFFFFFF20];
	v18 =	vbroadcast v18, $0x0  }
0xf2: {  	v14 =	vbroadcast v14, $0x0;
	v8 =	vmul.f32 v8, v3;
	[tilespmem:s8+$0xC0] =	vst v7;
	v7 =	vld [tilespmem:s10+$0x130]  }
0xf3: {  	v4 =	vmul.f32 v5, v3;
	v3 =	vmul.f32 v9, v3;
	v9 =	vld [tilespmem:s10+$0xFFFFFEC0]  }
0xf4: {  	[tilespmem:s8+$0xD0] =	vst v8;
	v8 =	vmul.f32 v11, v2;
	v11 =	vld [tilespmem:s10+$0xFFFFFED0]  }
0xf5: {  	v16 =	vld.idx.msk [tilespmem:v16+s29+$0x0], $0xffff  }
0xf6: {  	[tilespmem:s8+$0xB0] =	vst v4;
	v5 =	vld.idx.msk [tilespmem:v13+s29+$0x0], $0xffff  }
0xf7: {  	v12 =	vbroadcast v12, $0x0;
	[tilespmem:s8+$0xE0] =	vst v3;
	v3 =	vmul.f32 v19, v2;
	v4 =	vld.idx.msk [tilespmem:v18+s29+$0x0], $0xffff  }
0xf8: {  	v13 =	vld.idx.msk [tilespmem:v14+s29+$0x0], $0xffff;
	[tilespmem:s8+$0xF0] =	vst v8;
	v8 =	vmul.f32 v20, v2  }
0xf9: {  	v14 =	vld [tilespmem:s10+$0xFFFFFEE0];
	v2 =	vmul.f32 v21, v2;
	[tilespmem:s8+$0x100] =	vst v3  }
0xfa: {  	v3 =	vld [tilespmem:s10+$0xFFFFFEF0];
	[tilespmem:s8+$0x110] =	vst v8  }
0xfb: {  	v8 =	vld [tilespmem:s10+$0xFFFFFF00];
	[tilespmem:s8+$0x120] =	vst v2;
	v2 =	vmul.f32 v9, v6  }
0xfc: {  	[tilespmem:s8+$0xA0] =	vst v17;
	v9 =	vld [tilespmem:s10+$0xFFFFFF10];
	v7 =	vmul.f32 v7, v4  }
0xfd: {  	v12 =	vld.idx.msk [tilespmem:v12+s29+$0x0], $0xffff;
	v11 =	vmul.f32 v11, v6;
	[tilespmem:s10+$0xFFFFFEC0] =	vst v2  }
0xfe: {  	v2 =	vmul.f32 v14, v6;
	[tilespmem:s10+$0x130] =	vst v7;
	v7 =	vld [tilespmem:s10+$0xFFFFFF30]  }
0xff: {  	[tilespmem:s10+$0xFFFFFED0] =	vst v11;
	v11 =	vld [tilespmem:s10+$0xFFFFFF40];
	v3 =	vmul.f32 v3, v6  }
0x100: {  	[tilespmem:s10+$0xFFFFFEE0] =	vst v2;
	v2 =	vmul.f32 v8, v6;
	v6 =	vld [tilespmem:s10+$0xFFFFFF50]  }
0x101: {  	v8 =	vld [tilespmem:s10+$0xFFFFFF60];
	[tilespmem:s10+$0xFFFFFEF0] =	vst v3;
	v3 =	vmul.f32 v9, v10  }
0x102: {  	v9 =	vld [tilespmem:s10+$0xFFFFFF70];
	[tilespmem:s10+$0xFFFFFF00] =	vst v2;
	v2 =	vmul.f32 v15, v10  }
0x103: {  	[tilespmem:s10+$0xFFFFFF10] =	vst v3;
	v3 =	vmul.f32 v7, v10;
	v7 =	vld [tilespmem:s10+$0xFFFFFF80]  }
0x104: {  	[tilespmem:s10+$0xFFFFFF20] =	vst v2;
	v2 =	vmul.f32 v11, v10;
	v11 =	vld [tilespmem:s10+$0xFFFFFF90]  }
0x105: {  	[tilespmem:s10+$0xFFFFFF30] =	vst v3;
	v3 =	vmul.f32 v6, v10;
	v6 =	vld [tilespmem:s10+$0xFFFFFFA0]  }
0x106: {  	[tilespmem:s10+$0xFFFFFF40] =	vst v2;
	v2 =	vmul.f32 v8, v22;
	v8 =	vld [tilespmem:s10+$0xFFFFFFB0]  }
0x107: {  	[tilespmem:s10+$0xFFFFFF50] =	vst v3;
	v3 =	vmul.f32 v9, v22;
	v9 =	vld [tilespmem:s10+$0xFFFFFFC0]  }
0x108: {  	[tilespmem:s10+$0xFFFFFF60] =	vst v2;
	v2 =	vmul.f32 v7, v22;
	v7 =	vld [tilespmem:s10+$0xFFFFFFD0]  }
0x109: {  	v10 =	vld [tilespmem:s10+$0xFFFFFFE0];
	[tilespmem:s10+$0xFFFFFF70] =	vst v3;
	v3 =	vmul.f32 v11, v22  }
0x10a: {  	[tilespmem:s10+$0xFFFFFF80] =	vst v2;
	v2 =	vmul.f32 v6, v22;
	v6 =	vld [tilespmem:s10+$0xFFFFFFF0]  }
0x10b: {  	[tilespmem:s10+$0xFFFFFF90] =	vst v3;
	v3 =	vmul.f32 v8, v16;
	v8 =	vld [tilespmem:s10+$0x0]  }
0x10c: {  	[tilespmem:s10+$0xFFFFFFA0] =	vst v2;
	v2 =	vmul.f32 v9, v16;
	v9 =	vld [tilespmem:s10+$0x10]  }
0x10d: {  	[tilespmem:s10+$0xFFFFFFB0] =	vst v3;
	v3 =	vmul.f32 v7, v16;
	v7 =	vld [tilespmem:s10+$0x20]  }
0x10e: {  	[tilespmem:s10+$0xFFFFFFC0] =	vst v2;
	v2 =	vmul.f32 v10, v16;
	v10 =	vld [tilespmem:s10+$0x30]  }
0x10f: {  	[tilespmem:s10+$0xFFFFFFD0] =	vst v3;
	v3 =	vmul.f32 v6, v16;
	v6 =	vld [tilespmem:s10+$0x40]  }
0x110: {  	[tilespmem:s10+$0xFFFFFFE0] =	vst v2;
	v2 =	vmul.f32 v8, v12;
	v8 =	vld [tilespmem:s10+$0x50]  }
0x111: {  	[tilespmem:s10+$0xFFFFFFF0] =	vst v3;
	v3 =	vmul.f32 v9, v12;
	v9 =	vld [tilespmem:s10+$0x60]  }
0x112: {  	[tilespmem:s10+$0x0] =	vst v2;
	v2 =	vmul.f32 v7, v12;
	v7 =	vld [tilespmem:s10+$0x70]  }
0x113: {  	[tilespmem:s10+$0x10] =	vst v3;
	v3 =	vmul.f32 v10, v12;
	v10 =	vld [tilespmem:s10+$0x80]  }
0x114: {  	[tilespmem:s10+$0x20] =	vst v2;
	v2 =	vmul.f32 v6, v12;
	v6 =	vld [tilespmem:s10+$0x90]  }
0x115: {  	[tilespmem:s10+$0x30] =	vst v3;
	v3 =	vmul.f32 v8, v5;
	v8 =	vld [tilespmem:s10+$0xA0]  }
0x116: {  	[tilespmem:s10+$0x40] =	vst v2;
	v2 =	vmul.f32 v9, v5;
	v9 =	vld [tilespmem:s10+$0xB0]  }
0x117: {  	[tilespmem:s10+$0x50] =	vst v3;
	v3 =	vmul.f32 v7, v5;
	v7 =	vld [tilespmem:s10+$0xC0]  }
0x118: {  	[tilespmem:s10+$0x60] =	vst v2;
	v2 =	vmul.f32 v10, v5;
	v10 =	vld [tilespmem:s10+$0xD0]  }
0x119: {  	[tilespmem:s10+$0x70] =	vst v3;
	v3 =	vmul.f32 v6, v5;
	v5 =	vld [tilespmem:s10+$0xE0]  }
0x11a: {  	v6 =	vld [tilespmem:s10+$0xF0];
	[tilespmem:s10+$0x80] =	vst v2;
	v2 =	vmul.f32 v8, v13  }
0x11b: {  	v8 =	vld [tilespmem:s10+$0x100];
	[tilespmem:s10+$0x90] =	vst v3;
	v3 =	vmul.f32 v9, v13  }
0x11c: {  	[tilespmem:s10+$0xA0] =	vst v2;
	v2 =	vmul.f32 v7, v13;
	v7 =	vld [tilespmem:s10+$0x110]  }
0x11d: {  	v9 =	vld [tilespmem:s10+$0x120];
	[tilespmem:s10+$0xB0] =	vst v3;
	v3 =	vmul.f32 v10, v13  }
0x11e: {  	[tilespmem:s10+$0xC0] =	vst v2;
	v2 =	vmul.f32 v5, v13  }
0x11f: {  	[tilespmem:s10+$0xD0] =	vst v3;
	v3 =	vmul.f32 v6, v4  }
0x120: {  	[tilespmem:s10+$0xE0] =	vst v2;
	v2 =	vmul.f32 v8, v4  }
0x121: {  	[tilespmem:s10+$0xF0] =	vst v3;
	v3 =	vmul.f32 v7, v4  }
0x122: {  	[tilespmem:s10+$0x100] =	vst v2;
	v2 =	vmul.f32 v9, v4  }
0x123: {  	[tilespmem:s10+$0x110] =	vst v3  }
0x124: {  	[tilespmem:s10+$0x120] =	vst v2  }
0x125: {  	[spmem:s2] =	stream.indirect.scatter.add.f32 [tilespmem:s22], [sflag:$0x2], $0x50, s9, s21, $0xb8;
	[tilespmem:$0x1DCF0] =	vst v63  }
0x126: {  	_ =	swait.ge [sflag:s28], $0x1900  }
0x127: {  	[sflag:s28] =	ssyncset.done $0x0  }
0x128: {  	[sflag:s28] =	ssyncadd.s32 $0xFFFFE700  }
0x129: {  	v2 =	vld [tilespmem:s14+$0x50]  }
0x12a: {  	v3 =	vld [tilespmem:s6+$0x2710];
	_ =	sdelay $0x6  }
0x12b: {  	v2 =	vld.idx.msk [tilespmem:v2+s18+$0x0], $0xffff  }
0x12c: {  	v3 =	vld.idx.msk [tilespmem:v3+s19+$0x0], $0xffff;
	_ =	sdelay $0x4  }
0x12d: {  	v2 =	vadd.f32 v3, v2;
	_ =	sdelay $0x1  }
0x12e: {  	v3 =	vmul.f32 $2.000000030e-01, v2  }
0x12f: {  	vm0 =	vgt.f32 v2, $0.0e+00  }
0x130: {  	v2 =	vsel vm0, v2, v3  }
0x131: {  	v2 =	vsub.f32 v2, v1;
	_ =	sdelay $0x1  }
0x132: {  	v2 =	vmul.f32 $1.442695020e+00, v2;
	_ =	sdelay $0x1  }
0x133: {  	(erf) = vpow2.f32 v2;
	_ =	sdelay $0x8  }
0x134: {  	v2 =	vpop (erf)  }
0x135: {  	[tilespmem:$0xCB20] =	vst v2  }
0x136: {  	v2 =	vld [tilespmem:s14+$0x60]  }
0x137: {  	v3 =	vld [tilespmem:s14+$0x2770];
	_ =	sdelay $0x6  }
0x138: {  	v2 =	vld.idx.msk [tilespmem:v2+s18+$0x0], $0xffff  }
0x139: {  	v3 =	vld.idx.msk [tilespmem:v3+s19+$0x0], $0xffff;
	_ =	sdelay $0x4  }
0x13a: {  	v2 =	vadd.f32 v3, v2;
	_ =	sdelay $0x1  }
0x13b: {  	v3 =	vmul.f32 $2.000000030e-01, v2  }
0x13c: {  	vm12 =	vgt.f32 v2, $0.0e+00  }
0x13d: {  	v2 =	vsel vm12, v2, v3  }
0x13e: {  	v2 =	vsub.f32 v2, v1;
	_ =	sdelay $0x1  }
0x13f: {  	v2 =	vmul.f32 $1.442695020e+00, v2;
	_ =	sdelay $0x1  }
0x140: {  	(erf) = vpow2.f32 v2;
	_ =	sdelay $0x8  }
0x141: {  	v2 =	vpop (erf)  }
0x142: {  	[tilespmem:$0xCB30] =	vst v2  }
0x143: {  	v2 =	vld [tilespmem:s14+$0x70]  }
0x144: {  	v3 =	vld [tilespmem:s14+$0x2780];
	_ =	sdelay $0x6  }
0x145: {  	v2 =	vld.idx.msk [tilespmem:v2+s18+$0x0], $0xffff  }
0x146: {  	v3 =	vld.idx.msk [tilespmem:v3+s19+$0x0], $0xffff;
	_ =	sdelay $0x4  }
0x147: {  	v2 =	vadd.f32 v3, v2;
	_ =	sdelay $0x1  }
0x148: {  	v3 =	vmul.f32 $2.000000030e-01, v2  }
0x149: {  	vm13 =	vgt.f32 v2, $0.0e+00  }
0x14a: {  	v2 =	vsel vm13, v2, v3  }
0x14b: {  	v2 =	vsub.f32 v2, v1;
	_ =	sdelay $0x1  }
0x14c: {  	v2 =	vmul.f32 $1.442695020e+00, v2;
	_ =	sdelay $0x1  }
0x14d: {  	(erf) = vpow2.f32 v2;
	_ =	sdelay $0x8  }
0x14e: {  	v2 =	vpop (erf)  }
0x14f: {  	[tilespmem:$0xCB40] =	vst v2  }
0x150: {  	v2 =	vld [tilespmem:s14+$0x80]  }
0x151: {  	v3 =	vld [tilespmem:s14+$0x2790];
	_ =	sdelay $0x6  }
0x152: {  	v2 =	vld.idx.msk [tilespmem:v2+s18+$0x0], $0xffff  }
0x153: {  	v3 =	vld.idx.msk [tilespmem:v3+s19+$0x0], $0xffff;
	_ =	sdelay $0x4  }
0x154: {  	v2 =	vadd.f32 v3, v2;
	_ =	sdelay $0x1  }
0x155: {  	v3 =	vmul.f32 $2.000000030e-01, v2  }
0x156: {  	vm14 =	vgt.f32 v2, $0.0e+00  }
0x157: {  	v2 =	vsel vm14, v2, v3  }
0x158: {  	v2 =	vsub.f32 v2, v1;
	_ =	sdelay $0x1  }
0x159: {  	v2 =	vmul.f32 $1.442695020e+00, v2;
	_ =	sdelay $0x1  }
0x15a: {  	(erf) = vpow2.f32 v2;
	_ =	sdelay $0x8  }
0x15b: {  	v2 =	vpop (erf)  }
0x15c: {  	[tilespmem:$0xCB50] =	vst v2  }
0x15d: {  	v2 =	vld [tilespmem:s14+$0x90]  }
0x15e: {  	v3 =	vld [tilespmem:s14+$0x27A0];
	_ =	sdelay $0x6  }
0x15f: {  	v2 =	vld.idx.msk [tilespmem:v2+s18+$0x0], $0xffff  }
0x160: {  	v3 =	vld.idx.msk [tilespmem:v3+s19+$0x0], $0xffff;
	_ =	sdelay $0x4  }
0x161: {  	v2 =	vadd.f32 v3, v2;
	_ =	sdelay $0x1  }
0x162: {  	v3 =	vmul.f32 $2.000000030e-01, v2  }
0x163: {  	vm15 =	vgt.f32 v2, $0.0e+00  }
0x164: {  	v2 =	vsel vm15, v2, v3  }
0x165: {  	v2 =	vsub.f32 v2, v1  }
0x166: {  	s11 =	simm.s32 $0x3  }
0x167: {  	v5 =	vmov s11;
	v2 =	vmul.f32 $1.442695020e+00, v2  }
0x168: {  	s11 =	simm.s32 $0x5;
	v5 =	vshrl.u32 v5, $0x3  }
0x169: {  	s12 =	simm.s32 $0x0;
	v5 =	vshll.u32 v5, v0;
	v7 =	vmov s11;
	(erf) = vpow2.f32 v2  }
0x16a: {  	v5 =	vadd.s32 $0x3, v5;
	v7 =	vshrl.u32 v7, $0x3;
	s10 =	simm.s32 $0x2;
	s9 =	simm.s32 $0x1;
	v3 =	vmov s12  }
0x16b: {  	v4 =	vmov s10;
	v2 =	vshrl.u32 v3, $0x3;
	v3 =	vmov s9  }
0x16c: {  	v5 =	vbroadcast v5, $0x0;
	v4 =	vshrl.u32 v4, $0x3;
	v3 =	vshrl.u32 v3, $0x3  }
0x16d: {  	v4 =	vshll.u32 v4, v0;
	s12 =	simm.s32 $0x4;
	v2 =	vshll.u32 v2, v0;
	v3 =	vshll.u32 v3, v0  }
0x16e: {  	v6 =	vmov s12;
	v2 =	vbroadcast v2, $0x0;
	v3 =	vadd.s32 $0x1, v3  }
0x16f: {  	v4 =	vadd.s32 $0x2, v4;
	v6 =	vshrl.u32 v6, $0x3;
	v3 =	vbroadcast v3, $0x0  }
0x170: {  	v7 =	vshll.u32 v7, v0;
	v4 =	vbroadcast v4, $0x0;
	s12 =	simm.s32 $0x6;
	v6 =	vshll.u32 v6, v0  }
0x171: {  	v7 =	vadd.s32 $0x5, v7;
	v8 =	vmov s12;
	v6 =	vadd.s32 $0x4, v6;
	s9 =	simm.s32 $0x7  }
0x172: {  	v8 =	vshrl.u32 v8, $0x3;
	v6 =	vbroadcast v6, $0x0;
	v9 =	vmov s9;
	v10 =	vpop (erf)  }
0x173: {  	v7 =	vbroadcast v7, $0x0;
	v8 =	vshll.u32 v8, v0;
	v9 =	vshrl.u32 v9, $0x3;
	[tilespmem:$0xCB60] =	vst v10  }
0x174: {  	v8 =	vadd.s32 $0x6, v8;
	v9 =	vshll.u32 v9, v0;
	v10 =	vld.idx.msk [tilespmem:v2+s29+$0x0], $0xffff  }
0x175: {  	v2 =	vbroadcast v8, $0x0;
	v8 =	vadd.s32 $0x7, v9;
	v9 =	vld.idx.msk [tilespmem:v3+s29+$0x0], $0xffff  }
0x176: {  	v11 =	vld.idx.msk [tilespmem:v4+s29+$0x0], $0xffff  }
0x177: {  	v5 =	vld.idx.msk [tilespmem:v5+s29+$0x0], $0xffff;
	v8 =	vbroadcast v8, $0x0  }
0x178: {  	v12 =	vld.idx.msk [tilespmem:v6+s29+$0x0], $0xffff  }
0x179: {  	s8 =	simm.s32 $0x6990;
	v4 =	vld.idx.msk [tilespmem:v7+s29+$0x0], $0xffff  }
0x17a: {  	v6 =	vld [tilespmem:s8+$0x0]  }
0x17b: {  	v7 =	vld [tilespmem:s8+$0xFFFFFD90]  }
0x17c: {  	v3 =	vld.idx.msk [tilespmem:v2+s29+$0x0], $0xffff  }
0x17d: {  	v2 =	vld.idx.msk [tilespmem:v8+s29+$0x0], $0xffff  }
0x17e: {  	v8 =	vld [tilespmem:s8+$0xFFFFFDA0]  }
0x17f: {  	v13 =	vld [tilespmem:s8+$0xFFFFFDB0]  }
0x180: {  	v14 =	vld [tilespmem:s8+$0xFFFFFDC0]  }
0x181: {  	v15 =	vld [tilespmem:s8+$0xFFFFFDD0];
	v7 =	vmul.f32 v7, v10  }
0x182: {  	v16 =	vld [tilespmem:s8+$0xFFFFFDE0];
	v6 =	vmul.f32 v6, v2  }
0x183: {  	v17 =	vld [tilespmem:s8+$0xFFFFFDF0];
	[tilespmem:s8+$0xFFFFFD90] =	vst v7;
	v8 =	vmul.f32 v8, v10  }
0x184: {  	v7 =	vld [tilespmem:s8+$0xFFFFFE00];
	[tilespmem:s8+$0x0] =	vst v6;
	v6 =	vmul.f32 v13, v10  }
0x185: {  	[tilespmem:s8+$0xFFFFFDA0] =	vst v8;
	v8 =	vmul.f32 v14, v10;
	v13 =	vld [tilespmem:s8+$0xFFFFFE10]  }
0x186: {  	[tilespmem:s8+$0xFFFFFDB0] =	vst v6;
	v6 =	vmul.f32 v15, v10;
	v10 =	vld [tilespmem:s8+$0xFFFFFE20]  }
0x187: {  	v14 =	vld [tilespmem:s8+$0xFFFFFE30];
	[tilespmem:s8+$0xFFFFFDC0] =	vst v8;
	v8 =	vmul.f32 v16, v9  }
0x188: {  	v15 =	vld [tilespmem:s8+$0xFFFFFE40];
	[tilespmem:s8+$0xFFFFFDD0] =	vst v6;
	v6 =	vmul.f32 v17, v9  }
0x189: {  	v7 =	vmul.f32 v7, v9;
	[tilespmem:s8+$0xFFFFFDE0] =	vst v8;
	v8 =	vld [tilespmem:s8+$0xFFFFFE50]  }
0x18a: {  	[tilespmem:s8+$0xFFFFFDF0] =	vst v6;
	v6 =	vmul.f32 v13, v9;
	v13 =	vld [tilespmem:s8+$0xFFFFFE60]  }
0x18b: {  	[tilespmem:s8+$0xFFFFFE00] =	vst v7;
	v7 =	vmul.f32 v10, v9;
	v9 =	vld [tilespmem:s8+$0xFFFFFE70]  }
0x18c: {  	v10 =	vld [tilespmem:s8+$0xFFFFFE80];
	[tilespmem:s8+$0xFFFFFE10] =	vst v6;
	v6 =	vmul.f32 v14, v11  }
0x18d: {  	v14 =	vld [tilespmem:s8+$0xFFFFFE90];
	[tilespmem:s8+$0xFFFFFE20] =	vst v7;
	v7 =	vmul.f32 v15, v11  }
0x18e: {  	[tilespmem:s8+$0xFFFFFE30] =	vst v6;
	v6 =	vmul.f32 v8, v11;
	v8 =	vld [tilespmem:s8+$0xFFFFFEA0]  }
0x18f: {  	[tilespmem:s8+$0xFFFFFE40] =	vst v7;
	v7 =	vmul.f32 v13, v11;
	v13 =	vld [tilespmem:s8+$0xFFFFFEB0]  }
0x190: {  	s12 =	simm.s32 $0xA;
	[tilespmem:s8+$0xFFFFFE50] =	vst v6;
	v6 =	vmul.f32 v9, v11;
	v9 =	vld [tilespmem:s8+$0xFFFFFEC0]  }
0x191: {  	v16 =	vmov s12;
	s12 =	simm.s32 $0xC;
	[tilespmem:s8+$0xFFFFFE60] =	vst v7;
	v7 =	vmul.f32 v10, v5;
	v10 =	vld [tilespmem:s8+$0xFFFFFED0]  }
0x192: {  	s11 =	simm.s32 $0x9;
	v18 =	vmov s12;
	s12 =	simm.s32 $0xE;
	[tilespmem:s8+$0xFFFFFE70] =	vst v6;
	v6 =	vmul.f32 v14, v5;
	v14 =	vld [tilespmem:s8+$0xFFFFFEE0]  }
0x193: {  	s10 =	simm.s32 $0x8;
	v61 =	vmov s12;
	v15 =	vmov s11;
	s11 =	simm.s32 $0xB;
	[tilespmem:s8+$0xFFFFFE80] =	vst v7;
	v7 =	vmul.f32 v8, v5;
	v8 =	vld [tilespmem:s8+$0xFFFFFEF0]  }
0x194: {  	v17 =	vmov s11;
	s11 =	simm.s32 $0xD;
	v11 =	vmov s10;
	[tilespmem:s8+$0xFFFFFE90] =	vst v6;
	v6 =	vmul.f32 v13, v5;
	v13 =	vld [tilespmem:s8+$0xFFFFFF00]  }
0x195: {  	v19 =	vmov s11;
	v11 =	vshrl.u32 v11, $0x3;
	[tilespmem:s8+$0xFFFFFEA0] =	vst v7;
	v5 =	vmul.f32 v9, v5;
	v7 =	vld [tilespmem:s8+$0xFFFFFF10]  }
0x196: {  	v9 =	vshll.u32 v11, v0;
	v11 =	vshrl.u32 v15, $0x3;
	[tilespmem:s8+$0xFFFFFEB0] =	vst v6;
	v6 =	vmul.f32 v10, v12;
	v10 =	vld [tilespmem:s8+$0xFFFFFF20]  }
0x197: {  	v15 =	vshrl.u32 v16, $0x3;
	v16 =	vshrl.u32 v17, $0x3;
	[tilespmem:s8+$0xFFFFFEC0] =	vst v5;
	v5 =	vmul.f32 v14, v12;
	v14 =	vld [tilespmem:s8+$0xFFFFFF30]  }
0x198: {  	v17 =	vshrl.u32 v18, $0x3;
	v18 =	vshrl.u32 v19, $0x3;
	v19 =	vld [tilespmem:s8+$0xFFFFFF40];
	[tilespmem:s8+$0xFFFFFED0] =	vst v6;
	v8 =	vmul.f32 v8, v12  }
0x199: {  	v11 =	vshll.u32 v11, v0;
	v15 =	vshll.u32 v15, v0;
	[tilespmem:s8+$0xFFFFFEE0] =	vst v5;
	v5 =	vmul.f32 v13, v12;
	v13 =	vld [tilespmem:s8+$0xFFFFFF50]  }
0x19a: {  	v62 =	vld [tilespmem:s8+$0xFFFFFF60];
	v18 =	vshll.u32 v18, v0;
	v6 =	vbroadcast v9, $0x0;
	[tilespmem:s8+$0xFFFFFEF0] =	vst v8;
	v7 =	vmul.f32 v7, v12  }
0x19b: {  	v9 =	vshrl.u32 v61, $0x3;
	v12 =	vshll.u32 v17, v0;
	v17 =	vld [tilespmem:s8+$0xFFFFFF70];
	[tilespmem:s8+$0xFFFFFF00] =	vst v5;
	v10 =	vmul.f32 v10, v4  }
0x19c: {  	v11 =	vadd.s32 $0x1, v11;
	v63 =	vshll.u32 v9, v0;
	v5 =	vld [tilespmem:s8+$0xFFFFFF80];
	[tilespmem:s8+$0xFFFFFF10] =	vst v7;
	v9 =	vmul.f32 v14, v4  }
0x19d: {  	v8 =	vshll.u32 v16, v0;
	v14 =	vadd.s32 $0x2, v15;
	v15 =	vmul.f32 v19, v4;
	v7 =	vld [tilespmem:s8+$0xFFFFFF90];
	[tilespmem:s8+$0xFFFFFF20] =	vst v10  }
0x19e: {  	v16 =	vadd.s32 $0x3, v8;
	v12 =	vadd.s32 $0x4, v12;
	v8 =	vld [tilespmem:s8+$0xFFFFFFA0];
	[tilespmem:s8+$0xFFFFFF30] =	vst v9;
	v19 =	vmul.f32 v13, v4  }
0x19f: {  	v10 =	vbroadcast v11, $0x0;
	v13 =	vadd.s32 $0x5, v18;
	[tilespmem:s8+$0xFFFFFF40] =	vst v15;
	v15 =	vmul.f32 v62, v4;
	v9 =	vld [tilespmem:s8+$0xFFFFFFB0]  }
0x1a0: {  	s6 =	sadd.s32 $0x2710, s6;
	s9 =	simm.s32 $0x10;
	s10 =	simm.s32 $0xF;
	v11 =	vld [tilespmem:s8+$0xFFFFFFC0];
	v4 =	vbroadcast v14, $0x0;
	v14 =	vadd.s32 $0x6, v63;
	v17 =	vmul.f32 v17, v3;
	[tilespmem:s8+$0xFFFFFF50] =	vst v19  }
.LBB2_5:
0x1a1: {  	p1 =	slt.u32 s9, $0x48;
	v16 =	vbroadcast v16, $0x0;
	v18 =	vmov s10;
	[tilespmem:s8+$0xFFFFFF60] =	vst v15;
	v5 =	vmul.f32 v5, v3;
	v15 =	vld [tilespmem:s8+$0xFFFFFFD0]  }
0x1a2: {  	v12 =	vbroadcast v12, $0x0;
	v18 =	vshrl.u32 v18, $0x3;
	[tilespmem:s8+$0xFFFFFF70] =	vst v17;
	v7 =	vmul.f32 v7, v3;
	v17 =	vld [tilespmem:s8+$0xFFFFFFE0]  }
0x1a3: {  	v13 =	vbroadcast v13, $0x0;
	v18 =	vshll.u32 v18, v0;
	[tilespmem:s8+$0xFFFFFF80] =	vst v5;
	v5 =	vmul.f32 v8, v3;
	v8 =	vld [tilespmem:s8+$0xFFFFFFF0]  }
0x1a4: {  	v14 =	vbroadcast v14, $0x0;
	v6 =	vld.idx.msk [tilespmem:v6+s29+$0x0], $0xffff;
	v18 =	vadd.s32 $0x7, v18;
	[tilespmem:s8+$0xFFFFFF90] =	vst v7;
	v3 =	vmul.f32 v9, v3  }
0x1a5: {  	v7 =	vld.idx.msk [tilespmem:v10+s29+$0x0], $0xffff;
	v9 =	vbroadcast v18, $0x0;
	[tilespmem:s8+$0xFFFFFFA0] =	vst v5;
	v5 =	vmul.f32 v11, v2  }
0x1a6: {  	v10 =	vld.idx.msk [tilespmem:v4+s29+$0x0], $0xffff;
	[tilespmem:s8+$0xFFFFFFB0] =	vst v3;
	v3 =	vmul.f32 v15, v2  }
0x1a7: {  	v11 =	vld.idx.msk [tilespmem:v16+s29+$0x0], $0xffff;
	[tilespmem:s8+$0xFFFFFFC0] =	vst v5;
	v15 =	vmul.f32 v17, v2  }
0x1a8: {  	v5 =	vld.idx.msk [tilespmem:v12+s29+$0x0], $0xffff;
	[tilespmem:s8+$0xFFFFFFD0] =	vst v3;
	v2 =	vmul.f32 v8, v2  }
0x1a9: {  	v4 =	vld.idx.msk [tilespmem:v13+s29+$0x0], $0xffff;
	[tilespmem:s8+$0xFFFFFFE0] =	vst v15  }
0x1aa: {  	v3 =	vld.idx.msk [tilespmem:v14+s29+$0x0], $0xffff;
	[tilespmem:s8+$0xFFFFFFF0] =	vst v2  }
0x1ab: {  	s8 =	sadd.s32 $0x280, s8;
	v2 =	vld.idx.msk [tilespmem:v9+s29+$0x0], $0xffff  }
0x1ac: {  	v8 =	vld [tilespmem:s8+$0x0]  }
0x1ad: {  	v9 =	vld [tilespmem:s8+$0xFFFFFD90]  }
0x1ae: {  	v12 =	vld [tilespmem:s8+$0xFFFFFDA0]  }
0x1af: {  	v13 =	vld [tilespmem:s8+$0xFFFFFDB0]  }
0x1b0: {  	v14 =	vld [tilespmem:s8+$0xFFFFFDC0]  }
0x1b1: {  	v15 =	vld [tilespmem:s8+$0xFFFFFDD0];
	v8 =	vmul.f32 v8, v2  }
0x1b2: {  	v9 =	vmul.f32 v9, v6;
	v16 =	vld [tilespmem:s8+$0xFFFFFDE0]  }
0x1b3: {  	v12 =	vmul.f32 v12, v6;
	v17 =	vld [tilespmem:s8+$0xFFFFFDF0];
	[tilespmem:s8+$0x0] =	vst v8  }
0x1b4: {  	[tilespmem:s8+$0xFFFFFD90] =	vst v9;
	v8 =	vmul.f32 v13, v6;
	v9 =	vld [tilespmem:s8+$0xFFFFFE00]  }
0x1b5: {  	[tilespmem:s8+$0xFFFFFDA0] =	vst v12;
	v12 =	vmul.f32 v14, v6;
	v13 =	vld [tilespmem:s8+$0xFFFFFE10]  }
0x1b6: {  	[tilespmem:s8+$0xFFFFFDB0] =	vst v8;
	v6 =	vmul.f32 v15, v6;
	v8 =	vld [tilespmem:s8+$0xFFFFFE20]  }
0x1b7: {  	[tilespmem:s8+$0xFFFFFDC0] =	vst v12;
	v12 =	vmul.f32 v16, v7;
	v14 =	vld [tilespmem:s8+$0xFFFFFE30]  }
0x1b8: {  	[tilespmem:s8+$0xFFFFFDD0] =	vst v6;
	v6 =	vmul.f32 v17, v7;
	v15 =	vld [tilespmem:s8+$0xFFFFFE40]  }
0x1b9: {  	[tilespmem:s8+$0xFFFFFDE0] =	vst v12;
	v9 =	vmul.f32 v9, v7;
	v12 =	vld [tilespmem:s8+$0xFFFFFE50]  }
0x1ba: {  	[tilespmem:s8+$0xFFFFFDF0] =	vst v6;
	v6 =	vmul.f32 v13, v7;
	v13 =	vld [tilespmem:s8+$0xFFFFFE60]  }
0x1bb: {  	[tilespmem:s8+$0xFFFFFE00] =	vst v9;
	v7 =	vmul.f32 v8, v7;
	v8 =	vld [tilespmem:s8+$0xFFFFFE70]  }
0x1bc: {  	[tilespmem:s8+$0xFFFFFE10] =	vst v6;
	v6 =	vmul.f32 v14, v10;
	v9 =	vld [tilespmem:s8+$0xFFFFFE80]  }
0x1bd: {  	[tilespmem:s8+$0xFFFFFE20] =	vst v7;
	v7 =	vmul.f32 v15, v10;
	v14 =	vld [tilespmem:s8+$0xFFFFFE90]  }
0x1be: {  	[tilespmem:s8+$0xFFFFFE30] =	vst v6;
	v6 =	vmul.f32 v12, v10;
	v12 =	vld [tilespmem:s8+$0xFFFFFEA0]  }
0x1bf: {  	[tilespmem:s8+$0xFFFFFE40] =	vst v7;
	v7 =	vmul.f32 v13, v10;
	v13 =	vld [tilespmem:s8+$0xFFFFFEB0]  }
0x1c0: {  	[tilespmem:s8+$0xFFFFFE50] =	vst v6;
	v6 =	vmul.f32 v8, v10;
	v8 =	vld [tilespmem:s8+$0xFFFFFEC0]  }
0x1c1: {  	v10 =	vmov s9;
	[tilespmem:s8+$0xFFFFFE60] =	vst v7;
	v7 =	vmul.f32 v9, v11;
	v9 =	vld [tilespmem:s8+$0xFFFFFED0]  }
0x1c2: {  	s10 =	sadd.s32 $0x1, s9;
	s11 =	sadd.s32 $0x2, s9;
	v10 =	vshrl.u32 v10, $0x3;
	[tilespmem:s8+$0xFFFFFE70] =	vst v6;
	v6 =	vmul.f32 v14, v11;
	v14 =	vld [tilespmem:s8+$0xFFFFFEE0]  }
0x1c3: {  	v16 =	vmov s11;
	s11 =	sadd.s32 $0x4, s9;
	v15 =	vmov s10;
	s10 =	sadd.s32 $0x3, s9;
	[tilespmem:s8+$0xFFFFFE80] =	vst v7;
	v7 =	vmul.f32 v12, v11;
	v12 =	vld [tilespmem:s8+$0xFFFFFEF0]  }
0x1c4: {  	v18 =	vmov s11;
	s11 =	sadd.s32 $0x6, s9;
	v17 =	vmov s10;
	s10 =	sadd.s32 $0x5, s9;
	[tilespmem:s8+$0xFFFFFE90] =	vst v6;
	v6 =	vmul.f32 v13, v11;
	v13 =	vld [tilespmem:s8+$0xFFFFFF00]  }
0x1c5: {  	v20 =	vmov s11;
	v19 =	vmov s10;
	[tilespmem:s8+$0xFFFFFEA0] =	vst v7;
	v7 =	vmul.f32 v8, v11;
	v8 =	vld [tilespmem:s8+$0xFFFFFF10]  }
0x1c6: {  	v10 =	vshll.u32 v10, v0;
	v11 =	vshrl.u32 v15, $0x3;
	[tilespmem:s8+$0xFFFFFEB0] =	vst v6;
	v6 =	vmul.f32 v9, v5;
	v9 =	vld [tilespmem:s8+$0xFFFFFF20]  }
0x1c7: {  	v15 =	vshrl.u32 v16, $0x3;
	v16 =	vshrl.u32 v17, $0x3;
	[tilespmem:s8+$0xFFFFFEC0] =	vst v7;
	v7 =	vmul.f32 v14, v5;
	v14 =	vld [tilespmem:s8+$0xFFFFFF30]  }
0x1c8: {  	v17 =	vshrl.u32 v18, $0x3;
	v18 =	vshrl.u32 v19, $0x3;
	[tilespmem:s8+$0xFFFFFED0] =	vst v6;
	v12 =	vmul.f32 v12, v5;
	v19 =	vld [tilespmem:s8+$0xFFFFFF40]  }
0x1c9: {  	v6 =	vbroadcast v10, $0x0;
	v10 =	vshrl.u32 v20, $0x3;
	[tilespmem:s8+$0xFFFFFEE0] =	vst v7;
	v7 =	vmul.f32 v13, v5;
	v13 =	vld [tilespmem:s8+$0xFFFFFF50]  }
0x1ca: {  	v11 =	vshll.u32 v11, v0;
	v15 =	vshll.u32 v15, v0;
	[tilespmem:s8+$0xFFFFFEF0] =	vst v12;
	v5 =	vmul.f32 v8, v5;
	v20 =	vld [tilespmem:s8+$0xFFFFFF60]  }
0x1cb: {  	v8 =	vshll.u32 v16, v0;
	v12 =	vshll.u32 v17, v0;
	[tilespmem:s8+$0xFFFFFF00] =	vst v7;
	v7 =	vmul.f32 v9, v4;
	v17 =	vld [tilespmem:s8+$0xFFFFFF70]  }
.Ltmp1:
0x1cc: {  	v9 =	vshll.u32 v18, v0;
	v18 =	vshll.u32 v10, v0;
	[tilespmem:s8+$0xFFFFFF10] =	vst v5;
	v10 =	vmul.f32 v14, v4;
	v5 =	vld [tilespmem:s8+$0xFFFFFF80];
	(pc) =	sbr.rel @p1 .LBB2_5-.Ltmp1, $4  }
0x1cd: {  	v11 =	vadd.s32 $0x1, v11;
	v14 =	vadd.s32 $0x2, v15;
	[tilespmem:s8+$0xFFFFFF20] =	vst v7;
	v15 =	vmul.f32 v19, v4;
	v7 =	vld [tilespmem:s8+$0xFFFFFF90]  }
0x1ce: {  	v16 =	vadd.s32 $0x3, v8;
	v12 =	vadd.s32 $0x4, v12;
	[tilespmem:s8+$0xFFFFFF30] =	vst v10;
	v19 =	vmul.f32 v13, v4;
	v8 =	vld [tilespmem:s8+$0xFFFFFFA0]  }
0x1cf: {  	v10 =	vbroadcast v11, $0x0;
	v13 =	vadd.s32 $0x5, v9;
	[tilespmem:s8+$0xFFFFFF40] =	vst v15;
	v15 =	vmul.f32 v20, v4;
	v9 =	vld [tilespmem:s8+$0xFFFFFFB0]  }
0x1d0: {  	s10 =	sadd.s32 $0x7, s9;
	s9 =	sadd.s32 $0x8, s9;
	v4 =	vbroadcast v14, $0x0;
	v14 =	vadd.s32 $0x6, v18;
	[tilespmem:s8+$0xFFFFFF50] =	vst v19;
	v17 =	vmul.f32 v17, v3;
	v11 =	vld [tilespmem:s8+$0xFFFFFFC0]  }
0x1d1: {  	_ = 	snop  }
0x1d2: {  	v19 =	vld [tilespmem:s8+$0xFFFFFFD0]  }
0x1d3: {  	v20 =	vld [tilespmem:s8+$0xFFFFFFE0]  }
0x1d4: {  	v18 =	vmov s10;
	v21 =	vld [tilespmem:s8+$0xFFFFFFF0]  }
0x1d5: {  	v6 =	vld.idx.msk [tilespmem:v6+s29+$0x0], $0xffff;
	v18 =	vshrl.u32 v18, $0x3  }
0x1d6: {  	v16 =	vbroadcast v16, $0x0;
	v10 =	vld.idx.msk [tilespmem:v10+s29+$0x0], $0xffff;
	v18 =	vshll.u32 v18, v0  }
0x1d7: {  	v13 =	vbroadcast v13, $0x0;
	s9 =	sadd.s32 $0x280, s8;
	v22 =	vld.idx.msk [tilespmem:v4+s29+$0x0], $0xffff;
	v7 =	vmul.f32 v7, v3;
	v18 =	vadd.s32 $0x7, v18  }
0x1d8: {  	[tilespmem:s8+$0xFFFFFF60] =	vst v15;
	v15 =	vld [tilespmem:s9+$0xFFFFFDF0];
	v18 =	vbroadcast v18, $0x0  }
0x1d9: {  	v14 =	vbroadcast v14, $0x0;
	v8 =	vmul.f32 v8, v3;
	[tilespmem:s8+$0xFFFFFF90] =	vst v7;
	v7 =	vld [tilespmem:s9+$0x0]  }
0x1da: {  	v4 =	vmul.f32 v5, v3;
	v3 =	vmul.f32 v9, v3;
	v9 =	vld [tilespmem:s9+$0xFFFFFD90]  }
0x1db: {  	[tilespmem:s8+$0xFFFFFFA0] =	vst v8;
	v8 =	vmul.f32 v11, v2;
	v11 =	vld [tilespmem:s9+$0xFFFFFDA0]  }
0x1dc: {  	v16 =	vld.idx.msk [tilespmem:v16+s29+$0x0], $0xffff  }
0x1dd: {  	[tilespmem:s8+$0xFFFFFF80] =	vst v4;
	v5 =	vld.idx.msk [tilespmem:v13+s29+$0x0], $0xffff  }
0x1de: {  	v12 =	vbroadcast v12, $0x0;
	[tilespmem:s8+$0xFFFFFFB0] =	vst v3;
	v3 =	vmul.f32 v19, v2;
	v4 =	vld.idx.msk [tilespmem:v18+s29+$0x0], $0xffff  }
0x1df: {  	v13 =	vld.idx.msk [tilespmem:v14+s29+$0x0], $0xffff;
	[tilespmem:s8+$0xFFFFFFC0] =	vst v8;
	v8 =	vmul.f32 v20, v2  }
0x1e0: {  	v14 =	vld [tilespmem:s9+$0xFFFFFDB0];
	v2 =	vmul.f32 v21, v2;
	[tilespmem:s8+$0xFFFFFFD0] =	vst v3  }
0x1e1: {  	v3 =	vld [tilespmem:s9+$0xFFFFFDC0];
	[tilespmem:s8+$0xFFFFFFE0] =	vst v8  }
0x1e2: {  	v8 =	vld [tilespmem:s9+$0xFFFFFDD0];
	[tilespmem:s8+$0xFFFFFFF0] =	vst v2;
	v2 =	vmul.f32 v9, v6  }
0x1e3: {  	[tilespmem:s8+$0xFFFFFF70] =	vst v17;
	v9 =	vld [tilespmem:s9+$0xFFFFFDE0];
	v7 =	vmul.f32 v7, v4  }
0x1e4: {  	v12 =	vld.idx.msk [tilespmem:v12+s29+$0x0], $0xffff;
	v11 =	vmul.f32 v11, v6;
	[tilespmem:s9+$0xFFFFFD90] =	vst v2  }
0x1e5: {  	v2 =	vmul.f32 v14, v6;
	[tilespmem:s9+$0x0] =	vst v7;
	v7 =	vld [tilespmem:s9+$0xFFFFFE00]  }
0x1e6: {  	[tilespmem:s9+$0xFFFFFDA0] =	vst v11;
	v11 =	vld [tilespmem:s9+$0xFFFFFE10];
	v3 =	vmul.f32 v3, v6  }
0x1e7: {  	[tilespmem:s9+$0xFFFFFDB0] =	vst v2;
	v2 =	vmul.f32 v8, v6;
	v6 =	vld [tilespmem:s9+$0xFFFFFE20]  }
0x1e8: {  	v8 =	vld [tilespmem:s9+$0xFFFFFE30];
	[tilespmem:s9+$0xFFFFFDC0] =	vst v3;
	v3 =	vmul.f32 v9, v10  }
0x1e9: {  	v9 =	vld [tilespmem:s9+$0xFFFFFE40];
	[tilespmem:s9+$0xFFFFFDD0] =	vst v2;
	v2 =	vmul.f32 v15, v10  }
0x1ea: {  	[tilespmem:s9+$0xFFFFFDE0] =	vst v3;
	v3 =	vmul.f32 v7, v10;
	v7 =	vld [tilespmem:s9+$0xFFFFFE50]  }
0x1eb: {  	[tilespmem:s9+$0xFFFFFDF0] =	vst v2;
	v2 =	vmul.f32 v11, v10;
	v11 =	vld [tilespmem:s9+$0xFFFFFE60]  }
0x1ec: {  	[tilespmem:s9+$0xFFFFFE00] =	vst v3;
	v3 =	vmul.f32 v6, v10;
	v6 =	vld [tilespmem:s9+$0xFFFFFE70]  }
0x1ed: {  	[tilespmem:s9+$0xFFFFFE10] =	vst v2;
	v2 =	vmul.f32 v8, v22;
	v8 =	vld [tilespmem:s9+$0xFFFFFE80]  }
0x1ee: {  	[tilespmem:s9+$0xFFFFFE20] =	vst v3;
	v3 =	vmul.f32 v9, v22;
	v9 =	vld [tilespmem:s9+$0xFFFFFE90]  }
0x1ef: {  	[tilespmem:s9+$0xFFFFFE30] =	vst v2;
	v2 =	vmul.f32 v7, v22;
	v7 =	vld [tilespmem:s9+$0xFFFFFEA0]  }
0x1f0: {  	v10 =	vld [tilespmem:s9+$0xFFFFFEB0];
	[tilespmem:s9+$0xFFFFFE40] =	vst v3;
	v3 =	vmul.f32 v11, v22  }
0x1f1: {  	[tilespmem:s9+$0xFFFFFE50] =	vst v2;
	v2 =	vmul.f32 v6, v22;
	v6 =	vld [tilespmem:s9+$0xFFFFFEC0]  }
0x1f2: {  	[tilespmem:s9+$0xFFFFFE60] =	vst v3;
	v3 =	vmul.f32 v8, v16;
	v8 =	vld [tilespmem:s9+$0xFFFFFED0]  }
0x1f3: {  	[tilespmem:s9+$0xFFFFFE70] =	vst v2;
	v2 =	vmul.f32 v9, v16;
	v9 =	vld [tilespmem:s9+$0xFFFFFEE0]  }
0x1f4: {  	[tilespmem:s9+$0xFFFFFE80] =	vst v3;
	v3 =	vmul.f32 v7, v16;
	v7 =	vld [tilespmem:s9+$0xFFFFFEF0]  }
0x1f5: {  	[tilespmem:s9+$0xFFFFFE90] =	vst v2;
	v2 =	vmul.f32 v10, v16;
	v10 =	vld [tilespmem:s9+$0xFFFFFF00]  }
0x1f6: {  	[tilespmem:s9+$0xFFFFFEA0] =	vst v3;
	v3 =	vmul.f32 v6, v16;
	v6 =	vld [tilespmem:s9+$0xFFFFFF10]  }
0x1f7: {  	[tilespmem:s9+$0xFFFFFEB0] =	vst v2;
	v2 =	vmul.f32 v8, v12;
	v8 =	vld [tilespmem:s9+$0xFFFFFF20]  }
0x1f8: {  	[tilespmem:s9+$0xFFFFFEC0] =	vst v3;
	v3 =	vmul.f32 v9, v12;
	v9 =	vld [tilespmem:s9+$0xFFFFFF30]  }
0x1f9: {  	[tilespmem:s9+$0xFFFFFED0] =	vst v2;
	v2 =	vmul.f32 v7, v12;
	v7 =	vld [tilespmem:s9+$0xFFFFFF40]  }
0x1fa: {  	[tilespmem:s9+$0xFFFFFEE0] =	vst v3;
	v3 =	vmul.f32 v10, v12;
	v10 =	vld [tilespmem:s9+$0xFFFFFF50]  }
0x1fb: {  	[tilespmem:s9+$0xFFFFFEF0] =	vst v2;
	v2 =	vmul.f32 v6, v12;
	v6 =	vld [tilespmem:s9+$0xFFFFFF60]  }
0x1fc: {  	[tilespmem:s9+$0xFFFFFF00] =	vst v3;
	v3 =	vmul.f32 v8, v5;
	v8 =	vld [tilespmem:s9+$0xFFFFFF70]  }
0x1fd: {  	[tilespmem:s9+$0xFFFFFF10] =	vst v2;
	v2 =	vmul.f32 v9, v5;
	v9 =	vld [tilespmem:s9+$0xFFFFFF80]  }
0x1fe: {  	[tilespmem:s9+$0xFFFFFF20] =	vst v3;
	v3 =	vmul.f32 v7, v5;
	v7 =	vld [tilespmem:s9+$0xFFFFFF90]  }
0x1ff: {  	[tilespmem:s9+$0xFFFFFF30] =	vst v2;
	v2 =	vmul.f32 v10, v5;
	v10 =	vld [tilespmem:s9+$0xFFFFFFA0]  }
0x200: {  	[tilespmem:s9+$0xFFFFFF40] =	vst v3;
	v3 =	vmul.f32 v6, v5;
	v5 =	vld [tilespmem:s9+$0xFFFFFFB0]  }
0x201: {  	v6 =	vld [tilespmem:s9+$0xFFFFFFC0];
	[tilespmem:s9+$0xFFFFFF50] =	vst v2;
	v2 =	vmul.f32 v8, v13  }
0x202: {  	v8 =	vld [tilespmem:s9+$0xFFFFFFD0];
	[tilespmem:s9+$0xFFFFFF60] =	vst v3;
	v3 =	vmul.f32 v9, v13  }
0x203: {  	[tilespmem:s9+$0xFFFFFF70] =	vst v2;
	v2 =	vmul.f32 v7, v13;
	v7 =	vld [tilespmem:s9+$0xFFFFFFE0]  }
0x204: {  	v9 =	vld [tilespmem:s9+$0xFFFFFFF0];
	[tilespmem:s9+$0xFFFFFF80] =	vst v3;
	v3 =	vmul.f32 v10, v13  }
0x205: {  	[tilespmem:s9+$0xFFFFFF90] =	vst v2;
	v2 =	vmul.f32 v5, v13  }
0x206: {  	[tilespmem:s9+$0xFFFFFFA0] =	vst v3;
	v3 =	vmul.f32 v6, v4  }
0x207: {  	[tilespmem:s9+$0xFFFFFFB0] =	vst v2;
	v2 =	vmul.f32 v8, v4  }
0x208: {  	[tilespmem:s9+$0xFFFFFFC0] =	vst v3;
	v3 =	vmul.f32 v7, v4  }
0x209: {  	[tilespmem:s9+$0xFFFFFFD0] =	vst v2;
	v2 =	vmul.f32 v9, v4  }
0x20a: {  	[tilespmem:s9+$0xFFFFFFE0] =	vst v3  }
0x20b: {  	[tilespmem:s9+$0xFFFFFFF0] =	vst v2  }
0x20c: {  	[spmem:s2] =	stream.indirect.scatter.add.f32 [tilespmem:s23], [sflag:$0x2], $0x50, s6, s21, $0xb8;
	[tilespmem:$0x1DCF0] =	vst v63  }
0x20d: {  	_ =	swait.ge [sflag:s28], $0x1900  }
0x20e: {  	[sflag:s28] =	ssyncset.done $0x0  }
0x20f: {  	[sflag:s28] =	ssyncadd.s32 $0xFFFFE700  }
0x210: {  	v2 =	vld [tilespmem:s14+$0xA0]  }
0x211: {  	v3 =	vld [tilespmem:s5+$0x2710];
	_ =	sdelay $0x6  }
0x212: {  	v2 =	vld.idx.msk [tilespmem:v2+s18+$0x0], $0xffff  }
0x213: {  	v3 =	vld.idx.msk [tilespmem:v3+s19+$0x0], $0xffff;
	_ =	sdelay $0x4  }
0x214: {  	v2 =	vadd.f32 v3, v2;
	_ =	sdelay $0x1  }
0x215: {  	v3 =	vmul.f32 $2.000000030e-01, v2  }
0x216: {  	vm0 =	vgt.f32 v2, $0.0e+00  }
0x217: {  	v2 =	vsel vm0, v2, v3  }
0x218: {  	v2 =	vsub.f32 v2, v1;
	_ =	sdelay $0x1  }
0x219: {  	v2 =	vmul.f32 $1.442695020e+00, v2;
	_ =	sdelay $0x1  }
0x21a: {  	(erf) = vpow2.f32 v2;
	_ =	sdelay $0x8  }
0x21b: {  	v2 =	vpop (erf)  }
0x21c: {  	[tilespmem:$0xCB20] =	vst v2  }
0x21d: {  	v2 =	vld [tilespmem:s14+$0xB0]  }
0x21e: {  	v3 =	vld [tilespmem:s14+$0x27C0];
	_ =	sdelay $0x6  }
0x21f: {  	v2 =	vld.idx.msk [tilespmem:v2+s18+$0x0], $0xffff  }
0x220: {  	v3 =	vld.idx.msk [tilespmem:v3+s19+$0x0], $0xffff;
	_ =	sdelay $0x4  }
0x221: {  	v2 =	vadd.f32 v3, v2;
	_ =	sdelay $0x1  }
0x222: {  	v3 =	vmul.f32 $2.000000030e-01, v2  }
0x223: {  	vm12 =	vgt.f32 v2, $0.0e+00  }
0x224: {  	v2 =	vsel vm12, v2, v3  }
0x225: {  	v2 =	vsub.f32 v2, v1;
	_ =	sdelay $0x1  }
0x226: {  	v2 =	vmul.f32 $1.442695020e+00, v2;
	_ =	sdelay $0x1  }
0x227: {  	(erf) = vpow2.f32 v2;
	_ =	sdelay $0x8  }
0x228: {  	v2 =	vpop (erf)  }
0x229: {  	[tilespmem:$0xCB30] =	vst v2  }
0x22a: {  	v2 =	vld [tilespmem:s14+$0xC0]  }
0x22b: {  	v3 =	vld [tilespmem:s14+$0x27D0];
	_ =	sdelay $0x6  }
0x22c: {  	v2 =	vld.idx.msk [tilespmem:v2+s18+$0x0], $0xffff  }
0x22d: {  	v3 =	vld.idx.msk [tilespmem:v3+s19+$0x0], $0xffff;
	_ =	sdelay $0x4  }
0x22e: {  	v2 =	vadd.f32 v3, v2;
	_ =	sdelay $0x1  }
0x22f: {  	v3 =	vmul.f32 $2.000000030e-01, v2  }
0x230: {  	vm13 =	vgt.f32 v2, $0.0e+00  }
0x231: {  	v2 =	vsel vm13, v2, v3  }
0x232: {  	v2 =	vsub.f32 v2, v1;
	_ =	sdelay $0x1  }
0x233: {  	v2 =	vmul.f32 $1.442695020e+00, v2;
	_ =	sdelay $0x1  }
0x234: {  	(erf) = vpow2.f32 v2;
	_ =	sdelay $0x8  }
0x235: {  	v2 =	vpop (erf)  }
0x236: {  	[tilespmem:$0xCB40] =	vst v2  }
0x237: {  	v2 =	vld [tilespmem:s14+$0xD0]  }
0x238: {  	v3 =	vld [tilespmem:s14+$0x27E0];
	_ =	sdelay $0x6  }
0x239: {  	v2 =	vld.idx.msk [tilespmem:v2+s18+$0x0], $0xffff  }
0x23a: {  	v3 =	vld.idx.msk [tilespmem:v3+s19+$0x0], $0xffff;
	_ =	sdelay $0x4  }
0x23b: {  	v2 =	vadd.f32 v3, v2;
	_ =	sdelay $0x1  }
0x23c: {  	v3 =	vmul.f32 $2.000000030e-01, v2  }
0x23d: {  	vm14 =	vgt.f32 v2, $0.0e+00  }
0x23e: {  	v2 =	vsel vm14, v2, v3  }
0x23f: {  	v2 =	vsub.f32 v2, v1;
	_ =	sdelay $0x1  }
0x240: {  	v2 =	vmul.f32 $1.442695020e+00, v2;
	_ =	sdelay $0x1  }
0x241: {  	(erf) = vpow2.f32 v2;
	_ =	sdelay $0x8  }
0x242: {  	v2 =	vpop (erf)  }
0x243: {  	[tilespmem:$0xCB50] =	vst v2  }
0x244: {  	v2 =	vld [tilespmem:s14+$0xE0]  }
0x245: {  	v3 =	vld [tilespmem:s14+$0x27F0];
	_ =	sdelay $0x6  }
0x246: {  	v2 =	vld.idx.msk [tilespmem:v2+s18+$0x0], $0xffff  }
0x247: {  	v3 =	vld.idx.msk [tilespmem:v3+s19+$0x0], $0xffff;
	_ =	sdelay $0x4  }
0x248: {  	v2 =	vadd.f32 v3, v2;
	_ =	sdelay $0x1  }
0x249: {  	v3 =	vmul.f32 $2.000000030e-01, v2  }
0x24a: {  	vm15 =	vgt.f32 v2, $0.0e+00  }
0x24b: {  	v2 =	vsel vm15, v2, v3  }
0x24c: {  	v2 =	vsub.f32 v2, v1  }
0x24d: {  	s12 =	simm.s32 $0x2  }
0x24e: {  	v4 =	vmov s12;
	s12 =	simm.s32 $0x6;
	v2 =	vmul.f32 $1.442695020e+00, v2  }
0x24f: {  	v8 =	vmov s12  }
0x250: {  	s10 =	simm.s32 $0x0;
	v4 =	vshrl.u32 v4, $0x3;
	s9 =	simm.s32 $0x3;
	v8 =	vshrl.u32 v8, $0x3;
	(erf) = vpow2.f32 v2  }
0x251: {  	s11 =	simm.s32 $0x1;
	v4 =	vshll.u32 v4, v0;
	v5 =	vmov s9;
	v3 =	vmov s10  }
0x252: {  	v4 =	vadd.s32 $0x2, v4;
	v2 =	vshrl.u32 v3, $0x3;
	v3 =	vmov s11  }
0x253: {  	v5 =	vshrl.u32 v5, $0x3;
	v4 =	vbroadcast v4, $0x0;
	v3 =	vshrl.u32 v3, $0x3  }
0x254: {  	v5 =	vshll.u32 v5, v0;
	s10 =	simm.s32 $0x4;
	v2 =	vshll.u32 v2, v0;
	v3 =	vshll.u32 v3, v0  }
0x255: {  	v6 =	vmov s10;
	s11 =	simm.s32 $0x5;
	v2 =	vbroadcast v2, $0x0;
	v3 =	vadd.s32 $0x1, v3  }
0x256: {  	v6 =	vshrl.u32 v6, $0x3;
	v7 =	vmov s11;
	v3 =	vbroadcast v3, $0x0  }
0x257: {  	v5 =	vadd.s32 $0x3, v5;
	v6 =	vshll.u32 v6, v0;
	v7 =	vshrl.u32 v7, $0x3  }
0x258: {  	s9 =	simm.s32 $0x7;
	v5 =	vbroadcast v5, $0x0;
	v6 =	vadd.s32 $0x4, v6;
	v7 =	vshll.u32 v7, v0  }
0x259: {  	v9 =	vmov s9;
	v6 =	vbroadcast v6, $0x0;
	v7 =	vadd.s32 $0x5, v7;
	v10 =	vpop (erf)  }
0x25a: {  	v8 =	vshll.u32 v8, v0;
	v9 =	vshrl.u32 v9, $0x3;
	v7 =	vbroadcast v7, $0x0;
	[tilespmem:$0xCB60] =	vst v10  }
0x25b: {  	v8 =	vadd.s32 $0x6, v8;
	v9 =	vshll.u32 v9, v0;
	v10 =	vld.idx.msk [tilespmem:v2+s29+$0x0], $0xffff  }
0x25c: {  	v2 =	vbroadcast v8, $0x0;
	v8 =	vadd.s32 $0x7, v9;
	v9 =	vld.idx.msk [tilespmem:v3+s29+$0x0], $0xffff  }
0x25d: {  	v11 =	vld.idx.msk [tilespmem:v4+s29+$0x0], $0xffff  }
0x25e: {  	v5 =	vld.idx.msk [tilespmem:v5+s29+$0x0], $0xffff;
	v8 =	vbroadcast v8, $0x0  }
0x25f: {  	v12 =	vld.idx.msk [tilespmem:v6+s29+$0x0], $0xffff  }
0x260: {  	s6 =	simm.s32 $0x8290;
	v4 =	vld.idx.msk [tilespmem:v7+s29+$0x0], $0xffff  }
0x261: {  	v6 =	vld [tilespmem:s6+$0x0]  }
0x262: {  	v7 =	vld [tilespmem:s6+$0xFFFFFD90]  }
0x263: {  	v3 =	vld.idx.msk [tilespmem:v2+s29+$0x0], $0xffff  }
0x264: {  	v2 =	vld.idx.msk [tilespmem:v8+s29+$0x0], $0xffff  }
0x265: {  	v8 =	vld [tilespmem:s6+$0xFFFFFDA0]  }
0x266: {  	v13 =	vld [tilespmem:s6+$0xFFFFFDB0]  }
0x267: {  	v14 =	vld [tilespmem:s6+$0xFFFFFDC0]  }
0x268: {  	v15 =	vld [tilespmem:s6+$0xFFFFFDD0];
	v7 =	vmul.f32 v7, v10  }
0x269: {  	v16 =	vld [tilespmem:s6+$0xFFFFFDE0];
	v6 =	vmul.f32 v6, v2  }
0x26a: {  	v17 =	vld [tilespmem:s6+$0xFFFFFDF0];
	[tilespmem:s6+$0xFFFFFD90] =	vst v7;
	v8 =	vmul.f32 v8, v10  }
0x26b: {  	v7 =	vld [tilespmem:s6+$0xFFFFFE00];
	[tilespmem:s6+$0x0] =	vst v6;
	v6 =	vmul.f32 v13, v10  }
0x26c: {  	[tilespmem:s6+$0xFFFFFDA0] =	vst v8;
	v8 =	vmul.f32 v14, v10;
	v13 =	vld [tilespmem:s6+$0xFFFFFE10]  }
0x26d: {  	[tilespmem:s6+$0xFFFFFDB0] =	vst v6;
	v6 =	vmul.f32 v15, v10;
	v10 =	vld [tilespmem:s6+$0xFFFFFE20]  }
0x26e: {  	v14 =	vld [tilespmem:s6+$0xFFFFFE30];
	[tilespmem:s6+$0xFFFFFDC0] =	vst v8;
	v8 =	vmul.f32 v16, v9  }
0x26f: {  	v15 =	vld [tilespmem:s6+$0xFFFFFE40];
	[tilespmem:s6+$0xFFFFFDD0] =	vst v6;
	v6 =	vmul.f32 v17, v9  }
0x270: {  	v7 =	vmul.f32 v7, v9;
	[tilespmem:s6+$0xFFFFFDE0] =	vst v8;
	v8 =	vld [tilespmem:s6+$0xFFFFFE50]  }
0x271: {  	[tilespmem:s6+$0xFFFFFDF0] =	vst v6;
	v6 =	vmul.f32 v13, v9;
	v13 =	vld [tilespmem:s6+$0xFFFFFE60]  }
0x272: {  	[tilespmem:s6+$0xFFFFFE00] =	vst v7;
	v7 =	vmul.f32 v10, v9;
	v9 =	vld [tilespmem:s6+$0xFFFFFE70]  }
0x273: {  	v10 =	vld [tilespmem:s6+$0xFFFFFE80];
	[tilespmem:s6+$0xFFFFFE10] =	vst v6;
	v6 =	vmul.f32 v14, v11  }
0x274: {  	v14 =	vld [tilespmem:s6+$0xFFFFFE90];
	[tilespmem:s6+$0xFFFFFE20] =	vst v7;
	v7 =	vmul.f32 v15, v11  }
0x275: {  	[tilespmem:s6+$0xFFFFFE30] =	vst v6;
	v6 =	vmul.f32 v8, v11;
	v8 =	vld [tilespmem:s6+$0xFFFFFEA0]  }
0x276: {  	[tilespmem:s6+$0xFFFFFE40] =	vst v7;
	v7 =	vmul.f32 v13, v11;
	v13 =	vld [tilespmem:s6+$0xFFFFFEB0]  }
0x277: {  	s12 =	simm.s32 $0xA;
	[tilespmem:s6+$0xFFFFFE50] =	vst v6;
	v6 =	vmul.f32 v9, v11;
	v9 =	vld [tilespmem:s6+$0xFFFFFEC0]  }
0x278: {  	v16 =	vmov s12;
	s12 =	simm.s32 $0xE;
	[tilespmem:s6+$0xFFFFFE60] =	vst v7;
	v7 =	vmul.f32 v10, v5;
	v10 =	vld [tilespmem:s6+$0xFFFFFED0]  }
0x279: {  	s9 =	simm.s32 $0xB;
	s11 =	simm.s32 $0x9;
	v61 =	vmov s12;
	[tilespmem:s6+$0xFFFFFE70] =	vst v6;
	v6 =	vmul.f32 v14, v5;
	v14 =	vld [tilespmem:s6+$0xFFFFFEE0]  }
0x27a: {  	s10 =	simm.s32 $0x8;
	v17 =	vmov s9;
	v15 =	vmov s11;
	s11 =	simm.s32 $0xD;
	[tilespmem:s6+$0xFFFFFE80] =	vst v7;
	v7 =	vmul.f32 v8, v5;
	v8 =	vld [tilespmem:s6+$0xFFFFFEF0]  }
0x27b: {  	v19 =	vmov s11;
	v11 =	vmov s10;
	s10 =	simm.s32 $0xC;
	[tilespmem:s6+$0xFFFFFE90] =	vst v6;
	v6 =	vmul.f32 v13, v5;
	v13 =	vld [tilespmem:s6+$0xFFFFFF00]  }
0x27c: {  	v11 =	vshrl.u32 v11, $0x3;
	v18 =	vmov s10;
	[tilespmem:s6+$0xFFFFFEA0] =	vst v7;
	v5 =	vmul.f32 v9, v5;
	v7 =	vld [tilespmem:s6+$0xFFFFFF10]  }
0x27d: {  	v9 =	vshll.u32 v11, v0;
	v11 =	vshrl.u32 v15, $0x3;
	[tilespmem:s6+$0xFFFFFEB0] =	vst v6;
	v6 =	vmul.f32 v10, v12;
	v10 =	vld [tilespmem:s6+$0xFFFFFF20]  }
0x27e: {  	v15 =	vshrl.u32 v16, $0x3;
	v16 =	vshrl.u32 v17, $0x3;
	[tilespmem:s6+$0xFFFFFEC0] =	vst v5;
	v5 =	vmul.f32 v14, v12;
	v14 =	vld [tilespmem:s6+$0xFFFFFF30]  }
0x27f: {  	v17 =	vshrl.u32 v18, $0x3;
	v18 =	vshrl.u32 v19, $0x3;
	v19 =	vld [tilespmem:s6+$0xFFFFFF40];
	[tilespmem:s6+$0xFFFFFED0] =	vst v6;
	v8 =	vmul.f32 v8, v12  }
0x280: {  	v11 =	vshll.u32 v11, v0;
	v15 =	vshll.u32 v15, v0;
	[tilespmem:s6+$0xFFFFFEE0] =	vst v5;
	v5 =	vmul.f32 v13, v12;
	v13 =	vld [tilespmem:s6+$0xFFFFFF50]  }
0x281: {  	v62 =	vld [tilespmem:s6+$0xFFFFFF60];
	v18 =	vshll.u32 v18, v0;
	v6 =	vbroadcast v9, $0x0;
	[tilespmem:s6+$0xFFFFFEF0] =	vst v8;
	v7 =	vmul.f32 v7, v12  }
0x282: {  	v9 =	vshrl.u32 v61, $0x3;
	v12 =	vshll.u32 v17, v0;
	v17 =	vld [tilespmem:s6+$0xFFFFFF70];
	[tilespmem:s6+$0xFFFFFF00] =	vst v5;
	v10 =	vmul.f32 v10, v4  }
0x283: {  	v11 =	vadd.s32 $0x1, v11;
	v63 =	vshll.u32 v9, v0;
	v5 =	vld [tilespmem:s6+$0xFFFFFF80];
	[tilespmem:s6+$0xFFFFFF10] =	vst v7;
	v9 =	vmul.f32 v14, v4  }
0x284: {  	v8 =	vshll.u32 v16, v0;
	v14 =	vadd.s32 $0x2, v15;
	v15 =	vmul.f32 v19, v4;
	v7 =	vld [tilespmem:s6+$0xFFFFFF90];
	[tilespmem:s6+$0xFFFFFF20] =	vst v10  }
0x285: {  	v16 =	vadd.s32 $0x3, v8;
	v12 =	vadd.s32 $0x4, v12;
	v8 =	vld [tilespmem:s6+$0xFFFFFFA0];
	[tilespmem:s6+$0xFFFFFF30] =	vst v9;
	v19 =	vmul.f32 v13, v4  }
0x286: {  	v10 =	vbroadcast v11, $0x0;
	v13 =	vadd.s32 $0x5, v18;
	[tilespmem:s6+$0xFFFFFF40] =	vst v15;
	v15 =	vmul.f32 v62, v4;
	v9 =	vld [tilespmem:s6+$0xFFFFFFB0]  }
0x287: {  	s8 =	simm.s32 $0x10;
	s5 =	sadd.s32 $0x2710, s5;
	s9 =	simm.s32 $0xF;
	v11 =	vld [tilespmem:s6+$0xFFFFFFC0];
	v4 =	vbroadcast v14, $0x0;
	v14 =	vadd.s32 $0x6, v63;
	v17 =	vmul.f32 v17, v3;
	[tilespmem:s6+$0xFFFFFF50] =	vst v19  }
.LBB2_7:
0x288: {  	p1 =	slt.u32 s8, $0x48;
	v16 =	vbroadcast v16, $0x0;
	v18 =	vmov s9;
	[tilespmem:s6+$0xFFFFFF60] =	vst v15;
	v5 =	vmul.f32 v5, v3;
	v15 =	vld [tilespmem:s6+$0xFFFFFFD0]  }
0x289: {  	v12 =	vbroadcast v12, $0x0;
	v18 =	vshrl.u32 v18, $0x3;
	[tilespmem:s6+$0xFFFFFF70] =	vst v17;
	v7 =	vmul.f32 v7, v3;
	v17 =	vld [tilespmem:s6+$0xFFFFFFE0]  }
0x28a: {  	v13 =	vbroadcast v13, $0x0;
	v18 =	vshll.u32 v18, v0;
	[tilespmem:s6+$0xFFFFFF80] =	vst v5;
	v5 =	vmul.f32 v8, v3;
	v8 =	vld [tilespmem:s6+$0xFFFFFFF0]  }
0x28b: {  	v14 =	vbroadcast v14, $0x0;
	v6 =	vld.idx.msk [tilespmem:v6+s29+$0x0], $0xffff;
	v18 =	vadd.s32 $0x7, v18;
	[tilespmem:s6+$0xFFFFFF90] =	vst v7;
	v3 =	vmul.f32 v9, v3  }
0x28c: {  	v7 =	vld.idx.msk [tilespmem:v10+s29+$0x0], $0xffff;
	v9 =	vbroadcast v18, $0x0;
	[tilespmem:s6+$0xFFFFFFA0] =	vst v5;
	v5 =	vmul.f32 v11, v2  }
0x28d: {  	v10 =	vld.idx.msk [tilespmem:v4+s29+$0x0], $0xffff;
	[tilespmem:s6+$0xFFFFFFB0] =	vst v3;
	v3 =	vmul.f32 v15, v2  }
0x28e: {  	v11 =	vld.idx.msk [tilespmem:v16+s29+$0x0], $0xffff;
	[tilespmem:s6+$0xFFFFFFC0] =	vst v5;
	v15 =	vmul.f32 v17, v2  }
0x28f: {  	v5 =	vld.idx.msk [tilespmem:v12+s29+$0x0], $0xffff;
	[tilespmem:s6+$0xFFFFFFD0] =	vst v3;
	v2 =	vmul.f32 v8, v2  }
0x290: {  	v4 =	vld.idx.msk [tilespmem:v13+s29+$0x0], $0xffff;
	[tilespmem:s6+$0xFFFFFFE0] =	vst v15  }
0x291: {  	v3 =	vld.idx.msk [tilespmem:v14+s29+$0x0], $0xffff;
	[tilespmem:s6+$0xFFFFFFF0] =	vst v2  }
0x292: {  	s6 =	sadd.s32 $0x280, s6;
	v2 =	vld.idx.msk [tilespmem:v9+s29+$0x0], $0xffff  }
0x293: {  	v8 =	vld [tilespmem:s6+$0x0]  }
0x294: {  	v9 =	vld [tilespmem:s6+$0xFFFFFD90]  }
0x295: {  	v12 =	vld [tilespmem:s6+$0xFFFFFDA0]  }
0x296: {  	v13 =	vld [tilespmem:s6+$0xFFFFFDB0]  }
0x297: {  	v14 =	vld [tilespmem:s6+$0xFFFFFDC0]  }
0x298: {  	v15 =	vld [tilespmem:s6+$0xFFFFFDD0];
	v8 =	vmul.f32 v8, v2  }
0x299: {  	v9 =	vmul.f32 v9, v6;
	v16 =	vld [tilespmem:s6+$0xFFFFFDE0]  }
0x29a: {  	v12 =	vmul.f32 v12, v6;
	v17 =	vld [tilespmem:s6+$0xFFFFFDF0];
	[tilespmem:s6+$0x0] =	vst v8  }
0x29b: {  	[tilespmem:s6+$0xFFFFFD90] =	vst v9;
	v8 =	vmul.f32 v13, v6;
	v9 =	vld [tilespmem:s6+$0xFFFFFE00]  }
0x29c: {  	[tilespmem:s6+$0xFFFFFDA0] =	vst v12;
	v12 =	vmul.f32 v14, v6;
	v13 =	vld [tilespmem:s6+$0xFFFFFE10]  }
0x29d: {  	[tilespmem:s6+$0xFFFFFDB0] =	vst v8;
	v6 =	vmul.f32 v15, v6;
	v8 =	vld [tilespmem:s6+$0xFFFFFE20]  }
0x29e: {  	[tilespmem:s6+$0xFFFFFDC0] =	vst v12;
	v12 =	vmul.f32 v16, v7;
	v14 =	vld [tilespmem:s6+$0xFFFFFE30]  }
0x29f: {  	[tilespmem:s6+$0xFFFFFDD0] =	vst v6;
	v6 =	vmul.f32 v17, v7;
	v15 =	vld [tilespmem:s6+$0xFFFFFE40]  }
0x2a0: {  	[tilespmem:s6+$0xFFFFFDE0] =	vst v12;
	v9 =	vmul.f32 v9, v7;
	v12 =	vld [tilespmem:s6+$0xFFFFFE50]  }
0x2a1: {  	[tilespmem:s6+$0xFFFFFDF0] =	vst v6;
	v6 =	vmul.f32 v13, v7;
	v13 =	vld [tilespmem:s6+$0xFFFFFE60]  }
0x2a2: {  	[tilespmem:s6+$0xFFFFFE00] =	vst v9;
	v7 =	vmul.f32 v8, v7;
	v8 =	vld [tilespmem:s6+$0xFFFFFE70]  }
0x2a3: {  	[tilespmem:s6+$0xFFFFFE10] =	vst v6;
	v6 =	vmul.f32 v14, v10;
	v9 =	vld [tilespmem:s6+$0xFFFFFE80]  }
0x2a4: {  	[tilespmem:s6+$0xFFFFFE20] =	vst v7;
	v7 =	vmul.f32 v15, v10;
	v14 =	vld [tilespmem:s6+$0xFFFFFE90]  }
0x2a5: {  	[tilespmem:s6+$0xFFFFFE30] =	vst v6;
	v6 =	vmul.f32 v12, v10;
	v12 =	vld [tilespmem:s6+$0xFFFFFEA0]  }
0x2a6: {  	[tilespmem:s6+$0xFFFFFE40] =	vst v7;
	v7 =	vmul.f32 v13, v10;
	v13 =	vld [tilespmem:s6+$0xFFFFFEB0]  }
0x2a7: {  	[tilespmem:s6+$0xFFFFFE50] =	vst v6;
	v6 =	vmul.f32 v8, v10;
	v8 =	vld [tilespmem:s6+$0xFFFFFEC0]  }
0x2a8: {  	v10 =	vmov s8;
	[tilespmem:s6+$0xFFFFFE60] =	vst v7;
	v7 =	vmul.f32 v9, v11;
	v9 =	vld [tilespmem:s6+$0xFFFFFED0]  }
0x2a9: {  	s9 =	sadd.s32 $0x1, s8;
	s10 =	sadd.s32 $0x2, s8;
	v10 =	vshrl.u32 v10, $0x3;
	[tilespmem:s6+$0xFFFFFE70] =	vst v6;
	v6 =	vmul.f32 v14, v11;
	v14 =	vld [tilespmem:s6+$0xFFFFFEE0]  }
0x2aa: {  	v16 =	vmov s10;
	s10 =	sadd.s32 $0x4, s8;
	v15 =	vmov s9;
	s9 =	sadd.s32 $0x3, s8;
	[tilespmem:s6+$0xFFFFFE80] =	vst v7;
	v7 =	vmul.f32 v12, v11;
	v12 =	vld [tilespmem:s6+$0xFFFFFEF0]  }
0x2ab: {  	v18 =	vmov s10;
	s10 =	sadd.s32 $0x6, s8;
	v17 =	vmov s9;
	s9 =	sadd.s32 $0x5, s8;
	[tilespmem:s6+$0xFFFFFE90] =	vst v6;
	v6 =	vmul.f32 v13, v11;
	v13 =	vld [tilespmem:s6+$0xFFFFFF00]  }
0x2ac: {  	v20 =	vmov s10;
	v19 =	vmov s9;
	[tilespmem:s6+$0xFFFFFEA0] =	vst v7;
	v7 =	vmul.f32 v8, v11;
	v8 =	vld [tilespmem:s6+$0xFFFFFF10]  }
0x2ad: {  	v10 =	vshll.u32 v10, v0;
	v11 =	vshrl.u32 v15, $0x3;
	[tilespmem:s6+$0xFFFFFEB0] =	vst v6;
	v6 =	vmul.f32 v9, v5;
	v9 =	vld [tilespmem:s6+$0xFFFFFF20]  }
0x2ae: {  	v15 =	vshrl.u32 v16, $0x3;
	v16 =	vshrl.u32 v17, $0x3;
	[tilespmem:s6+$0xFFFFFEC0] =	vst v7;
	v7 =	vmul.f32 v14, v5;
	v14 =	vld [tilespmem:s6+$0xFFFFFF30]  }
0x2af: {  	v17 =	vshrl.u32 v18, $0x3;
	v18 =	vshrl.u32 v19, $0x3;
	[tilespmem:s6+$0xFFFFFED0] =	vst v6;
	v12 =	vmul.f32 v12, v5;
	v19 =	vld [tilespmem:s6+$0xFFFFFF40]  }
0x2b0: {  	v6 =	vbroadcast v10, $0x0;
	v10 =	vshrl.u32 v20, $0x3;
	[tilespmem:s6+$0xFFFFFEE0] =	vst v7;
	v7 =	vmul.f32 v13, v5;
	v13 =	vld [tilespmem:s6+$0xFFFFFF50]  }
0x2b1: {  	v11 =	vshll.u32 v11, v0;
	v15 =	vshll.u32 v15, v0;
	[tilespmem:s6+$0xFFFFFEF0] =	vst v12;
	v5 =	vmul.f32 v8, v5;
	v20 =	vld [tilespmem:s6+$0xFFFFFF60]  }
0x2b2: {  	v8 =	vshll.u32 v16, v0;
	v12 =	vshll.u32 v17, v0;
	[tilespmem:s6+$0xFFFFFF00] =	vst v7;
	v7 =	vmul.f32 v9, v4;
	v17 =	vld [tilespmem:s6+$0xFFFFFF70]  }
.Ltmp2:
0x2b3: {  	v9 =	vshll.u32 v18, v0;
	v18 =	vshll.u32 v10, v0;
	[tilespmem:s6+$0xFFFFFF10] =	vst v5;
	v10 =	vmul.f32 v14, v4;
	v5 =	vld [tilespmem:s6+$0xFFFFFF80];
	(pc) =	sbr.rel @p1 .LBB2_7-.Ltmp2, $4  }
0x2b4: {  	v11 =	vadd.s32 $0x1, v11;
	v14 =	vadd.s32 $0x2, v15;
	[tilespmem:s6+$0xFFFFFF20] =	vst v7;
	v15 =	vmul.f32 v19, v4;
	v7 =	vld [tilespmem:s6+$0xFFFFFF90]  }
0x2b5: {  	v16 =	vadd.s32 $0x3, v8;
	v12 =	vadd.s32 $0x4, v12;
	[tilespmem:s6+$0xFFFFFF30] =	vst v10;
	v19 =	vmul.f32 v13, v4;
	v8 =	vld [tilespmem:s6+$0xFFFFFFA0]  }
0x2b6: {  	v10 =	vbroadcast v11, $0x0;
	v13 =	vadd.s32 $0x5, v9;
	[tilespmem:s6+$0xFFFFFF40] =	vst v15;
	v15 =	vmul.f32 v20, v4;
	v9 =	vld [tilespmem:s6+$0xFFFFFFB0]  }
0x2b7: {  	s9 =	sadd.s32 $0x7, s8;
	s8 =	sadd.s32 $0x8, s8;
	v4 =	vbroadcast v14, $0x0;
	v14 =	vadd.s32 $0x6, v18;
	[tilespmem:s6+$0xFFFFFF50] =	vst v19;
	v17 =	vmul.f32 v17, v3;
	v11 =	vld [tilespmem:s6+$0xFFFFFFC0]  }
0x2b8: {  	_ = 	snop  }
0x2b9: {  	v19 =	vld [tilespmem:s6+$0xFFFFFFD0]  }
0x2ba: {  	v20 =	vld [tilespmem:s6+$0xFFFFFFE0]  }
0x2bb: {  	v18 =	vmov s9;
	v21 =	vld [tilespmem:s6+$0xFFFFFFF0]  }
0x2bc: {  	v6 =	vld.idx.msk [tilespmem:v6+s29+$0x0], $0xffff;
	v18 =	vshrl.u32 v18, $0x3  }
0x2bd: {  	v16 =	vbroadcast v16, $0x0;
	v10 =	vld.idx.msk [tilespmem:v10+s29+$0x0], $0xffff;
	v18 =	vshll.u32 v18, v0  }
0x2be: {  	v13 =	vbroadcast v13, $0x0;
	s8 =	sadd.s32 $0x280, s6;
	v22 =	vld.idx.msk [tilespmem:v4+s29+$0x0], $0xffff;
	v7 =	vmul.f32 v7, v3;
	v18 =	vadd.s32 $0x7, v18  }
0x2bf: {  	[tilespmem:s6+$0xFFFFFF60] =	vst v15;
	v15 =	vld [tilespmem:s8+$0xFFFFFDF0];
	v18 =	vbroadcast v18, $0x0  }
0x2c0: {  	v14 =	vbroadcast v14, $0x0;
	v8 =	vmul.f32 v8, v3;
	[tilespmem:s6+$0xFFFFFF90] =	vst v7;
	v7 =	vld [tilespmem:s8+$0x0]  }
0x2c1: {  	v4 =	vmul.f32 v5, v3;
	v3 =	vmul.f32 v9, v3;
	v9 =	vld [tilespmem:s8+$0xFFFFFD90]  }
0x2c2: {  	[tilespmem:s6+$0xFFFFFFA0] =	vst v8;
	v8 =	vmul.f32 v11, v2;
	v11 =	vld [tilespmem:s8+$0xFFFFFDA0]  }
0x2c3: {  	v16 =	vld.idx.msk [tilespmem:v16+s29+$0x0], $0xffff  }
0x2c4: {  	[tilespmem:s6+$0xFFFFFF80] =	vst v4;
	v5 =	vld.idx.msk [tilespmem:v13+s29+$0x0], $0xffff  }
0x2c5: {  	v12 =	vbroadcast v12, $0x0;
	[tilespmem:s6+$0xFFFFFFB0] =	vst v3;
	v3 =	vmul.f32 v19, v2;
	v4 =	vld.idx.msk [tilespmem:v18+s29+$0x0], $0xffff  }
0x2c6: {  	v13 =	vld.idx.msk [tilespmem:v14+s29+$0x0], $0xffff;
	[tilespmem:s6+$0xFFFFFFC0] =	vst v8;
	v8 =	vmul.f32 v20, v2  }
0x2c7: {  	v14 =	vld [tilespmem:s8+$0xFFFFFDB0];
	v2 =	vmul.f32 v21, v2;
	[tilespmem:s6+$0xFFFFFFD0] =	vst v3  }
0x2c8: {  	v3 =	vld [tilespmem:s8+$0xFFFFFDC0];
	[tilespmem:s6+$0xFFFFFFE0] =	vst v8  }
0x2c9: {  	v8 =	vld [tilespmem:s8+$0xFFFFFDD0];
	[tilespmem:s6+$0xFFFFFFF0] =	vst v2;
	v2 =	vmul.f32 v9, v6  }
0x2ca: {  	[tilespmem:s6+$0xFFFFFF70] =	vst v17;
	v9 =	vld [tilespmem:s8+$0xFFFFFDE0];
	v7 =	vmul.f32 v7, v4  }
0x2cb: {  	v12 =	vld.idx.msk [tilespmem:v12+s29+$0x0], $0xffff;
	v11 =	vmul.f32 v11, v6;
	[tilespmem:s8+$0xFFFFFD90] =	vst v2  }
0x2cc: {  	v2 =	vmul.f32 v14, v6;
	[tilespmem:s8+$0x0] =	vst v7;
	v7 =	vld [tilespmem:s8+$0xFFFFFE00]  }
0x2cd: {  	[tilespmem:s8+$0xFFFFFDA0] =	vst v11;
	v11 =	vld [tilespmem:s8+$0xFFFFFE10];
	v3 =	vmul.f32 v3, v6  }
0x2ce: {  	[tilespmem:s8+$0xFFFFFDB0] =	vst v2;
	v2 =	vmul.f32 v8, v6;
	v6 =	vld [tilespmem:s8+$0xFFFFFE20]  }
0x2cf: {  	v8 =	vld [tilespmem:s8+$0xFFFFFE30];
	[tilespmem:s8+$0xFFFFFDC0] =	vst v3;
	v3 =	vmul.f32 v9, v10  }
0x2d0: {  	v9 =	vld [tilespmem:s8+$0xFFFFFE40];
	[tilespmem:s8+$0xFFFFFDD0] =	vst v2;
	v2 =	vmul.f32 v15, v10  }
0x2d1: {  	[tilespmem:s8+$0xFFFFFDE0] =	vst v3;
	v3 =	vmul.f32 v7, v10;
	v7 =	vld [tilespmem:s8+$0xFFFFFE50]  }
0x2d2: {  	[tilespmem:s8+$0xFFFFFDF0] =	vst v2;
	v2 =	vmul.f32 v11, v10;
	v11 =	vld [tilespmem:s8+$0xFFFFFE60]  }
0x2d3: {  	[tilespmem:s8+$0xFFFFFE00] =	vst v3;
	v3 =	vmul.f32 v6, v10;
	v6 =	vld [tilespmem:s8+$0xFFFFFE70]  }
0x2d4: {  	[tilespmem:s8+$0xFFFFFE10] =	vst v2;
	v2 =	vmul.f32 v8, v22;
	v8 =	vld [tilespmem:s8+$0xFFFFFE80]  }
0x2d5: {  	[tilespmem:s8+$0xFFFFFE20] =	vst v3;
	v3 =	vmul.f32 v9, v22;
	v9 =	vld [tilespmem:s8+$0xFFFFFE90]  }
0x2d6: {  	[tilespmem:s8+$0xFFFFFE30] =	vst v2;
	v2 =	vmul.f32 v7, v22;
	v7 =	vld [tilespmem:s8+$0xFFFFFEA0]  }
0x2d7: {  	v10 =	vld [tilespmem:s8+$0xFFFFFEB0];
	[tilespmem:s8+$0xFFFFFE40] =	vst v3;
	v3 =	vmul.f32 v11, v22  }
0x2d8: {  	[tilespmem:s8+$0xFFFFFE50] =	vst v2;
	v2 =	vmul.f32 v6, v22;
	v6 =	vld [tilespmem:s8+$0xFFFFFEC0]  }
0x2d9: {  	[tilespmem:s8+$0xFFFFFE60] =	vst v3;
	v3 =	vmul.f32 v8, v16;
	v8 =	vld [tilespmem:s8+$0xFFFFFED0]  }
0x2da: {  	[tilespmem:s8+$0xFFFFFE70] =	vst v2;
	v2 =	vmul.f32 v9, v16;
	v9 =	vld [tilespmem:s8+$0xFFFFFEE0]  }
0x2db: {  	[tilespmem:s8+$0xFFFFFE80] =	vst v3;
	v3 =	vmul.f32 v7, v16;
	v7 =	vld [tilespmem:s8+$0xFFFFFEF0]  }
0x2dc: {  	[tilespmem:s8+$0xFFFFFE90] =	vst v2;
	v2 =	vmul.f32 v10, v16;
	v10 =	vld [tilespmem:s8+$0xFFFFFF00]  }
0x2dd: {  	[tilespmem:s8+$0xFFFFFEA0] =	vst v3;
	v3 =	vmul.f32 v6, v16;
	v6 =	vld [tilespmem:s8+$0xFFFFFF10]  }
0x2de: {  	[tilespmem:s8+$0xFFFFFEB0] =	vst v2;
	v2 =	vmul.f32 v8, v12;
	v8 =	vld [tilespmem:s8+$0xFFFFFF20]  }
0x2df: {  	[tilespmem:s8+$0xFFFFFEC0] =	vst v3;
	v3 =	vmul.f32 v9, v12;
	v9 =	vld [tilespmem:s8+$0xFFFFFF30]  }
0x2e0: {  	[tilespmem:s8+$0xFFFFFED0] =	vst v2;
	v2 =	vmul.f32 v7, v12;
	v7 =	vld [tilespmem:s8+$0xFFFFFF40]  }
0x2e1: {  	[tilespmem:s8+$0xFFFFFEE0] =	vst v3;
	v3 =	vmul.f32 v10, v12;
	v10 =	vld [tilespmem:s8+$0xFFFFFF50]  }
0x2e2: {  	[tilespmem:s8+$0xFFFFFEF0] =	vst v2;
	v2 =	vmul.f32 v6, v12;
	v6 =	vld [tilespmem:s8+$0xFFFFFF60]  }
0x2e3: {  	[tilespmem:s8+$0xFFFFFF00] =	vst v3;
	v3 =	vmul.f32 v8, v5;
	v8 =	vld [tilespmem:s8+$0xFFFFFF70]  }
0x2e4: {  	[tilespmem:s8+$0xFFFFFF10] =	vst v2;
	v2 =	vmul.f32 v9, v5;
	v9 =	vld [tilespmem:s8+$0xFFFFFF80]  }
0x2e5: {  	[tilespmem:s8+$0xFFFFFF20] =	vst v3;
	v3 =	vmul.f32 v7, v5;
	v7 =	vld [tilespmem:s8+$0xFFFFFF90]  }
0x2e6: {  	[tilespmem:s8+$0xFFFFFF30] =	vst v2;
	v2 =	vmul.f32 v10, v5;
	v10 =	vld [tilespmem:s8+$0xFFFFFFA0]  }
0x2e7: {  	[tilespmem:s8+$0xFFFFFF40] =	vst v3;
	v3 =	vmul.f32 v6, v5;
	v5 =	vld [tilespmem:s8+$0xFFFFFFB0]  }
0x2e8: {  	v6 =	vld [tilespmem:s8+$0xFFFFFFC0];
	[tilespmem:s8+$0xFFFFFF50] =	vst v2;
	v2 =	vmul.f32 v8, v13  }
0x2e9: {  	v8 =	vld [tilespmem:s8+$0xFFFFFFD0];
	[tilespmem:s8+$0xFFFFFF60] =	vst v3;
	v3 =	vmul.f32 v9, v13  }
0x2ea: {  	[tilespmem:s8+$0xFFFFFF70] =	vst v2;
	v2 =	vmul.f32 v7, v13;
	v7 =	vld [tilespmem:s8+$0xFFFFFFE0]  }
0x2eb: {  	v9 =	vld [tilespmem:s8+$0xFFFFFFF0];
	[tilespmem:s8+$0xFFFFFF80] =	vst v3;
	v3 =	vmul.f32 v10, v13  }
0x2ec: {  	[tilespmem:s8+$0xFFFFFF90] =	vst v2;
	v2 =	vmul.f32 v5, v13  }
0x2ed: {  	[tilespmem:s8+$0xFFFFFFA0] =	vst v3;
	v3 =	vmul.f32 v6, v4  }
0x2ee: {  	[tilespmem:s8+$0xFFFFFFB0] =	vst v2;
	v2 =	vmul.f32 v8, v4  }
0x2ef: {  	[tilespmem:s8+$0xFFFFFFC0] =	vst v3;
	v3 =	vmul.f32 v7, v4  }
0x2f0: {  	[tilespmem:s8+$0xFFFFFFD0] =	vst v2;
	v2 =	vmul.f32 v9, v4  }
0x2f1: {  	[tilespmem:s8+$0xFFFFFFE0] =	vst v3  }
0x2f2: {  	[tilespmem:s8+$0xFFFFFFF0] =	vst v2  }
0x2f3: {  	[spmem:s2] =	stream.indirect.scatter.add.f32 [tilespmem:s24], [sflag:$0x2], $0x50, s5, s21, $0xb8;
	[tilespmem:$0x1DCF0] =	vst v63  }
0x2f4: {  	_ =	swait.ge [sflag:s28], $0x1900  }
0x2f5: {  	[sflag:s28] =	ssyncset.done $0x0  }
0x2f6: {  	[sflag:s28] =	ssyncadd.s32 $0xFFFFE700  }
0x2f7: {  	v2 =	vld [tilespmem:s14+$0xF0]  }
0x2f8: {  	v3 =	vld [tilespmem:s20+$0x2710];
	_ =	sdelay $0x6  }
0x2f9: {  	v2 =	vld.idx.msk [tilespmem:v2+s18+$0x0], $0xffff  }
0x2fa: {  	v3 =	vld.idx.msk [tilespmem:v3+s19+$0x0], $0xffff;
	_ =	sdelay $0x4  }
0x2fb: {  	v2 =	vadd.f32 v3, v2;
	_ =	sdelay $0x1  }
0x2fc: {  	v3 =	vmul.f32 $2.000000030e-01, v2  }
0x2fd: {  	vm0 =	vgt.f32 v2, $0.0e+00  }
0x2fe: {  	v2 =	vsel vm0, v2, v3  }
0x2ff: {  	v2 =	vsub.f32 v2, v1;
	_ =	sdelay $0x1  }
0x300: {  	v2 =	vmul.f32 $1.442695020e+00, v2;
	_ =	sdelay $0x1  }
0x301: {  	(erf) = vpow2.f32 v2;
	_ =	sdelay $0x8  }
0x302: {  	v2 =	vpop (erf)  }
0x303: {  	[tilespmem:$0xCB20] =	vst v2  }
0x304: {  	v2 =	vld [tilespmem:s14+$0x100]  }
0x305: {  	v3 =	vld [tilespmem:s14+$0x2810];
	_ =	sdelay $0x6  }
0x306: {  	v2 =	vld.idx.msk [tilespmem:v2+s18+$0x0], $0xffff  }
0x307: {  	v3 =	vld.idx.msk [tilespmem:v3+s19+$0x0], $0xffff;
	_ =	sdelay $0x4  }
0x308: {  	v2 =	vadd.f32 v3, v2;
	_ =	sdelay $0x1  }
0x309: {  	v3 =	vmul.f32 $2.000000030e-01, v2  }
0x30a: {  	vm12 =	vgt.f32 v2, $0.0e+00  }
0x30b: {  	v2 =	vsel vm12, v2, v3  }
0x30c: {  	v2 =	vsub.f32 v2, v1;
	_ =	sdelay $0x1  }
0x30d: {  	v2 =	vmul.f32 $1.442695020e+00, v2;
	_ =	sdelay $0x1  }
0x30e: {  	(erf) = vpow2.f32 v2;
	_ =	sdelay $0x8  }
0x30f: {  	v2 =	vpop (erf)  }
0x310: {  	[tilespmem:$0xCB30] =	vst v2  }
0x311: {  	v2 =	vld [tilespmem:s14+$0x110]  }
0x312: {  	v3 =	vld [tilespmem:s14+$0x2820];
	_ =	sdelay $0x6  }
0x313: {  	v2 =	vld.idx.msk [tilespmem:v2+s18+$0x0], $0xffff  }
0x314: {  	v3 =	vld.idx.msk [tilespmem:v3+s19+$0x0], $0xffff;
	_ =	sdelay $0x4  }
0x315: {  	v2 =	vadd.f32 v3, v2;
	_ =	sdelay $0x1  }
0x316: {  	v3 =	vmul.f32 $2.000000030e-01, v2  }
0x317: {  	vm13 =	vgt.f32 v2, $0.0e+00  }
0x318: {  	v2 =	vsel vm13, v2, v3  }
0x319: {  	v2 =	vsub.f32 v2, v1;
	_ =	sdelay $0x1  }
0x31a: {  	v2 =	vmul.f32 $1.442695020e+00, v2;
	_ =	sdelay $0x1  }
0x31b: {  	(erf) = vpow2.f32 v2;
	_ =	sdelay $0x8  }
0x31c: {  	v2 =	vpop (erf)  }
0x31d: {  	[tilespmem:$0xCB40] =	vst v2  }
0x31e: {  	v2 =	vld [tilespmem:s14+$0x120]  }
0x31f: {  	v3 =	vld [tilespmem:s14+$0x2830];
	_ =	sdelay $0x6  }
0x320: {  	v2 =	vld.idx.msk [tilespmem:v2+s18+$0x0], $0xffff  }
0x321: {  	v3 =	vld.idx.msk [tilespmem:v3+s19+$0x0], $0xffff;
	_ =	sdelay $0x4  }
0x322: {  	v2 =	vadd.f32 v3, v2;
	_ =	sdelay $0x1  }
0x323: {  	v3 =	vmul.f32 $2.000000030e-01, v2  }
0x324: {  	vm14 =	vgt.f32 v2, $0.0e+00  }
0x325: {  	v2 =	vsel vm14, v2, v3  }
0x326: {  	v2 =	vsub.f32 v2, v1;
	_ =	sdelay $0x1  }
0x327: {  	v2 =	vmul.f32 $1.442695020e+00, v2;
	_ =	sdelay $0x1  }
0x328: {  	(erf) = vpow2.f32 v2;
	_ =	sdelay $0x8  }
0x329: {  	v2 =	vpop (erf)  }
0x32a: {  	[tilespmem:$0xCB50] =	vst v2  }
0x32b: {  	v2 =	vld [tilespmem:s14+$0x130]  }
0x32c: {  	v3 =	vld [tilespmem:s14+$0x2840];
	_ =	sdelay $0x6  }
0x32d: {  	v2 =	vld.idx.msk [tilespmem:v2+s18+$0x0], $0xffff  }
0x32e: {  	v3 =	vld.idx.msk [tilespmem:v3+s19+$0x0], $0xffff;
	_ =	sdelay $0x4  }
0x32f: {  	v2 =	vadd.f32 v3, v2;
	_ =	sdelay $0x1  }
0x330: {  	v3 =	vmul.f32 $2.000000030e-01, v2  }
0x331: {  	vm15 =	vgt.f32 v2, $0.0e+00  }
0x332: {  	v2 =	vsel vm15, v2, v3  }
0x333: {  	v2 =	vsub.f32 v2, v1;
	_ =	sdelay $0x1  }
0x334: {  	s11 =	simm.s32 $0x3;
	s12 =	simm.s32 $0x4;
	v2 =	vmul.f32 $1.442695020e+00, v2  }
0x335: {  	v5 =	vmov s11;
	v6 =	vmov s12  }
0x336: {  	s6 =	simm.s32 $0x5;
	v5 =	vshrl.u32 v5, $0x3;
	v6 =	vshrl.u32 v6, $0x3;
	s8 =	simm.s32 $0x0;
	(erf) = vpow2.f32 v2  }
0x337: {  	s9 =	simm.s32 $0x1;
	v5 =	vshll.u32 v5, v0;
	v7 =	vmov s6;
	v3 =	vmov s8  }
0x338: {  	s10 =	simm.s32 $0x2;
	v6 =	vshll.u32 v6, v0;
	v2 =	vshrl.u32 v3, $0x3;
	v3 =	vmov s9  }
0x339: {  	v5 =	vadd.s32 $0x3, v5;
	v4 =	vmov s10;
	v3 =	vshrl.u32 v3, $0x3  }
0x33a: {  	v4 =	vshrl.u32 v4, $0x3;
	v2 =	vshll.u32 v2, v0;
	v3 =	vshll.u32 v3, v0  }
0x33b: {  	v4 =	vshll.u32 v4, v0;
	v2 =	vbroadcast v2, $0x0;
	v3 =	vadd.s32 $0x1, v3  }
0x33c: {  	v7 =	vshrl.u32 v7, $0x3;
	v4 =	vadd.s32 $0x2, v4;
	v3 =	vbroadcast v3, $0x0  }
0x33d: {  	v6 =	vadd.s32 $0x4, v6;
	v5 =	vbroadcast v5, $0x0;
	v4 =	vbroadcast v4, $0x0;
	s8 =	simm.s32 $0x6  }
0x33e: {  	v7 =	vshll.u32 v7, v0;
	v6 =	vbroadcast v6, $0x0;
	v8 =	vmov s8;
	s9 =	simm.s32 $0x7  }
0x33f: {  	v7 =	vadd.s32 $0x5, v7;
	v8 =	vshrl.u32 v8, $0x3;
	v9 =	vmov s9;
	v10 =	vpop (erf)  }
0x340: {  	v7 =	vbroadcast v7, $0x0;
	v8 =	vshll.u32 v8, v0;
	v9 =	vshrl.u32 v9, $0x3;
	[tilespmem:$0xCB60] =	vst v10  }
0x341: {  	v8 =	vadd.s32 $0x6, v8;
	v9 =	vshll.u32 v9, v0;
	v10 =	vld.idx.msk [tilespmem:v2+s29+$0x0], $0xffff  }
0x342: {  	v2 =	vbroadcast v8, $0x0;
	v8 =	vadd.s32 $0x7, v9;
	v9 =	vld.idx.msk [tilespmem:v3+s29+$0x0], $0xffff  }
0x343: {  	v11 =	vld.idx.msk [tilespmem:v4+s29+$0x0], $0xffff  }
0x344: {  	v5 =	vld.idx.msk [tilespmem:v5+s29+$0x0], $0xffff;
	v8 =	vbroadcast v8, $0x0  }
0x345: {  	v12 =	vld.idx.msk [tilespmem:v6+s29+$0x0], $0xffff  }
0x346: {  	s5 =	simm.s32 $0x9B90;
	v4 =	vld.idx.msk [tilespmem:v7+s29+$0x0], $0xffff  }
0x347: {  	v6 =	vld [tilespmem:s5+$0x0]  }
0x348: {  	v7 =	vld [tilespmem:s5+$0xFFFFFD90]  }
0x349: {  	v3 =	vld.idx.msk [tilespmem:v2+s29+$0x0], $0xffff  }
0x34a: {  	v2 =	vld.idx.msk [tilespmem:v8+s29+$0x0], $0xffff  }
0x34b: {  	v8 =	vld [tilespmem:s5+$0xFFFFFDA0]  }
0x34c: {  	v13 =	vld [tilespmem:s5+$0xFFFFFDB0]  }
0x34d: {  	v14 =	vld [tilespmem:s5+$0xFFFFFDC0]  }
0x34e: {  	v15 =	vld [tilespmem:s5+$0xFFFFFDD0];
	v7 =	vmul.f32 v7, v10  }
0x34f: {  	v16 =	vld [tilespmem:s5+$0xFFFFFDE0];
	v6 =	vmul.f32 v6, v2  }
0x350: {  	v17 =	vld [tilespmem:s5+$0xFFFFFDF0];
	[tilespmem:s5+$0xFFFFFD90] =	vst v7;
	v8 =	vmul.f32 v8, v10  }
0x351: {  	v7 =	vld [tilespmem:s5+$0xFFFFFE00];
	[tilespmem:s5+$0x0] =	vst v6;
	v6 =	vmul.f32 v13, v10  }
0x352: {  	[tilespmem:s5+$0xFFFFFDA0] =	vst v8;
	v8 =	vmul.f32 v14, v10;
	v13 =	vld [tilespmem:s5+$0xFFFFFE10]  }
0x353: {  	[tilespmem:s5+$0xFFFFFDB0] =	vst v6;
	v6 =	vmul.f32 v15, v10;
	v10 =	vld [tilespmem:s5+$0xFFFFFE20]  }
0x354: {  	v14 =	vld [tilespmem:s5+$0xFFFFFE30];
	[tilespmem:s5+$0xFFFFFDC0] =	vst v8;
	v8 =	vmul.f32 v16, v9  }
0x355: {  	v15 =	vld [tilespmem:s5+$0xFFFFFE40];
	[tilespmem:s5+$0xFFFFFDD0] =	vst v6;
	v6 =	vmul.f32 v17, v9  }
0x356: {  	v7 =	vmul.f32 v7, v9;
	[tilespmem:s5+$0xFFFFFDE0] =	vst v8;
	v8 =	vld [tilespmem:s5+$0xFFFFFE50]  }
0x357: {  	[tilespmem:s5+$0xFFFFFDF0] =	vst v6;
	v6 =	vmul.f32 v13, v9;
	v13 =	vld [tilespmem:s5+$0xFFFFFE60]  }
0x358: {  	[tilespmem:s5+$0xFFFFFE00] =	vst v7;
	v7 =	vmul.f32 v10, v9;
	v9 =	vld [tilespmem:s5+$0xFFFFFE70]  }
0x359: {  	v10 =	vld [tilespmem:s5+$0xFFFFFE80];
	[tilespmem:s5+$0xFFFFFE10] =	vst v6;
	v6 =	vmul.f32 v14, v11  }
0x35a: {  	v14 =	vld [tilespmem:s5+$0xFFFFFE90];
	[tilespmem:s5+$0xFFFFFE20] =	vst v7;
	v7 =	vmul.f32 v15, v11  }
0x35b: {  	[tilespmem:s5+$0xFFFFFE30] =	vst v6;
	v6 =	vmul.f32 v8, v11;
	v8 =	vld [tilespmem:s5+$0xFFFFFEA0]  }
0x35c: {  	[tilespmem:s5+$0xFFFFFE40] =	vst v7;
	v7 =	vmul.f32 v13, v11;
	v13 =	vld [tilespmem:s5+$0xFFFFFEB0]  }
0x35d: {  	s12 =	simm.s32 $0xA;
	[tilespmem:s5+$0xFFFFFE50] =	vst v6;
	v6 =	vmul.f32 v9, v11;
	v9 =	vld [tilespmem:s5+$0xFFFFFEC0]  }
0x35e: {  	v16 =	vmov s12;
	s12 =	simm.s32 $0xE;
	[tilespmem:s5+$0xFFFFFE60] =	vst v7;
	v7 =	vmul.f32 v10, v5;
	v10 =	vld [tilespmem:s5+$0xFFFFFED0]  }
0x35f: {  	s11 =	simm.s32 $0x9;
	s9 =	simm.s32 $0xB;
	v61 =	vmov s12;
	[tilespmem:s5+$0xFFFFFE70] =	vst v6;
	v6 =	vmul.f32 v14, v5;
	v14 =	vld [tilespmem:s5+$0xFFFFFEE0]  }
0x360: {  	s10 =	simm.s32 $0x8;
	v17 =	vmov s9;
	v15 =	vmov s11;
	s11 =	simm.s32 $0xD;
	[tilespmem:s5+$0xFFFFFE80] =	vst v7;
	v7 =	vmul.f32 v8, v5;
	v8 =	vld [tilespmem:s5+$0xFFFFFEF0]  }
0x361: {  	v19 =	vmov s11;
	v11 =	vmov s10;
	s10 =	simm.s32 $0xC;
	[tilespmem:s5+$0xFFFFFE90] =	vst v6;
	v6 =	vmul.f32 v13, v5;
	v13 =	vld [tilespmem:s5+$0xFFFFFF00]  }
0x362: {  	v11 =	vshrl.u32 v11, $0x3;
	v18 =	vmov s10;
	[tilespmem:s5+$0xFFFFFEA0] =	vst v7;
	v5 =	vmul.f32 v9, v5;
	v7 =	vld [tilespmem:s5+$0xFFFFFF10]  }
0x363: {  	v9 =	vshll.u32 v11, v0;
	v11 =	vshrl.u32 v15, $0x3;
	[tilespmem:s5+$0xFFFFFEB0] =	vst v6;
	v6 =	vmul.f32 v10, v12;
	v10 =	vld [tilespmem:s5+$0xFFFFFF20]  }
0x364: {  	v15 =	vshrl.u32 v16, $0x3;
	v16 =	vshrl.u32 v17, $0x3;
	[tilespmem:s5+$0xFFFFFEC0] =	vst v5;
	v5 =	vmul.f32 v14, v12;
	v14 =	vld [tilespmem:s5+$0xFFFFFF30]  }
0x365: {  	v17 =	vshrl.u32 v18, $0x3;
	v18 =	vshrl.u32 v19, $0x3;
	v19 =	vld [tilespmem:s5+$0xFFFFFF40];
	[tilespmem:s5+$0xFFFFFED0] =	vst v6;
	v8 =	vmul.f32 v8, v12  }
0x366: {  	v11 =	vshll.u32 v11, v0;
	v15 =	vshll.u32 v15, v0;
	[tilespmem:s5+$0xFFFFFEE0] =	vst v5;
	v5 =	vmul.f32 v13, v12;
	v13 =	vld [tilespmem:s5+$0xFFFFFF50]  }
0x367: {  	v62 =	vld [tilespmem:s5+$0xFFFFFF60];
	v18 =	vshll.u32 v18, v0;
	v6 =	vbroadcast v9, $0x0;
	[tilespmem:s5+$0xFFFFFEF0] =	vst v8;
	v7 =	vmul.f32 v7, v12  }
0x368: {  	v9 =	vshrl.u32 v61, $0x3;
	v12 =	vshll.u32 v17, v0;
	v17 =	vld [tilespmem:s5+$0xFFFFFF70];
	[tilespmem:s5+$0xFFFFFF00] =	vst v5;
	v10 =	vmul.f32 v10, v4  }
0x369: {  	v11 =	vadd.s32 $0x1, v11;
	v63 =	vshll.u32 v9, v0;
	v5 =	vld [tilespmem:s5+$0xFFFFFF80];
	[tilespmem:s5+$0xFFFFFF10] =	vst v7;
	v9 =	vmul.f32 v14, v4  }
0x36a: {  	v8 =	vshll.u32 v16, v0;
	v14 =	vadd.s32 $0x2, v15;
	v15 =	vmul.f32 v19, v4;
	v7 =	vld [tilespmem:s5+$0xFFFFFF90];
	[tilespmem:s5+$0xFFFFFF20] =	vst v10  }
0x36b: {  	v16 =	vadd.s32 $0x3, v8;
	v12 =	vadd.s32 $0x4, v12;
	v8 =	vld [tilespmem:s5+$0xFFFFFFA0];
	[tilespmem:s5+$0xFFFFFF30] =	vst v9;
	v19 =	vmul.f32 v13, v4  }
0x36c: {  	v10 =	vbroadcast v11, $0x0;
	v13 =	vadd.s32 $0x5, v18;
	[tilespmem:s5+$0xFFFFFF40] =	vst v15;
	v15 =	vmul.f32 v62, v4;
	v9 =	vld [tilespmem:s5+$0xFFFFFFB0]  }
0x36d: {  	s6 =	sadd.s32 $0x2710, s20;
	s8 =	simm.s32 $0x10;
	s9 =	simm.s32 $0xF;
	v11 =	vld [tilespmem:s5+$0xFFFFFFC0];
	v4 =	vbroadcast v14, $0x0;
	v14 =	vadd.s32 $0x6, v63;
	v17 =	vmul.f32 v17, v3;
	[tilespmem:s5+$0xFFFFFF50] =	vst v19  }
.LBB2_9:
0x36e: {  	p1 =	slt.u32 s8, $0x48;
	v16 =	vbroadcast v16, $0x0;
	v18 =	vmov s9;
	[tilespmem:s5+$0xFFFFFF60] =	vst v15;
	v5 =	vmul.f32 v5, v3;
	v15 =	vld [tilespmem:s5+$0xFFFFFFD0]  }
0x36f: {  	v12 =	vbroadcast v12, $0x0;
	v18 =	vshrl.u32 v18, $0x3;
	[tilespmem:s5+$0xFFFFFF70] =	vst v17;
	v7 =	vmul.f32 v7, v3;
	v17 =	vld [tilespmem:s5+$0xFFFFFFE0]  }
0x370: {  	v13 =	vbroadcast v13, $0x0;
	v18 =	vshll.u32 v18, v0;
	[tilespmem:s5+$0xFFFFFF80] =	vst v5;
	v5 =	vmul.f32 v8, v3;
	v8 =	vld [tilespmem:s5+$0xFFFFFFF0]  }
0x371: {  	v14 =	vbroadcast v14, $0x0;
	v6 =	vld.idx.msk [tilespmem:v6+s29+$0x0], $0xffff;
	v18 =	vadd.s32 $0x7, v18;
	[tilespmem:s5+$0xFFFFFF90] =	vst v7;
	v3 =	vmul.f32 v9, v3  }
0x372: {  	v7 =	vld.idx.msk [tilespmem:v10+s29+$0x0], $0xffff;
	v9 =	vbroadcast v18, $0x0;
	[tilespmem:s5+$0xFFFFFFA0] =	vst v5;
	v5 =	vmul.f32 v11, v2  }
0x373: {  	v10 =	vld.idx.msk [tilespmem:v4+s29+$0x0], $0xffff;
	[tilespmem:s5+$0xFFFFFFB0] =	vst v3;
	v3 =	vmul.f32 v15, v2  }
0x374: {  	v11 =	vld.idx.msk [tilespmem:v16+s29+$0x0], $0xffff;
	[tilespmem:s5+$0xFFFFFFC0] =	vst v5;
	v15 =	vmul.f32 v17, v2  }
0x375: {  	v5 =	vld.idx.msk [tilespmem:v12+s29+$0x0], $0xffff;
	[tilespmem:s5+$0xFFFFFFD0] =	vst v3;
	v2 =	vmul.f32 v8, v2  }
0x376: {  	v4 =	vld.idx.msk [tilespmem:v13+s29+$0x0], $0xffff;
	[tilespmem:s5+$0xFFFFFFE0] =	vst v15  }
0x377: {  	v3 =	vld.idx.msk [tilespmem:v14+s29+$0x0], $0xffff;
	[tilespmem:s5+$0xFFFFFFF0] =	vst v2  }
0x378: {  	s5 =	sadd.s32 $0x280, s5;
	v2 =	vld.idx.msk [tilespmem:v9+s29+$0x0], $0xffff  }
0x379: {  	v8 =	vld [tilespmem:s5+$0x0]  }
0x37a: {  	v9 =	vld [tilespmem:s5+$0xFFFFFD90]  }
0x37b: {  	v12 =	vld [tilespmem:s5+$0xFFFFFDA0]  }
0x37c: {  	v13 =	vld [tilespmem:s5+$0xFFFFFDB0]  }
0x37d: {  	v14 =	vld [tilespmem:s5+$0xFFFFFDC0]  }
0x37e: {  	v15 =	vld [tilespmem:s5+$0xFFFFFDD0];
	v8 =	vmul.f32 v8, v2  }
0x37f: {  	v9 =	vmul.f32 v9, v6;
	v16 =	vld [tilespmem:s5+$0xFFFFFDE0]  }
0x380: {  	v12 =	vmul.f32 v12, v6;
	v17 =	vld [tilespmem:s5+$0xFFFFFDF0];
	[tilespmem:s5+$0x0] =	vst v8  }
0x381: {  	[tilespmem:s5+$0xFFFFFD90] =	vst v9;
	v8 =	vmul.f32 v13, v6;
	v9 =	vld [tilespmem:s5+$0xFFFFFE00]  }
0x382: {  	[tilespmem:s5+$0xFFFFFDA0] =	vst v12;
	v12 =	vmul.f32 v14, v6;
	v13 =	vld [tilespmem:s5+$0xFFFFFE10]  }
0x383: {  	[tilespmem:s5+$0xFFFFFDB0] =	vst v8;
	v6 =	vmul.f32 v15, v6;
	v8 =	vld [tilespmem:s5+$0xFFFFFE20]  }
0x384: {  	[tilespmem:s5+$0xFFFFFDC0] =	vst v12;
	v12 =	vmul.f32 v16, v7;
	v14 =	vld [tilespmem:s5+$0xFFFFFE30]  }
0x385: {  	[tilespmem:s5+$0xFFFFFDD0] =	vst v6;
	v6 =	vmul.f32 v17, v7;
	v15 =	vld [tilespmem:s5+$0xFFFFFE40]  }
0x386: {  	[tilespmem:s5+$0xFFFFFDE0] =	vst v12;
	v9 =	vmul.f32 v9, v7;
	v12 =	vld [tilespmem:s5+$0xFFFFFE50]  }
0x387: {  	[tilespmem:s5+$0xFFFFFDF0] =	vst v6;
	v6 =	vmul.f32 v13, v7;
	v13 =	vld [tilespmem:s5+$0xFFFFFE60]  }
0x388: {  	[tilespmem:s5+$0xFFFFFE00] =	vst v9;
	v7 =	vmul.f32 v8, v7;
	v8 =	vld [tilespmem:s5+$0xFFFFFE70]  }
0x389: {  	[tilespmem:s5+$0xFFFFFE10] =	vst v6;
	v6 =	vmul.f32 v14, v10;
	v9 =	vld [tilespmem:s5+$0xFFFFFE80]  }
0x38a: {  	[tilespmem:s5+$0xFFFFFE20] =	vst v7;
	v7 =	vmul.f32 v15, v10;
	v14 =	vld [tilespmem:s5+$0xFFFFFE90]  }
0x38b: {  	[tilespmem:s5+$0xFFFFFE30] =	vst v6;
	v6 =	vmul.f32 v12, v10;
	v12 =	vld [tilespmem:s5+$0xFFFFFEA0]  }
0x38c: {  	[tilespmem:s5+$0xFFFFFE40] =	vst v7;
	v7 =	vmul.f32 v13, v10;
	v13 =	vld [tilespmem:s5+$0xFFFFFEB0]  }
0x38d: {  	[tilespmem:s5+$0xFFFFFE50] =	vst v6;
	v6 =	vmul.f32 v8, v10;
	v8 =	vld [tilespmem:s5+$0xFFFFFEC0]  }
0x38e: {  	v10 =	vmov s8;
	[tilespmem:s5+$0xFFFFFE60] =	vst v7;
	v7 =	vmul.f32 v9, v11;
	v9 =	vld [tilespmem:s5+$0xFFFFFED0]  }
0x38f: {  	s9 =	sadd.s32 $0x1, s8;
	s10 =	sadd.s32 $0x2, s8;
	v10 =	vshrl.u32 v10, $0x3;
	[tilespmem:s5+$0xFFFFFE70] =	vst v6;
	v6 =	vmul.f32 v14, v11;
	v14 =	vld [tilespmem:s5+$0xFFFFFEE0]  }
0x390: {  	v16 =	vmov s10;
	s10 =	sadd.s32 $0x4, s8;
	v15 =	vmov s9;
	s9 =	sadd.s32 $0x3, s8;
	[tilespmem:s5+$0xFFFFFE80] =	vst v7;
	v7 =	vmul.f32 v12, v11;
	v12 =	vld [tilespmem:s5+$0xFFFFFEF0]  }
0x391: {  	v18 =	vmov s10;
	s10 =	sadd.s32 $0x6, s8;
	v17 =	vmov s9;
	s9 =	sadd.s32 $0x5, s8;
	[tilespmem:s5+$0xFFFFFE90] =	vst v6;
	v6 =	vmul.f32 v13, v11;
	v13 =	vld [tilespmem:s5+$0xFFFFFF00]  }
0x392: {  	v20 =	vmov s10;
	v19 =	vmov s9;
	[tilespmem:s5+$0xFFFFFEA0] =	vst v7;
	v7 =	vmul.f32 v8, v11;
	v8 =	vld [tilespmem:s5+$0xFFFFFF10]  }
0x393: {  	v10 =	vshll.u32 v10, v0;
	v11 =	vshrl.u32 v15, $0x3;
	[tilespmem:s5+$0xFFFFFEB0] =	vst v6;
	v6 =	vmul.f32 v9, v5;
	v9 =	vld [tilespmem:s5+$0xFFFFFF20]  }
0x394: {  	v15 =	vshrl.u32 v16, $0x3;
	v16 =	vshrl.u32 v17, $0x3;
	[tilespmem:s5+$0xFFFFFEC0] =	vst v7;
	v7 =	vmul.f32 v14, v5;
	v14 =	vld [tilespmem:s5+$0xFFFFFF30]  }
0x395: {  	v17 =	vshrl.u32 v18, $0x3;
	v18 =	vshrl.u32 v19, $0x3;
	[tilespmem:s5+$0xFFFFFED0] =	vst v6;
	v12 =	vmul.f32 v12, v5;
	v19 =	vld [tilespmem:s5+$0xFFFFFF40]  }
0x396: {  	v6 =	vbroadcast v10, $0x0;
	v10 =	vshrl.u32 v20, $0x3;
	[tilespmem:s5+$0xFFFFFEE0] =	vst v7;
	v7 =	vmul.f32 v13, v5;
	v13 =	vld [tilespmem:s5+$0xFFFFFF50]  }
0x397: {  	v11 =	vshll.u32 v11, v0;
	v15 =	vshll.u32 v15, v0;
	[tilespmem:s5+$0xFFFFFEF0] =	vst v12;
	v5 =	vmul.f32 v8, v5;
	v20 =	vld [tilespmem:s5+$0xFFFFFF60]  }
0x398: {  	v8 =	vshll.u32 v16, v0;
	v12 =	vshll.u32 v17, v0;
	[tilespmem:s5+$0xFFFFFF00] =	vst v7;
	v7 =	vmul.f32 v9, v4;
	v17 =	vld [tilespmem:s5+$0xFFFFFF70]  }
.Ltmp3:
0x399: {  	v9 =	vshll.u32 v18, v0;
	v18 =	vshll.u32 v10, v0;
	[tilespmem:s5+$0xFFFFFF10] =	vst v5;
	v10 =	vmul.f32 v14, v4;
	v5 =	vld [tilespmem:s5+$0xFFFFFF80];
	(pc) =	sbr.rel @p1 .LBB2_9-.Ltmp3, $4  }
0x39a: {  	v11 =	vadd.s32 $0x1, v11;
	v14 =	vadd.s32 $0x2, v15;
	[tilespmem:s5+$0xFFFFFF20] =	vst v7;
	v15 =	vmul.f32 v19, v4;
	v7 =	vld [tilespmem:s5+$0xFFFFFF90]  }
0x39b: {  	v16 =	vadd.s32 $0x3, v8;
	v12 =	vadd.s32 $0x4, v12;
	[tilespmem:s5+$0xFFFFFF30] =	vst v10;
	v19 =	vmul.f32 v13, v4;
	v8 =	vld [tilespmem:s5+$0xFFFFFFA0]  }
0x39c: {  	v10 =	vbroadcast v11, $0x0;
	v13 =	vadd.s32 $0x5, v9;
	[tilespmem:s5+$0xFFFFFF40] =	vst v15;
	v15 =	vmul.f32 v20, v4;
	v9 =	vld [tilespmem:s5+$0xFFFFFFB0]  }
0x39d: {  	s9 =	sadd.s32 $0x7, s8;
	s8 =	sadd.s32 $0x8, s8;
	v4 =	vbroadcast v14, $0x0;
	v14 =	vadd.s32 $0x6, v18;
	[tilespmem:s5+$0xFFFFFF50] =	vst v19;
	v17 =	vmul.f32 v17, v3;
	v11 =	vld [tilespmem:s5+$0xFFFFFFC0]  }
0x39e: {  	_ = 	snop  }
0x39f: {  	v19 =	vld [tilespmem:s5+$0xFFFFFFD0]  }
0x3a0: {  	v20 =	vld [tilespmem:s5+$0xFFFFFFE0]  }
0x3a1: {  	v18 =	vmov s9;
	v21 =	vld [tilespmem:s5+$0xFFFFFFF0]  }
0x3a2: {  	v6 =	vld.idx.msk [tilespmem:v6+s29+$0x0], $0xffff;
	v18 =	vshrl.u32 v18, $0x3  }
0x3a3: {  	v16 =	vbroadcast v16, $0x0;
	v10 =	vld.idx.msk [tilespmem:v10+s29+$0x0], $0xffff;
	v18 =	vshll.u32 v18, v0  }
0x3a4: {  	v13 =	vbroadcast v13, $0x0;
	s8 =	sadd.s32 $0x280, s5;
	v22 =	vld.idx.msk [tilespmem:v4+s29+$0x0], $0xffff;
	v7 =	vmul.f32 v7, v3;
	v18 =	vadd.s32 $0x7, v18  }
0x3a5: {  	[tilespmem:s5+$0xFFFFFF60] =	vst v15;
	v15 =	vld [tilespmem:s8+$0xFFFFFDF0];
	v18 =	vbroadcast v18, $0x0  }
0x3a6: {  	v14 =	vbroadcast v14, $0x0;
	v8 =	vmul.f32 v8, v3;
	[tilespmem:s5+$0xFFFFFF90] =	vst v7;
	v7 =	vld [tilespmem:s8+$0x0]  }
0x3a7: {  	v4 =	vmul.f32 v5, v3;
	v3 =	vmul.f32 v9, v3;
	v9 =	vld [tilespmem:s8+$0xFFFFFD90]  }
0x3a8: {  	[tilespmem:s5+$0xFFFFFFA0] =	vst v8;
	v8 =	vmul.f32 v11, v2;
	v11 =	vld [tilespmem:s8+$0xFFFFFDA0]  }
0x3a9: {  	v16 =	vld.idx.msk [tilespmem:v16+s29+$0x0], $0xffff  }
0x3aa: {  	[tilespmem:s5+$0xFFFFFF80] =	vst v4;
	v5 =	vld.idx.msk [tilespmem:v13+s29+$0x0], $0xffff  }
0x3ab: {  	v12 =	vbroadcast v12, $0x0;
	[tilespmem:s5+$0xFFFFFFB0] =	vst v3;
	v3 =	vmul.f32 v19, v2;
	v4 =	vld.idx.msk [tilespmem:v18+s29+$0x0], $0xffff  }
0x3ac: {  	v13 =	vld.idx.msk [tilespmem:v14+s29+$0x0], $0xffff;
	[tilespmem:s5+$0xFFFFFFC0] =	vst v8;
	v8 =	vmul.f32 v20, v2  }
0x3ad: {  	v14 =	vld [tilespmem:s8+$0xFFFFFDB0];
	v2 =	vmul.f32 v21, v2;
	[tilespmem:s5+$0xFFFFFFD0] =	vst v3  }
0x3ae: {  	v3 =	vld [tilespmem:s8+$0xFFFFFDC0];
	[tilespmem:s5+$0xFFFFFFE0] =	vst v8  }
0x3af: {  	v8 =	vld [tilespmem:s8+$0xFFFFFDD0];
	[tilespmem:s5+$0xFFFFFFF0] =	vst v2;
	v2 =	vmul.f32 v9, v6  }
0x3b0: {  	[tilespmem:s5+$0xFFFFFF70] =	vst v17;
	v9 =	vld [tilespmem:s8+$0xFFFFFDE0];
	v7 =	vmul.f32 v7, v4  }
0x3b1: {  	v12 =	vld.idx.msk [tilespmem:v12+s29+$0x0], $0xffff;
	v11 =	vmul.f32 v11, v6;
	[tilespmem:s8+$0xFFFFFD90] =	vst v2  }
0x3b2: {  	v2 =	vmul.f32 v14, v6;
	[tilespmem:s8+$0x0] =	vst v7;
	v7 =	vld [tilespmem:s8+$0xFFFFFE00]  }
0x3b3: {  	[tilespmem:s8+$0xFFFFFDA0] =	vst v11;
	v11 =	vld [tilespmem:s8+$0xFFFFFE10];
	v3 =	vmul.f32 v3, v6  }
0x3b4: {  	[tilespmem:s8+$0xFFFFFDB0] =	vst v2;
	v2 =	vmul.f32 v8, v6;
	v6 =	vld [tilespmem:s8+$0xFFFFFE20]  }
0x3b5: {  	v8 =	vld [tilespmem:s8+$0xFFFFFE30];
	[tilespmem:s8+$0xFFFFFDC0] =	vst v3;
	v3 =	vmul.f32 v9, v10  }
0x3b6: {  	v9 =	vld [tilespmem:s8+$0xFFFFFE40];
	[tilespmem:s8+$0xFFFFFDD0] =	vst v2;
	v2 =	vmul.f32 v15, v10  }
0x3b7: {  	[tilespmem:s8+$0xFFFFFDE0] =	vst v3;
	v3 =	vmul.f32 v7, v10;
	v7 =	vld [tilespmem:s8+$0xFFFFFE50]  }
0x3b8: {  	[tilespmem:s8+$0xFFFFFDF0] =	vst v2;
	v2 =	vmul.f32 v11, v10;
	v11 =	vld [tilespmem:s8+$0xFFFFFE60]  }
0x3b9: {  	[tilespmem:s8+$0xFFFFFE00] =	vst v3;
	v3 =	vmul.f32 v6, v10;
	v6 =	vld [tilespmem:s8+$0xFFFFFE70]  }
0x3ba: {  	[tilespmem:s8+$0xFFFFFE10] =	vst v2;
	v2 =	vmul.f32 v8, v22;
	v8 =	vld [tilespmem:s8+$0xFFFFFE80]  }
0x3bb: {  	[tilespmem:s8+$0xFFFFFE20] =	vst v3;
	v3 =	vmul.f32 v9, v22;
	v9 =	vld [tilespmem:s8+$0xFFFFFE90]  }
0x3bc: {  	[tilespmem:s8+$0xFFFFFE30] =	vst v2;
	v2 =	vmul.f32 v7, v22;
	v7 =	vld [tilespmem:s8+$0xFFFFFEA0]  }
0x3bd: {  	v10 =	vld [tilespmem:s8+$0xFFFFFEB0];
	[tilespmem:s8+$0xFFFFFE40] =	vst v3;
	v3 =	vmul.f32 v11, v22  }
0x3be: {  	[tilespmem:s8+$0xFFFFFE50] =	vst v2;
	v2 =	vmul.f32 v6, v22;
	v6 =	vld [tilespmem:s8+$0xFFFFFEC0]  }
0x3bf: {  	[tilespmem:s8+$0xFFFFFE60] =	vst v3;
	v3 =	vmul.f32 v8, v16;
	v8 =	vld [tilespmem:s8+$0xFFFFFED0]  }
0x3c0: {  	[tilespmem:s8+$0xFFFFFE70] =	vst v2;
	v2 =	vmul.f32 v9, v16;
	v9 =	vld [tilespmem:s8+$0xFFFFFEE0]  }
0x3c1: {  	[tilespmem:s8+$0xFFFFFE80] =	vst v3;
	v3 =	vmul.f32 v7, v16;
	v7 =	vld [tilespmem:s8+$0xFFFFFEF0]  }
0x3c2: {  	[tilespmem:s8+$0xFFFFFE90] =	vst v2;
	v2 =	vmul.f32 v10, v16;
	v10 =	vld [tilespmem:s8+$0xFFFFFF00]  }
0x3c3: {  	[tilespmem:s8+$0xFFFFFEA0] =	vst v3;
	v3 =	vmul.f32 v6, v16;
	v6 =	vld [tilespmem:s8+$0xFFFFFF10]  }
0x3c4: {  	[tilespmem:s8+$0xFFFFFEB0] =	vst v2;
	v2 =	vmul.f32 v8, v12;
	v8 =	vld [tilespmem:s8+$0xFFFFFF20]  }
0x3c5: {  	[tilespmem:s8+$0xFFFFFEC0] =	vst v3;
	v3 =	vmul.f32 v9, v12;
	v9 =	vld [tilespmem:s8+$0xFFFFFF30]  }
0x3c6: {  	[tilespmem:s8+$0xFFFFFED0] =	vst v2;
	v2 =	vmul.f32 v7, v12;
	v7 =	vld [tilespmem:s8+$0xFFFFFF40]  }
0x3c7: {  	[tilespmem:s8+$0xFFFFFEE0] =	vst v3;
	v3 =	vmul.f32 v10, v12;
	v10 =	vld [tilespmem:s8+$0xFFFFFF50]  }
0x3c8: {  	[tilespmem:s8+$0xFFFFFEF0] =	vst v2;
	v2 =	vmul.f32 v6, v12;
	v6 =	vld [tilespmem:s8+$0xFFFFFF60]  }
0x3c9: {  	[tilespmem:s8+$0xFFFFFF00] =	vst v3;
	v3 =	vmul.f32 v8, v5;
	v8 =	vld [tilespmem:s8+$0xFFFFFF70]  }
0x3ca: {  	[tilespmem:s8+$0xFFFFFF10] =	vst v2;
	v2 =	vmul.f32 v9, v5;
	v9 =	vld [tilespmem:s8+$0xFFFFFF80]  }
0x3cb: {  	[tilespmem:s8+$0xFFFFFF20] =	vst v3;
	v3 =	vmul.f32 v7, v5;
	v7 =	vld [tilespmem:s8+$0xFFFFFF90]  }
0x3cc: {  	[tilespmem:s8+$0xFFFFFF30] =	vst v2;
	v2 =	vmul.f32 v10, v5;
	v10 =	vld [tilespmem:s8+$0xFFFFFFA0]  }
0x3cd: {  	[tilespmem:s8+$0xFFFFFF40] =	vst v3;
	v3 =	vmul.f32 v6, v5;
	v5 =	vld [tilespmem:s8+$0xFFFFFFB0]  }
0x3ce: {  	v6 =	vld [tilespmem:s8+$0xFFFFFFC0];
	[tilespmem:s8+$0xFFFFFF50] =	vst v2;
	v2 =	vmul.f32 v8, v13  }
0x3cf: {  	v8 =	vld [tilespmem:s8+$0xFFFFFFD0];
	[tilespmem:s8+$0xFFFFFF60] =	vst v3;
	v3 =	vmul.f32 v9, v13  }
0x3d0: {  	[tilespmem:s8+$0xFFFFFF70] =	vst v2;
	v2 =	vmul.f32 v7, v13;
	v7 =	vld [tilespmem:s8+$0xFFFFFFE0]  }
0x3d1: {  	v9 =	vld [tilespmem:s8+$0xFFFFFFF0];
	[tilespmem:s8+$0xFFFFFF80] =	vst v3;
	v3 =	vmul.f32 v10, v13  }
0x3d2: {  	[tilespmem:s8+$0xFFFFFF90] =	vst v2;
	v2 =	vmul.f32 v5, v13  }
0x3d3: {  	[tilespmem:s8+$0xFFFFFFA0] =	vst v3;
	v3 =	vmul.f32 v6, v4  }
0x3d4: {  	[tilespmem:s8+$0xFFFFFFB0] =	vst v2;
	v2 =	vmul.f32 v8, v4  }
0x3d5: {  	[tilespmem:s8+$0xFFFFFFC0] =	vst v3;
	v3 =	vmul.f32 v7, v4  }
0x3d6: {  	[tilespmem:s8+$0xFFFFFFD0] =	vst v2;
	v2 =	vmul.f32 v9, v4  }
0x3d7: {  	[tilespmem:s8+$0xFFFFFFE0] =	vst v3  }
0x3d8: {  	[tilespmem:s8+$0xFFFFFFF0] =	vst v2  }
0x3d9: {  	[spmem:s2] =	stream.indirect.scatter.add.f32 [tilespmem:s25], [sflag:$0x2], $0x50, s6, s21, $0xb8;
	[tilespmem:$0x1DCF0] =	vst v63  }
0x3da: {  	_ =	swait.ge [sflag:s28], $0x1900  }
0x3db: {  	[sflag:s28] =	ssyncset.done $0x0  }
0x3dc: {  	[sflag:s28] =	ssyncadd.s32 $0xFFFFE700  }
0x3dd: {  	v2 =	vld [tilespmem:s14+$0x140]  }
0x3de: {  	v3 =	vld [tilespmem:s1+$0x2710];
	_ =	sdelay $0x6  }
0x3df: {  	v2 =	vld.idx.msk [tilespmem:v2+s18+$0x0], $0xffff  }
0x3e0: {  	v3 =	vld.idx.msk [tilespmem:v3+s19+$0x0], $0xffff;
	_ =	sdelay $0x4  }
0x3e1: {  	v2 =	vadd.f32 v3, v2;
	_ =	sdelay $0x1  }
0x3e2: {  	v3 =	vmul.f32 $2.000000030e-01, v2  }
0x3e3: {  	vm0 =	vgt.f32 v2, $0.0e+00  }
0x3e4: {  	v2 =	vsel vm0, v2, v3  }
0x3e5: {  	v2 =	vsub.f32 v2, v1;
	_ =	sdelay $0x1  }
0x3e6: {  	v2 =	vmul.f32 $1.442695020e+00, v2;
	_ =	sdelay $0x1  }
0x3e7: {  	(erf) = vpow2.f32 v2;
	_ =	sdelay $0x8  }
0x3e8: {  	v2 =	vpop (erf)  }
0x3e9: {  	[tilespmem:$0xCB20] =	vst v2  }
0x3ea: {  	v2 =	vld [tilespmem:s14+$0x150]  }
0x3eb: {  	v3 =	vld [tilespmem:s14+$0x2860];
	_ =	sdelay $0x6  }
0x3ec: {  	v2 =	vld.idx.msk [tilespmem:v2+s18+$0x0], $0xffff  }
0x3ed: {  	v3 =	vld.idx.msk [tilespmem:v3+s19+$0x0], $0xffff;
	_ =	sdelay $0x4  }
0x3ee: {  	v2 =	vadd.f32 v3, v2;
	_ =	sdelay $0x1  }
0x3ef: {  	v3 =	vmul.f32 $2.000000030e-01, v2  }
0x3f0: {  	vm12 =	vgt.f32 v2, $0.0e+00  }
0x3f1: {  	v2 =	vsel vm12, v2, v3  }
0x3f2: {  	v2 =	vsub.f32 v2, v1;
	_ =	sdelay $0x1  }
0x3f3: {  	v2 =	vmul.f32 $1.442695020e+00, v2;
	_ =	sdelay $0x1  }
0x3f4: {  	(erf) = vpow2.f32 v2;
	_ =	sdelay $0x8  }
0x3f5: {  	v2 =	vpop (erf)  }
0x3f6: {  	[tilespmem:$0xCB30] =	vst v2  }
0x3f7: {  	v2 =	vld [tilespmem:s14+$0x160]  }
0x3f8: {  	v3 =	vld [tilespmem:s14+$0x2870];
	_ =	sdelay $0x6  }
0x3f9: {  	v2 =	vld.idx.msk [tilespmem:v2+s18+$0x0], $0xffff  }
0x3fa: {  	v3 =	vld.idx.msk [tilespmem:v3+s19+$0x0], $0xffff;
	_ =	sdelay $0x4  }
0x3fb: {  	v2 =	vadd.f32 v3, v2;
	_ =	sdelay $0x1  }
0x3fc: {  	v3 =	vmul.f32 $2.000000030e-01, v2  }
0x3fd: {  	vm13 =	vgt.f32 v2, $0.0e+00  }
0x3fe: {  	v2 =	vsel vm13, v2, v3  }
0x3ff: {  	v2 =	vsub.f32 v2, v1;
	_ =	sdelay $0x1  }
0x400: {  	v2 =	vmul.f32 $1.442695020e+00, v2;
	_ =	sdelay $0x1  }
0x401: {  	(erf) = vpow2.f32 v2;
	_ =	sdelay $0x8  }
0x402: {  	v2 =	vpop (erf)  }
0x403: {  	[tilespmem:$0xCB40] =	vst v2  }
0x404: {  	v2 =	vld [tilespmem:s14+$0x170]  }
0x405: {  	v3 =	vld [tilespmem:s14+$0x2880];
	_ =	sdelay $0x6  }
0x406: {  	v2 =	vld.idx.msk [tilespmem:v2+s18+$0x0], $0xffff  }
0x407: {  	v3 =	vld.idx.msk [tilespmem:v3+s19+$0x0], $0xffff;
	_ =	sdelay $0x4  }
0x408: {  	v2 =	vadd.f32 v3, v2;
	_ =	sdelay $0x1  }
0x409: {  	v3 =	vmul.f32 $2.000000030e-01, v2  }
0x40a: {  	vm14 =	vgt.f32 v2, $0.0e+00  }
0x40b: {  	v2 =	vsel vm14, v2, v3  }
0x40c: {  	v2 =	vsub.f32 v2, v1;
	_ =	sdelay $0x1  }
0x40d: {  	v2 =	vmul.f32 $1.442695020e+00, v2;
	_ =	sdelay $0x1  }
0x40e: {  	(erf) = vpow2.f32 v2;
	_ =	sdelay $0x8  }
0x40f: {  	v2 =	vpop (erf)  }
0x410: {  	[tilespmem:$0xCB50] =	vst v2  }
0x411: {  	v2 =	vld [tilespmem:s14+$0x180]  }
0x412: {  	v3 =	vld [tilespmem:s14+$0x2890];
	_ =	sdelay $0x6  }
0x413: {  	v2 =	vld.idx.msk [tilespmem:v2+s18+$0x0], $0xffff  }
0x414: {  	v3 =	vld.idx.msk [tilespmem:v3+s19+$0x0], $0xffff;
	_ =	sdelay $0x4  }
0x415: {  	v2 =	vadd.f32 v3, v2;
	_ =	sdelay $0x1  }
0x416: {  	v3 =	vmul.f32 $2.000000030e-01, v2  }
0x417: {  	vm15 =	vgt.f32 v2, $0.0e+00  }
0x418: {  	v2 =	vsel vm15, v2, v3  }
0x419: {  	v2 =	vsub.f32 v2, v1;
	_ =	sdelay $0x1  }
0x41a: {  	s11 =	simm.s32 $0x3;
	s12 =	simm.s32 $0x4;
	v2 =	vmul.f32 $1.442695020e+00, v2  }
0x41b: {  	s20 =	simm.s32 $0x6;
	v5 =	vmov s11;
	v6 =	vmov s12  }
0x41c: {  	v5 =	vshrl.u32 v5, $0x3;
	v8 =	vmov s20;
	s8 =	simm.s32 $0x0;
	(erf) = vpow2.f32 v2  }
0x41d: {  	s9 =	simm.s32 $0x1;
	v6 =	vshrl.u32 v6, $0x3;
	v5 =	vshll.u32 v5, v0;
	v3 =	vmov s8  }
0x41e: {  	s10 =	simm.s32 $0x2;
	v8 =	vshrl.u32 v8, $0x3;
	v2 =	vshrl.u32 v3, $0x3;
	v3 =	vmov s9  }
0x41f: {  	v6 =	vshll.u32 v6, v0;
	v4 =	vmov s10;
	v3 =	vshrl.u32 v3, $0x3  }
0x420: {  	v4 =	vshrl.u32 v4, $0x3;
	v2 =	vshll.u32 v2, v0;
	v3 =	vshll.u32 v3, v0  }
0x421: {  	v4 =	vshll.u32 v4, v0;
	s14 =	simm.s32 $0x5;
	v2 =	vbroadcast v2, $0x0;
	v3 =	vadd.s32 $0x1, v3  }
0x422: {  	v4 =	vadd.s32 $0x2, v4;
	v7 =	vmov s14;
	v3 =	vbroadcast v3, $0x0  }
0x423: {  	v5 =	vadd.s32 $0x3, v5;
	v4 =	vbroadcast v4, $0x0;
	v7 =	vshrl.u32 v7, $0x3  }
0x424: {  	v6 =	vadd.s32 $0x4, v6;
	v5 =	vbroadcast v5, $0x0;
	s6 =	simm.s32 $0x7;
	v7 =	vshll.u32 v7, v0  }
0x425: {  	v6 =	vbroadcast v6, $0x0;
	v9 =	vmov s6;
	v7 =	vadd.s32 $0x5, v7;
	v10 =	vpop (erf)  }
0x426: {  	v8 =	vshll.u32 v8, v0;
	v9 =	vshrl.u32 v9, $0x3;
	v7 =	vbroadcast v7, $0x0;
	[tilespmem:$0xCB60] =	vst v10  }
0x427: {  	v8 =	vadd.s32 $0x6, v8;
	v9 =	vshll.u32 v9, v0;
	v10 =	vld.idx.msk [tilespmem:v2+s29+$0x0], $0xffff  }
0x428: {  	v2 =	vbroadcast v8, $0x0;
	v8 =	vadd.s32 $0x7, v9;
	v9 =	vld.idx.msk [tilespmem:v3+s29+$0x0], $0xffff  }
0x429: {  	v11 =	vld.idx.msk [tilespmem:v4+s29+$0x0], $0xffff  }
0x42a: {  	v5 =	vld.idx.msk [tilespmem:v5+s29+$0x0], $0xffff;
	v8 =	vbroadcast v8, $0x0  }
0x42b: {  	v12 =	vld.idx.msk [tilespmem:v6+s29+$0x0], $0xffff  }
0x42c: {  	s5 =	simm.s32 $0xB490;
	v4 =	vld.idx.msk [tilespmem:v7+s29+$0x0], $0xffff  }
0x42d: {  	v6 =	vld [tilespmem:s5+$0x0]  }
0x42e: {  	v7 =	vld [tilespmem:s5+$0xFFFFFD90]  }
0x42f: {  	v3 =	vld.idx.msk [tilespmem:v2+s29+$0x0], $0xffff  }
0x430: {  	v2 =	vld.idx.msk [tilespmem:v8+s29+$0x0], $0xffff  }
0x431: {  	v8 =	vld [tilespmem:s5+$0xFFFFFDA0]  }
0x432: {  	v13 =	vld [tilespmem:s5+$0xFFFFFDB0]  }
0x433: {  	v14 =	vld [tilespmem:s5+$0xFFFFFDC0]  }
0x434: {  	v15 =	vld [tilespmem:s5+$0xFFFFFDD0];
	v7 =	vmul.f32 v7, v10  }
0x435: {  	v16 =	vld [tilespmem:s5+$0xFFFFFDE0];
	v6 =	vmul.f32 v6, v2  }
0x436: {  	v17 =	vld [tilespmem:s5+$0xFFFFFDF0];
	[tilespmem:s5+$0xFFFFFD90] =	vst v7;
	v8 =	vmul.f32 v8, v10  }
0x437: {  	v7 =	vld [tilespmem:s5+$0xFFFFFE00];
	[tilespmem:s5+$0x0] =	vst v6;
	v6 =	vmul.f32 v13, v10  }
0x438: {  	[tilespmem:s5+$0xFFFFFDA0] =	vst v8;
	v8 =	vmul.f32 v14, v10;
	v13 =	vld [tilespmem:s5+$0xFFFFFE10]  }
0x439: {  	[tilespmem:s5+$0xFFFFFDB0] =	vst v6;
	v6 =	vmul.f32 v15, v10;
	v10 =	vld [tilespmem:s5+$0xFFFFFE20]  }
0x43a: {  	v14 =	vld [tilespmem:s5+$0xFFFFFE30];
	[tilespmem:s5+$0xFFFFFDC0] =	vst v8;
	v8 =	vmul.f32 v16, v9  }
0x43b: {  	v15 =	vld [tilespmem:s5+$0xFFFFFE40];
	[tilespmem:s5+$0xFFFFFDD0] =	vst v6;
	v6 =	vmul.f32 v17, v9  }
0x43c: {  	v7 =	vmul.f32 v7, v9;
	[tilespmem:s5+$0xFFFFFDE0] =	vst v8;
	v8 =	vld [tilespmem:s5+$0xFFFFFE50]  }
0x43d: {  	[tilespmem:s5+$0xFFFFFDF0] =	vst v6;
	v6 =	vmul.f32 v13, v9;
	v13 =	vld [tilespmem:s5+$0xFFFFFE60]  }
0x43e: {  	[tilespmem:s5+$0xFFFFFE00] =	vst v7;
	v7 =	vmul.f32 v10, v9;
	v9 =	vld [tilespmem:s5+$0xFFFFFE70]  }
0x43f: {  	v10 =	vld [tilespmem:s5+$0xFFFFFE80];
	[tilespmem:s5+$0xFFFFFE10] =	vst v6;
	v6 =	vmul.f32 v14, v11  }
0x440: {  	v14 =	vld [tilespmem:s5+$0xFFFFFE90];
	[tilespmem:s5+$0xFFFFFE20] =	vst v7;
	v7 =	vmul.f32 v15, v11  }
0x441: {  	[tilespmem:s5+$0xFFFFFE30] =	vst v6;
	v6 =	vmul.f32 v8, v11;
	v8 =	vld [tilespmem:s5+$0xFFFFFEA0]  }
0x442: {  	[tilespmem:s5+$0xFFFFFE40] =	vst v7;
	v7 =	vmul.f32 v13, v11;
	v13 =	vld [tilespmem:s5+$0xFFFFFEB0]  }
0x443: {  	[tilespmem:s5+$0xFFFFFE50] =	vst v6;
	v6 =	vmul.f32 v9, v11;
	v9 =	vld [tilespmem:s5+$0xFFFFFEC0]  }
0x444: {  	s12 =	simm.s32 $0xC;
	s20 =	simm.s32 $0xE;
	[tilespmem:s5+$0xFFFFFE60] =	vst v7;
	v7 =	vmul.f32 v10, v5;
	v10 =	vld [tilespmem:s5+$0xFFFFFED0]  }
0x445: {  	v18 =	vmov s12;
	v61 =	vmov s20;
	s10 =	simm.s32 $0xA;
	s14 =	simm.s32 $0xD;
	[tilespmem:s5+$0xFFFFFE70] =	vst v6;
	v6 =	vmul.f32 v14, v5;
	v14 =	vld [tilespmem:s5+$0xFFFFFEE0]  }
0x446: {  	s11 =	simm.s32 $0xB;
	v19 =	vmov s14;
	s8 =	simm.s32 $0x8;
	v16 =	vmov s10;
	[tilespmem:s5+$0xFFFFFE80] =	vst v7;
	v7 =	vmul.f32 v8, v5;
	v8 =	vld [tilespmem:s5+$0xFFFFFEF0]  }
0x447: {  	s9 =	simm.s32 $0x9;
	v17 =	vmov s11;
	v11 =	vmov s8;
	[tilespmem:s5+$0xFFFFFE90] =	vst v6;
	v6 =	vmul.f32 v13, v5;
	v13 =	vld [tilespmem:s5+$0xFFFFFF00]  }
0x448: {  	v15 =	vmov s9;
	v11 =	vshrl.u32 v11, $0x3;
	[tilespmem:s5+$0xFFFFFEA0] =	vst v7;
	v5 =	vmul.f32 v9, v5;
	v7 =	vld [tilespmem:s5+$0xFFFFFF10]  }
0x449: {  	v9 =	vshll.u32 v11, v0;
	v11 =	vshrl.u32 v15, $0x3;
	[tilespmem:s5+$0xFFFFFEB0] =	vst v6;
	v6 =	vmul.f32 v10, v12;
	v10 =	vld [tilespmem:s5+$0xFFFFFF20]  }
0x44a: {  	v15 =	vshrl.u32 v16, $0x3;
	v16 =	vshrl.u32 v17, $0x3;
	[tilespmem:s5+$0xFFFFFEC0] =	vst v5;
	v5 =	vmul.f32 v14, v12;
	v14 =	vld [tilespmem:s5+$0xFFFFFF30]  }
0x44b: {  	v17 =	vshrl.u32 v18, $0x3;
	v18 =	vshrl.u32 v19, $0x3;
	v19 =	vld [tilespmem:s5+$0xFFFFFF40];
	[tilespmem:s5+$0xFFFFFED0] =	vst v6;
	v8 =	vmul.f32 v8, v12  }
0x44c: {  	v11 =	vshll.u32 v11, v0;
	v15 =	vshll.u32 v15, v0;
	[tilespmem:s5+$0xFFFFFEE0] =	vst v5;
	v5 =	vmul.f32 v13, v12;
	v13 =	vld [tilespmem:s5+$0xFFFFFF50]  }
0x44d: {  	v62 =	vld [tilespmem:s5+$0xFFFFFF60];
	v18 =	vshll.u32 v18, v0;
	v6 =	vbroadcast v9, $0x0;
	[tilespmem:s5+$0xFFFFFEF0] =	vst v8;
	v7 =	vmul.f32 v7, v12  }
0x44e: {  	v9 =	vshrl.u32 v61, $0x3;
	v12 =	vshll.u32 v17, v0;
	v17 =	vld [tilespmem:s5+$0xFFFFFF70];
	[tilespmem:s5+$0xFFFFFF00] =	vst v5;
	v10 =	vmul.f32 v10, v4  }
0x44f: {  	v11 =	vadd.s32 $0x1, v11;
	v63 =	vshll.u32 v9, v0;
	v5 =	vld [tilespmem:s5+$0xFFFFFF80];
	[tilespmem:s5+$0xFFFFFF10] =	vst v7;
	v9 =	vmul.f32 v14, v4  }
0x450: {  	v8 =	vshll.u32 v16, v0;
	v14 =	vadd.s32 $0x2, v15;
	v15 =	vmul.f32 v19, v4;
	v7 =	vld [tilespmem:s5+$0xFFFFFF90];
	[tilespmem:s5+$0xFFFFFF20] =	vst v10  }
0x451: {  	v16 =	vadd.s32 $0x3, v8;
	v12 =	vadd.s32 $0x4, v12;
	v8 =	vld [tilespmem:s5+$0xFFFFFFA0];
	[tilespmem:s5+$0xFFFFFF30] =	vst v9;
	v19 =	vmul.f32 v13, v4  }
0x452: {  	v10 =	vbroadcast v11, $0x0;
	v13 =	vadd.s32 $0x5, v18;
	[tilespmem:s5+$0xFFFFFF40] =	vst v15;
	v15 =	vmul.f32 v62, v4;
	v9 =	vld [tilespmem:s5+$0xFFFFFFB0]  }
0x453: {  	s6 =	simm.s32 $0x10;
	s1 =	sadd.s32 $0x2710, s1;
	s8 =	simm.s32 $0xF;
	v11 =	vld [tilespmem:s5+$0xFFFFFFC0];
	v4 =	vbroadcast v14, $0x0;
	v14 =	vadd.s32 $0x6, v63;
	v17 =	vmul.f32 v17, v3;
	[tilespmem:s5+$0xFFFFFF50] =	vst v19  }
.LBB2_11:
0x454: {  	p1 =	slt.u32 s6, $0x48;
	v16 =	vbroadcast v16, $0x0;
	v18 =	vmov s8;
	[tilespmem:s5+$0xFFFFFF60] =	vst v15;
	v5 =	vmul.f32 v5, v3;
	v15 =	vld [tilespmem:s5+$0xFFFFFFD0]  }
0x455: {  	v12 =	vbroadcast v12, $0x0;
	v18 =	vshrl.u32 v18, $0x3;
	[tilespmem:s5+$0xFFFFFF70] =	vst v17;
	v7 =	vmul.f32 v7, v3;
	v17 =	vld [tilespmem:s5+$0xFFFFFFE0]  }
0x456: {  	v13 =	vbroadcast v13, $0x0;
	v18 =	vshll.u32 v18, v0;
	[tilespmem:s5+$0xFFFFFF80] =	vst v5;
	v5 =	vmul.f32 v8, v3;
	v8 =	vld [tilespmem:s5+$0xFFFFFFF0]  }
0x457: {  	v14 =	vbroadcast v14, $0x0;
	v6 =	vld.idx.msk [tilespmem:v6+s29+$0x0], $0xffff;
	v18 =	vadd.s32 $0x7, v18;
	[tilespmem:s5+$0xFFFFFF90] =	vst v7;
	v3 =	vmul.f32 v9, v3  }
0x458: {  	v7 =	vld.idx.msk [tilespmem:v10+s29+$0x0], $0xffff;
	v9 =	vbroadcast v18, $0x0;
	[tilespmem:s5+$0xFFFFFFA0] =	vst v5;
	v5 =	vmul.f32 v11, v2  }
0x459: {  	v10 =	vld.idx.msk [tilespmem:v4+s29+$0x0], $0xffff;
	[tilespmem:s5+$0xFFFFFFB0] =	vst v3;
	v3 =	vmul.f32 v15, v2  }
0x45a: {  	v11 =	vld.idx.msk [tilespmem:v16+s29+$0x0], $0xffff;
	[tilespmem:s5+$0xFFFFFFC0] =	vst v5;
	v15 =	vmul.f32 v17, v2  }
0x45b: {  	v5 =	vld.idx.msk [tilespmem:v12+s29+$0x0], $0xffff;
	[tilespmem:s5+$0xFFFFFFD0] =	vst v3;
	v2 =	vmul.f32 v8, v2  }
0x45c: {  	v4 =	vld.idx.msk [tilespmem:v13+s29+$0x0], $0xffff;
	[tilespmem:s5+$0xFFFFFFE0] =	vst v15  }
0x45d: {  	v3 =	vld.idx.msk [tilespmem:v14+s29+$0x0], $0xffff;
	[tilespmem:s5+$0xFFFFFFF0] =	vst v2  }
0x45e: {  	s5 =	sadd.s32 $0x280, s5;
	v2 =	vld.idx.msk [tilespmem:v9+s29+$0x0], $0xffff  }
0x45f: {  	v8 =	vld [tilespmem:s5+$0x0]  }
0x460: {  	v9 =	vld [tilespmem:s5+$0xFFFFFD90]  }
0x461: {  	v12 =	vld [tilespmem:s5+$0xFFFFFDA0]  }
0x462: {  	v13 =	vld [tilespmem:s5+$0xFFFFFDB0]  }
0x463: {  	v14 =	vld [tilespmem:s5+$0xFFFFFDC0]  }
0x464: {  	v15 =	vld [tilespmem:s5+$0xFFFFFDD0];
	v8 =	vmul.f32 v8, v2  }
0x465: {  	v9 =	vmul.f32 v9, v6;
	v16 =	vld [tilespmem:s5+$0xFFFFFDE0]  }
0x466: {  	v12 =	vmul.f32 v12, v6;
	v17 =	vld [tilespmem:s5+$0xFFFFFDF0];
	[tilespmem:s5+$0x0] =	vst v8  }
0x467: {  	[tilespmem:s5+$0xFFFFFD90] =	vst v9;
	v8 =	vmul.f32 v13, v6;
	v9 =	vld [tilespmem:s5+$0xFFFFFE00]  }
0x468: {  	[tilespmem:s5+$0xFFFFFDA0] =	vst v12;
	v12 =	vmul.f32 v14, v6;
	v13 =	vld [tilespmem:s5+$0xFFFFFE10]  }
0x469: {  	[tilespmem:s5+$0xFFFFFDB0] =	vst v8;
	v6 =	vmul.f32 v15, v6;
	v8 =	vld [tilespmem:s5+$0xFFFFFE20]  }
0x46a: {  	[tilespmem:s5+$0xFFFFFDC0] =	vst v12;
	v12 =	vmul.f32 v16, v7;
	v14 =	vld [tilespmem:s5+$0xFFFFFE30]  }
0x46b: {  	[tilespmem:s5+$0xFFFFFDD0] =	vst v6;
	v6 =	vmul.f32 v17, v7;
	v15 =	vld [tilespmem:s5+$0xFFFFFE40]  }
0x46c: {  	[tilespmem:s5+$0xFFFFFDE0] =	vst v12;
	v9 =	vmul.f32 v9, v7;
	v12 =	vld [tilespmem:s5+$0xFFFFFE50]  }
0x46d: {  	[tilespmem:s5+$0xFFFFFDF0] =	vst v6;
	v6 =	vmul.f32 v13, v7;
	v13 =	vld [tilespmem:s5+$0xFFFFFE60]  }
0x46e: {  	[tilespmem:s5+$0xFFFFFE00] =	vst v9;
	v7 =	vmul.f32 v8, v7;
	v8 =	vld [tilespmem:s5+$0xFFFFFE70]  }
0x46f: {  	[tilespmem:s5+$0xFFFFFE10] =	vst v6;
	v6 =	vmul.f32 v14, v10;
	v9 =	vld [tilespmem:s5+$0xFFFFFE80]  }
0x470: {  	[tilespmem:s5+$0xFFFFFE20] =	vst v7;
	v7 =	vmul.f32 v15, v10;
	v14 =	vld [tilespmem:s5+$0xFFFFFE90]  }
0x471: {  	[tilespmem:s5+$0xFFFFFE30] =	vst v6;
	v6 =	vmul.f32 v12, v10;
	v12 =	vld [tilespmem:s5+$0xFFFFFEA0]  }
0x472: {  	[tilespmem:s5+$0xFFFFFE40] =	vst v7;
	v7 =	vmul.f32 v13, v10;
	v13 =	vld [tilespmem:s5+$0xFFFFFEB0]  }
0x473: {  	[tilespmem:s5+$0xFFFFFE50] =	vst v6;
	v6 =	vmul.f32 v8, v10;
	v8 =	vld [tilespmem:s5+$0xFFFFFEC0]  }
0x474: {  	v10 =	vmov s6;
	[tilespmem:s5+$0xFFFFFE60] =	vst v7;
	v7 =	vmul.f32 v9, v11;
	v9 =	vld [tilespmem:s5+$0xFFFFFED0]  }
0x475: {  	s8 =	sadd.s32 $0x1, s6;
	s9 =	sadd.s32 $0x2, s6;
	v10 =	vshrl.u32 v10, $0x3;
	[tilespmem:s5+$0xFFFFFE70] =	vst v6;
	v6 =	vmul.f32 v14, v11;
	v14 =	vld [tilespmem:s5+$0xFFFFFEE0]  }
0x476: {  	v16 =	vmov s9;
	s9 =	sadd.s32 $0x4, s6;
	v15 =	vmov s8;
	s8 =	sadd.s32 $0x3, s6;
	[tilespmem:s5+$0xFFFFFE80] =	vst v7;
	v7 =	vmul.f32 v12, v11;
	v12 =	vld [tilespmem:s5+$0xFFFFFEF0]  }
0x477: {  	v18 =	vmov s9;
	s9 =	sadd.s32 $0x6, s6;
	v17 =	vmov s8;
	s8 =	sadd.s32 $0x5, s6;
	[tilespmem:s5+$0xFFFFFE90] =	vst v6;
	v6 =	vmul.f32 v13, v11;
	v13 =	vld [tilespmem:s5+$0xFFFFFF00]  }
0x478: {  	v20 =	vmov s9;
	v19 =	vmov s8;
	[tilespmem:s5+$0xFFFFFEA0] =	vst v7;
	v7 =	vmul.f32 v8, v11;
	v8 =	vld [tilespmem:s5+$0xFFFFFF10]  }
0x479: {  	v10 =	vshll.u32 v10, v0;
	v11 =	vshrl.u32 v15, $0x3;
	[tilespmem:s5+$0xFFFFFEB0] =	vst v6;
	v6 =	vmul.f32 v9, v5;
	v9 =	vld [tilespmem:s5+$0xFFFFFF20]  }
0x47a: {  	v15 =	vshrl.u32 v16, $0x3;
	v16 =	vshrl.u32 v17, $0x3;
	[tilespmem:s5+$0xFFFFFEC0] =	vst v7;
	v7 =	vmul.f32 v14, v5;
	v14 =	vld [tilespmem:s5+$0xFFFFFF30]  }
0x47b: {  	v17 =	vshrl.u32 v18, $0x3;
	v18 =	vshrl.u32 v19, $0x3;
	[tilespmem:s5+$0xFFFFFED0] =	vst v6;
	v12 =	vmul.f32 v12, v5;
	v19 =	vld [tilespmem:s5+$0xFFFFFF40]  }
0x47c: {  	v6 =	vbroadcast v10, $0x0;
	v10 =	vshrl.u32 v20, $0x3;
	[tilespmem:s5+$0xFFFFFEE0] =	vst v7;
	v7 =	vmul.f32 v13, v5;
	v13 =	vld [tilespmem:s5+$0xFFFFFF50]  }
0x47d: {  	v11 =	vshll.u32 v11, v0;
	v15 =	vshll.u32 v15, v0;
	[tilespmem:s5+$0xFFFFFEF0] =	vst v12;
	v5 =	vmul.f32 v8, v5;
	v20 =	vld [tilespmem:s5+$0xFFFFFF60]  }
0x47e: {  	v8 =	vshll.u32 v16, v0;
	v12 =	vshll.u32 v17, v0;
	[tilespmem:s5+$0xFFFFFF00] =	vst v7;
	v7 =	vmul.f32 v9, v4;
	v17 =	vld [tilespmem:s5+$0xFFFFFF70]  }
.Ltmp4:
0x47f: {  	v9 =	vshll.u32 v18, v0;
	v18 =	vshll.u32 v10, v0;
	[tilespmem:s5+$0xFFFFFF10] =	vst v5;
	v10 =	vmul.f32 v14, v4;
	v5 =	vld [tilespmem:s5+$0xFFFFFF80];
	(pc) =	sbr.rel @p1 .LBB2_11-.Ltmp4, $4  }
0x480: {  	v11 =	vadd.s32 $0x1, v11;
	v14 =	vadd.s32 $0x2, v15;
	[tilespmem:s5+$0xFFFFFF20] =	vst v7;
	v15 =	vmul.f32 v19, v4;
	v7 =	vld [tilespmem:s5+$0xFFFFFF90]  }
0x481: {  	v16 =	vadd.s32 $0x3, v8;
	v12 =	vadd.s32 $0x4, v12;
	[tilespmem:s5+$0xFFFFFF30] =	vst v10;
	v19 =	vmul.f32 v13, v4;
	v8 =	vld [tilespmem:s5+$0xFFFFFFA0]  }
0x482: {  	v10 =	vbroadcast v11, $0x0;
	v13 =	vadd.s32 $0x5, v9;
	[tilespmem:s5+$0xFFFFFF40] =	vst v15;
	v15 =	vmul.f32 v20, v4;
	v9 =	vld [tilespmem:s5+$0xFFFFFFB0]  }
0x483: {  	s8 =	sadd.s32 $0x7, s6;
	s6 =	sadd.s32 $0x8, s6;
	v4 =	vbroadcast v14, $0x0;
	v14 =	vadd.s32 $0x6, v18;
	[tilespmem:s5+$0xFFFFFF50] =	vst v19;
	v17 =	vmul.f32 v17, v3;
	v11 =	vld [tilespmem:s5+$0xFFFFFFC0]  }
0x484: {  	_ = 	snop  }
0x485: {  	v19 =	vld [tilespmem:s5+$0xFFFFFFD0]  }
0x486: {  	v20 =	vld [tilespmem:s5+$0xFFFFFFE0]  }
0x487: {  	v21 =	vld [tilespmem:s5+$0xFFFFFFF0]  }
0x488: {  	v6 =	vld.idx.msk [tilespmem:v6+s29+$0x0], $0xffff  }
0x489: {  	v10 =	vld.idx.msk [tilespmem:v10+s29+$0x0], $0xffff  }
0x48a: {  	s6 =	sadd.s32 $0x280, s5;
	v22 =	vld.idx.msk [tilespmem:v4+s29+$0x0], $0xffff  }
0x48b: {  	v23 =	vld [tilespmem:s6+$0x0]  }
0x48c: {  	v18 =	vmov s8;
	v25 =	vld [tilespmem:s6+$0xFFFFFD90]  }
0x48d: {  	[tilespmem:s5+$0xFFFFFF60] =	vst v15;
	v62 =	vmul.f32 v5, v3;
	v18 =	vshrl.u32 v18, $0x3;
	v26 =	vld [tilespmem:s6+$0xFFFFFDA0]  }
0x48e: {  	[tilespmem:s5+$0xFFFFFF70] =	vst v17;
	v7 =	vmul.f32 v7, v3;
	v28 =	vld [tilespmem:s6+$0xFFFFFDB0];
	v18 =	vshll.u32 v18, v0  }
0x48f: {  	v29 =	vld [tilespmem:s6+$0xFFFFFDD0];
	[tilespmem:s5+$0xFFFFFF80] =	vst v62;
	v8 =	vmul.f32 v8, v3;
	v18 =	vadd.s32 $0x7, v18;
	v3 =	vmul.f32 v9, v3  }
0x490: {  	v30 =	vld [tilespmem:s6+$0xFFFFFDE0];
	[tilespmem:s5+$0xFFFFFF90] =	vst v7;
	v18 =	vbroadcast v18, $0x0  }
0x491: {  	v31 =	vld [tilespmem:s6+$0xFFFFFDF0];
	v24 =	vmul.f32 v11, v2;
	[tilespmem:s5+$0xFFFFFFB0] =	vst v3;
	v3 =	vmul.f32 v19, v2  }
0x492: {  	v32 =	vld [tilespmem:s6+$0xFFFFFE00];
	[tilespmem:s5+$0xFFFFFFA0] =	vst v8;
	v27 =	vmul.f32 v20, v2;
	v2 =	vmul.f32 v21, v2  }
0x493: {  	v33 =	vld [tilespmem:s6+$0xFFFFFE10];
	[tilespmem:s5+$0xFFFFFFD0] =	vst v3  }
0x494: {  	v3 =	vld [tilespmem:s6+$0xFFFFFDC0];
	[tilespmem:s5+$0xFFFFFFF0] =	vst v2;
	v2 =	vmul.f32 v25, v6  }
0x495: {  	v34 =	vld [tilespmem:s6+$0xFFFFFE20];
	[tilespmem:s5+$0xFFFFFFC0] =	vst v24  }
0x496: {  	v35 =	vld [tilespmem:s6+$0xFFFFFE30];
	[tilespmem:s6+$0xFFFFFD90] =	vst v2;
	v2 =	vmul.f32 v28, v6  }
0x497: {  	v11 =	vmul.f32 v26, v6;
	[tilespmem:s5+$0xFFFFFFE0] =	vst v27;
	v18 =	vld.idx.msk [tilespmem:v18+s29+$0x0], $0xffff  }
0x498: {  	v36 =	vld [tilespmem:s6+$0xFFFFFE40];
	[tilespmem:s6+$0xFFFFFDB0] =	vst v2;
	v2 =	vmul.f32 v29, v6  }
0x499: {  	v37 =	vld [tilespmem:s6+$0xFFFFFE50];
	[tilespmem:s6+$0xFFFFFDA0] =	vst v11;
	v3 =	vmul.f32 v3, v6  }
0x49a: {  	v16 =	vbroadcast v16, $0x0;
	v38 =	vld [tilespmem:s6+$0xFFFFFE60];
	[tilespmem:s6+$0xFFFFFDD0] =	vst v2;
	v2 =	vmul.f32 v31, v10  }
0x49b: {  	v39 =	vld [tilespmem:s6+$0xFFFFFE70];
	[tilespmem:s6+$0xFFFFFDC0] =	vst v3;
	v3 =	vmul.f32 v30, v10  }
0x49c: {  	v40 =	vld [tilespmem:s6+$0xFFFFFE80];
	v7 =	vmul.f32 v23, v18;
	[tilespmem:s6+$0xFFFFFDF0] =	vst v2  }
0x49d: {  	v41 =	vld [tilespmem:s6+$0xFFFFFE90];
	v2 =	vmul.f32 v33, v10;
	[tilespmem:s6+$0xFFFFFDE0] =	vst v3  }
0x49e: {  	v12 =	vbroadcast v12, $0x0;
	v42 =	vld [tilespmem:s6+$0xFFFFFEA0];
	v3 =	vmul.f32 v32, v10;
	[tilespmem:s6+$0x0] =	vst v7  }
0x49f: {  	v43 =	vld [tilespmem:s6+$0xFFFFFEB0];
	[tilespmem:s6+$0xFFFFFE10] =	vst v2;
	v2 =	vmul.f32 v35, v22  }
0x4a0: {  	v16 =	vld.idx.msk [tilespmem:v16+s29+$0x0], $0xffff;
	[tilespmem:s6+$0xFFFFFE00] =	vst v3;
	v3 =	vmul.f32 v34, v10  }
0x4a1: {  	v44 =	vld [tilespmem:s6+$0xFFFFFEC0];
	[tilespmem:s6+$0xFFFFFE30] =	vst v2;
	v2 =	vmul.f32 v37, v22  }
0x4a2: {  	v45 =	vld [tilespmem:s6+$0xFFFFFED0];
	[tilespmem:s6+$0xFFFFFE20] =	vst v3;
	v3 =	vmul.f32 v36, v22  }
0x4a3: {  	v46 =	vld [tilespmem:s6+$0xFFFFFEE0];
	[tilespmem:s6+$0xFFFFFE50] =	vst v2;
	v2 =	vmul.f32 v39, v22  }
0x4a4: {  	v13 =	vbroadcast v13, $0x0;
	v12 =	vld.idx.msk [tilespmem:v12+s29+$0x0], $0xffff;
	[tilespmem:s6+$0xFFFFFE40] =	vst v3;
	v3 =	vmul.f32 v38, v22  }
0x4a5: {  	v47 =	vld [tilespmem:s6+$0xFFFFFEF0];
	[tilespmem:s6+$0xFFFFFE70] =	vst v2;
	v2 =	vmul.f32 v41, v16  }
0x4a6: {  	v48 =	vld [tilespmem:s6+$0xFFFFFF00];
	[tilespmem:s6+$0xFFFFFE60] =	vst v3;
	v3 =	vmul.f32 v40, v16  }
0x4a7: {  	v49 =	vld [tilespmem:s6+$0xFFFFFF10];
	[tilespmem:s6+$0xFFFFFE90] =	vst v2;
	v2 =	vmul.f32 v43, v16  }
0x4a8: {  	v14 =	vbroadcast v14, $0x0;
	v50 =	vld [tilespmem:s6+$0xFFFFFF20];
	[tilespmem:s6+$0xFFFFFE80] =	vst v3;
	v3 =	vmul.f32 v42, v16  }
0x4a9: {  	v51 =	vld [tilespmem:s6+$0xFFFFFF30];
	[tilespmem:s6+$0xFFFFFEB0] =	vst v2;
	v2 =	vmul.f32 v45, v12  }
0x4aa: {  	v63 =	vld.idx.msk [tilespmem:v13+s29+$0x0], $0xffff;
	[tilespmem:s6+$0xFFFFFEA0] =	vst v3;
	v3 =	vmul.f32 v44, v16  }
0x4ab: {  	v52 =	vld [tilespmem:s6+$0xFFFFFF40];
	[tilespmem:s6+$0xFFFFFED0] =	vst v2;
	v2 =	vmul.f32 v47, v12  }
0x4ac: {  	v53 =	vld [tilespmem:s6+$0xFFFFFF50];
	[tilespmem:s6+$0xFFFFFEC0] =	vst v3;
	v3 =	vmul.f32 v46, v12  }
0x4ad: {  	v55 =	vld [tilespmem:s6+$0xFFFFFF70];
	[tilespmem:s6+$0xFFFFFEF0] =	vst v2;
	v2 =	vmul.f32 v49, v12  }
0x4ae: {  	v13 =	vld.idx.msk [tilespmem:v14+s29+$0x0], $0xffff;
	[tilespmem:s6+$0xFFFFFEE0] =	vst v3;
	v3 =	vmul.f32 v48, v12  }
0x4af: {  	v54 =	vld [tilespmem:s6+$0xFFFFFF60];
	[tilespmem:s6+$0xFFFFFF10] =	vst v2;
	v2 =	vmul.f32 v51, v63  }
0x4b0: {  	v57 =	vld [tilespmem:s6+$0xFFFFFF90];
	[tilespmem:s6+$0xFFFFFF00] =	vst v3;
	v3 =	vmul.f32 v50, v63  }
0x4b1: {  	v56 =	vld [tilespmem:s6+$0xFFFFFF80];
	[tilespmem:s6+$0xFFFFFF30] =	vst v2;
	v2 =	vmul.f32 v53, v63  }
0x4b2: {  	v59 =	vld [tilespmem:s6+$0xFFFFFFB0];
	[tilespmem:s6+$0xFFFFFF20] =	vst v3;
	v3 =	vmul.f32 v52, v63  }
0x4b3: {  	v58 =	vld [tilespmem:s6+$0xFFFFFFA0];
	[tilespmem:s6+$0xFFFFFF50] =	vst v2;
	v2 =	vmul.f32 v55, v13  }
0x4b4: {  	v61 =	vld [tilespmem:s6+$0xFFFFFFD0];
	[tilespmem:s6+$0xFFFFFF40] =	vst v3;
	v3 =	vmul.f32 v54, v63  }
0x4b5: {  	v60 =	vld [tilespmem:s6+$0xFFFFFFC0];
	[tilespmem:s6+$0xFFFFFF70] =	vst v2;
	v2 =	vmul.f32 v57, v13  }
0x4b6: {  	v63 =	vld [tilespmem:s6+$0xFFFFFFF0];
	[tilespmem:s6+$0xFFFFFF60] =	vst v3;
	v3 =	vmul.f32 v56, v13  }
0x4b7: {  	v62 =	vld [tilespmem:s6+$0xFFFFFFE0];
	[tilespmem:s6+$0xFFFFFF90] =	vst v2;
	v2 =	vmul.f32 v59, v13  }
0x4b8: {  	[tilespmem:s6+$0xFFFFFF80] =	vst v3;
	v3 =	vmul.f32 v58, v13  }
0x4b9: {  	[tilespmem:s6+$0xFFFFFFB0] =	vst v2;
	v2 =	vmul.f32 v61, v18  }
0x4ba: {  	[tilespmem:s6+$0xFFFFFFA0] =	vst v3;
	v3 =	vmul.f32 v60, v18  }
0x4bb: {  	[tilespmem:s6+$0xFFFFFFD0] =	vst v2;
	v2 =	vmul.f32 v63, v18  }
0x4bc: {  	[tilespmem:s6+$0xFFFFFFC0] =	vst v3;
	v3 =	vmul.f32 v62, v18  }
0x4bd: {  	[tilespmem:s6+$0xFFFFFFF0] =	vst v2  }
0x4be: {  	[tilespmem:s6+$0xFFFFFFE0] =	vst v3  }
0x4bf: {  	[spmem:s2] =	stream.indirect.scatter.add.f32 [tilespmem:s26], [sflag:$0x2], $0x50, s1, s21, $0xb8;
	[tilespmem:$0x1DCF0] =	vst v63  }
0x4c0: {  	_ =	swait.ge [sflag:s30], $0x1900  }
0x4c1: {  	[sflag:s30] =	ssyncset.done $0x0  }
0x4c2: {  	[sflag:s30] =	ssyncadd.s32 $0xFFFFE700  }
0x4c3: {  	_ =	swait.ge [sflag:s30], $0x1900  }
0x4c4: {  	[sflag:s30] =	ssyncset.done $0x0  }
0x4c5: {  	[sflag:s30] =	ssyncadd.s32 $0xFFFFE700  }
0x4c6: {  	_ =	swait.ge [sflag:s30], $0x1900  }
0x4c7: {  	[sflag:s30] =	ssyncset.done $0x0  }
0x4c8: {  	s0 =	sadd.s32 $0x1, s0;
	[sflag:s30] =	ssyncadd.s32 $0xFFFFE700  }
0x4c9: {  	p1 =	sne.s32 s0, $0x19;
	_ =	swait.ge [sflag:s30], $0x1900  }
.Ltmp5:
0x4ca: {  	[sflag:s30] =	ssyncset.done $0x0;
	(pc) =	sbr.rel @p1 .LBB2_2-.Ltmp5, $4  }
0x4cb: {  	[sflag:s30] =	ssyncadd.s32 $0xFFFFE700  }
0x4cc: {  	_ =	swait.ge [sflag:s30], $0x1900  }
0x4cd: {  	[sflag:s30] =	ssyncset.done $0x0  }
0x4ce: {  	[sflag:s30] =	ssyncadd.s32 $0xFFFFE700  }
0x4cf: {  	[bflag:$0x0] =	sbarrier.arrive $0xFFFF  }
0x4d0: {  	s0 =	rddreg [dreg:$0x8]  }
0x4d1: {  	[hbm:s0], [sflag:s15] =	dma.local [spmem:s16], $0x1860  }
0x4d2: {  	_ =	swait.ge [sflag:s13], $0x1860  }
0x4d3: {  	[sflag:s13] =	ssyncset.done $0x0  }
0x4d4: {  	s0 =	rddreg [dreg:$0x9];
	[sflag:s13] =	ssyncadd.s32 $0xFFFFE7A0  }
0x4d5: {  	[hbm:s0], [sflag:s15] =	dma.local @!p0 [spmem:s17], $0xA0  }
0x4d6: {  	s0 =	simm.s32 @!p0 $0x3  }
0x4d7: {  	_ =	swait.ge @!p0 [sflag:s0], $0xA0  }
0x4d8: {  	s31 =	sadd.s32 $0x1, s31;
	s1 =	rddreg [dreg:$0xa]  }
0x4d9: {  	p1 =	sne.s32 s31, s1  }
.Ltmp6:
0x4da: {  	_ = 	snop;
	(pc) =	sbr.rel @p1 .LBB2_1-.Ltmp6, $3  }
0x4db: {  	_ =	sdelay $0x1  }
0x4dc: {  	[sflag:s0] =	ssyncset.done @!p0 $0x0  }
0x4dd: {  	[sflag:s0] =	ssyncadd.s32 @!p0 $0xFFFFFF60  }
0x4de: {  	_ =	sfence.sel $0x180000  }
0x4df: {  	[bflag:$0x0] =	sbarrier.arrive $0xFFFF  }
0x4e0: {  	_ =	strace $0x9000004A  }
0x4e1: {  	[bflag:$0x2] =	sbarrier.arrive $0xFFFF  }
0x4e2: {  	s0 =	rddreg [dreg:$0x3]  }
0x4e3: {  	s0 =	sadd.s32 @!p0 $0x100000, s0  }
0x4e4: {  	[sflag:s0] =	ssyncadd.tile.s32 @!p0 $0x1;
	_ =	shalt  }
.Lfunc_end2:
_tile_overlayer_lowered:
.L_overlay_start_2:
0x4e5: {  	(tag) =	ssettag $0x2  }
0x4e6: {  	s0 =	rddreg [dreg:$0x0];
	s2 =	stileid.u32  }
0x4e7: {  	s1 =	rddreg [dreg:$0x1];
	p0 =	sne.s32 s2, $0x0  }
0x4e8: {  	s3 =	rddreg [dreg:$0x2];
	[bflag:$0x3] =	sbarrier.arrive $0xFFFF;
	s2 =	simm.s32 @!p0 $0x1C03  }
0x4e9: {  	[timem:s3], [sflag:s2] =	dma.local @!p0 [hbm:s0], s1  }
0x4ea: {  	s0 =	simm.s32 @!p0 $0x3  }
0x4eb: {  	_ =	swait.ge @!p0 [sflag:s0], s1  }
0x4ec: {  	s1 =	ssub.s32 @!p0 $0x0, s1;
	[sflag:s0] =	ssyncset.done @!p0 $0x0  }
0x4ed: {  	[sflag:s0] =	ssyncadd.s32 @!p0 s1  }
0x4ee: {  	[bflag:$0x3] =	sbarrier.arrive $0xFFFF  }
0x4ef: {  	_ =	shalt  }

// kernel: kernel.7.cloned.1.call-start
scs
__scs_entry_jumppad:
0x0: {  	(pc) =	sbr.rel $0x88, $3  }
0x1: {  	(tag) =	ssettag $0x0;
	lr =	simm.s32 $0x1  }
0x2: {  	[smem:$0x3F94] =	sst lr;
	_ =	strace $0xD0000000  }
0x3: {  	_ = 	snop  }
0x4: {  	_ = 	snop  }
0x5: {  	_ = 	snop  }
0x6: {  	_ = 	snop  }
0x7: {  	_ = 	snop  }
__scs_overlays_trampoline_lowered:
0x8: {  	[smem:$0x3FA3] =	sst s0  }
0x9: {  	[smem:$0x3FA4] =	sst s1  }
0xa: {  	[smem:$0x3FA5] =	sst s2  }
0xb: {  	[smem:$0x3FA6] =	sst s3  }
0xc: {  	[smem:$0x3FA7] =	sst s4  }
0xd: {  	[smem:$0x3FA8] =	sst s5  }
0xe: {  	[smem:$0x3FA9] =	sst s6  }
0xf: {  	[smem:$0x3FAA] =	sst s7  }
0x10: {  	[smem:$0x3FAB] =	sst s8  }
0x11: {  	[smem:$0x3FAC] =	sst s9;
	s0 =	simm.s32 @!p0 $0x0  }
0x12: {  	s1 =	sld [smem:$0x3F92];
	s0 =	simm.s32 @p0 $0x1  }
0x13: {  	[smem:$0x3FAD] =	sst s0;
	s0 =	simm.s32 @!p1 $0x0  }
0x14: {  	s2 =	sld [smem:$0x3F91];
	s0 =	simm.s32 @p1 $0x1  }
0x15: {  	[smem:$0x3FAE] =	sst s0;
	s0 =	simm.s32 @!p2 $0x0  }
0x16: {  	s3 =	sld [smem:$0x3FDB];
	s0 =	simm.s32 @p2 $0x1  }
0x17: {  	s4 =	simm.s32 $0x1BF5;
	[smem:$0x3FB0] =	sst s0  }
0x18: {  	s0 =	sld [smem:$0x3F93];
	_ =	swait.ge [sflag:s4], $0x0  }
0x19: {  	s7 =	sld [smem:$0x3F94]  }
0x1a: {  	s8 =	sadd.s32 $0xFFFFE003, lr  }
0x1b: {  	s9 =	sadd.s32 $0xFFFFFEF7, lr;
	s5 =	simm.s32 $0xFFFFFFFF;
	p2 =	slt.u32 s8, $0xFFFFF086  }
0x1c: {  	p1 =	slt.u32 s9, $0xF7A;
	s5 =	simm.s32 @!p2 $0x0  }
0x1d: {  	s5 =	simm.s32 @p1 $0x1;
	p0 =	seq.s32 s7, s2  }
0x1e: {  	s7 =	smul.u32 @!p0 $0xF7A, s2;
	p2 =	seq.s32 @!p0 s5, $0x0  }
0x1f: {  	s9 =	smul.u32 $0xF7A, s1;
	s8 =	simm.s32 @!p0 $0x1BF5;
	p2 =	por !p2, p0  }
0x20: {  	[sflag:s8] =	ssyncset.s32 @!p0 $0xFFFFF086;
	s6 =	sadd.s32 @!p0 s3, s7;
	s7 =	simm.s32 @!p0 $0x108  }
0x21: {  	s3 =	sadd.s32 s3, s9;
	s6 =	sadd.s32 @!p0 $0x88, s6;
	s7 =	simm.s32 @p2 $0x1082  }
0x22: {  	[simem:s7], [sflag:s8] =	dma.local @!p0 [hbm:s6], $0xF7A  }
0x23: {  	s9 =	sor.u32 $0xD0000000, s2;
	s6 =	simm.s32 $0x108;
	_ =	swait.ge @!p0 [sflag:s8], $0x0  }
0x24: {  	s3 =	sadd.s32 $0x88, s3;
	s6 =	simm.s32 @!p1 $0x1082;
	[sflag:s4] =	ssyncset.s32 $0xFFFFF086  }
0x25: {  	[simem:s6], [sflag:s4] =	dma.local [hbm:s3], $0xF7A  }
0x26: {  	[smem:$0x3F94] =	sst s1;
	(tag) =	ssettag s2;
	_ =	strace s9  }
0x27: {  	s1 =	sld [smem:$0x3FA4]  }
0x28: {  	s2 =	sld [smem:$0x3FA5]  }
0x29: {  	s4 =	sld [smem:$0x3FA7]  }
0x2a: {  	p0 =	seq.s32 s5, $0x0;
	s5 =	sld [smem:$0x3FA8]  }
0x2b: {  	s6 =	sld [smem:$0x3FA9]  }
0x2c: {  	s7 =	sld [smem:$0x3FAA]  }
0x2d: {  	s3 =	simm.s32 $0x108;
	s8 =	sld [smem:$0x3FAB]  }
0x2e: {  	s3 =	simm.s32 @!p0 $0x1082;
	s9 =	sld [smem:$0x3FAC]  }
0x2f: {  	lr =	sadd.s32 s0, s3;
	s0 =	sld [smem:$0x3FA3]  }
0x30: {  	s3 =	sld [smem:$0x3FA6]  }
0x31: {  	[smem:$0x3FAF] =	sst s10  }
0x32: {  	s10 =	sld [smem:$0x3FAD];
	_ =	sdelay $0x3  }
0x33: {  	p0 =	seq.s32 s10, $0x1;
	s10 =	sld [smem:$0x3FAF];
	_ =	sdelay $0x3  }
0x34: {  	[smem:$0x3FAF] =	sst s10  }
0x35: {  	s10 =	sld [smem:$0x3FAE];
	_ =	sdelay $0x3  }
0x36: {  	p1 =	seq.s32 s10, $0x1;
	s10 =	sld [smem:$0x3FAF];
	_ =	sdelay $0x3  }
0x37: {  	[smem:$0x3FAF] =	sst s10  }
0x38: {  	s10 =	sld [smem:$0x3FB0]  }
0x39: {  	_ = 	snop;
	(pc) =	sbr.ind lr, $3  }
0x3a: {  	_ = 	snop  }
0x3b: {  	_ = 	snop  }
0x3c: {  	p2 =	seq.s32 s10, $0x1;
	s10 =	sld [smem:$0x3FAF]  }
0x3d: {  	_ =	shalt  }
0x3e: {  	_ =	shalt  }
0x3f: {  	_ =	shalt  }
0x40: {  	_ =	shalt  }
0x41: {  	_ =	shalt  }
0x42: {  	_ =	shalt  }
0x43: {  	_ =	shalt  }
0x44: {  	_ =	shalt  }
0x45: {  	_ =	shalt  }
0x46: {  	_ =	shalt  }
0x47: {  	_ =	shalt  }
0x48: {  	_ =	shalt  }
0x49: {  	_ =	shalt  }
0x4a: {  	_ =	shalt  }
0x4b: {  	_ =	shalt  }
0x4c: {  	_ =	shalt  }
0x4d: {  	_ =	shalt  }
0x4e: {  	_ =	shalt  }
0x4f: {  	_ =	shalt  }
0x50: {  	_ =	shalt  }
0x51: {  	_ =	shalt  }
0x52: {  	_ =	shalt  }
0x53: {  	_ =	shalt  }
0x54: {  	_ =	shalt  }
0x55: {  	_ =	shalt  }
0x56: {  	_ =	shalt  }
0x57: {  	_ =	shalt  }
0x58: {  	_ =	shalt  }
0x59: {  	_ =	shalt  }
0x5a: {  	_ =	shalt  }
0x5b: {  	_ =	shalt  }
0x5c: {  	_ =	shalt  }
0x5d: {  	_ =	shalt  }
0x5e: {  	_ =	shalt  }
0x5f: {  	_ =	shalt  }
0x60: {  	_ =	shalt  }
0x61: {  	_ =	shalt  }
0x62: {  	_ =	shalt  }
0x63: {  	_ =	shalt  }
0x64: {  	_ =	shalt  }
0x65: {  	_ =	shalt  }
0x66: {  	_ =	shalt  }
0x67: {  	_ =	shalt  }
0x68: {  	_ =	shalt  }
0x69: {  	_ =	shalt  }
0x6a: {  	_ =	shalt  }
0x6b: {  	_ =	shalt  }
0x6c: {  	_ =	shalt  }
0x6d: {  	_ =	shalt  }
0x6e: {  	_ =	shalt  }
0x6f: {  	_ =	shalt  }
0x70: {  	_ =	shalt  }
0x71: {  	_ =	shalt  }
0x72: {  	_ =	shalt  }
0x73: {  	_ =	shalt  }
0x74: {  	_ =	shalt  }
0x75: {  	_ =	shalt  }
0x76: {  	_ =	shalt  }
0x77: {  	_ =	shalt  }
0x78: {  	_ =	shalt  }
0x79: {  	_ =	shalt  }
0x7a: {  	_ =	shalt  }
0x7b: {  	_ =	shalt  }
0x7c: {  	_ =	shalt  }
0x7d: {  	_ =	shalt  }
0x7e: {  	_ =	shalt  }
0x7f: {  	_ =	shalt  }
0x80: {  	_ =	shalt  }
0x81: {  	_ =	shalt  }
0x82: {  	_ =	shalt  }
0x83: {  	_ =	shalt  }
0x84: {  	_ =	shalt  }
0x85: {  	_ =	shalt  }
0x86: {  	_ =	shalt  }
0x87: {  	_ =	shalt  }
.Lfunc_end0:
.L_simem_size_0:
called_computation_lowered:
.L_overlay_start_0:
0x88: {  	s2 =	sld [smem:$0x3FD9]  }
0x89: {  	s3 =	sld [smem:$0x3FFE];
	_ =	sdelay $0x1  }
0x8a: {  	s1 =	srdreg.scid  }
0x8b: {  	s0 =	sand.u32 $0x1, s1  }
0x8c: {  	s16 =	sshll.u32 s0, $0xA;
	s2 =	sadd.s32 s3, s2  }
0x8d: {  	s2 =	sadd.s32 s2, s16  }
0x8e: {  	[smem:$0x3FBB] =	sst s2  }
0x8f: {  	_ = 	snop  }
0x90: {  	(tm) =	ssettm $0x1  }
0x91: {  	s17 =	sld [smem:$0x3FFB];
	_ =	sdelay $0x3  }
0x92: {  	_ =	strace s17  }
0x93: {  	s2 =	sld [smem:$0x3FFC];
	_ =	sdelay $0x3  }
0x94: {  	_ =	strace s2  }
0x95: {  	s2 =	sld [smem:$0x3FFD];
	_ =	sdelay $0x3  }
0x96: {  	_ =	strace s2  }
0x97: {  	_ =	strace $0x8FFFFFFF  }
0x98: {  	s18 =	sld [smem:$0x3FDB];
	_ =	sdelay $0x1  }
0x99: {  	s19 =	simm.s32 $_scs_section_size  }
0x9a: {  	s4 =	simm.s32 $_size__tile_overlayer_lowered;
	s5 =	simm.s32 $_tile_overlayer_lowered  }
0x9b: {  	s22 =	simm.s32 $0x1BFF;
	s21 =	sshll.u32 s5, $0x1;
	s2 =	sadd.s32 s19, s18  }
0x9c: {  	s6 =	simm.s32 $0x0;
	s20 =	sshll.u32 s4, $0x1;
	s4 =	sadd.s32 s21, s2  }
0x9d: {  	[timem:s6], [sflag:s22] =	dma.local [hbm:s4], s20  }
0x9e: {  	_ =	swait.ge [sflag:s22], s20  }
0x9f: {  	s3 =	ssub.s32 $0x0, s20;
	[sflag:s22] =	ssyncset.done $0x0  }
0xa0: {  	[sflag:s22] =	ssyncadd.s32 s3;
	_ =	sdelay $0x1  }
0xa1: {  	s23 =	simm.s32 $0x1B8B  }
0xa2: {  	_ =	swait.ge [sflag:s23], $0x1  }
0xa3: {  	[sflag:s23] =	ssyncset.done $0x0  }
0xa4: {  	s25 =	simm.s32 $0x1B8E;
	s24 =	sld [smem:$0x3FFE];
	[sflag:s23] =	ssyncadd.s32 $0xFFFFFFFF  }
0xa5: {  	s26 =	simm.s32 $execute0_lowered;
	[smem:$0x3FD2] =	sst s25  }
0xa6: {  	s4 =	sshll.u32 s26, $0x1;
	_ =	strace $0x80000046;
	[dreg:$0x1] =	wrdreg $0xFFFFFFFF  }
0xa7: {  	s28 =	simm.s32 $_size_execute0_lowered;
	s2 =	sadd.s32 s2, s4;
	[dreg:$0x0] =	wrdreg $0x0  }
0xa8: {  	s4 =	sshll.u32 s28, $0x1;
	[dreg:$0x2] =	wrdreg s2  }
0xa9: {  	[dreg:$0x3] =	wrdreg s4  }
0xaa: {  	[dreg:$0x4] =	wrdreg $0xC0  }
0xab: {  	_ =	task [dreg:s6], $0x5FFFF  }
0xac: {  	[dreg:$0x1] =	wrdreg $0xFFFFFFFF  }
0xad: {  	[dreg:$0x0] =	wrdreg $0x60  }
0xae: {  	[dreg:$0x2] =	wrdreg s24  }
0xaf: {  	[dreg:$0x3] =	wrdreg $0x73A00  }
0xb0: {  	[dreg:$0x4] =	wrdreg $0x9  }
0xb1: {  	_ =	task.clear_ibuf [dreg:s6], $0x5FFFF;
	_ =	strace $0x90000046  }
0xb2: {  	s29 =	simm.s32 $0x9;
	_ =	strace $0x80000048  }
0xb3: {  	_ =	swait.ge [sflag:s29], $0x1  }
0xb4: {  	[sflag:s29] =	ssyncadd.s32 $0xFFFFFFFF  }
0xb5: {  	_ =	strace $0x90000048  }
0xb6: {  	_ =	sfence  }
0xb7: {  	s30 =	sld [smem:$0x0];
	_ =	sdelay $0x2  }
0xb8: {  	s31 =	sshll.u32 s1, $0xD;
	s1 =	sshrl.u32 s1, $0x2  }
0xb9: {  	s3 =	sand.u32 $0x4000, s31;
	s1 =	sadd.s32 s1, s30  }
0xba: {  	s0 =	sor.u32 s3, s0;
	s1 =	sshll.u32 s1, $0x11  }
0xbb: {  	s0 =	sor.u32 s1, s0  }
0xbc: {  	s0 =	sadd.s32 $0x8F2B, s0  }
0xbd: {  	[sflag:s0] =	ssyncadd.remote.s32 $0x1  }
0xbe: {  	_ =	sfence.sel $0xFFFF  }
0xbf: {  	[dreg:$0x0] =	wrdreg $0xFFFFFFFF;
	(pc) =	sbr.abs _section_cstart, $3  }
0xc0: {  	[dreg:$0x1] =	wrdreg $0xFFFFFFFF  }
0xc1: {  	_ =	task.clear_ibuf [dreg:s6], $0x2FFFF;
	_ =	strace $0x9FFFFFFF  }
0xc2: {  	(tm) =	ssettm $0x7FFFFFFF  }
0xc3: {  	_ =	shalt  }
tec
execute0_lowered:
.L_overlay_start_1:
0x0: {  	(tag) =	ssettag $0x1  }
0x1: {  	s7 =	rddreg [dreg:$0x0]  }
0x2: {  	s1 =	rddreg [dreg:$0x1]  }
0x3: {  	s2 =	simm.s32 $0x0;
	s6 =	srdreg.scid;
	s14 =	stileid.u32  }
0x4: {  	s19 =	simm.s32 $0x28;
	s20 =	simm.s32 $0x320;
	s21 =	simm.s32 $0x19A0  }
0x5: {  	s22 =	simm.s32 $0x3020;
	s23 =	simm.s32 $0x46A0;
	s24 =	simm.s32 $0x5D20  }
0x6: {  	s28 =	simm.s32 $0x0;
	[smem:$0x7FF] =	sst s2;
	s3 =	sadd.s32 $0x3C200, s7  }
0x7: {  	s4 =	sadd.s32 $0xB200, s7;
	s5 =	sadd.s32 $0x1400, s7;
	s8 =	sand.u32 $0x1, s6  }
0x8: {  	s6 =	sadd.s32 $0x68200, s7;
	s10 =	sshll.u32 s14, $0x1;
	s12 =	smul.u32 $0x15F00, s14  }
0x9: {  	s13 =	sadd.s32 $0x6AE00, s7;
	s25 =	sshll.u32 s14, $0x6;
	s17 =	sadd.s32 $0x15F000, s1  }
0xa: {  	p0 =	sne.s32 s14, $0x0;
	_ =	strace $0x80000047;
	s9 =	ssub.s32 $0x2, s8  }
0xb: {  	s10 =	sor.u32 s8, s10;
	s26 =	smul.u32 $0x15F900, s8;
	s8 =	sor.u32 $0x1C04, s25  }
0xc: {  	s25 =	simm.s32 $0x1;
	s11 =	sshrl.u32 s9, $0x1;
	s7 =	smul.u32 $0x2710, s10  }
0xd: {  	s16 =	sadd.s32 s12, s1;
	s15 =	ssub.s32 s9, s11;
	s12 =	sadd.s32 s12, s26  }
0xe: {  	s18 =	sshrl.u32 s26, $0x3;
	s14 =	sshrl.u32 s16, $0x3;
	s16 =	sshrl.u32 @!p0 s17, $0x3  }
0xf: {  	s26 =	simm.s32 $0x2;
	s29 =	sshrl.u32 s7, $0x3;
	s30 =	sshrl.u32 s12, $0x3  }
0x10: {  	s31 =	sadd.s32 s13, s18;
	s18 =	simm.s32 $0x3;
	s0 =	sadd.s32 s4, s29  }
0x11: {  	s10 =	sadd.s32 s5, s29;
	s11 =	sadd.s32 s13, s30;
	s12 =	sadd.s32 $0x2BE00, s31  }
0x12: {  	s13 =	smax.u32 s15, $0x1;
	s15 =	simm.s32 $0x4;
	[dreg:$0x3] =	wrdreg s0  }
.LBB2_1:
0x13: {  	[spmem:s14], [sflag:s8] =	dma.local [hbm:s6], $0x2BE0  }
0x14: {  	_ =	swait.ge [sflag:s15], $0x2BE0  }
0x15: {  	[sflag:s15] =	ssyncset.done $0x0  }
0x16: {  	s29 =	simm.s32 @!p0 $0x4;
	[sflag:s15] =	ssyncadd.s32 $0xFFFFD420  }
0x17: {  	[spmem:s16], [sflag:s8] =	dma.local @!p0 [hbm:s6], $0x120  }
0x18: {  	_ =	swait.ge @!p0 [sflag:s29], $0x120  }
0x19: {  	[sflag:s29] =	ssyncset.done @!p0 $0x0  }
0x1a: {  	s0 =	rddreg [dreg:$0x3];
	[sflag:s29] =	ssyncadd.s32 @!p0 $0xFFFFFEE0  }
0x1b: {  	[tilespmem:s2], [sflag:$0x3] =	stream.linear.gather [hbm4b:s0+s2], $0xC8, $0x38;
	[tilespmem:$0x1D330] =	vst v63  }
0x1c: {  	s31 =	simm.s32 $0x190  }
0x1d: {  	[tilespmem:s31], [sflag:$0x3] =	stream.linear.gather [hbm4b:s10+s2], $0xC8, $0x38;
	[tilespmem:$0x1D330] =	vst v63  }
0x1e: {  	[bflag:$0x0] =	sbarrier.arrive $0xFFFF  }
0x1f: {  	_ =	swait.ge [sflag:s18], $0xC8  }
0x20: {  	p1 =	por $0x0, $0x0;
	s29 =	simm.s32 $0xC8;
	[sflag:s18] =	ssyncset.done $0x0  }
0x21: {  	s30 =	sand.u32 $0x1, s2;
	s29 =	simm.s32 @p1 $0x0;
	[sflag:s18] =	ssyncadd.s32 $0xFFFFFF38  }
0x22: {  	s29 =	sadd.s32 s7, s29;
	s31 =	sxor.u32 $0x1, s30;
	_ =	swait.ge [sflag:s18], $0xC8  }
0x23: {  	s29 =	sshrl.u32 s29, $0x3;
	s31 =	smul.u32 $0xC8, s31;
	[sflag:s18] =	ssyncset.done $0x0  }
0x24: {  	s9 =	sadd.s32 s4, s29;
	[sflag:s18] =	ssyncadd.s32 $0xFFFFFF38  }
0x25: {  	[tilespmem:s31], [sflag:$0x3] =	stream.linear.gather [hbm4b:s9+s2], $0xC8, $0x38;
	[tilespmem:$0x1D330] =	vst v63  }
0x26: {  	s29 =	sadd.s32 s5, s29;
	s17 =	sadd.s32 $0x190, s31;
	s31 =	smul.u32 $0xC8, s30  }
0x27: {  	[tilespmem:s17], [sflag:$0x3] =	stream.linear.gather [hbm4b:s29+s2], $0xC8, $0x38;
	[tilespmem:$0x1D330] =	vst v63  }
0x28: {  	_ = 	snop  }
0x29: {  	[tilespmem:s20], [sflag:$0x1] =	stream.indirect.gather [hbm4b:s3+s19], $0x90, s31, s19, $0xb8;
	[tilespmem:$0x1D330] =	vst v63  }
0x2a: {  	s29 =	sadd.s32 $0x28, s31  }
0x2b: {  	[tilespmem:s21], [sflag:$0x1] =	stream.indirect.gather [hbm4b:s3+s19], $0x90, s29, s19, $0xb8;
	[tilespmem:$0x1D330] =	vst v63  }
0x2c: {  	s29 =	sadd.s32 $0x50, s31  }
0x2d: {  	[tilespmem:s22], [sflag:$0x1] =	stream.indirect.gather [hbm4b:s3+s19], $0x90, s29, s19, $0xb8;
	[tilespmem:$0x1D330] =	vst v63  }
0x2e: {  	s29 =	sadd.s32 $0x78, s31  }
0x2f: {  	[tilespmem:s23], [sflag:$0x1] =	stream.indirect.gather [hbm4b:s3+s19], $0x90, s29, s19, $0xb8;
	[tilespmem:$0x1D330] =	vst v63  }
0x30: {  	s29 =	sadd.s32 $0xA0, s31  }
0x31: {  	[tilespmem:s24], [sflag:$0x1] =	stream.indirect.gather [hbm4b:s3+s19], $0x90, s29, s19, $0xb8;
	[tilespmem:$0x1D330] =	vst v63  }
0x32: {  	_ =	swait.ge [sflag:s25], $0x1680  }
0x33: {  	[sflag:s25] =	ssyncset.done $0x0  }
0x34: {  	s29 =	sadd.s32 $0x190, s31;
	[sflag:s25] =	ssyncadd.s32 $0xFFFFE980  }
0x35: {  	[spmem:s1] =	stream.indirect.scatter.add.f32 [tilespmem:s20], [sflag:$0x2], $0x90, s29, s19, $0xb8;
	[tilespmem:$0x1D330] =	vst v63  }
0x36: {  	_ =	swait.ge [sflag:s25], $0x1680  }
0x37: {  	[sflag:s25] =	ssyncset.done $0x0  }
0x38: {  	s29 =	sadd.s32 $0x1B8, s31;
	[sflag:s25] =	ssyncadd.s32 $0xFFFFE980  }
0x39: {  	[spmem:s1] =	stream.indirect.scatter.add.f32 [tilespmem:s21], [sflag:$0x2], $0x90, s29, s19, $0xb8;
	[tilespmem:$0x1D330] =	vst v63  }
0x3a: {  	_ =	swait.ge [sflag:s25], $0x1680  }
0x3b: {  	[sflag:s25] =	ssyncset.done $0x0  }
0x3c: {  	s29 =	sadd.s32 $0x1E0, s31;
	[sflag:s25] =	ssyncadd.s32 $0xFFFFE980  }
0x3d: {  	[spmem:s1] =	stream.indirect.scatter.add.f32 [tilespmem:s22], [sflag:$0x2], $0x90, s29, s19, $0xb8;
	[tilespmem:$0x1D330] =	vst v63  }
0x3e: {  	_ =	swait.ge [sflag:s25], $0x1680  }
0x3f: {  	[sflag:s25] =	ssyncset.done $0x0  }
0x40: {  	s29 =	sadd.s32 $0x208, s31;
	[sflag:s25] =	ssyncadd.s32 $0xFFFFE980  }
0x41: {  	[spmem:s1] =	stream.indirect.scatter.add.f32 [tilespmem:s23], [sflag:$0x2], $0x90, s29, s19, $0xb8;
	[tilespmem:$0x1D330] =	vst v63  }
0x42: {  	_ =	swait.ge [sflag:s25], $0x1680  }
0x43: {  	[sflag:s25] =	ssyncset.done $0x0  }
0x44: {  	s0 =	sadd.s32 $0x230, s31;
	[sflag:s25] =	ssyncadd.s32 $0xFFFFE980  }
0x45: {  	[spmem:s1] =	stream.indirect.scatter.add.f32 [tilespmem:s24], [sflag:$0x2], $0x90, s0, s19, $0xb8;
	[tilespmem:$0x1D330] =	vst v63  }
0x46: {  	_ =	swait.ge [sflag:s26], $0x1680  }
0x47: {  	[sflag:s26] =	ssyncset.done $0x0  }
0x48: {  	[sflag:s26] =	ssyncadd.s32 $0xFFFFE980  }
0x49: {  	_ =	swait.ge [sflag:s26], $0x1680  }
0x4a: {  	[sflag:s26] =	ssyncset.done $0x0  }
0x4b: {  	[sflag:s26] =	ssyncadd.s32 $0xFFFFE980  }
0x4c: {  	_ =	swait.ge [sflag:s26], $0x1680  }
0x4d: {  	[sflag:s26] =	ssyncset.done $0x0  }
0x4e: {  	[sflag:s26] =	ssyncadd.s32 $0xFFFFE980  }
0x4f: {  	_ =	swait.ge [sflag:s26], $0x1680  }
0x50: {  	[sflag:s26] =	ssyncset.done $0x0  }
0x51: {  	[sflag:s26] =	ssyncadd.s32 $0xFFFFE980  }
0x52: {  	_ =	swait.ge [sflag:s26], $0x1680  }
0x53: {  	s30 =	simm.s32 $0x1;
	s29 =	simm.s32 $0xC8;
	[sflag:s26] =	ssyncset.done $0x0  }
.LBB2_2:
0x54: {  	p1 =	sne.s32 s30, $0x31;
	[sflag:s26] =	ssyncadd.s32 $0xFFFFE980;
	s29 =	sadd.s32 $0xC8, s29  }
0x55: {  	s0 =	smov.u32 s30;
	s30 =	sadd.s32 $0x1, s30;
	_ =	swait.ge [sflag:s18], $0xC8  }
0x56: {  	p2 =	seq.s32 s29, $0x2710;
	s31 =	smov.u32 s29;
	[sflag:s18] =	ssyncset.done $0x0  }
0x57: {  	s0 =	sand.u32 $0x1, s0;
	s31 =	simm.s32 @p2 $0x0;
	[sflag:s18] =	ssyncadd.s32 $0xFFFFFF38  }
0x58: {  	s17 =	sxor.u32 $0x1, s0;
	s31 =	sadd.s32 s7, s31;
	_ =	swait.ge [sflag:s18], $0xC8  }
0x59: {  	s17 =	smul.u32 $0xC8, s17;
	s31 =	sshrl.u32 s31, $0x3;
	[sflag:s18] =	ssyncset.done $0x0  }
0x5a: {  	s9 =	sadd.s32 s4, s31;
	[sflag:s18] =	ssyncadd.s32 $0xFFFFFF38  }
0x5b: {  	[tilespmem:s17], [sflag:$0x3] =	stream.linear.gather [hbm4b:s9+s2], $0xC8, $0x38;
	[tilespmem:$0x1D330] =	vst v63  }
0x5c: {  	s9 =	sadd.s32 $0x190, s17;
	s17 =	sadd.s32 s5, s31;
	s31 =	smul.u32 $0xC8, s0  }
0x5d: {  	[tilespmem:s9], [sflag:$0x3] =	stream.linear.gather [hbm4b:s17+s2], $0xC8, $0x38;
	[tilespmem:$0x1D330] =	vst v63  }
0x5e: {  	_ = 	snop  }
0x5f: {  	[tilespmem:s20], [sflag:$0x1] =	stream.indirect.gather [hbm4b:s3+s19], $0x90, s31, s19, $0xb8;
	[tilespmem:$0x1D330] =	vst v63  }
0x60: {  	s0 =	sadd.s32 $0x28, s31  }
0x61: {  	[tilespmem:s21], [sflag:$0x1] =	stream.indirect.gather [hbm4b:s3+s19], $0x90, s0, s19, $0xb8;
	[tilespmem:$0x1D330] =	vst v63  }
0x62: {  	s0 =	sadd.s32 $0x50, s31  }
0x63: {  	[tilespmem:s22], [sflag:$0x1] =	stream.indirect.gather [hbm4b:s3+s19], $0x90, s0, s19, $0xb8;
	[tilespmem:$0x1D330] =	vst v63  }
0x64: {  	s0 =	sadd.s32 $0x78, s31  }
0x65: {  	[tilespmem:s23], [sflag:$0x1] =	stream.indirect.gather [hbm4b:s3+s19], $0x90, s0, s19, $0xb8;
	[tilespmem:$0x1D330] =	vst v63  }
0x66: {  	s0 =	sadd.s32 $0xA0, s31  }
0x67: {  	[tilespmem:s24], [sflag:$0x1] =	stream.indirect.gather [hbm4b:s3+s19], $0x90, s0, s19, $0xb8;
	[tilespmem:$0x1D330] =	vst v63  }
0x68: {  	_ =	swait.ge [sflag:s25], $0x1680  }
0x69: {  	[sflag:s25] =	ssyncset.done $0x0  }
0x6a: {  	s0 =	sadd.s32 $0x190, s31;
	[sflag:s25] =	ssyncadd.s32 $0xFFFFE980  }
0x6b: {  	[spmem:s1] =	stream.indirect.scatter.add.f32 [tilespmem:s20], [sflag:$0x2], $0x90, s0, s19, $0xb8;
	[tilespmem:$0x1D330] =	vst v63  }
0x6c: {  	_ =	swait.ge [sflag:s25], $0x1680  }
0x6d: {  	[sflag:s25] =	ssyncset.done $0x0  }
0x6e: {  	s0 =	sadd.s32 $0x1B8, s31;
	[sflag:s25] =	ssyncadd.s32 $0xFFFFE980  }
0x6f: {  	[spmem:s1] =	stream.indirect.scatter.add.f32 [tilespmem:s21], [sflag:$0x2], $0x90, s0, s19, $0xb8;
	[tilespmem:$0x1D330] =	vst v63  }
0x70: {  	_ =	swait.ge [sflag:s25], $0x1680  }
0x71: {  	[sflag:s25] =	ssyncset.done $0x0  }
0x72: {  	s0 =	sadd.s32 $0x1E0, s31;
	[sflag:s25] =	ssyncadd.s32 $0xFFFFE980  }
0x73: {  	[spmem:s1] =	stream.indirect.scatter.add.f32 [tilespmem:s22], [sflag:$0x2], $0x90, s0, s19, $0xb8;
	[tilespmem:$0x1D330] =	vst v63  }
0x74: {  	_ =	swait.ge [sflag:s25], $0x1680  }
0x75: {  	[sflag:s25] =	ssyncset.done $0x0  }
0x76: {  	s0 =	sadd.s32 $0x208, s31;
	[sflag:s25] =	ssyncadd.s32 $0xFFFFE980  }
0x77: {  	[spmem:s1] =	stream.indirect.scatter.add.f32 [tilespmem:s23], [sflag:$0x2], $0x90, s0, s19, $0xb8;
	[tilespmem:$0x1D330] =	vst v63  }
0x78: {  	_ =	swait.ge [sflag:s25], $0x1680  }
0x79: {  	[sflag:s25] =	ssyncset.done $0x0  }
0x7a: {  	s0 =	sadd.s32 $0x230, s31;
	[sflag:s25] =	ssyncadd.s32 $0xFFFFE980  }
0x7b: {  	[spmem:s1] =	stream.indirect.scatter.add.f32 [tilespmem:s24], [sflag:$0x2], $0x90, s0, s19, $0xb8;
	[tilespmem:$0x1D330] =	vst v63  }
0x7c: {  	_ =	swait.ge [sflag:s26], $0x1680  }
0x7d: {  	[sflag:s26] =	ssyncset.done $0x0  }
0x7e: {  	[sflag:s26] =	ssyncadd.s32 $0xFFFFE980  }
0x7f: {  	_ =	swait.ge [sflag:s26], $0x1680  }
0x80: {  	[sflag:s26] =	ssyncset.done $0x0  }
0x81: {  	[sflag:s26] =	ssyncadd.s32 $0xFFFFE980  }
0x82: {  	_ =	swait.ge [sflag:s26], $0x1680  }
0x83: {  	[sflag:s26] =	ssyncset.done $0x0  }
0x84: {  	[sflag:s26] =	ssyncadd.s32 $0xFFFFE980  }
.Ltmp0:
0x85: {  	_ =	swait.ge [sflag:s26], $0x1680;
	(pc) =	sbr.rel @p1 .LBB2_2-.Ltmp0, $4  }
0x86: {  	[sflag:s26] =	ssyncset.done $0x0  }
0x87: {  	[sflag:s26] =	ssyncadd.s32 $0xFFFFE980  }
0x88: {  	_ =	swait.ge [sflag:s26], $0x1680  }
0x89: {  	[sflag:s26] =	ssyncset.done $0x0  }
0x8a: {  	[sflag:s26] =	ssyncadd.s32 $0xFFFFE980  }
0x8b: {  	_ =	swait.ge [sflag:s18], $0xC8  }
0x8c: {  	[sflag:s18] =	ssyncset.done $0x0  }
0x8d: {  	[sflag:s18] =	ssyncadd.s32 $0xFFFFFF38  }
0x8e: {  	_ =	swait.ge [sflag:s18], $0xC8  }
0x8f: {  	[sflag:s18] =	ssyncset.done $0x0  }
0x90: {  	[sflag:s18] =	ssyncadd.s32 $0xFFFFFF38  }
0x91: {  	[bflag:$0x0] =	sbarrier.arrive $0xFFFF  }
0x92: {  	[hbm:s11], [sflag:s8] =	dma.local [spmem:s14], $0x2BE0  }
0x93: {  	s28 =	sadd.s32 $0x1, s28;
	_ =	swait.ge [sflag:s15], $0x2BE0  }
0x94: {  	p1 =	sne.s32 s28, s13;
	[sflag:s15] =	ssyncset.done $0x0  }
.Ltmp1:
0x95: {  	s0 =	simm.s32 @!p0 $0x4;
	[sflag:s15] =	ssyncadd.s32 $0xFFFFD420;
	(pc) =	sbr.rel @p1 .LBB2_1-.Ltmp1, $4  }
0x96: {  	[hbm:s12], [sflag:s8] =	dma.local @!p0 [spmem:s16], $0x120  }
0x97: {  	_ =	swait.ge @!p0 [sflag:s0], $0x120  }
0x98: {  	[sflag:s0] =	ssyncset.done @!p0 $0x0  }
0x99: {  	[sflag:s0] =	ssyncadd.s32 @!p0 $0xFFFFFEE0  }
0x9a: {  	_ =	sfence.sel $0x180000  }
0x9b: {  	[bflag:$0x0] =	sbarrier.arrive $0xFFFF  }
0x9c: {  	_ =	strace $0x90000047  }
0x9d: {  	[bflag:$0x2] =	sbarrier.arrive $0xFFFF  }
0x9e: {  	s0 =	rddreg [dreg:$0x2]  }
0x9f: {  	s0 =	sadd.s32 @!p0 $0x100000, s0  }
0xa0: {  	[sflag:s0] =	ssyncadd.tile.s32 @!p0 $0x1;
	_ =	shalt  }
.Lfunc_end2:
_tile_overlayer_lowered:
.L_overlay_start_2:
0xa1: {  	(tag) =	ssettag $0x2  }
0xa2: {  	s0 =	rddreg [dreg:$0x0];
	s2 =	stileid.u32  }
0xa3: {  	s1 =	rddreg [dreg:$0x1];
	p0 =	sne.s32 s2, $0x0  }
0xa4: {  	s3 =	rddreg [dreg:$0x2];
	[bflag:$0x3] =	sbarrier.arrive $0xFFFF;
	s2 =	simm.s32 @!p0 $0x1C04  }
0xa5: {  	[timem:s3], [sflag:s2] =	dma.local @!p0 [hbm:s0], s1  }
0xa6: {  	s0 =	simm.s32 @!p0 $0x4  }
0xa7: {  	_ =	swait.ge @!p0 [sflag:s0], s1  }
0xa8: {  	s1 =	ssub.s32 @!p0 $0x0, s1;
	[sflag:s0] =	ssyncset.done @!p0 $0x0  }
0xa9: {  	[sflag:s0] =	ssyncadd.s32 @!p0 s1  }
0xaa: {  	[bflag:$0x3] =	sbarrier.arrive $0xFFFF  }
0xab: {  	_ =	shalt  }

</sc_bundles>
